<compile_context>
chip_gen: v7x
topology: tpu7x:2x2x1
jax: 0.10.2.dev20260603
libtpu: 0.0.44.dev20260713+nightly
codegen_flags: <defaults>
</compile_context>

<pallas_src>
import functools

import jax
import jax.numpy as jnp
from jax import lax
from jax.experimental import pallas as pl
from jax.experimental.pallas import tpu as pltpu
from jax.experimental.pallas import tpu_sc as plsc

_N_NODES = 10000
_N_EDGES = 160000
_N_ANGLES = 320000
_DIM = 128

_NC = 2
_NS = 16
_NW = _NC * _NS
_C = 128

_mesh = plsc.VectorSubcoreMesh(
    core_axis_name="c", subcore_axis_name="s", num_cores=_NC, num_subcores=_NS)


def _gather_stage_sc(db, eh, src2, dst2, n_edges):
    nch = n_edges // _C

    @functools.partial(
        pl.kernel,
        out_type=(
            jax.ShapeDtypeStruct((n_edges, 2 * _DIM), jnp.float32),
            jax.ShapeDtypeStruct((n_edges, _DIM), jnp.float32),
        ),
        mesh=_mesh,
        scratch_types=[
            pltpu.VMEM((_C,), jnp.int32), pltpu.VMEM((_C,), jnp.int32),
            pltpu.VMEM((_C,), jnp.int32), pltpu.VMEM((_C,), jnp.int32),
            pltpu.VMEM((_C, 2 * _DIM), jnp.float32),
            pltpu.VMEM((_C, 2 * _DIM), jnp.float32),
            pltpu.VMEM((_C, _DIM), jnp.float32),
            pltpu.VMEM((_C, _DIM), jnp.float32),
            pltpu.SemaphoreType.DMA, pltpu.SemaphoreType.DMA,
            pltpu.SemaphoreType.DMA, pltpu.SemaphoreType.DMA,
            pltpu.SemaphoreType.DMA, pltpu.SemaphoreType.DMA,
        ],
    )
    def k(db_hbm, eh_hbm, src_hbm, dst_hbm, gsrc_hbm, gdst_hbm,
          src0, src1, dst0, dst1, gs0, gs1, gd0, gd1,
          si0, si1, sg0, sg1, sw0, sw1):
        wid = lax.axis_index("s") * _NC + lax.axis_index("c")
        nch_w = (nch - wid + _NW - 1) // _NW
        srcs, dsts = (src0, src1), (dst0, dst1)
        gss, gds = (gs0, gs1), (gd0, gd1)
        sis, sgs, sws = (si0, si1), (sg0, sg1), (sw0, sw1)

        def ch_of(i):
            return wid + i * _NW

        def issue_idx(i, b):
            ch = ch_of(i)
            pltpu.async_copy(src_hbm.at[ch], srcs[b], sis[b])
            pltpu.async_copy(dst_hbm.at[ch], dsts[b], sis[b])

        def wait_idx(b):
            pltpu.make_async_copy(src_hbm.at[0], srcs[b], sis[b]).wait()
            pltpu.make_async_copy(dst_hbm.at[0], dsts[b], sis[b]).wait()

        def issue_gather(b):
            pltpu.async_copy(db_hbm.at[srcs[b]], gss[b], sgs[b])
            pltpu.async_copy(eh_hbm.at[dsts[b]], gds[b], sgs[b])

        def wait_gather(b):
            pltpu.make_async_copy(db_hbm.at[srcs[b]], gss[b], sgs[b]).wait()
            pltpu.make_async_copy(eh_hbm.at[dsts[b]], gds[b], sgs[b]).wait()

        def issue_write(i, b):
            off = ch_of(i) * _C
            pltpu.async_copy(gss[b], gsrc_hbm.at[pl.ds(off, _C)], sws[b])
            pltpu.async_copy(gds[b], gdst_hbm.at[pl.ds(off, _C)], sws[b])

        def wait_write(b):
            pltpu.make_async_copy(gss[b], gsrc_hbm.at[pl.ds(0, _C)], sws[b]).wait()
            pltpu.make_async_copy(gds[b], gdst_hbm.at[pl.ds(0, _C)], sws[b]).wait()

        @pl.when(nch_w > 0)
        def _():
            issue_idx(0, 0)
            wait_idx(0)
            issue_gather(0)

        @pl.when(nch_w > 1)
        def _():
            issue_idx(1, 1)

        def step(i, b, nvalid):
            @pl.when(i + 1 < nvalid)
            def _():
                wait_idx(1 - b)
                @pl.when(i >= 1)
                def _():
                    wait_write(1 - b)
                issue_gather(1 - b)
            @pl.when(i < nvalid)
            def _():
                wait_gather(b)
                issue_write(i, b)
            @pl.when(i + 2 < nvalid)
            def _():
                issue_idx(i + 2, b)

        def pair(i2, _):
            step(2 * i2, 0, nch_w)
            step(2 * i2 + 1, 1, nch_w)
            return 0

        lax.fori_loop(0, (nch_w + 1) // 2, pair, 0)

        @pl.when(nch_w > 1)
        def _():
            wait_write(1)

        @pl.when(nch_w > 0)
        def _():
            wait_write(0)

    return k(db, eh, src2, dst2)


def _mm_body(x_ref, w_ref, b_ref, o_ref):
    o_ref[...] = jnp.dot(x_ref[...], w_ref[...],
                         preferred_element_type=jnp.float32) + b_ref[...]


def _mm(x, w, b, block):
    m, kdim = x.shape
    kout = w.shape[1]
    return pl.pallas_call(
        _mm_body,
        grid=(m // block,),
        in_specs=[pl.BlockSpec((block, kdim), lambda i: (i, 0)),
                  pl.BlockSpec((kdim, kout), lambda i: (0, 0)),
                  pl.BlockSpec((1, kout), lambda i: (0, 0))],
        out_specs=pl.BlockSpec((block, kout), lambda i: (i, 0)),
        out_shape=jax.ShapeDtypeStruct((m, kout), jnp.float32),
    )(x, w, b.reshape(1, kout))


def _edge_stage_body(gs_ref, gd_ref, e_ref, wc_ref, bc_ref, enew_ref, con_ref):
    ce = jnp.dot(e_ref[...], wc_ref[...],
                 preferred_element_type=jnp.float32) + bc_ref[...]
    d = gs_ref[:, :_DIM]
    bb = gs_ref[:, _DIM:]
    e_ji = d + gd_ref[...] + ce
    sig = jax.nn.sigmoid(e_ji)
    enew_ref[...] = jax.nn.relu(e_ji)
    con_ref[:, :_DIM] = sig * bb
    con_ref[:, _DIM:] = sig


def _edge_stage_tc(gsrc, gdst, efeat, wc, bc, block=2000):
    n = gsrc.shape[0]
    return pl.pallas_call(
        _edge_stage_body,
        grid=(n // block,),
        in_specs=[pl.BlockSpec((block, 2 * _DIM), lambda i: (i, 0)),
                  pl.BlockSpec((block, _DIM), lambda i: (i, 0)),
                  pl.BlockSpec((block, _DIM), lambda i: (i, 0)),
                  pl.BlockSpec((_DIM, _DIM), lambda i: (0, 0)),
                  pl.BlockSpec((1, _DIM), lambda i: (0, 0))],
        out_specs=[pl.BlockSpec((block, _DIM), lambda i: (i, 0)),
                   pl.BlockSpec((block, 2 * _DIM), lambda i: (i, 0))],
        out_shape=[jax.ShapeDtypeStruct((n, _DIM), jnp.float32),
                   jax.ShapeDtypeStruct((n, 2 * _DIM), jnp.float32)],
    )(gsrc, gdst, efeat, wc, bc.reshape(1, _DIM))


def _node_stage_body(h_ref, wa_ref, ba_ref, acc_ref, o_ref):
    ah = jnp.dot(h_ref[...], wa_ref[...],
                 preferred_element_type=jnp.float32) + ba_ref[...]
    num = acc_ref[:, :_DIM]
    den = acc_ref[:, _DIM:]
    o_ref[...] = jax.nn.relu(ah + num / (den + 1e-6))


def _node_stage(h, wa, ba, acc, block=2000):
    n = h.shape[0]
    return pl.pallas_call(
        _node_stage_body,
        grid=(n // block,),
        in_specs=[pl.BlockSpec((block, _DIM), lambda i: (i, 0)),
                  pl.BlockSpec((_DIM, _DIM), lambda i: (0, 0)),
                  pl.BlockSpec((1, _DIM), lambda i: (0, 0)),
                  pl.BlockSpec((block, 2 * _DIM), lambda i: (i, 0))],
        out_specs=pl.BlockSpec((block, _DIM), lambda i: (i, 0)),
        out_shape=jax.ShapeDtypeStruct((n, _DIM), jnp.float32),
    )(h, wa, ba.reshape(1, _DIM), acc)


def _gated_layer(h, e, edge_index, p, n_nodes, n_edges, node_block,
                 rng, n_pass):
    src = edge_index[0]
    dst = edge_index[1]
    wdb = jnp.concatenate([p['D'][0], p['B'][0]], axis=1)
    bdb = jnp.concatenate([p['D'][1], p['B'][1]], axis=0)
    db = _mm(h, wdb, bdb, block=min(2000, n_nodes // 5))
    Eh = _mm(h, p['E'][0], p['E'][1], block=min(2000, n_nodes // 5))
    src2 = src.reshape(n_edges // _C, _C)
    dst2 = dst.reshape(n_edges // _C, _C)
    gsrc, gdst = _gather_stage_sc(db, Eh, src2, dst2, n_edges)
    e_new, contrib = _edge_stage_tc(gsrc, gdst, e, p['C'][0], p['C'][1])
    acc = jax.ops.segment_sum(contrib, dst, num_segments=n_nodes)
    h_new = _node_stage(h, p['A'][0], p['A'][1], acc, block=node_block)
    return h_new, e_new


def kernel(node_feats, edge_feats, angle_feats, graph_edge_index, line_graph_edge_index, params):
    h, e = _gated_layer(node_feats, edge_feats, graph_edge_index,
                        params['node_update'], _N_NODES, _N_EDGES, node_block=2000,
                        rng=5120, n_pass=1)
    e, a = _gated_layer(e, angle_feats, line_graph_edge_index,
                        params['edge_update'], _N_EDGES, _N_ANGLES, node_block=2000,
                        rng=5120, n_pass=16)
    return (h, e, a)

# --- scband reference (transcript-rebuilt; emitter-appended) ---
"""Pipeline reference for scband-alignnlayer-62311385530743 (READ-ONLY COPY).

The authoritative reference and input builder live on the scoring server;
editing this copy changes nothing except your own understanding.
"""

import jax, jax.numpy as jnp
import numpy as np

N_NODES = 10000
N_EDGES = 160000
N_ANGLES = 320000
DIM = 128


def _lin(key, din, dout):
    k1, _ = jax.random.split(key)
    W = jax.random.normal(k1, (din, dout), jnp.float32) / np.sqrt(din)
    b = jnp.zeros((dout,), jnp.float32)
    return (W, b)


def _layer_params(key, din, dout):
    ks = jax.random.split(key, 5)
    return {
        'A': _lin(ks[0], din, dout),
        'B': _lin(ks[1], din, dout),
        'C': _lin(ks[2], din, dout),
        'D': _lin(ks[3], din, dout),
        'E': _lin(ks[4], din, dout),
    }


def setup_inputs(seed: int = 0) -> dict:
    key = jax.random.key(seed)
    ks = jax.random.split(key, 8)
    node_feats = jax.random.normal(ks[0], (N_NODES, DIM), jnp.float32)
    edge_feats = jax.random.normal(ks[1], (N_EDGES, DIM), jnp.float32)
    angle_feats = jax.random.normal(ks[2], (N_ANGLES, DIM), jnp.float32)
    graph_edge_index = jax.random.randint(ks[3], (2, N_EDGES), 0, N_NODES, jnp.int32)
    line_graph_edge_index = jax.random.randint(ks[4], (2, N_ANGLES), 0, N_EDGES, jnp.int32)
    params = {
        'node_update': _layer_params(ks[5], DIM, DIM),  # GatedGCN(input_dim=128, output_dim=128)
        'edge_update': _layer_params(ks[6], DIM, DIM),  # GatedGCN(output_dim=128, input_dim=128)
    }
    return {
        'node_feats': node_feats,
        'edge_feats': edge_feats,
        'angle_feats': angle_feats,
        'graph_edge_index': graph_edge_index,
        'line_graph_edge_index': line_graph_edge_index,
        'params': params,
    }


def _gated_gcn(h, e, edge_index, p, n_nodes):
    # Standard GatedGCN layer (Bresson & Laurent), batch_norm=False, residual=False, dropout=0.
    src = edge_index[0]
    dst = edge_index[1]
    Ah = h @ p['A'][0] + p['A'][1]
    Bh = h @ p['B'][0] + p['B'][1]
    Dh = h @ p['D'][0] + p['D'][1]
    Eh = h @ p['E'][0] + p['E'][1]
    Ce = e @ p['C'][0] + p['C'][1]
    e_ji = Dh[src] + Eh[dst] + Ce
    sigma = jax.nn.sigmoid(e_ji)
    num = jax.ops.segment_sum(sigma * Bh[src], dst, num_segments=n_nodes)
    den = jax.ops.segment_sum(sigma, dst, num_segments=n_nodes) + 1e-6
    h_new = jax.nn.relu(Ah + num / den)
    e_new = jax.nn.relu(e_ji)
    return h_new, e_new


def reference(node_feats, edge_feats, angle_feats, graph_edge_index, line_graph_edge_index, params):
    # node_update on the atom graph
    h, e = _gated_gcn(node_feats, edge_feats, graph_edge_index, params['node_update'], N_NODES)
    # edge_update on the line graph (edges of graph are nodes of line graph)
    e, a = _gated_gcn(e, angle_feats, line_graph_edge_index, params['edge_update'], N_EDGES)
    return (h, e, a)

if __name__ == "__main__":
    import jax
    _d = setup_inputs()
    print(jax.jit(kernel)(*tuple(_d.values())))

</pallas_src>

<mosaic_0001>
#map = affine_map<(d0, d1) -> (0, 0)>
module attributes {stable_mosaic.version = 14 : i64} {
  func.func @k(%arg0: i32, %arg1: i32, %arg2: memref<160000x256xf32, #tpu.memory_space<hbm>>, %arg3: memref<160000x128xf32, #tpu.memory_space<hbm>>, %arg4: memref<2500x128xi32, #tpu.memory_space<hbm>>, %arg5: memref<2500x128xi32, #tpu.memory_space<hbm>>, %arg6: memref<320000x256xf32, #tpu.memory_space<hbm>>, %arg7: memref<320000x128xf32, #tpu.memory_space<hbm>>, %arg8: memref<128xi32, #tpu.memory_space<vmem>>, %arg9: memref<128xi32, #tpu.memory_space<vmem>>, %arg10: memref<128xi32, #tpu.memory_space<vmem>>, %arg11: memref<128xi32, #tpu.memory_space<vmem>>, %arg12: memref<128x256xf32, #tpu.memory_space<vmem>>, %arg13: memref<128x256xf32, #tpu.memory_space<vmem>>, %arg14: memref<128x128xf32, #tpu.memory_space<vmem>>, %arg15: memref<128x128xf32, #tpu.memory_space<vmem>>, %arg16: memref<!tpu.dma_semaphore, #tpu.memory_space<semaphore_mem>>, %arg17: memref<!tpu.dma_semaphore, #tpu.memory_space<semaphore_mem>>, %arg18: memref<!tpu.dma_semaphore, #tpu.memory_space<semaphore_mem>>, %arg19: memref<!tpu.dma_semaphore, #tpu.memory_space<semaphore_mem>>, %arg20: memref<!tpu.dma_semaphore, #tpu.memory_space<semaphore_mem>>, %arg21: memref<!tpu.dma_semaphore, #tpu.memory_space<semaphore_mem>>) attributes {dimension_semantics = [#tpu.dimension_semantics<core_parallel>, #tpu.dimension_semantics<subcore_parallel>], iteration_bounds = array<i64: 2, 16>, scalar_prefetch = 0 : i64, scratch_operands = 14 : i64, tpu.core_type = #tpu.core_type<sc_vector_subcore>, window_params = [{transform_indices = #map}, {transform_indices = #map}, {transform_indices = #map}, {transform_indices = #map}, {transform_indices = #map}, {transform_indices = #map}]} {
    %mul3A = arith.constant 2 : i32
    %mul3A_0 = arith.muli %arg1, %mul3A : i32
    %add3A = arith.addi %mul3A_0, %arg0 : i32
    %sub3A = arith.constant 2500 : i32
    %sub3A_1 = arith.subi %sub3A, %add3A : i32
    %add3A_2 = arith.constant 32 : i32
    %add3A_3 = arith.addi %sub3A_1, %add3A_2 : i32
    %sub3A_4 = arith.constant 1 : i32
    %sub3A_5 = arith.subi %add3A_3, %sub3A_4 : i32
    %jit3A = arith.constant 32 : i32
    %div3A = arith.divsi %sub3A_5, %jit3A : i32
    %sign3A = arith.constant 0 : i32
    %sign3A_6 = arith.cmpi sgt, %sub3A_5, %sign3A : i32
    %sign3A_7 = arith.extui %sign3A_6 : i1 to i32
    %sign3A_8 = arith.constant 0 : i32
    %sign3A_9 = arith.cmpi slt, %sub3A_5, %sign3A_8 : i32
    %sign3A_10 = arith.extui %sign3A_9 : i1 to i32
    %sign3A_11 = arith.subi %sign3A_7, %sign3A_10 : i32
    %sign3A_12 = arith.constant 0 : i32
    %sign3A_13 = arith.cmpi sgt, %jit3A, %sign3A_12 : i32
    %sign3A_14 = arith.extui %sign3A_13 : i1 to i32
    %sign3A_15 = arith.constant 0 : i32
    %sign3A_16 = arith.cmpi slt, %jit3A, %sign3A_15 : i32
    %sign3A_17 = arith.extui %sign3A_16 : i1 to i32
    %sign3A_18 = arith.subi %sign3A_14, %sign3A_17 : i32
    %ne3A = arith.cmpi ne, %sign3A_11, %sign3A_18 : i32
    %rem3A = arith.remsi %sub3A_5, %jit3A : i32
    %ne3A_19 = arith.constant 0 : i32
    %ne3A_20 = arith.cmpi ne, %rem3A, %ne3A_19 : i32
    %and3A = arith.andi %ne3A, %ne3A_20 : i1
    %sub3A_21 = arith.constant 1 : i32
    %sub3A_22 = arith.subi %div3A, %sub3A_21 : i32
    %select_n3A = arith.select %and3A, %sub3A_22, %div3A : i32
    %gt3A = arith.constant 0 : i32
    %gt3A_23 = arith.cmpi sgt, %select_n3A, %gt3A : i32
    %convert_element_type3A = arith.extui %gt3A_23 : i1 to i32
    %cond3A = arith.constant 0 : i32
    %cond3A_24 = arith.cmpi ne, %convert_element_type3A, %cond3A : i32
    scf.if %cond3A_24 {
      %add3A_77 = arith.constant 0 : i32
      %add3A_78 = arith.addi %add3A, %add3A_77 : i32
      %dma_start3A = arith.constant 0 : i32
      %dma_start3A_79 = tpu.memref_slice %arg4[%add3A_78, %dma_start3A] : memref<2500x128xi32, #tpu.memory_space<hbm>> -> memref<1x128xi32, #tpu.memory_space<hbm>>
      %dma_start3A_80 = tpu.memref_squeeze %dma_start3A_79 : memref<1x128xi32, #tpu.memory_space<hbm>> -> memref<128xi32, #tpu.memory_space<hbm>>
      %dma_start3A_81 = arith.constant 0 : i32
      %dma_start3A_82 = tpu.memref_slice %arg4[%add3A_78, %dma_start3A_81] : memref<2500x128xi32, #tpu.memory_space<hbm>> -> memref<1x128xi32, #tpu.memory_space<hbm>>
      %dma_start3A_83 = tpu.memref_squeeze %dma_start3A_82 : memref<1x128xi32, #tpu.memory_space<hbm>> -> memref<128xi32, #tpu.memory_space<hbm>>
      tpu.enqueue_dma source(%dma_start3A_83 : memref<128xi32, #tpu.memory_space<hbm>>) target(%arg8 : memref<128xi32, #tpu.memory_space<vmem>>) target_semaphore(%arg16 : memref<!tpu.dma_semaphore, #tpu.memory_space<semaphore_mem>>)
      %dma_start3A_84 = arith.constant 0 : i32
      %dma_start3A_85 = tpu.memref_slice %arg5[%add3A_78, %dma_start3A_84] : memref<2500x128xi32, #tpu.memory_space<hbm>> -> memref<1x128xi32, #tpu.memory_space<hbm>>
      %dma_start3A_86 = tpu.memref_squeeze %dma_start3A_85 : memref<1x128xi32, #tpu.memory_space<hbm>> -> memref<128xi32, #tpu.memory_space<hbm>>
      %dma_start3A_87 = arith.constant 0 : i32
      %dma_start3A_88 = tpu.memref_slice %arg5[%add3A_78, %dma_start3A_87] : memref<2500x128xi32, #tpu.memory_space<hbm>> -> memref<1x128xi32, #tpu.memory_space<hbm>>
      %dma_start3A_89 = tpu.memref_squeeze %dma_start3A_88 : memref<1x128xi32, #tpu.memory_space<hbm>> -> memref<128xi32, #tpu.memory_space<hbm>>
      tpu.enqueue_dma source(%dma_start3A_89 : memref<128xi32, #tpu.memory_space<hbm>>) target(%arg10 : memref<128xi32, #tpu.memory_space<vmem>>) target_semaphore(%arg16 : memref<!tpu.dma_semaphore, #tpu.memory_space<semaphore_mem>>)
      %dma_wait3A = arith.constant 0 : i32
      %dma_wait3A_90 = arith.constant 0 : i32
      %dma_wait3A_91 = tpu.memref_slice %arg4[%dma_wait3A, %dma_wait3A_90] : memref<2500x128xi32, #tpu.memory_space<hbm>> -> memref<1x128xi32, #tpu.memory_space<hbm>>
      %dma_wait3A_92 = tpu.memref_squeeze %dma_wait3A_91 : memref<1x128xi32, #tpu.memory_space<hbm>> -> memref<128xi32, #tpu.memory_space<hbm>>
      %dma_wait3A_93 = arith.constant 0 : i32
      %dma_wait3A_94 = tpu.memref_slice %arg4[%dma_wait3A, %dma_wait3A_93] : memref<2500x128xi32, #tpu.memory_space<hbm>> -> memref<1x128xi32, #tpu.memory_space<hbm>>
      %dma_wait3A_95 = tpu.memref_squeeze %dma_wait3A_94 : memref<1x128xi32, #tpu.memory_space<hbm>> -> memref<128xi32, #tpu.memory_space<hbm>>
      tpu.wait_dma2 semaphore(%arg16 : memref<!tpu.dma_semaphore, #tpu.memory_space<semaphore_mem>>) src(%dma_wait3A_95 : memref<128xi32, #tpu.memory_space<hbm>>) dst(%arg8 : memref<128xi32, #tpu.memory_space<vmem>>)
      %dma_wait3A_96 = arith.constant 0 : i32
      %dma_wait3A_97 = arith.constant 0 : i32
      %dma_wait3A_98 = tpu.memref_slice %arg5[%dma_wait3A_96, %dma_wait3A_97] : memref<2500x128xi32, #tpu.memory_space<hbm>> -> memref<1x128xi32, #tpu.memory_space<hbm>>
      %dma_wait3A_99 = tpu.memref_squeeze %dma_wait3A_98 : memref<1x128xi32, #tpu.memory_space<hbm>> -> memref<128xi32, #tpu.memory_space<hbm>>
      %dma_wait3A_100 = arith.constant 0 : i32
      %dma_wait3A_101 = tpu.memref_slice %arg5[%dma_wait3A_96, %dma_wait3A_100] : memref<2500x128xi32, #tpu.memory_space<hbm>> -> memref<1x128xi32, #tpu.memory_space<hbm>>
      %dma_wait3A_102 = tpu.memref_squeeze %dma_wait3A_101 : memref<1x128xi32, #tpu.memory_space<hbm>> -> memref<128xi32, #tpu.memory_space<hbm>>
      tpu.wait_dma2 semaphore(%arg16 : memref<!tpu.dma_semaphore, #tpu.memory_space<semaphore_mem>>) src(%dma_wait3A_102 : memref<128xi32, #tpu.memory_space<hbm>>) dst(%arg10 : memref<128xi32, #tpu.memory_space<vmem>>)
      %dma_start3A_103 = arith.constant 0 : i32
      %dma_start3A_104 = arith.constant 0 : i32
      %dma_start3A_105 = tpu.memref_slice %arg2[%dma_start3A_103, %dma_start3A_104] : memref<160000x256xf32, #tpu.memory_space<hbm>> -> memref<160000x256xf32, #tpu.memory_space<hbm>>
      tpu.enqueue_indirect_dma source(%dma_start3A_105 : memref<160000x256xf32, #tpu.memory_space<hbm>>) target(%arg12 : memref<128x256xf32, #tpu.memory_space<vmem>>) offsets(%arg8 : memref<128xi32, #tpu.memory_space<vmem>>) semaphore(%arg18 : memref<!tpu.dma_semaphore, #tpu.memory_space<semaphore_mem>>)
      %dma_start3A_106 = arith.constant 0 : i32
      %dma_start3A_107 = arith.constant 0 : i32
      %dma_start3A_108 = tpu.memref_slice %arg3[%dma_start3A_106, %dma_start3A_107] : memref<160000x128xf32, #tpu.memory_space<hbm>> -> memref<160000x128xf32, #tpu.memory_space<hbm>>
      tpu.enqueue_indirect_dma source(%dma_start3A_108 : memref<160000x128xf32, #tpu.memory_space<hbm>>) target(%arg14 : memref<128x128xf32, #tpu.memory_space<vmem>>) offsets(%arg10 : memref<128xi32, #tpu.memory_space<vmem>>) semaphore(%arg18 : memref<!tpu.dma_semaphore, #tpu.memory_space<semaphore_mem>>)
    } else {
    }
    %gt3A_25 = arith.constant 1 : i32
    %gt3A_26 = arith.cmpi sgt, %select_n3A, %gt3A_25 : i32
    %convert_element_type3A_27 = arith.extui %gt3A_26 : i1 to i32
    %cond3A_28 = arith.constant 0 : i32
    %cond3A_29 = arith.cmpi ne, %convert_element_type3A_27, %cond3A_28 : i32
    scf.if %cond3A_29 {
      %add3A_77 = arith.constant 32 : i32
      %add3A_78 = arith.addi %add3A, %add3A_77 : i32
      %dma_start3A = arith.constant 0 : i32
      %dma_start3A_79 = tpu.memref_slice %arg4[%add3A_78, %dma_start3A] : memref<2500x128xi32, #tpu.memory_space<hbm>> -> memref<1x128xi32, #tpu.memory_space<hbm>>
      %dma_start3A_80 = tpu.memref_squeeze %dma_start3A_79 : memref<1x128xi32, #tpu.memory_space<hbm>> -> memref<128xi32, #tpu.memory_space<hbm>>
      %dma_start3A_81 = arith.constant 0 : i32
      %dma_start3A_82 = tpu.memref_slice %arg4[%add3A_78, %dma_start3A_81] : memref<2500x128xi32, #tpu.memory_space<hbm>> -> memref<1x128xi32, #tpu.memory_space<hbm>>
      %dma_start3A_83 = tpu.memref_squeeze %dma_start3A_82 : memref<1x128xi32, #tpu.memory_space<hbm>> -> memref<128xi32, #tpu.memory_space<hbm>>
      tpu.enqueue_dma source(%dma_start3A_83 : memref<128xi32, #tpu.memory_space<hbm>>) target(%arg9 : memref<128xi32, #tpu.memory_space<vmem>>) target_semaphore(%arg17 : memref<!tpu.dma_semaphore, #tpu.memory_space<semaphore_mem>>)
      %dma_start3A_84 = arith.constant 0 : i32
      %dma_start3A_85 = tpu.memref_slice %arg5[%add3A_78, %dma_start3A_84] : memref<2500x128xi32, #tpu.memory_space<hbm>> -> memref<1x128xi32, #tpu.memory_space<hbm>>
      %dma_start3A_86 = tpu.memref_squeeze %dma_start3A_85 : memref<1x128xi32, #tpu.memory_space<hbm>> -> memref<128xi32, #tpu.memory_space<hbm>>
      %dma_start3A_87 = arith.constant 0 : i32
      %dma_start3A_88 = tpu.memref_slice %arg5[%add3A_78, %dma_start3A_87] : memref<2500x128xi32, #tpu.memory_space<hbm>> -> memref<1x128xi32, #tpu.memory_space<hbm>>
      %dma_start3A_89 = tpu.memref_squeeze %dma_start3A_88 : memref<1x128xi32, #tpu.memory_space<hbm>> -> memref<128xi32, #tpu.memory_space<hbm>>
      tpu.enqueue_dma source(%dma_start3A_89 : memref<128xi32, #tpu.memory_space<hbm>>) target(%arg11 : memref<128xi32, #tpu.memory_space<vmem>>) target_semaphore(%arg17 : memref<!tpu.dma_semaphore, #tpu.memory_space<semaphore_mem>>)
    } else {
    }
    %add3A_30 = arith.constant 1 : i32
    %add3A_31 = arith.addi %select_n3A, %add3A_30 : i32
    %jit3A_32 = arith.constant 2 : i32
    %div3A_33 = arith.divsi %add3A_31, %jit3A_32 : i32
    %sign3A_34 = arith.constant 0 : i32
    %sign3A_35 = arith.cmpi sgt, %add3A_31, %sign3A_34 : i32
    %sign3A_36 = arith.extui %sign3A_35 : i1 to i32
    %sign3A_37 = arith.constant 0 : i32
    %sign3A_38 = arith.cmpi slt, %add3A_31, %sign3A_37 : i32
    %sign3A_39 = arith.extui %sign3A_38 : i1 to i32
    %sign3A_40 = arith.subi %sign3A_36, %sign3A_39 : i32
    %sign3A_41 = arith.constant 0 : i32
    %sign3A_42 = arith.cmpi sgt, %jit3A_32, %sign3A_41 : i32
    %sign3A_43 = arith.extui %sign3A_42 : i1 to i32
    %sign3A_44 = arith.constant 0 : i32
    %sign3A_45 = arith.cmpi slt, %jit3A_32, %sign3A_44 : i32
    %sign3A_46 = arith.extui %sign3A_45 : i1 to i32
    %sign3A_47 = arith.subi %sign3A_43, %sign3A_46 : i32
    %ne3A_48 = arith.cmpi ne, %sign3A_40, %sign3A_47 : i32
    %rem3A_49 = arith.remsi %add3A_31, %jit3A_32 : i32
    %ne3A_50 = arith.constant 0 : i32
    %ne3A_51 = arith.cmpi ne, %rem3A_49, %ne3A_50 : i32
    %and3A_52 = arith.andi %ne3A_48, %ne3A_51 : i1
    %sub3A_53 = arith.constant 1 : i32
    %sub3A_54 = arith.subi %div3A_33, %sub3A_53 : i32
    %select_n3A_55 = arith.select %and3A_52, %sub3A_54, %div3A_33 : i32
    %while3A = arith.constant 0 : i32
    %while3A_56 = arith.constant 0 : i32
    %while3A_57 = arith.subi %select_n3A_55, %while3A : i32
    %while3A_58 = arith.addi %while3A, %while3A_57 : i32
    %while3A_59 = arith.constant 1 : i32
    %while3A_60 = arith.divsi %while3A_57, %while3A_59 : i32
    %while3A_61 = arith.muli %while3A_60, %while3A_59 : i32
    %while3A_62 = arith.addi %while3A, %while3A_61 : i32
    %while3A_63 = arith.constant 1 : i32
    %while3A_64 = scf.for %while3A_77 = %while3A to %while3A_62 step %while3A_63 iter_args(%while3A_78 = %while3A_56) -> (i32)  : i32 {
      %mul3A_79 = arith.constant 2 : i32
      %mul3A_80 = arith.muli %mul3A_79, %while3A_77 : i32
      %add3A_81 = arith.constant 1 : i32
      %add3A_82 = arith.addi %mul3A_80, %add3A_81 : i32
      %lt3A = arith.cmpi slt, %add3A_82, %select_n3A : i32
      %convert_element_type3A_83 = arith.extui %lt3A : i1 to i32
      %cond3A_84 = arith.constant 0 : i32
      %cond3A_85 = arith.cmpi ne, %convert_element_type3A_83, %cond3A_84 : i32
      scf.if %cond3A_85 {
        %dma_wait3A = arith.constant 0 : i32
        %dma_wait3A_117 = arith.constant 0 : i32
        %dma_wait3A_118 = tpu.memref_slice %arg4[%dma_wait3A, %dma_wait3A_117] : memref<2500x128xi32, #tpu.memory_space<hbm>> -> memref<1x128xi32, #tpu.memory_space<hbm>>
        %dma_wait3A_119 = tpu.memref_squeeze %dma_wait3A_118 : memref<1x128xi32, #tpu.memory_space<hbm>> -> memref<128xi32, #tpu.memory_space<hbm>>
        %dma_wait3A_120 = arith.constant 0 : i32
        %dma_wait3A_121 = tpu.memref_slice %arg4[%dma_wait3A, %dma_wait3A_120] : memref<2500x128xi32, #tpu.memory_space<hbm>> -> memref<1x128xi32, #tpu.memory_space<hbm>>
        %dma_wait3A_122 = tpu.memref_squeeze %dma_wait3A_121 : memref<1x128xi32, #tpu.memory_space<hbm>> -> memref<128xi32, #tpu.memory_space<hbm>>
        tpu.wait_dma2 semaphore(%arg17 : memref<!tpu.dma_semaphore, #tpu.memory_space<semaphore_mem>>) src(%dma_wait3A_122 : memref<128xi32, #tpu.memory_space<hbm>>) dst(%arg9 : memref<128xi32, #tpu.memory_space<vmem>>)
        %dma_wait3A_123 = arith.constant 0 : i32
        %dma_wait3A_124 = arith.constant 0 : i32
        %dma_wait3A_125 = tpu.memref_slice %arg5[%dma_wait3A_123, %dma_wait3A_124] : memref<2500x128xi32, #tpu.memory_space<hbm>> -> memref<1x128xi32, #tpu.memory_space<hbm>>
        %dma_wait3A_126 = tpu.memref_squeeze %dma_wait3A_125 : memref<1x128xi32, #tpu.memory_space<hbm>> -> memref<128xi32, #tpu.memory_space<hbm>>
        %dma_wait3A_127 = arith.constant 0 : i32
        %dma_wait3A_128 = tpu.memref_slice %arg5[%dma_wait3A_123, %dma_wait3A_127] : memref<2500x128xi32, #tpu.memory_space<hbm>> -> memref<1x128xi32, #tpu.memory_space<hbm>>
        %dma_wait3A_129 = tpu.memref_squeeze %dma_wait3A_128 : memref<1x128xi32, #tpu.memory_space<hbm>> -> memref<128xi32, #tpu.memory_space<hbm>>
        tpu.wait_dma2 semaphore(%arg17 : memref<!tpu.dma_semaphore, #tpu.memory_space<semaphore_mem>>) src(%dma_wait3A_129 : memref<128xi32, #tpu.memory_space<hbm>>) dst(%arg11 : memref<128xi32, #tpu.memory_space<vmem>>)
        %ge3A = arith.constant 1 : i32
        %ge3A_130 = arith.cmpi sge, %mul3A_80, %ge3A : i32
        %convert_element_type3A_131 = arith.extui %ge3A_130 : i1 to i32
        %cond3A_132 = arith.constant 0 : i32
        %cond3A_133 = arith.cmpi ne, %convert_element_type3A_131, %cond3A_132 : i32
        scf.if %cond3A_133 {
          %dma_wait3A_139 = arith.constant 0 : i32
          %dma_wait3A_140 = arith.constant 0 : i32
          %dma_wait3A_141 = tpu.memref_slice %arg6[%dma_wait3A_139, %dma_wait3A_140] : memref<320000x256xf32, #tpu.memory_space<hbm>> -> memref<128x256xf32, #tpu.memory_space<hbm>>
          %dma_wait3A_142 = arith.constant 0 : i32
          %dma_wait3A_143 = arith.constant 0 : i32
          %dma_wait3A_144 = tpu.memref_slice %arg6[%dma_wait3A_142, %dma_wait3A_143] : memref<320000x256xf32, #tpu.memory_space<hbm>> -> memref<128x256xf32, #tpu.memory_space<hbm>>
          tpu.wait_dma2 semaphore(%arg21 : memref<!tpu.dma_semaphore, #tpu.memory_space<semaphore_mem>>) src(%arg13 : memref<128x256xf32, #tpu.memory_space<vmem>>) dst(%dma_wait3A_144 : memref<128x256xf32, #tpu.memory_space<hbm>>)
          %dma_wait3A_145 = arith.constant 0 : i32
          %dma_wait3A_146 = arith.constant 0 : i32
          %dma_wait3A_147 = tpu.memref_slice %arg7[%dma_wait3A_145, %dma_wait3A_146] : memref<320000x128xf32, #tpu.memory_space<hbm>> -> memref<128x128xf32, #tpu.memory_space<hbm>>
          %dma_wait3A_148 = arith.constant 0 : i32
          %dma_wait3A_149 = arith.constant 0 : i32
          %dma_wait3A_150 = tpu.memref_slice %arg7[%dma_wait3A_148, %dma_wait3A_149] : memref<320000x128xf32, #tpu.memory_space<hbm>> -> memref<128x128xf32, #tpu.memory_space<hbm>>
          tpu.wait_dma2 semaphore(%arg21 : memref<!tpu.dma_semaphore, #tpu.memory_space<semaphore_mem>>) src(%arg15 : memref<128x128xf32, #tpu.memory_space<vmem>>) dst(%dma_wait3A_150 : memref<128x128xf32, #tpu.memory_space<hbm>>)
        } else {
        }
        %dma_start3A = arith.constant 0 : i32
        %dma_start3A_134 = arith.constant 0 : i32
        %dma_start3A_135 = tpu.memref_slice %arg2[%dma_start3A, %dma_start3A_134] : memref<160000x256xf32, #tpu.memory_space<hbm>> -> memref<160000x256xf32, #tpu.memory_space<hbm>>
        tpu.enqueue_indirect_dma source(%dma_start3A_135 : memref<160000x256xf32, #tpu.memory_space<hbm>>) target(%arg13 : memref<128x256xf32, #tpu.memory_space<vmem>>) offsets(%arg9 : memref<128xi32, #tpu.memory_space<vmem>>) semaphore(%arg19 : memref<!tpu.dma_semaphore, #tpu.memory_space<semaphore_mem>>)
        %dma_start3A_136 = arith.constant 0 : i32
        %dma_start3A_137 = arith.constant 0 : i32
        %dma_start3A_138 = tpu.memref_slice %arg3[%dma_start3A_136, %dma_start3A_137] : memref<160000x128xf32, #tpu.memory_space<hbm>> -> memref<160000x128xf32, #tpu.memory_space<hbm>>
        tpu.enqueue_indirect_dma source(%dma_start3A_138 : memref<160000x128xf32, #tpu.memory_space<hbm>>) target(%arg15 : memref<128x128xf32, #tpu.memory_space<vmem>>) offsets(%arg11 : memref<128xi32, #tpu.memory_space<vmem>>) semaphore(%arg19 : memref<!tpu.dma_semaphore, #tpu.memory_space<semaphore_mem>>)
      } else {
      }
      %lt3A_86 = arith.cmpi slt, %mul3A_80, %select_n3A : i32
      %convert_element_type3A_87 = arith.extui %lt3A_86 : i1 to i32
      %cond3A_88 = arith.constant 0 : i32
      %cond3A_89 = arith.cmpi ne, %convert_element_type3A_87, %cond3A_88 : i32
      scf.if %cond3A_89 {
        %dma_wait3A = arith.constant 0 : i32
        %dma_wait3A_117 = arith.constant 0 : i32
        %dma_wait3A_118 = tpu.memref_slice %arg2[%dma_wait3A, %dma_wait3A_117] : memref<160000x256xf32, #tpu.memory_space<hbm>> -> memref<160000x256xf32, #tpu.memory_space<hbm>>
        tpu.wait_indirect_dma semaphore(%arg18 : memref<!tpu.dma_semaphore, #tpu.memory_space<semaphore_mem>>) src(%dma_wait3A_118 : memref<160000x256xf32, #tpu.memory_space<hbm>>) dst(%arg12 : memref<128x256xf32, #tpu.memory_space<vmem>>)
        %dma_wait3A_119 = arith.constant 0 : i32
        %dma_wait3A_120 = arith.constant 0 : i32
        %dma_wait3A_121 = tpu.memref_slice %arg3[%dma_wait3A_119, %dma_wait3A_120] : memref<160000x128xf32, #tpu.memory_space<hbm>> -> memref<160000x128xf32, #tpu.memory_space<hbm>>
        tpu.wait_indirect_dma semaphore(%arg18 : memref<!tpu.dma_semaphore, #tpu.memory_space<semaphore_mem>>) src(%dma_wait3A_121 : memref<160000x128xf32, #tpu.memory_space<hbm>>) dst(%arg14 : memref<128x128xf32, #tpu.memory_space<vmem>>)
        %mul3A_122 = arith.constant 32 : i32
        %mul3A_123 = arith.muli %mul3A_80, %mul3A_122 : i32
        %add3A_124 = arith.addi %add3A, %mul3A_123 : i32
        %mul3A_125 = arith.constant 128 : i32
        %mul3A_126 = arith.muli %add3A_124, %mul3A_125 : i32
        %dma_start3A = arith.constant 0 : i32
        %dma_start3A_127 = tpu.memref_slice %arg6[%mul3A_126, %dma_start3A] : memref<320000x256xf32, #tpu.memory_space<hbm>> -> memref<128x256xf32, #tpu.memory_space<hbm>>
        %dma_start3A_128 = arith.constant 0 : i32
        %dma_start3A_129 = tpu.memref_slice %arg6[%mul3A_126, %dma_start3A_128] : memref<320000x256xf32, #tpu.memory_space<hbm>> -> memref<128x256xf32, #tpu.memory_space<hbm>>
        tpu.enqueue_dma source(%arg12 : memref<128x256xf32, #tpu.memory_space<vmem>>) target(%dma_start3A_129 : memref<128x256xf32, #tpu.memory_space<hbm>>) target_semaphore(%arg20 : memref<!tpu.dma_semaphore, #tpu.memory_space<semaphore_mem>>)
        %dma_start3A_130 = arith.constant 0 : i32
        %dma_start3A_131 = tpu.memref_slice %arg7[%mul3A_126, %dma_start3A_130] : memref<320000x128xf32, #tpu.memory_space<hbm>> -> memref<128x128xf32, #tpu.memory_space<hbm>>
        %dma_start3A_132 = arith.constant 0 : i32
        %dma_start3A_133 = tpu.memref_slice %arg7[%mul3A_126, %dma_start3A_132] : memref<320000x128xf32, #tpu.memory_space<hbm>> -> memref<128x128xf32, #tpu.memory_space<hbm>>
        tpu.enqueue_dma source(%arg14 : memref<128x128xf32, #tpu.memory_space<vmem>>) target(%dma_start3A_133 : memref<128x128xf32, #tpu.memory_space<hbm>>) target_semaphore(%arg20 : memref<!tpu.dma_semaphore, #tpu.memory_space<semaphore_mem>>)
      } else {
      }
      %add3A_90 = arith.constant 2 : i32
      %add3A_91 = arith.addi %mul3A_80, %add3A_90 : i32
      %lt3A_92 = arith.cmpi slt, %add3A_91, %select_n3A : i32
      %convert_element_type3A_93 = arith.extui %lt3A_92 : i1 to i32
      %cond3A_94 = arith.constant 0 : i32
      %cond3A_95 = arith.cmpi ne, %convert_element_type3A_93, %cond3A_94 : i32
      scf.if %cond3A_95 {
        %add3A_117 = arith.constant 2 : i32
        %add3A_118 = arith.addi %mul3A_80, %add3A_117 : i32
        %mul3A_119 = arith.constant 32 : i32
        %mul3A_120 = arith.muli %add3A_118, %mul3A_119 : i32
        %add3A_121 = arith.addi %add3A, %mul3A_120 : i32
        %dma_start3A = arith.constant 0 : i32
        %dma_start3A_122 = tpu.memref_slice %arg4[%add3A_121, %dma_start3A] : memref<2500x128xi32, #tpu.memory_space<hbm>> -> memref<1x128xi32, #tpu.memory_space<hbm>>
        %dma_start3A_123 = tpu.memref_squeeze %dma_start3A_122 : memref<1x128xi32, #tpu.memory_space<hbm>> -> memref<128xi32, #tpu.memory_space<hbm>>
        %dma_start3A_124 = arith.constant 0 : i32
        %dma_start3A_125 = tpu.memref_slice %arg4[%add3A_121, %dma_start3A_124] : memref<2500x128xi32, #tpu.memory_space<hbm>> -> memref<1x128xi32, #tpu.memory_space<hbm>>
        %dma_start3A_126 = tpu.memref_squeeze %dma_start3A_125 : memref<1x128xi32, #tpu.memory_space<hbm>> -> memref<128xi32, #tpu.memory_space<hbm>>
        tpu.enqueue_dma source(%dma_start3A_126 : memref<128xi32, #tpu.memory_space<hbm>>) target(%arg8 : memref<128xi32, #tpu.memory_space<vmem>>) target_semaphore(%arg16 : memref<!tpu.dma_semaphore, #tpu.memory_space<semaphore_mem>>)
        %dma_start3A_127 = arith.constant 0 : i32
        %dma_start3A_128 = tpu.memref_slice %arg5[%add3A_121, %dma_start3A_127] : memref<2500x128xi32, #tpu.memory_space<hbm>> -> memref<1x128xi32, #tpu.memory_space<hbm>>
        %dma_start3A_129 = tpu.memref_squeeze %dma_start3A_128 : memref<1x128xi32, #tpu.memory_space<hbm>> -> memref<128xi32, #tpu.memory_space<hbm>>
        %dma_start3A_130 = arith.constant 0 : i32
        %dma_start3A_131 = tpu.memref_slice %arg5[%add3A_121, %dma_start3A_130] : memref<2500x128xi32, #tpu.memory_space<hbm>> -> memref<1x128xi32, #tpu.memory_space<hbm>>
        %dma_start3A_132 = tpu.memref_squeeze %dma_start3A_131 : memref<1x128xi32, #tpu.memory_space<hbm>> -> memref<128xi32, #tpu.memory_space<hbm>>
        tpu.enqueue_dma source(%dma_start3A_132 : memref<128xi32, #tpu.memory_space<hbm>>) target(%arg10 : memref<128xi32, #tpu.memory_space<vmem>>) target_semaphore(%arg16 : memref<!tpu.dma_semaphore, #tpu.memory_space<semaphore_mem>>)
      } else {
      }
      %mul3A_96 = arith.constant 2 : i32
      %mul3A_97 = arith.muli %mul3A_96, %while3A_77 : i32
      %add3A_98 = arith.constant 1 : i32
      %add3A_99 = arith.addi %mul3A_97, %add3A_98 : i32
      %add3A_100 = arith.constant 1 : i32
      %add3A_101 = arith.addi %add3A_99, %add3A_100 : i32
      %lt3A_102 = arith.cmpi slt, %add3A_101, %select_n3A : i32
      %convert_element_type3A_103 = arith.extui %lt3A_102 : i1 to i32
      %cond3A_104 = arith.constant 0 : i32
      %cond3A_105 = arith.cmpi ne, %convert_element_type3A_103, %cond3A_104 : i32
      scf.if %cond3A_105 {
        %dma_wait3A = arith.constant 0 : i32
        %dma_wait3A_117 = arith.constant 0 : i32
        %dma_wait3A_118 = tpu.memref_slice %arg4[%dma_wait3A, %dma_wait3A_117] : memref<2500x128xi32, #tpu.memory_space<hbm>> -> memref<1x128xi32, #tpu.memory_space<hbm>>
        %dma_wait3A_119 = tpu.memref_squeeze %dma_wait3A_118 : memref<1x128xi32, #tpu.memory_space<hbm>> -> memref<128xi32, #tpu.memory_space<hbm>>
        %dma_wait3A_120 = arith.constant 0 : i32
        %dma_wait3A_121 = tpu.memref_slice %arg4[%dma_wait3A, %dma_wait3A_120] : memref<2500x128xi32, #tpu.memory_space<hbm>> -> memref<1x128xi32, #tpu.memory_space<hbm>>
        %dma_wait3A_122 = tpu.memref_squeeze %dma_wait3A_121 : memref<1x128xi32, #tpu.memory_space<hbm>> -> memref<128xi32, #tpu.memory_space<hbm>>
        tpu.wait_dma2 semaphore(%arg16 : memref<!tpu.dma_semaphore, #tpu.memory_space<semaphore_mem>>) src(%dma_wait3A_122 : memref<128xi32, #tpu.memory_space<hbm>>) dst(%arg8 : memref<128xi32, #tpu.memory_space<vmem>>)
        %dma_wait3A_123 = arith.constant 0 : i32
        %dma_wait3A_124 = arith.constant 0 : i32
        %dma_wait3A_125 = tpu.memref_slice %arg5[%dma_wait3A_123, %dma_wait3A_124] : memref<2500x128xi32, #tpu.memory_space<hbm>> -> memref<1x128xi32, #tpu.memory_space<hbm>>
        %dma_wait3A_126 = tpu.memref_squeeze %dma_wait3A_125 : memref<1x128xi32, #tpu.memory_space<hbm>> -> memref<128xi32, #tpu.memory_space<hbm>>
        %dma_wait3A_127 = arith.constant 0 : i32
        %dma_wait3A_128 = tpu.memref_slice %arg5[%dma_wait3A_123, %dma_wait3A_127] : memref<2500x128xi32, #tpu.memory_space<hbm>> -> memref<1x128xi32, #tpu.memory_space<hbm>>
        %dma_wait3A_129 = tpu.memref_squeeze %dma_wait3A_128 : memref<1x128xi32, #tpu.memory_space<hbm>> -> memref<128xi32, #tpu.memory_space<hbm>>
        tpu.wait_dma2 semaphore(%arg16 : memref<!tpu.dma_semaphore, #tpu.memory_space<semaphore_mem>>) src(%dma_wait3A_129 : memref<128xi32, #tpu.memory_space<hbm>>) dst(%arg10 : memref<128xi32, #tpu.memory_space<vmem>>)
        %ge3A = arith.constant 1 : i32
        %ge3A_130 = arith.cmpi sge, %add3A_99, %ge3A : i32
        %convert_element_type3A_131 = arith.extui %ge3A_130 : i1 to i32
        %cond3A_132 = arith.constant 0 : i32
        %cond3A_133 = arith.cmpi ne, %convert_element_type3A_131, %cond3A_132 : i32
        scf.if %cond3A_133 {
          %dma_wait3A_139 = arith.constant 0 : i32
          %dma_wait3A_140 = arith.constant 0 : i32
          %dma_wait3A_141 = tpu.memref_slice %arg6[%dma_wait3A_139, %dma_wait3A_140] : memref<320000x256xf32, #tpu.memory_space<hbm>> -> memref<128x256xf32, #tpu.memory_space<hbm>>
          %dma_wait3A_142 = arith.constant 0 : i32
          %dma_wait3A_143 = arith.constant 0 : i32
          %dma_wait3A_144 = tpu.memref_slice %arg6[%dma_wait3A_142, %dma_wait3A_143] : memref<320000x256xf32, #tpu.memory_space<hbm>> -> memref<128x256xf32, #tpu.memory_space<hbm>>
          tpu.wait_dma2 semaphore(%arg20 : memref<!tpu.dma_semaphore, #tpu.memory_space<semaphore_mem>>) src(%arg12 : memref<128x256xf32, #tpu.memory_space<vmem>>) dst(%dma_wait3A_144 : memref<128x256xf32, #tpu.memory_space<hbm>>)
          %dma_wait3A_145 = arith.constant 0 : i32
          %dma_wait3A_146 = arith.constant 0 : i32
          %dma_wait3A_147 = tpu.memref_slice %arg7[%dma_wait3A_145, %dma_wait3A_146] : memref<320000x128xf32, #tpu.memory_space<hbm>> -> memref<128x128xf32, #tpu.memory_space<hbm>>
          %dma_wait3A_148 = arith.constant 0 : i32
          %dma_wait3A_149 = arith.constant 0 : i32
          %dma_wait3A_150 = tpu.memref_slice %arg7[%dma_wait3A_148, %dma_wait3A_149] : memref<320000x128xf32, #tpu.memory_space<hbm>> -> memref<128x128xf32, #tpu.memory_space<hbm>>
          tpu.wait_dma2 semaphore(%arg20 : memref<!tpu.dma_semaphore, #tpu.memory_space<semaphore_mem>>) src(%arg14 : memref<128x128xf32, #tpu.memory_space<vmem>>) dst(%dma_wait3A_150 : memref<128x128xf32, #tpu.memory_space<hbm>>)
        } else {
        }
        %dma_start3A = arith.constant 0 : i32
        %dma_start3A_134 = arith.constant 0 : i32
        %dma_start3A_135 = tpu.memref_slice %arg2[%dma_start3A, %dma_start3A_134] : memref<160000x256xf32, #tpu.memory_space<hbm>> -> memref<160000x256xf32, #tpu.memory_space<hbm>>
        tpu.enqueue_indirect_dma source(%dma_start3A_135 : memref<160000x256xf32, #tpu.memory_space<hbm>>) target(%arg12 : memref<128x256xf32, #tpu.memory_space<vmem>>) offsets(%arg8 : memref<128xi32, #tpu.memory_space<vmem>>) semaphore(%arg18 : memref<!tpu.dma_semaphore, #tpu.memory_space<semaphore_mem>>)
        %dma_start3A_136 = arith.constant 0 : i32
        %dma_start3A_137 = arith.constant 0 : i32
        %dma_start3A_138 = tpu.memref_slice %arg3[%dma_start3A_136, %dma_start3A_137] : memref<160000x128xf32, #tpu.memory_space<hbm>> -> memref<160000x128xf32, #tpu.memory_space<hbm>>
        tpu.enqueue_indirect_dma source(%dma_start3A_138 : memref<160000x128xf32, #tpu.memory_space<hbm>>) target(%arg14 : memref<128x128xf32, #tpu.memory_space<vmem>>) offsets(%arg10 : memref<128xi32, #tpu.memory_space<vmem>>) semaphore(%arg18 : memref<!tpu.dma_semaphore, #tpu.memory_space<semaphore_mem>>)
      } else {
      }
      %lt3A_106 = arith.cmpi slt, %add3A_99, %select_n3A : i32
      %convert_element_type3A_107 = arith.extui %lt3A_106 : i1 to i32
      %cond3A_108 = arith.constant 0 : i32
      %cond3A_109 = arith.cmpi ne, %convert_element_type3A_107, %cond3A_108 : i32
      scf.if %cond3A_109 {
        %dma_wait3A = arith.constant 0 : i32
        %dma_wait3A_117 = arith.constant 0 : i32
        %dma_wait3A_118 = tpu.memref_slice %arg2[%dma_wait3A, %dma_wait3A_117] : memref<160000x256xf32, #tpu.memory_space<hbm>> -> memref<160000x256xf32, #tpu.memory_space<hbm>>
        tpu.wait_indirect_dma semaphore(%arg19 : memref<!tpu.dma_semaphore, #tpu.memory_space<semaphore_mem>>) src(%dma_wait3A_118 : memref<160000x256xf32, #tpu.memory_space<hbm>>) dst(%arg13 : memref<128x256xf32, #tpu.memory_space<vmem>>)
        %dma_wait3A_119 = arith.constant 0 : i32
        %dma_wait3A_120 = arith.constant 0 : i32
        %dma_wait3A_121 = tpu.memref_slice %arg3[%dma_wait3A_119, %dma_wait3A_120] : memref<160000x128xf32, #tpu.memory_space<hbm>> -> memref<160000x128xf32, #tpu.memory_space<hbm>>
        tpu.wait_indirect_dma semaphore(%arg19 : memref<!tpu.dma_semaphore, #tpu.memory_space<semaphore_mem>>) src(%dma_wait3A_121 : memref<160000x128xf32, #tpu.memory_space<hbm>>) dst(%arg15 : memref<128x128xf32, #tpu.memory_space<vmem>>)
        %mul3A_122 = arith.constant 32 : i32
        %mul3A_123 = arith.muli %add3A_99, %mul3A_122 : i32
        %add3A_124 = arith.addi %add3A, %mul3A_123 : i32
        %mul3A_125 = arith.constant 128 : i32
        %mul3A_126 = arith.muli %add3A_124, %mul3A_125 : i32
        %dma_start3A = arith.constant 0 : i32
        %dma_start3A_127 = tpu.memref_slice %arg6[%mul3A_126, %dma_start3A] : memref<320000x256xf32, #tpu.memory_space<hbm>> -> memref<128x256xf32, #tpu.memory_space<hbm>>
        %dma_start3A_128 = arith.constant 0 : i32
        %dma_start3A_129 = tpu.memref_slice %arg6[%mul3A_126, %dma_start3A_128] : memref<320000x256xf32, #tpu.memory_space<hbm>> -> memref<128x256xf32, #tpu.memory_space<hbm>>
        tpu.enqueue_dma source(%arg13 : memref<128x256xf32, #tpu.memory_space<vmem>>) target(%dma_start3A_129 : memref<128x256xf32, #tpu.memory_space<hbm>>) target_semaphore(%arg21 : memref<!tpu.dma_semaphore, #tpu.memory_space<semaphore_mem>>)
        %dma_start3A_130 = arith.constant 0 : i32
        %dma_start3A_131 = tpu.memref_slice %arg7[%mul3A_126, %dma_start3A_130] : memref<320000x128xf32, #tpu.memory_space<hbm>> -> memref<128x128xf32, #tpu.memory_space<hbm>>
        %dma_start3A_132 = arith.constant 0 : i32
        %dma_start3A_133 = tpu.memref_slice %arg7[%mul3A_126, %dma_start3A_132] : memref<320000x128xf32, #tpu.memory_space<hbm>> -> memref<128x128xf32, #tpu.memory_space<hbm>>
        tpu.enqueue_dma source(%arg15 : memref<128x128xf32, #tpu.memory_space<vmem>>) target(%dma_start3A_133 : memref<128x128xf32, #tpu.memory_space<hbm>>) target_semaphore(%arg21 : memref<!tpu.dma_semaphore, #tpu.memory_space<semaphore_mem>>)
      } else {
      }
      %add3A_110 = arith.constant 2 : i32
      %add3A_111 = arith.addi %add3A_99, %add3A_110 : i32
      %lt3A_112 = arith.cmpi slt, %add3A_111, %select_n3A : i32
      %convert_element_type3A_113 = arith.extui %lt3A_112 : i1 to i32
      %cond3A_114 = arith.constant 0 : i32
      %cond3A_115 = arith.cmpi ne, %convert_element_type3A_113, %cond3A_114 : i32
      scf.if %cond3A_115 {
        %add3A_117 = arith.constant 2 : i32
        %add3A_118 = arith.addi %add3A_99, %add3A_117 : i32
        %mul3A_119 = arith.constant 32 : i32
        %mul3A_120 = arith.muli %add3A_118, %mul3A_119 : i32
        %add3A_121 = arith.addi %add3A, %mul3A_120 : i32
        %dma_start3A = arith.constant 0 : i32
        %dma_start3A_122 = tpu.memref_slice %arg4[%add3A_121, %dma_start3A] : memref<2500x128xi32, #tpu.memory_space<hbm>> -> memref<1x128xi32, #tpu.memory_space<hbm>>
        %dma_start3A_123 = tpu.memref_squeeze %dma_start3A_122 : memref<1x128xi32, #tpu.memory_space<hbm>> -> memref<128xi32, #tpu.memory_space<hbm>>
        %dma_start3A_124 = arith.constant 0 : i32
        %dma_start3A_125 = tpu.memref_slice %arg4[%add3A_121, %dma_start3A_124] : memref<2500x128xi32, #tpu.memory_space<hbm>> -> memref<1x128xi32, #tpu.memory_space<hbm>>
        %dma_start3A_126 = tpu.memref_squeeze %dma_start3A_125 : memref<1x128xi32, #tpu.memory_space<hbm>> -> memref<128xi32, #tpu.memory_space<hbm>>
        tpu.enqueue_dma source(%dma_start3A_126 : memref<128xi32, #tpu.memory_space<hbm>>) target(%arg9 : memref<128xi32, #tpu.memory_space<vmem>>) target_semaphore(%arg17 : memref<!tpu.dma_semaphore, #tpu.memory_space<semaphore_mem>>)
        %dma_start3A_127 = arith.constant 0 : i32
        %dma_start3A_128 = tpu.memref_slice %arg5[%add3A_121, %dma_start3A_127] : memref<2500x128xi32, #tpu.memory_space<hbm>> -> memref<1x128xi32, #tpu.memory_space<hbm>>
        %dma_start3A_129 = tpu.memref_squeeze %dma_start3A_128 : memref<1x128xi32, #tpu.memory_space<hbm>> -> memref<128xi32, #tpu.memory_space<hbm>>
        %dma_start3A_130 = arith.constant 0 : i32
        %dma_start3A_131 = tpu.memref_slice %arg5[%add3A_121, %dma_start3A_130] : memref<2500x128xi32, #tpu.memory_space<hbm>> -> memref<1x128xi32, #tpu.memory_space<hbm>>
        %dma_start3A_132 = tpu.memref_squeeze %dma_start3A_131 : memref<1x128xi32, #tpu.memory_space<hbm>> -> memref<128xi32, #tpu.memory_space<hbm>>
        tpu.enqueue_dma source(%dma_start3A_132 : memref<128xi32, #tpu.memory_space<hbm>>) target(%arg11 : memref<128xi32, #tpu.memory_space<vmem>>) target_semaphore(%arg17 : memref<!tpu.dma_semaphore, #tpu.memory_space<semaphore_mem>>)
      } else {
      }
      %while3A_116 = arith.constant 0 : i32
      scf.yield %while3A_116 : i32
    }
    %while3A_65 = arith.constant 1 : i32
    %while3A_66 = scf.for %while3A_77 = %while3A_62 to %while3A_58 step %while3A_65 iter_args(%while3A_78 = %while3A_64) -> (i32)  : i32 {
      %mul3A_79 = arith.constant 2 : i32
      %mul3A_80 = arith.muli %mul3A_79, %while3A_77 : i32
      %add3A_81 = arith.constant 1 : i32
      %add3A_82 = arith.addi %mul3A_80, %add3A_81 : i32
      %lt3A = arith.cmpi slt, %add3A_82, %select_n3A : i32
      %convert_element_type3A_83 = arith.extui %lt3A : i1 to i32
      %cond3A_84 = arith.constant 0 : i32
      %cond3A_85 = arith.cmpi ne, %convert_element_type3A_83, %cond3A_84 : i32
      scf.if %cond3A_85 {
        %dma_wait3A = arith.constant 0 : i32
        %dma_wait3A_117 = arith.constant 0 : i32
        %dma_wait3A_118 = tpu.memref_slice %arg4[%dma_wait3A, %dma_wait3A_117] : memref<2500x128xi32, #tpu.memory_space<hbm>> -> memref<1x128xi32, #tpu.memory_space<hbm>>
        %dma_wait3A_119 = tpu.memref_squeeze %dma_wait3A_118 : memref<1x128xi32, #tpu.memory_space<hbm>> -> memref<128xi32, #tpu.memory_space<hbm>>
        %dma_wait3A_120 = arith.constant 0 : i32
        %dma_wait3A_121 = tpu.memref_slice %arg4[%dma_wait3A, %dma_wait3A_120] : memref<2500x128xi32, #tpu.memory_space<hbm>> -> memref<1x128xi32, #tpu.memory_space<hbm>>
        %dma_wait3A_122 = tpu.memref_squeeze %dma_wait3A_121 : memref<1x128xi32, #tpu.memory_space<hbm>> -> memref<128xi32, #tpu.memory_space<hbm>>
        tpu.wait_dma2 semaphore(%arg17 : memref<!tpu.dma_semaphore, #tpu.memory_space<semaphore_mem>>) src(%dma_wait3A_122 : memref<128xi32, #tpu.memory_space<hbm>>) dst(%arg9 : memref<128xi32, #tpu.memory_space<vmem>>)
        %dma_wait3A_123 = arith.constant 0 : i32
        %dma_wait3A_124 = arith.constant 0 : i32
        %dma_wait3A_125 = tpu.memref_slice %arg5[%dma_wait3A_123, %dma_wait3A_124] : memref<2500x128xi32, #tpu.memory_space<hbm>> -> memref<1x128xi32, #tpu.memory_space<hbm>>
        %dma_wait3A_126 = tpu.memref_squeeze %dma_wait3A_125 : memref<1x128xi32, #tpu.memory_space<hbm>> -> memref<128xi32, #tpu.memory_space<hbm>>
        %dma_wait3A_127 = arith.constant 0 : i32
        %dma_wait3A_128 = tpu.memref_slice %arg5[%dma_wait3A_123, %dma_wait3A_127] : memref<2500x128xi32, #tpu.memory_space<hbm>> -> memref<1x128xi32, #tpu.memory_space<hbm>>
        %dma_wait3A_129 = tpu.memref_squeeze %dma_wait3A_128 : memref<1x128xi32, #tpu.memory_space<hbm>> -> memref<128xi32, #tpu.memory_space<hbm>>
        tpu.wait_dma2 semaphore(%arg17 : memref<!tpu.dma_semaphore, #tpu.memory_space<semaphore_mem>>) src(%dma_wait3A_129 : memref<128xi32, #tpu.memory_space<hbm>>) dst(%arg11 : memref<128xi32, #tpu.memory_space<vmem>>)
        %ge3A = arith.constant 1 : i32
        %ge3A_130 = arith.cmpi sge, %mul3A_80, %ge3A : i32
        %convert_element_type3A_131 = arith.extui %ge3A_130 : i1 to i32
        %cond3A_132 = arith.constant 0 : i32
        %cond3A_133 = arith.cmpi ne, %convert_element_type3A_131, %cond3A_132 : i32
        scf.if %cond3A_133 {
          %dma_wait3A_139 = arith.constant 0 : i32
          %dma_wait3A_140 = arith.constant 0 : i32
          %dma_wait3A_141 = tpu.memref_slice %arg6[%dma_wait3A_139, %dma_wait3A_140] : memref<320000x256xf32, #tpu.memory_space<hbm>> -> memref<128x256xf32, #tpu.memory_space<hbm>>
          %dma_wait3A_142 = arith.constant 0 : i32
          %dma_wait3A_143 = arith.constant 0 : i32
          %dma_wait3A_144 = tpu.memref_slice %arg6[%dma_wait3A_142, %dma_wait3A_143] : memref<320000x256xf32, #tpu.memory_space<hbm>> -> memref<128x256xf32, #tpu.memory_space<hbm>>
          tpu.wait_dma2 semaphore(%arg21 : memref<!tpu.dma_semaphore, #tpu.memory_space<semaphore_mem>>) src(%arg13 : memref<128x256xf32, #tpu.memory_space<vmem>>) dst(%dma_wait3A_144 : memref<128x256xf32, #tpu.memory_space<hbm>>)
          %dma_wait3A_145 = arith.constant 0 : i32
          %dma_wait3A_146 = arith.constant 0 : i32
          %dma_wait3A_147 = tpu.memref_slice %arg7[%dma_wait3A_145, %dma_wait3A_146] : memref<320000x128xf32, #tpu.memory_space<hbm>> -> memref<128x128xf32, #tpu.memory_space<hbm>>
          %dma_wait3A_148 = arith.constant 0 : i32
          %dma_wait3A_149 = arith.constant 0 : i32
          %dma_wait3A_150 = tpu.memref_slice %arg7[%dma_wait3A_148, %dma_wait3A_149] : memref<320000x128xf32, #tpu.memory_space<hbm>> -> memref<128x128xf32, #tpu.memory_space<hbm>>
          tpu.wait_dma2 semaphore(%arg21 : memref<!tpu.dma_semaphore, #tpu.memory_space<semaphore_mem>>) src(%arg15 : memref<128x128xf32, #tpu.memory_space<vmem>>) dst(%dma_wait3A_150 : memref<128x128xf32, #tpu.memory_space<hbm>>)
        } else {
        }
        %dma_start3A = arith.constant 0 : i32
        %dma_start3A_134 = arith.constant 0 : i32
        %dma_start3A_135 = tpu.memref_slice %arg2[%dma_start3A, %dma_start3A_134] : memref<160000x256xf32, #tpu.memory_space<hbm>> -> memref<160000x256xf32, #tpu.memory_space<hbm>>
        tpu.enqueue_indirect_dma source(%dma_start3A_135 : memref<160000x256xf32, #tpu.memory_space<hbm>>) target(%arg13 : memref<128x256xf32, #tpu.memory_space<vmem>>) offsets(%arg9 : memref<128xi32, #tpu.memory_space<vmem>>) semaphore(%arg19 : memref<!tpu.dma_semaphore, #tpu.memory_space<semaphore_mem>>)
        %dma_start3A_136 = arith.constant 0 : i32
        %dma_start3A_137 = arith.constant 0 : i32
        %dma_start3A_138 = tpu.memref_slice %arg3[%dma_start3A_136, %dma_start3A_137] : memref<160000x128xf32, #tpu.memory_space<hbm>> -> memref<160000x128xf32, #tpu.memory_space<hbm>>
        tpu.enqueue_indirect_dma source(%dma_start3A_138 : memref<160000x128xf32, #tpu.memory_space<hbm>>) target(%arg15 : memref<128x128xf32, #tpu.memory_space<vmem>>) offsets(%arg11 : memref<128xi32, #tpu.memory_space<vmem>>) semaphore(%arg19 : memref<!tpu.dma_semaphore, #tpu.memory_space<semaphore_mem>>)
      } else {
      }
      %lt3A_86 = arith.cmpi slt, %mul3A_80, %select_n3A : i32
      %convert_element_type3A_87 = arith.extui %lt3A_86 : i1 to i32
      %cond3A_88 = arith.constant 0 : i32
      %cond3A_89 = arith.cmpi ne, %convert_element_type3A_87, %cond3A_88 : i32
      scf.if %cond3A_89 {
        %dma_wait3A = arith.constant 0 : i32
        %dma_wait3A_117 = arith.constant 0 : i32
        %dma_wait3A_118 = tpu.memref_slice %arg2[%dma_wait3A, %dma_wait3A_117] : memref<160000x256xf32, #tpu.memory_space<hbm>> -> memref<160000x256xf32, #tpu.memory_space<hbm>>
        tpu.wait_indirect_dma semaphore(%arg18 : memref<!tpu.dma_semaphore, #tpu.memory_space<semaphore_mem>>) src(%dma_wait3A_118 : memref<160000x256xf32, #tpu.memory_space<hbm>>) dst(%arg12 : memref<128x256xf32, #tpu.memory_space<vmem>>)
        %dma_wait3A_119 = arith.constant 0 : i32
        %dma_wait3A_120 = arith.constant 0 : i32
        %dma_wait3A_121 = tpu.memref_slice %arg3[%dma_wait3A_119, %dma_wait3A_120] : memref<160000x128xf32, #tpu.memory_space<hbm>> -> memref<160000x128xf32, #tpu.memory_space<hbm>>
        tpu.wait_indirect_dma semaphore(%arg18 : memref<!tpu.dma_semaphore, #tpu.memory_space<semaphore_mem>>) src(%dma_wait3A_121 : memref<160000x128xf32, #tpu.memory_space<hbm>>) dst(%arg14 : memref<128x128xf32, #tpu.memory_space<vmem>>)
        %mul3A_122 = arith.constant 32 : i32
        %mul3A_123 = arith.muli %mul3A_80, %mul3A_122 : i32
        %add3A_124 = arith.addi %add3A, %mul3A_123 : i32
        %mul3A_125 = arith.constant 128 : i32
        %mul3A_126 = arith.muli %add3A_124, %mul3A_125 : i32
        %dma_start3A = arith.constant 0 : i32
        %dma_start3A_127 = tpu.memref_slice %arg6[%mul3A_126, %dma_start3A] : memref<320000x256xf32, #tpu.memory_space<hbm>> -> memref<128x256xf32, #tpu.memory_space<hbm>>
        %dma_start3A_128 = arith.constant 0 : i32
        %dma_start3A_129 = tpu.memref_slice %arg6[%mul3A_126, %dma_start3A_128] : memref<320000x256xf32, #tpu.memory_space<hbm>> -> memref<128x256xf32, #tpu.memory_space<hbm>>
        tpu.enqueue_dma source(%arg12 : memref<128x256xf32, #tpu.memory_space<vmem>>) target(%dma_start3A_129 : memref<128x256xf32, #tpu.memory_space<hbm>>) target_semaphore(%arg20 : memref<!tpu.dma_semaphore, #tpu.memory_space<semaphore_mem>>)
        %dma_start3A_130 = arith.constant 0 : i32
        %dma_start3A_131 = tpu.memref_slice %arg7[%mul3A_126, %dma_start3A_130] : memref<320000x128xf32, #tpu.memory_space<hbm>> -> memref<128x128xf32, #tpu.memory_space<hbm>>
        %dma_start3A_132 = arith.constant 0 : i32
        %dma_start3A_133 = tpu.memref_slice %arg7[%mul3A_126, %dma_start3A_132] : memref<320000x128xf32, #tpu.memory_space<hbm>> -> memref<128x128xf32, #tpu.memory_space<hbm>>
        tpu.enqueue_dma source(%arg14 : memref<128x128xf32, #tpu.memory_space<vmem>>) target(%dma_start3A_133 : memref<128x128xf32, #tpu.memory_space<hbm>>) target_semaphore(%arg20 : memref<!tpu.dma_semaphore, #tpu.memory_space<semaphore_mem>>)
      } else {
      }
      %add3A_90 = arith.constant 2 : i32
      %add3A_91 = arith.addi %mul3A_80, %add3A_90 : i32
      %lt3A_92 = arith.cmpi slt, %add3A_91, %select_n3A : i32
      %convert_element_type3A_93 = arith.extui %lt3A_92 : i1 to i32
      %cond3A_94 = arith.constant 0 : i32
      %cond3A_95 = arith.cmpi ne, %convert_element_type3A_93, %cond3A_94 : i32
      scf.if %cond3A_95 {
        %add3A_117 = arith.constant 2 : i32
        %add3A_118 = arith.addi %mul3A_80, %add3A_117 : i32
        %mul3A_119 = arith.constant 32 : i32
        %mul3A_120 = arith.muli %add3A_118, %mul3A_119 : i32
        %add3A_121 = arith.addi %add3A, %mul3A_120 : i32
        %dma_start3A = arith.constant 0 : i32
        %dma_start3A_122 = tpu.memref_slice %arg4[%add3A_121, %dma_start3A] : memref<2500x128xi32, #tpu.memory_space<hbm>> -> memref<1x128xi32, #tpu.memory_space<hbm>>
        %dma_start3A_123 = tpu.memref_squeeze %dma_start3A_122 : memref<1x128xi32, #tpu.memory_space<hbm>> -> memref<128xi32, #tpu.memory_space<hbm>>
        %dma_start3A_124 = arith.constant 0 : i32
        %dma_start3A_125 = tpu.memref_slice %arg4[%add3A_121, %dma_start3A_124] : memref<2500x128xi32, #tpu.memory_space<hbm>> -> memref<1x128xi32, #tpu.memory_space<hbm>>
        %dma_start3A_126 = tpu.memref_squeeze %dma_start3A_125 : memref<1x128xi32, #tpu.memory_space<hbm>> -> memref<128xi32, #tpu.memory_space<hbm>>
        tpu.enqueue_dma source(%dma_start3A_126 : memref<128xi32, #tpu.memory_space<hbm>>) target(%arg8 : memref<128xi32, #tpu.memory_space<vmem>>) target_semaphore(%arg16 : memref<!tpu.dma_semaphore, #tpu.memory_space<semaphore_mem>>)
        %dma_start3A_127 = arith.constant 0 : i32
        %dma_start3A_128 = tpu.memref_slice %arg5[%add3A_121, %dma_start3A_127] : memref<2500x128xi32, #tpu.memory_space<hbm>> -> memref<1x128xi32, #tpu.memory_space<hbm>>
        %dma_start3A_129 = tpu.memref_squeeze %dma_start3A_128 : memref<1x128xi32, #tpu.memory_space<hbm>> -> memref<128xi32, #tpu.memory_space<hbm>>
        %dma_start3A_130 = arith.constant 0 : i32
        %dma_start3A_131 = tpu.memref_slice %arg5[%add3A_121, %dma_start3A_130] : memref<2500x128xi32, #tpu.memory_space<hbm>> -> memref<1x128xi32, #tpu.memory_space<hbm>>
        %dma_start3A_132 = tpu.memref_squeeze %dma_start3A_131 : memref<1x128xi32, #tpu.memory_space<hbm>> -> memref<128xi32, #tpu.memory_space<hbm>>
        tpu.enqueue_dma source(%dma_start3A_132 : memref<128xi32, #tpu.memory_space<hbm>>) target(%arg10 : memref<128xi32, #tpu.memory_space<vmem>>) target_semaphore(%arg16 : memref<!tpu.dma_semaphore, #tpu.memory_space<semaphore_mem>>)
      } else {
      }
      %mul3A_96 = arith.constant 2 : i32
      %mul3A_97 = arith.muli %mul3A_96, %while3A_77 : i32
      %add3A_98 = arith.constant 1 : i32
      %add3A_99 = arith.addi %mul3A_97, %add3A_98 : i32
      %add3A_100 = arith.constant 1 : i32
      %add3A_101 = arith.addi %add3A_99, %add3A_100 : i32
      %lt3A_102 = arith.cmpi slt, %add3A_101, %select_n3A : i32
      %convert_element_type3A_103 = arith.extui %lt3A_102 : i1 to i32
      %cond3A_104 = arith.constant 0 : i32
      %cond3A_105 = arith.cmpi ne, %convert_element_type3A_103, %cond3A_104 : i32
      scf.if %cond3A_105 {
        %dma_wait3A = arith.constant 0 : i32
        %dma_wait3A_117 = arith.constant 0 : i32
        %dma_wait3A_118 = tpu.memref_slice %arg4[%dma_wait3A, %dma_wait3A_117] : memref<2500x128xi32, #tpu.memory_space<hbm>> -> memref<1x128xi32, #tpu.memory_space<hbm>>
        %dma_wait3A_119 = tpu.memref_squeeze %dma_wait3A_118 : memref<1x128xi32, #tpu.memory_space<hbm>> -> memref<128xi32, #tpu.memory_space<hbm>>
        %dma_wait3A_120 = arith.constant 0 : i32
        %dma_wait3A_121 = tpu.memref_slice %arg4[%dma_wait3A, %dma_wait3A_120] : memref<2500x128xi32, #tpu.memory_space<hbm>> -> memref<1x128xi32, #tpu.memory_space<hbm>>
        %dma_wait3A_122 = tpu.memref_squeeze %dma_wait3A_121 : memref<1x128xi32, #tpu.memory_space<hbm>> -> memref<128xi32, #tpu.memory_space<hbm>>
        tpu.wait_dma2 semaphore(%arg16 : memref<!tpu.dma_semaphore, #tpu.memory_space<semaphore_mem>>) src(%dma_wait3A_122 : memref<128xi32, #tpu.memory_space<hbm>>) dst(%arg8 : memref<128xi32, #tpu.memory_space<vmem>>)
        %dma_wait3A_123 = arith.constant 0 : i32
        %dma_wait3A_124 = arith.constant 0 : i32
        %dma_wait3A_125 = tpu.memref_slice %arg5[%dma_wait3A_123, %dma_wait3A_124] : memref<2500x128xi32, #tpu.memory_space<hbm>> -> memref<1x128xi32, #tpu.memory_space<hbm>>
        %dma_wait3A_126 = tpu.memref_squeeze %dma_wait3A_125 : memref<1x128xi32, #tpu.memory_space<hbm>> -> memref<128xi32, #tpu.memory_space<hbm>>
        %dma_wait3A_127 = arith.constant 0 : i32
        %dma_wait3A_128 = tpu.memref_slice %arg5[%dma_wait3A_123, %dma_wait3A_127] : memref<2500x128xi32, #tpu.memory_space<hbm>> -> memref<1x128xi32, #tpu.memory_space<hbm>>
        %dma_wait3A_129 = tpu.memref_squeeze %dma_wait3A_128 : memref<1x128xi32, #tpu.memory_space<hbm>> -> memref<128xi32, #tpu.memory_space<hbm>>
        tpu.wait_dma2 semaphore(%arg16 : memref<!tpu.dma_semaphore, #tpu.memory_space<semaphore_mem>>) src(%dma_wait3A_129 : memref<128xi32, #tpu.memory_space<hbm>>) dst(%arg10 : memref<128xi32, #tpu.memory_space<vmem>>)
        %ge3A = arith.constant 1 : i32
        %ge3A_130 = arith.cmpi sge, %add3A_99, %ge3A : i32
        %convert_element_type3A_131 = arith.extui %ge3A_130 : i1 to i32
        %cond3A_132 = arith.constant 0 : i32
        %cond3A_133 = arith.cmpi ne, %convert_element_type3A_131, %cond3A_132 : i32
        scf.if %cond3A_133 {
          %dma_wait3A_139 = arith.constant 0 : i32
          %dma_wait3A_140 = arith.constant 0 : i32
          %dma_wait3A_141 = tpu.memref_slice %arg6[%dma_wait3A_139, %dma_wait3A_140] : memref<320000x256xf32, #tpu.memory_space<hbm>> -> memref<128x256xf32, #tpu.memory_space<hbm>>
          %dma_wait3A_142 = arith.constant 0 : i32
          %dma_wait3A_143 = arith.constant 0 : i32
          %dma_wait3A_144 = tpu.memref_slice %arg6[%dma_wait3A_142, %dma_wait3A_143] : memref<320000x256xf32, #tpu.memory_space<hbm>> -> memref<128x256xf32, #tpu.memory_space<hbm>>
          tpu.wait_dma2 semaphore(%arg20 : memref<!tpu.dma_semaphore, #tpu.memory_space<semaphore_mem>>) src(%arg12 : memref<128x256xf32, #tpu.memory_space<vmem>>) dst(%dma_wait3A_144 : memref<128x256xf32, #tpu.memory_space<hbm>>)
          %dma_wait3A_145 = arith.constant 0 : i32
          %dma_wait3A_146 = arith.constant 0 : i32
          %dma_wait3A_147 = tpu.memref_slice %arg7[%dma_wait3A_145, %dma_wait3A_146] : memref<320000x128xf32, #tpu.memory_space<hbm>> -> memref<128x128xf32, #tpu.memory_space<hbm>>
          %dma_wait3A_148 = arith.constant 0 : i32
          %dma_wait3A_149 = arith.constant 0 : i32
          %dma_wait3A_150 = tpu.memref_slice %arg7[%dma_wait3A_148, %dma_wait3A_149] : memref<320000x128xf32, #tpu.memory_space<hbm>> -> memref<128x128xf32, #tpu.memory_space<hbm>>
          tpu.wait_dma2 semaphore(%arg20 : memref<!tpu.dma_semaphore, #tpu.memory_space<semaphore_mem>>) src(%arg14 : memref<128x128xf32, #tpu.memory_space<vmem>>) dst(%dma_wait3A_150 : memref<128x128xf32, #tpu.memory_space<hbm>>)
        } else {
        }
        %dma_start3A = arith.constant 0 : i32
        %dma_start3A_134 = arith.constant 0 : i32
        %dma_start3A_135 = tpu.memref_slice %arg2[%dma_start3A, %dma_start3A_134] : memref<160000x256xf32, #tpu.memory_space<hbm>> -> memref<160000x256xf32, #tpu.memory_space<hbm>>
        tpu.enqueue_indirect_dma source(%dma_start3A_135 : memref<160000x256xf32, #tpu.memory_space<hbm>>) target(%arg12 : memref<128x256xf32, #tpu.memory_space<vmem>>) offsets(%arg8 : memref<128xi32, #tpu.memory_space<vmem>>) semaphore(%arg18 : memref<!tpu.dma_semaphore, #tpu.memory_space<semaphore_mem>>)
        %dma_start3A_136 = arith.constant 0 : i32
        %dma_start3A_137 = arith.constant 0 : i32
        %dma_start3A_138 = tpu.memref_slice %arg3[%dma_start3A_136, %dma_start3A_137] : memref<160000x128xf32, #tpu.memory_space<hbm>> -> memref<160000x128xf32, #tpu.memory_space<hbm>>
        tpu.enqueue_indirect_dma source(%dma_start3A_138 : memref<160000x128xf32, #tpu.memory_space<hbm>>) target(%arg14 : memref<128x128xf32, #tpu.memory_space<vmem>>) offsets(%arg10 : memref<128xi32, #tpu.memory_space<vmem>>) semaphore(%arg18 : memref<!tpu.dma_semaphore, #tpu.memory_space<semaphore_mem>>)
      } else {
      }
      %lt3A_106 = arith.cmpi slt, %add3A_99, %select_n3A : i32
      %convert_element_type3A_107 = arith.extui %lt3A_106 : i1 to i32
      %cond3A_108 = arith.constant 0 : i32
      %cond3A_109 = arith.cmpi ne, %convert_element_type3A_107, %cond3A_108 : i32
      scf.if %cond3A_109 {
        %dma_wait3A = arith.constant 0 : i32
        %dma_wait3A_117 = arith.constant 0 : i32
        %dma_wait3A_118 = tpu.memref_slice %arg2[%dma_wait3A, %dma_wait3A_117] : memref<160000x256xf32, #tpu.memory_space<hbm>> -> memref<160000x256xf32, #tpu.memory_space<hbm>>
        tpu.wait_indirect_dma semaphore(%arg19 : memref<!tpu.dma_semaphore, #tpu.memory_space<semaphore_mem>>) src(%dma_wait3A_118 : memref<160000x256xf32, #tpu.memory_space<hbm>>) dst(%arg13 : memref<128x256xf32, #tpu.memory_space<vmem>>)
        %dma_wait3A_119 = arith.constant 0 : i32
        %dma_wait3A_120 = arith.constant 0 : i32
        %dma_wait3A_121 = tpu.memref_slice %arg3[%dma_wait3A_119, %dma_wait3A_120] : memref<160000x128xf32, #tpu.memory_space<hbm>> -> memref<160000x128xf32, #tpu.memory_space<hbm>>
        tpu.wait_indirect_dma semaphore(%arg19 : memref<!tpu.dma_semaphore, #tpu.memory_space<semaphore_mem>>) src(%dma_wait3A_121 : memref<160000x128xf32, #tpu.memory_space<hbm>>) dst(%arg15 : memref<128x128xf32, #tpu.memory_space<vmem>>)
        %mul3A_122 = arith.constant 32 : i32
        %mul3A_123 = arith.muli %add3A_99, %mul3A_122 : i32
        %add3A_124 = arith.addi %add3A, %mul3A_123 : i32
        %mul3A_125 = arith.constant 128 : i32
        %mul3A_126 = arith.muli %add3A_124, %mul3A_125 : i32
        %dma_start3A = arith.constant 0 : i32
        %dma_start3A_127 = tpu.memref_slice %arg6[%mul3A_126, %dma_start3A] : memref<320000x256xf32, #tpu.memory_space<hbm>> -> memref<128x256xf32, #tpu.memory_space<hbm>>
        %dma_start3A_128 = arith.constant 0 : i32
        %dma_start3A_129 = tpu.memref_slice %arg6[%mul3A_126, %dma_start3A_128] : memref<320000x256xf32, #tpu.memory_space<hbm>> -> memref<128x256xf32, #tpu.memory_space<hbm>>
        tpu.enqueue_dma source(%arg13 : memref<128x256xf32, #tpu.memory_space<vmem>>) target(%dma_start3A_129 : memref<128x256xf32, #tpu.memory_space<hbm>>) target_semaphore(%arg21 : memref<!tpu.dma_semaphore, #tpu.memory_space<semaphore_mem>>)
        %dma_start3A_130 = arith.constant 0 : i32
        %dma_start3A_131 = tpu.memref_slice %arg7[%mul3A_126, %dma_start3A_130] : memref<320000x128xf32, #tpu.memory_space<hbm>> -> memref<128x128xf32, #tpu.memory_space<hbm>>
        %dma_start3A_132 = arith.constant 0 : i32
        %dma_start3A_133 = tpu.memref_slice %arg7[%mul3A_126, %dma_start3A_132] : memref<320000x128xf32, #tpu.memory_space<hbm>> -> memref<128x128xf32, #tpu.memory_space<hbm>>
        tpu.enqueue_dma source(%arg15 : memref<128x128xf32, #tpu.memory_space<vmem>>) target(%dma_start3A_133 : memref<128x128xf32, #tpu.memory_space<hbm>>) target_semaphore(%arg21 : memref<!tpu.dma_semaphore, #tpu.memory_space<semaphore_mem>>)
      } else {
      }
      %add3A_110 = arith.constant 2 : i32
      %add3A_111 = arith.addi %add3A_99, %add3A_110 : i32
      %lt3A_112 = arith.cmpi slt, %add3A_111, %select_n3A : i32
      %convert_element_type3A_113 = arith.extui %lt3A_112 : i1 to i32
      %cond3A_114 = arith.constant 0 : i32
      %cond3A_115 = arith.cmpi ne, %convert_element_type3A_113, %cond3A_114 : i32
      scf.if %cond3A_115 {
        %add3A_117 = arith.constant 2 : i32
        %add3A_118 = arith.addi %add3A_99, %add3A_117 : i32
        %mul3A_119 = arith.constant 32 : i32
        %mul3A_120 = arith.muli %add3A_118, %mul3A_119 : i32
        %add3A_121 = arith.addi %add3A, %mul3A_120 : i32
        %dma_start3A = arith.constant 0 : i32
        %dma_start3A_122 = tpu.memref_slice %arg4[%add3A_121, %dma_start3A] : memref<2500x128xi32, #tpu.memory_space<hbm>> -> memref<1x128xi32, #tpu.memory_space<hbm>>
        %dma_start3A_123 = tpu.memref_squeeze %dma_start3A_122 : memref<1x128xi32, #tpu.memory_space<hbm>> -> memref<128xi32, #tpu.memory_space<hbm>>
        %dma_start3A_124 = arith.constant 0 : i32
        %dma_start3A_125 = tpu.memref_slice %arg4[%add3A_121, %dma_start3A_124] : memref<2500x128xi32, #tpu.memory_space<hbm>> -> memref<1x128xi32, #tpu.memory_space<hbm>>
        %dma_start3A_126 = tpu.memref_squeeze %dma_start3A_125 : memref<1x128xi32, #tpu.memory_space<hbm>> -> memref<128xi32, #tpu.memory_space<hbm>>
        tpu.enqueue_dma source(%dma_start3A_126 : memref<128xi32, #tpu.memory_space<hbm>>) target(%arg9 : memref<128xi32, #tpu.memory_space<vmem>>) target_semaphore(%arg17 : memref<!tpu.dma_semaphore, #tpu.memory_space<semaphore_mem>>)
        %dma_start3A_127 = arith.constant 0 : i32
        %dma_start3A_128 = tpu.memref_slice %arg5[%add3A_121, %dma_start3A_127] : memref<2500x128xi32, #tpu.memory_space<hbm>> -> memref<1x128xi32, #tpu.memory_space<hbm>>
        %dma_start3A_129 = tpu.memref_squeeze %dma_start3A_128 : memref<1x128xi32, #tpu.memory_space<hbm>> -> memref<128xi32, #tpu.memory_space<hbm>>
        %dma_start3A_130 = arith.constant 0 : i32
        %dma_start3A_131 = tpu.memref_slice %arg5[%add3A_121, %dma_start3A_130] : memref<2500x128xi32, #tpu.memory_space<hbm>> -> memref<1x128xi32, #tpu.memory_space<hbm>>
        %dma_start3A_132 = tpu.memref_squeeze %dma_start3A_131 : memref<1x128xi32, #tpu.memory_space<hbm>> -> memref<128xi32, #tpu.memory_space<hbm>>
        tpu.enqueue_dma source(%dma_start3A_132 : memref<128xi32, #tpu.memory_space<hbm>>) target(%arg11 : memref<128xi32, #tpu.memory_space<vmem>>) target_semaphore(%arg17 : memref<!tpu.dma_semaphore, #tpu.memory_space<semaphore_mem>>)
      } else {
      }
      %while3A_116 = arith.constant 0 : i32
      scf.yield %while3A_116 : i32
    }
    %gt3A_67 = arith.constant 1 : i32
    %gt3A_68 = arith.cmpi sgt, %select_n3A, %gt3A_67 : i32
    %convert_element_type3A_69 = arith.extui %gt3A_68 : i1 to i32
    %cond3A_70 = arith.constant 0 : i32
    %cond3A_71 = arith.cmpi ne, %convert_element_type3A_69, %cond3A_70 : i32
    scf.if %cond3A_71 {
      %dma_wait3A = arith.constant 0 : i32
      %dma_wait3A_77 = arith.constant 0 : i32
      %dma_wait3A_78 = tpu.memref_slice %arg6[%dma_wait3A, %dma_wait3A_77] : memref<320000x256xf32, #tpu.memory_space<hbm>> -> memref<128x256xf32, #tpu.memory_space<hbm>>
      %dma_wait3A_79 = arith.constant 0 : i32
      %dma_wait3A_80 = arith.constant 0 : i32
      %dma_wait3A_81 = tpu.memref_slice %arg6[%dma_wait3A_79, %dma_wait3A_80] : memref<320000x256xf32, #tpu.memory_space<hbm>> -> memref<128x256xf32, #tpu.memory_space<hbm>>
      tpu.wait_dma2 semaphore(%arg21 : memref<!tpu.dma_semaphore, #tpu.memory_space<semaphore_mem>>) src(%arg13 : memref<128x256xf32, #tpu.memory_space<vmem>>) dst(%dma_wait3A_81 : memref<128x256xf32, #tpu.memory_space<hbm>>)
      %dma_wait3A_82 = arith.constant 0 : i32
      %dma_wait3A_83 = arith.constant 0 : i32
      %dma_wait3A_84 = tpu.memref_slice %arg7[%dma_wait3A_82, %dma_wait3A_83] : memref<320000x128xf32, #tpu.memory_space<hbm>> -> memref<128x128xf32, #tpu.memory_space<hbm>>
      %dma_wait3A_85 = arith.constant 0 : i32
      %dma_wait3A_86 = arith.constant 0 : i32
      %dma_wait3A_87 = tpu.memref_slice %arg7[%dma_wait3A_85, %dma_wait3A_86] : memref<320000x128xf32, #tpu.memory_space<hbm>> -> memref<128x128xf32, #tpu.memory_space<hbm>>
      tpu.wait_dma2 semaphore(%arg21 : memref<!tpu.dma_semaphore, #tpu.memory_space<semaphore_mem>>) src(%arg15 : memref<128x128xf32, #tpu.memory_space<vmem>>) dst(%dma_wait3A_87 : memref<128x128xf32, #tpu.memory_space<hbm>>)
    } else {
    }
    %gt3A_72 = arith.constant 0 : i32
    %gt3A_73 = arith.cmpi sgt, %select_n3A, %gt3A_72 : i32
    %convert_element_type3A_74 = arith.extui %gt3A_73 : i1 to i32
    %cond3A_75 = arith.constant 0 : i32
    %cond3A_76 = arith.cmpi ne, %convert_element_type3A_74, %cond3A_75 : i32
    scf.if %cond3A_76 {
      %dma_wait3A = arith.constant 0 : i32
      %dma_wait3A_77 = arith.constant 0 : i32
      %dma_wait3A_78 = tpu.memref_slice %arg6[%dma_wait3A, %dma_wait3A_77] : memref<320000x256xf32, #tpu.memory_space<hbm>> -> memref<128x256xf32, #tpu.memory_space<hbm>>
      %dma_wait3A_79 = arith.constant 0 : i32
      %dma_wait3A_80 = arith.constant 0 : i32
      %dma_wait3A_81 = tpu.memref_slice %arg6[%dma_wait3A_79, %dma_wait3A_80] : memref<320000x256xf32, #tpu.memory_space<hbm>> -> memref<128x256xf32, #tpu.memory_space<hbm>>
      tpu.wait_dma2 semaphore(%arg20 : memref<!tpu.dma_semaphore, #tpu.memory_space<semaphore_mem>>) src(%arg12 : memref<128x256xf32, #tpu.memory_space<vmem>>) dst(%dma_wait3A_81 : memref<128x256xf32, #tpu.memory_space<hbm>>)
      %dma_wait3A_82 = arith.constant 0 : i32
      %dma_wait3A_83 = arith.constant 0 : i32
      %dma_wait3A_84 = tpu.memref_slice %arg7[%dma_wait3A_82, %dma_wait3A_83] : memref<320000x128xf32, #tpu.memory_space<hbm>> -> memref<128x128xf32, #tpu.memory_space<hbm>>
      %dma_wait3A_85 = arith.constant 0 : i32
      %dma_wait3A_86 = arith.constant 0 : i32
      %dma_wait3A_87 = tpu.memref_slice %arg7[%dma_wait3A_85, %dma_wait3A_86] : memref<320000x128xf32, #tpu.memory_space<hbm>> -> memref<128x128xf32, #tpu.memory_space<hbm>>
      tpu.wait_dma2 semaphore(%arg20 : memref<!tpu.dma_semaphore, #tpu.memory_space<semaphore_mem>>) src(%arg14 : memref<128x128xf32, #tpu.memory_space<vmem>>) dst(%dma_wait3A_87 : memref<128x128xf32, #tpu.memory_space<hbm>>)
    } else {
    }
    return
  }
}

#map = affine_map<(d0, d1) -> (0, 0)>
module attributes {stable_mosaic.version = 14 : i64} {
  func.func @k(%arg0: i32, %arg1: i32, %arg2: memref<10000x256xf32, #tpu.memory_space<hbm>>, %arg3: memref<10000x128xf32, #tpu.memory_space<hbm>>, %arg4: memref<1250x128xi32, #tpu.memory_space<hbm>>, %arg5: memref<1250x128xi32, #tpu.memory_space<hbm>>, %arg6: memref<160000x256xf32, #tpu.memory_space<hbm>>, %arg7: memref<160000x128xf32, #tpu.memory_space<hbm>>, %arg8: memref<128xi32, #tpu.memory_space<vmem>>, %arg9: memref<128xi32, #tpu.memory_space<vmem>>, %arg10: memref<128xi32, #tpu.memory_space<vmem>>, %arg11: memref<128xi32, #tpu.memory_space<vmem>>, %arg12: memref<128x256xf32, #tpu.memory_space<vmem>>, %arg13: memref<128x256xf32, #tpu.memory_space<vmem>>, %arg14: memref<128x128xf32, #tpu.memory_space<vmem>>, %arg15: memref<128x128xf32, #tpu.memory_space<vmem>>, %arg16: memref<!tpu.dma_semaphore, #tpu.memory_space<semaphore_mem>>, %arg17: memref<!tpu.dma_semaphore, #tpu.memory_space<semaphore_mem>>, %arg18: memref<!tpu.dma_semaphore, #tpu.memory_space<semaphore_mem>>, %arg19: memref<!tpu.dma_semaphore, #tpu.memory_space<semaphore_mem>>, %arg20: memref<!tpu.dma_semaphore, #tpu.memory_space<semaphore_mem>>, %arg21: memref<!tpu.dma_semaphore, #tpu.memory_space<semaphore_mem>>) attributes {dimension_semantics = [#tpu.dimension_semantics<core_parallel>, #tpu.dimension_semantics<subcore_parallel>], iteration_bounds = array<i64: 2, 16>, scalar_prefetch = 0 : i64, scratch_operands = 14 : i64, tpu.core_type = #tpu.core_type<sc_vector_subcore>, window_params = [{transform_indices = #map}, {transform_indices = #map}, {transform_indices = #map}, {transform_indices = #map}, {transform_indices = #map}, {transform_indices = #map}]} {
    %mul3A = arith.constant 2 : i32
    %mul3A_0 = arith.muli %arg1, %mul3A : i32
    %add3A = arith.addi %mul3A_0, %arg0 : i32
    %sub3A = arith.constant 1250 : i32
    %sub3A_1 = arith.subi %sub3A, %add3A : i32
    %add3A_2 = arith.constant 32 : i32
    %add3A_3 = arith.addi %sub3A_1, %add3A_2 : i32
    %sub3A_4 = arith.constant 1 : i32
    %sub3A_5 = arith.subi %add3A_3, %sub3A_4 : i32
    %jit3A = arith.constant 32 : i32
    %div3A = arith.divsi %sub3A_5, %jit3A : i32
    %sign3A = arith.constant 0 : i32
    %sign3A_6 = arith.cmpi sgt, %sub3A_5, %sign3A : i32
    %sign3A_7 = arith.extui %sign3A_6 : i1 to i32
    %sign3A_8 = arith.constant 0 : i32
    %sign3A_9 = arith.cmpi slt, %sub3A_5, %sign3A_8 : i32
    %sign3A_10 = arith.extui %sign3A_9 : i1 to i32
    %sign3A_11 = arith.subi %sign3A_7, %sign3A_10 : i32
    %sign3A_12 = arith.constant 0 : i32
    %sign3A_13 = arith.cmpi sgt, %jit3A, %sign3A_12 : i32
    %sign3A_14 = arith.extui %sign3A_13 : i1 to i32
    %sign3A_15 = arith.constant 0 : i32
    %sign3A_16 = arith.cmpi slt, %jit3A, %sign3A_15 : i32
    %sign3A_17 = arith.extui %sign3A_16 : i1 to i32
    %sign3A_18 = arith.subi %sign3A_14, %sign3A_17 : i32
    %ne3A = arith.cmpi ne, %sign3A_11, %sign3A_18 : i32
    %rem3A = arith.remsi %sub3A_5, %jit3A : i32
    %ne3A_19 = arith.constant 0 : i32
    %ne3A_20 = arith.cmpi ne, %rem3A, %ne3A_19 : i32
    %and3A = arith.andi %ne3A, %ne3A_20 : i1
    %sub3A_21 = arith.constant 1 : i32
    %sub3A_22 = arith.subi %div3A, %sub3A_21 : i32
    %select_n3A = arith.select %and3A, %sub3A_22, %div3A : i32
    %gt3A = arith.constant 0 : i32
    %gt3A_23 = arith.cmpi sgt, %select_n3A, %gt3A : i32
    %convert_element_type3A = arith.extui %gt3A_23 : i1 to i32
    %cond3A = arith.constant 0 : i32
    %cond3A_24 = arith.cmpi ne, %convert_element_type3A, %cond3A : i32
    scf.if %cond3A_24 {
      %add3A_77 = arith.constant 0 : i32
      %add3A_78 = arith.addi %add3A, %add3A_77 : i32
      %dma_start3A = arith.constant 0 : i32
      %dma_start3A_79 = tpu.memref_slice %arg4[%add3A_78, %dma_start3A] : memref<1250x128xi32, #tpu.memory_space<hbm>> -> memref<1x128xi32, #tpu.memory_space<hbm>>
      %dma_start3A_80 = tpu.memref_squeeze %dma_start3A_79 : memref<1x128xi32, #tpu.memory_space<hbm>> -> memref<128xi32, #tpu.memory_space<hbm>>
      %dma_start3A_81 = arith.constant 0 : i32
      %dma_start3A_82 = tpu.memref_slice %arg4[%add3A_78, %dma_start3A_81] : memref<1250x128xi32, #tpu.memory_space<hbm>> -> memref<1x128xi32, #tpu.memory_space<hbm>>
      %dma_start3A_83 = tpu.memref_squeeze %dma_start3A_82 : memref<1x128xi32, #tpu.memory_space<hbm>> -> memref<128xi32, #tpu.memory_space<hbm>>
      tpu.enqueue_dma source(%dma_start3A_83 : memref<128xi32, #tpu.memory_space<hbm>>) target(%arg8 : memref<128xi32, #tpu.memory_space<vmem>>) target_semaphore(%arg16 : memref<!tpu.dma_semaphore, #tpu.memory_space<semaphore_mem>>)
      %dma_start3A_84 = arith.constant 0 : i32
      %dma_start3A_85 = tpu.memref_slice %arg5[%add3A_78, %dma_start3A_84] : memref<1250x128xi32, #tpu.memory_space<hbm>> -> memref<1x128xi32, #tpu.memory_space<hbm>>
      %dma_start3A_86 = tpu.memref_squeeze %dma_start3A_85 : memref<1x128xi32, #tpu.memory_space<hbm>> -> memref<128xi32, #tpu.memory_space<hbm>>
      %dma_start3A_87 = arith.constant 0 : i32
      %dma_start3A_88 = tpu.memref_slice %arg5[%add3A_78, %dma_start3A_87] : memref<1250x128xi32, #tpu.memory_space<hbm>> -> memref<1x128xi32, #tpu.memory_space<hbm>>
      %dma_start3A_89 = tpu.memref_squeeze %dma_start3A_88 : memref<1x128xi32, #tpu.memory_space<hbm>> -> memref<128xi32, #tpu.memory_space<hbm>>
      tpu.enqueue_dma source(%dma_start3A_89 : memref<128xi32, #tpu.memory_space<hbm>>) target(%arg10 : memref<128xi32, #tpu.memory_space<vmem>>) target_semaphore(%arg16 : memref<!tpu.dma_semaphore, #tpu.memory_space<semaphore_mem>>)
      %dma_wait3A = arith.constant 0 : i32
      %dma_wait3A_90 = arith.constant 0 : i32
      %dma_wait3A_91 = tpu.memref_slice %arg4[%dma_wait3A, %dma_wait3A_90] : memref<1250x128xi32, #tpu.memory_space<hbm>> -> memref<1x128xi32, #tpu.memory_space<hbm>>
      %dma_wait3A_92 = tpu.memref_squeeze %dma_wait3A_91 : memref<1x128xi32, #tpu.memory_space<hbm>> -> memref<128xi32, #tpu.memory_space<hbm>>
      %dma_wait3A_93 = arith.constant 0 : i32
      %dma_wait3A_94 = tpu.memref_slice %arg4[%dma_wait3A, %dma_wait3A_93] : memref<1250x128xi32, #tpu.memory_space<hbm>> -> memref<1x128xi32, #tpu.memory_space<hbm>>
      %dma_wait3A_95 = tpu.memref_squeeze %dma_wait3A_94 : memref<1x128xi32, #tpu.memory_space<hbm>> -> memref<128xi32, #tpu.memory_space<hbm>>
      tpu.wait_dma2 semaphore(%arg16 : memref<!tpu.dma_semaphore, #tpu.memory_space<semaphore_mem>>) src(%dma_wait3A_95 : memref<128xi32, #tpu.memory_space<hbm>>) dst(%arg8 : memref<128xi32, #tpu.memory_space<vmem>>)
      %dma_wait3A_96 = arith.constant 0 : i32
      %dma_wait3A_97 = arith.constant 0 : i32
      %dma_wait3A_98 = tpu.memref_slice %arg5[%dma_wait3A_96, %dma_wait3A_97] : memref<1250x128xi32, #tpu.memory_space<hbm>> -> memref<1x128xi32, #tpu.memory_space<hbm>>
      %dma_wait3A_99 = tpu.memref_squeeze %dma_wait3A_98 : memref<1x128xi32, #tpu.memory_space<hbm>> -> memref<128xi32, #tpu.memory_space<hbm>>
      %dma_wait3A_100 = arith.constant 0 : i32
      %dma_wait3A_101 = tpu.memref_slice %arg5[%dma_wait3A_96, %dma_wait3A_100] : memref<1250x128xi32, #tpu.memory_space<hbm>> -> memref<1x128xi32, #tpu.memory_space<hbm>>
      %dma_wait3A_102 = tpu.memref_squeeze %dma_wait3A_101 : memref<1x128xi32, #tpu.memory_space<hbm>> -> memref<128xi32, #tpu.memory_space<hbm>>
      tpu.wait_dma2 semaphore(%arg16 : memref<!tpu.dma_semaphore, #tpu.memory_space<semaphore_mem>>) src(%dma_wait3A_102 : memref<128xi32, #tpu.memory_space<hbm>>) dst(%arg10 : memref<128xi32, #tpu.memory_space<vmem>>)
      %dma_start3A_103 = arith.constant 0 : i32
      %dma_start3A_104 = arith.constant 0 : i32
      %dma_start3A_105 = tpu.memref_slice %arg2[%dma_start3A_103, %dma_start3A_104] : memref<10000x256xf32, #tpu.memory_space<hbm>> -> memref<10000x256xf32, #tpu.memory_space<hbm>>
      tpu.enqueue_indirect_dma source(%dma_start3A_105 : memref<10000x256xf32, #tpu.memory_space<hbm>>) target(%arg12 : memref<128x256xf32, #tpu.memory_space<vmem>>) offsets(%arg8 : memref<128xi32, #tpu.memory_space<vmem>>) semaphore(%arg18 : memref<!tpu.dma_semaphore, #tpu.memory_space<semaphore_mem>>)
      %dma_start3A_106 = arith.constant 0 : i32
      %dma_start3A_107 = arith.constant 0 : i32
      %dma_start3A_108 = tpu.memref_slice %arg3[%dma_start3A_106, %dma_start3A_107] : memref<10000x128xf32, #tpu.memory_space<hbm>> -> memref<10000x128xf32, #tpu.memory_space<hbm>>
      tpu.enqueue_indirect_dma source(%dma_start3A_108 : memref<10000x128xf32, #tpu.memory_space<hbm>>) target(%arg14 : memref<128x128xf32, #tpu.memory_space<vmem>>) offsets(%arg10 : memref<128xi32, #tpu.memory_space<vmem>>) semaphore(%arg18 : memref<!tpu.dma_semaphore, #tpu.memory_space<semaphore_mem>>)
    } else {
    }
    %gt3A_25 = arith.constant 1 : i32
    %gt3A_26 = arith.cmpi sgt, %select_n3A, %gt3A_25 : i32
    %convert_element_type3A_27 = arith.extui %gt3A_26 : i1 to i32
    %cond3A_28 = arith.constant 0 : i32
    %cond3A_29 = arith.cmpi ne, %convert_element_type3A_27, %cond3A_28 : i32
    scf.if %cond3A_29 {
      %add3A_77 = arith.constant 32 : i32
      %add3A_78 = arith.addi %add3A, %add3A_77 : i32
      %dma_start3A = arith.constant 0 : i32
      %dma_start3A_79 = tpu.memref_slice %arg4[%add3A_78, %dma_start3A] : memref<1250x128xi32, #tpu.memory_space<hbm>> -> memref<1x128xi32, #tpu.memory_space<hbm>>
      %dma_start3A_80 = tpu.memref_squeeze %dma_start3A_79 : memref<1x128xi32, #tpu.memory_space<hbm>> -> memref<128xi32, #tpu.memory_space<hbm>>
      %dma_start3A_81 = arith.constant 0 : i32
      %dma_start3A_82 = tpu.memref_slice %arg4[%add3A_78, %dma_start3A_81] : memref<1250x128xi32, #tpu.memory_space<hbm>> -> memref<1x128xi32, #tpu.memory_space<hbm>>
      %dma_start3A_83 = tpu.memref_squeeze %dma_start3A_82 : memref<1x128xi32, #tpu.memory_space<hbm>> -> memref<128xi32, #tpu.memory_space<hbm>>
      tpu.enqueue_dma source(%dma_start3A_83 : memref<128xi32, #tpu.memory_space<hbm>>) target(%arg9 : memref<128xi32, #tpu.memory_space<vmem>>) target_semaphore(%arg17 : memref<!tpu.dma_semaphore, #tpu.memory_space<semaphore_mem>>)
      %dma_start3A_84 = arith.constant 0 : i32
      %dma_start3A_85 = tpu.memref_slice %arg5[%add3A_78, %dma_start3A_84] : memref<1250x128xi32, #tpu.memory_space<hbm>> -> memref<1x128xi32, #tpu.memory_space<hbm>>
      %dma_start3A_86 = tpu.memref_squeeze %dma_start3A_85 : memref<1x128xi32, #tpu.memory_space<hbm>> -> memref<128xi32, #tpu.memory_space<hbm>>
      %dma_start3A_87 = arith.constant 0 : i32
      %dma_start3A_88 = tpu.memref_slice %arg5[%add3A_78, %dma_start3A_87] : memref<1250x128xi32, #tpu.memory_space<hbm>> -> memref<1x128xi32, #tpu.memory_space<hbm>>
      %dma_start3A_89 = tpu.memref_squeeze %dma_start3A_88 : memref<1x128xi32, #tpu.memory_space<hbm>> -> memref<128xi32, #tpu.memory_space<hbm>>
      tpu.enqueue_dma source(%dma_start3A_89 : memref<128xi32, #tpu.memory_space<hbm>>) target(%arg11 : memref<128xi32, #tpu.memory_space<vmem>>) target_semaphore(%arg17 : memref<!tpu.dma_semaphore, #tpu.memory_space<semaphore_mem>>)
    } else {
    }
    %add3A_30 = arith.constant 1 : i32
    %add3A_31 = arith.addi %select_n3A, %add3A_30 : i32
    %jit3A_32 = arith.constant 2 : i32
    %div3A_33 = arith.divsi %add3A_31, %jit3A_32 : i32
    %sign3A_34 = arith.constant 0 : i32
    %sign3A_35 = arith.cmpi sgt, %add3A_31, %sign3A_34 : i32
    %sign3A_36 = arith.extui %sign3A_35 : i1 to i32
    %sign3A_37 = arith.constant 0 : i32
    %sign3A_38 = arith.cmpi slt, %add3A_31, %sign3A_37 : i32
    %sign3A_39 = arith.extui %sign3A_38 : i1 to i32
    %sign3A_40 = arith.subi %sign3A_36, %sign3A_39 : i32
    %sign3A_41 = arith.constant 0 : i32
    %sign3A_42 = arith.cmpi sgt, %jit3A_32, %sign3A_41 : i32
    %sign3A_43 = arith.extui %sign3A_42 : i1 to i32
    %sign3A_44 = arith.constant 0 : i32
    %sign3A_45 = arith.cmpi slt, %jit3A_32, %sign3A_44 : i32
    %sign3A_46 = arith.extui %sign3A_45 : i1 to i32
    %sign3A_47 = arith.subi %sign3A_43, %sign3A_46 : i32
    %ne3A_48 = arith.cmpi ne, %sign3A_40, %sign3A_47 : i32
    %rem3A_49 = arith.remsi %add3A_31, %jit3A_32 : i32
    %ne3A_50 = arith.constant 0 : i32
    %ne3A_51 = arith.cmpi ne, %rem3A_49, %ne3A_50 : i32
    %and3A_52 = arith.andi %ne3A_48, %ne3A_51 : i1
    %sub3A_53 = arith.constant 1 : i32
    %sub3A_54 = arith.subi %div3A_33, %sub3A_53 : i32
    %select_n3A_55 = arith.select %and3A_52, %sub3A_54, %div3A_33 : i32
    %while3A = arith.constant 0 : i32
    %while3A_56 = arith.constant 0 : i32
    %while3A_57 = arith.subi %select_n3A_55, %while3A : i32
    %while3A_58 = arith.addi %while3A, %while3A_57 : i32
    %while3A_59 = arith.constant 1 : i32
    %while3A_60 = arith.divsi %while3A_57, %while3A_59 : i32
    %while3A_61 = arith.muli %while3A_60, %while3A_59 : i32
    %while3A_62 = arith.addi %while3A, %while3A_61 : i32
    %while3A_63 = arith.constant 1 : i32
    %while3A_64 = scf.for %while3A_77 = %while3A to %while3A_62 step %while3A_63 iter_args(%while3A_78 = %while3A_56) -> (i32)  : i32 {
      %mul3A_79 = arith.constant 2 : i32
      %mul3A_80 = arith.muli %mul3A_79, %while3A_77 : i32
      %add3A_81 = arith.constant 1 : i32
      %add3A_82 = arith.addi %mul3A_80, %add3A_81 : i32
      %lt3A = arith.cmpi slt, %add3A_82, %select_n3A : i32
      %convert_element_type3A_83 = arith.extui %lt3A : i1 to i32
      %cond3A_84 = arith.constant 0 : i32
      %cond3A_85 = arith.cmpi ne, %convert_element_type3A_83, %cond3A_84 : i32
      scf.if %cond3A_85 {
        %dma_wait3A = arith.constant 0 : i32
        %dma_wait3A_117 = arith.constant 0 : i32
        %dma_wait3A_118 = tpu.memref_slice %arg4[%dma_wait3A, %dma_wait3A_117] : memref<1250x128xi32, #tpu.memory_space<hbm>> -> memref<1x128xi32, #tpu.memory_space<hbm>>
        %dma_wait3A_119 = tpu.memref_squeeze %dma_wait3A_118 : memref<1x128xi32, #tpu.memory_space<hbm>> -> memref<128xi32, #tpu.memory_space<hbm>>
        %dma_wait3A_120 = arith.constant 0 : i32
        %dma_wait3A_121 = tpu.memref_slice %arg4[%dma_wait3A, %dma_wait3A_120] : memref<1250x128xi32, #tpu.memory_space<hbm>> -> memref<1x128xi32, #tpu.memory_space<hbm>>
        %dma_wait3A_122 = tpu.memref_squeeze %dma_wait3A_121 : memref<1x128xi32, #tpu.memory_space<hbm>> -> memref<128xi32, #tpu.memory_space<hbm>>
        tpu.wait_dma2 semaphore(%arg17 : memref<!tpu.dma_semaphore, #tpu.memory_space<semaphore_mem>>) src(%dma_wait3A_122 : memref<128xi32, #tpu.memory_space<hbm>>) dst(%arg9 : memref<128xi32, #tpu.memory_space<vmem>>)
        %dma_wait3A_123 = arith.constant 0 : i32
        %dma_wait3A_124 = arith.constant 0 : i32
        %dma_wait3A_125 = tpu.memref_slice %arg5[%dma_wait3A_123, %dma_wait3A_124] : memref<1250x128xi32, #tpu.memory_space<hbm>> -> memref<1x128xi32, #tpu.memory_space<hbm>>
        %dma_wait3A_126 = tpu.memref_squeeze %dma_wait3A_125 : memref<1x128xi32, #tpu.memory_space<hbm>> -> memref<128xi32, #tpu.memory_space<hbm>>
        %dma_wait3A_127 = arith.constant 0 : i32
        %dma_wait3A_128 = tpu.memref_slice %arg5[%dma_wait3A_123, %dma_wait3A_127] : memref<1250x128xi32, #tpu.memory_space<hbm>> -> memref<1x128xi32, #tpu.memory_space<hbm>>
        %dma_wait3A_129 = tpu.memref_squeeze %dma_wait3A_128 : memref<1x128xi32, #tpu.memory_space<hbm>> -> memref<128xi32, #tpu.memory_space<hbm>>
        tpu.wait_dma2 semaphore(%arg17 : memref<!tpu.dma_semaphore, #tpu.memory_space<semaphore_mem>>) src(%dma_wait3A_129 : memref<128xi32, #tpu.memory_space<hbm>>) dst(%arg11 : memref<128xi32, #tpu.memory_space<vmem>>)
        %ge3A = arith.constant 1 : i32
        %ge3A_130 = arith.cmpi sge, %mul3A_80, %ge3A : i32
        %convert_element_type3A_131 = arith.extui %ge3A_130 : i1 to i32
        %cond3A_132 = arith.constant 0 : i32
        %cond3A_133 = arith.cmpi ne, %convert_element_type3A_131, %cond3A_132 : i32
        scf.if %cond3A_133 {
          %dma_wait3A_139 = arith.constant 0 : i32
          %dma_wait3A_140 = arith.constant 0 : i32
          %dma_wait3A_141 = tpu.memref_slice %arg6[%dma_wait3A_139, %dma_wait3A_140] : memref<160000x256xf32, #tpu.memory_space<hbm>> -> memref<128x256xf32, #tpu.memory_space<hbm>>
          %dma_wait3A_142 = arith.constant 0 : i32
          %dma_wait3A_143 = arith.constant 0 : i32
          %dma_wait3A_144 = tpu.memref_slice %arg6[%dma_wait3A_142, %dma_wait3A_143] : memref<160000x256xf32, #tpu.memory_space<hbm>> -> memref<128x256xf32, #tpu.memory_space<hbm>>
          tpu.wait_dma2 semaphore(%arg21 : memref<!tpu.dma_semaphore, #tpu.memory_space<semaphore_mem>>) src(%arg13 : memref<128x256xf32, #tpu.memory_space<vmem>>) dst(%dma_wait3A_144 : memref<128x256xf32, #tpu.memory_space<hbm>>)
          %dma_wait3A_145 = arith.constant 0 : i32
          %dma_wait3A_146 = arith.constant 0 : i32
          %dma_wait3A_147 = tpu.memref_slice %arg7[%dma_wait3A_145, %dma_wait3A_146] : memref<160000x128xf32, #tpu.memory_space<hbm>> -> memref<128x128xf32, #tpu.memory_space<hbm>>
          %dma_wait3A_148 = arith.constant 0 : i32
          %dma_wait3A_149 = arith.constant 0 : i32
          %dma_wait3A_150 = tpu.memref_slice %arg7[%dma_wait3A_148, %dma_wait3A_149] : memref<160000x128xf32, #tpu.memory_space<hbm>> -> memref<128x128xf32, #tpu.memory_space<hbm>>
          tpu.wait_dma2 semaphore(%arg21 : memref<!tpu.dma_semaphore, #tpu.memory_space<semaphore_mem>>) src(%arg15 : memref<128x128xf32, #tpu.memory_space<vmem>>) dst(%dma_wait3A_150 : memref<128x128xf32, #tpu.memory_space<hbm>>)
        } else {
        }
        %dma_start3A = arith.constant 0 : i32
        %dma_start3A_134 = arith.constant 0 : i32
        %dma_start3A_135 = tpu.memref_slice %arg2[%dma_start3A, %dma_start3A_134] : memref<10000x256xf32, #tpu.memory_space<hbm>> -> memref<10000x256xf32, #tpu.memory_space<hbm>>
        tpu.enqueue_indirect_dma source(%dma_start3A_135 : memref<10000x256xf32, #tpu.memory_space<hbm>>) target(%arg13 : memref<128x256xf32, #tpu.memory_space<vmem>>) offsets(%arg9 : memref<128xi32, #tpu.memory_space<vmem>>) semaphore(%arg19 : memref<!tpu.dma_semaphore, #tpu.memory_space<semaphore_mem>>)
        %dma_start3A_136 = arith.constant 0 : i32
        %dma_start3A_137 = arith.constant 0 : i32
        %dma_start3A_138 = tpu.memref_slice %arg3[%dma_start3A_136, %dma_start3A_137] : memref<10000x128xf32, #tpu.memory_space<hbm>> -> memref<10000x128xf32, #tpu.memory_space<hbm>>
        tpu.enqueue_indirect_dma source(%dma_start3A_138 : memref<10000x128xf32, #tpu.memory_space<hbm>>) target(%arg15 : memref<128x128xf32, #tpu.memory_space<vmem>>) offsets(%arg11 : memref<128xi32, #tpu.memory_space<vmem>>) semaphore(%arg19 : memref<!tpu.dma_semaphore, #tpu.memory_space<semaphore_mem>>)
      } else {
      }
      %lt3A_86 = arith.cmpi slt, %mul3A_80, %select_n3A : i32
      %convert_element_type3A_87 = arith.extui %lt3A_86 : i1 to i32
      %cond3A_88 = arith.constant 0 : i32
      %cond3A_89 = arith.cmpi ne, %convert_element_type3A_87, %cond3A_88 : i32
      scf.if %cond3A_89 {
        %dma_wait3A = arith.constant 0 : i32
        %dma_wait3A_117 = arith.constant 0 : i32
        %dma_wait3A_118 = tpu.memref_slice %arg2[%dma_wait3A, %dma_wait3A_117] : memref<10000x256xf32, #tpu.memory_space<hbm>> -> memref<10000x256xf32, #tpu.memory_space<hbm>>
        tpu.wait_indirect_dma semaphore(%arg18 : memref<!tpu.dma_semaphore, #tpu.memory_space<semaphore_mem>>) src(%dma_wait3A_118 : memref<10000x256xf32, #tpu.memory_space<hbm>>) dst(%arg12 : memref<128x256xf32, #tpu.memory_space<vmem>>)
        %dma_wait3A_119 = arith.constant 0 : i32
        %dma_wait3A_120 = arith.constant 0 : i32
        %dma_wait3A_121 = tpu.memref_slice %arg3[%dma_wait3A_119, %dma_wait3A_120] : memref<10000x128xf32, #tpu.memory_space<hbm>> -> memref<10000x128xf32, #tpu.memory_space<hbm>>
        tpu.wait_indirect_dma semaphore(%arg18 : memref<!tpu.dma_semaphore, #tpu.memory_space<semaphore_mem>>) src(%dma_wait3A_121 : memref<10000x128xf32, #tpu.memory_space<hbm>>) dst(%arg14 : memref<128x128xf32, #tpu.memory_space<vmem>>)
        %mul3A_122 = arith.constant 32 : i32
        %mul3A_123 = arith.muli %mul3A_80, %mul3A_122 : i32
        %add3A_124 = arith.addi %add3A, %mul3A_123 : i32
        %mul3A_125 = arith.constant 128 : i32
        %mul3A_126 = arith.muli %add3A_124, %mul3A_125 : i32
        %dma_start3A = arith.constant 0 : i32
        %dma_start3A_127 = tpu.memref_slice %arg6[%mul3A_126, %dma_start3A] : memref<160000x256xf32, #tpu.memory_space<hbm>> -> memref<128x256xf32, #tpu.memory_space<hbm>>
        %dma_start3A_128 = arith.constant 0 : i32
        %dma_start3A_129 = tpu.memref_slice %arg6[%mul3A_126, %dma_start3A_128] : memref<160000x256xf32, #tpu.memory_space<hbm>> -> memref<128x256xf32, #tpu.memory_space<hbm>>
        tpu.enqueue_dma source(%arg12 : memref<128x256xf32, #tpu.memory_space<vmem>>) target(%dma_start3A_129 : memref<128x256xf32, #tpu.memory_space<hbm>>) target_semaphore(%arg20 : memref<!tpu.dma_semaphore, #tpu.memory_space<semaphore_mem>>)
        %dma_start3A_130 = arith.constant 0 : i32
        %dma_start3A_131 = tpu.memref_slice %arg7[%mul3A_126, %dma_start3A_130] : memref<160000x128xf32, #tpu.memory_space<hbm>> -> memref<128x128xf32, #tpu.memory_space<hbm>>
        %dma_start3A_132 = arith.constant 0 : i32
        %dma_start3A_133 = tpu.memref_slice %arg7[%mul3A_126, %dma_start3A_132] : memref<160000x128xf32, #tpu.memory_space<hbm>> -> memref<128x128xf32, #tpu.memory_space<hbm>>
        tpu.enqueue_dma source(%arg14 : memref<128x128xf32, #tpu.memory_space<vmem>>) target(%dma_start3A_133 : memref<128x128xf32, #tpu.memory_space<hbm>>) target_semaphore(%arg20 : memref<!tpu.dma_semaphore, #tpu.memory_space<semaphore_mem>>)
      } else {
      }
      %add3A_90 = arith.constant 2 : i32
      %add3A_91 = arith.addi %mul3A_80, %add3A_90 : i32
      %lt3A_92 = arith.cmpi slt, %add3A_91, %select_n3A : i32
      %convert_element_type3A_93 = arith.extui %lt3A_92 : i1 to i32
      %cond3A_94 = arith.constant 0 : i32
      %cond3A_95 = arith.cmpi ne, %convert_element_type3A_93, %cond3A_94 : i32
      scf.if %cond3A_95 {
        %add3A_117 = arith.constant 2 : i32
        %add3A_118 = arith.addi %mul3A_80, %add3A_117 : i32
        %mul3A_119 = arith.constant 32 : i32
        %mul3A_120 = arith.muli %add3A_118, %mul3A_119 : i32
        %add3A_121 = arith.addi %add3A, %mul3A_120 : i32
        %dma_start3A = arith.constant 0 : i32
        %dma_start3A_122 = tpu.memref_slice %arg4[%add3A_121, %dma_start3A] : memref<1250x128xi32, #tpu.memory_space<hbm>> -> memref<1x128xi32, #tpu.memory_space<hbm>>
        %dma_start3A_123 = tpu.memref_squeeze %dma_start3A_122 : memref<1x128xi32, #tpu.memory_space<hbm>> -> memref<128xi32, #tpu.memory_space<hbm>>
        %dma_start3A_124 = arith.constant 0 : i32
        %dma_start3A_125 = tpu.memref_slice %arg4[%add3A_121, %dma_start3A_124] : memref<1250x128xi32, #tpu.memory_space<hbm>> -> memref<1x128xi32, #tpu.memory_space<hbm>>
        %dma_start3A_126 = tpu.memref_squeeze %dma_start3A_125 : memref<1x128xi32, #tpu.memory_space<hbm>> -> memref<128xi32, #tpu.memory_space<hbm>>
        tpu.enqueue_dma source(%dma_start3A_126 : memref<128xi32, #tpu.memory_space<hbm>>) target(%arg8 : memref<128xi32, #tpu.memory_space<vmem>>) target_semaphore(%arg16 : memref<!tpu.dma_semaphore, #tpu.memory_space<semaphore_mem>>)
        %dma_start3A_127 = arith.constant 0 : i32
        %dma_start3A_128 = tpu.memref_slice %arg5[%add3A_121, %dma_start3A_127] : memref<1250x128xi32, #tpu.memory_space<hbm>> -> memref<1x128xi32, #tpu.memory_space<hbm>>
        %dma_start3A_129 = tpu.memref_squeeze %dma_start3A_128 : memref<1x128xi32, #tpu.memory_space<hbm>> -> memref<128xi32, #tpu.memory_space<hbm>>
        %dma_start3A_130 = arith.constant 0 : i32
        %dma_start3A_131 = tpu.memref_slice %arg5[%add3A_121, %dma_start3A_130] : memref<1250x128xi32, #tpu.memory_space<hbm>> -> memref<1x128xi32, #tpu.memory_space<hbm>>
        %dma_start3A_132 = tpu.memref_squeeze %dma_start3A_131 : memref<1x128xi32, #tpu.memory_space<hbm>> -> memref<128xi32, #tpu.memory_space<hbm>>
        tpu.enqueue_dma source(%dma_start3A_132 : memref<128xi32, #tpu.memory_space<hbm>>) target(%arg10 : memref<128xi32, #tpu.memory_space<vmem>>) target_semaphore(%arg16 : memref<!tpu.dma_semaphore, #tpu.memory_space<semaphore_mem>>)
      } else {
      }
      %mul3A_96 = arith.constant 2 : i32
      %mul3A_97 = arith.muli %mul3A_96, %while3A_77 : i32
      %add3A_98 = arith.constant 1 : i32
      %add3A_99 = arith.addi %mul3A_97, %add3A_98 : i32
      %add3A_100 = arith.constant 1 : i32
      %add3A_101 = arith.addi %add3A_99, %add3A_100 : i32
      %lt3A_102 = arith.cmpi slt, %add3A_101, %select_n3A : i32
      %convert_element_type3A_103 = arith.extui %lt3A_102 : i1 to i32
      %cond3A_104 = arith.constant 0 : i32
      %cond3A_105 = arith.cmpi ne, %convert_element_type3A_103, %cond3A_104 : i32
      scf.if %cond3A_105 {
        %dma_wait3A = arith.constant 0 : i32
        %dma_wait3A_117 = arith.constant 0 : i32
        %dma_wait3A_118 = tpu.memref_slice %arg4[%dma_wait3A, %dma_wait3A_117] : memref<1250x128xi32, #tpu.memory_space<hbm>> -> memref<1x128xi32, #tpu.memory_space<hbm>>
        %dma_wait3A_119 = tpu.memref_squeeze %dma_wait3A_118 : memref<1x128xi32, #tpu.memory_space<hbm>> -> memref<128xi32, #tpu.memory_space<hbm>>
        %dma_wait3A_120 = arith.constant 0 : i32
        %dma_wait3A_121 = tpu.memref_slice %arg4[%dma_wait3A, %dma_wait3A_120] : memref<1250x128xi32, #tpu.memory_space<hbm>> -> memref<1x128xi32, #tpu.memory_space<hbm>>
        %dma_wait3A_122 = tpu.memref_squeeze %dma_wait3A_121 : memref<1x128xi32, #tpu.memory_space<hbm>> -> memref<128xi32, #tpu.memory_space<hbm>>
        tpu.wait_dma2 semaphore(%arg16 : memref<!tpu.dma_semaphore, #tpu.memory_space<semaphore_mem>>) src(%dma_wait3A_122 : memref<128xi32, #tpu.memory_space<hbm>>) dst(%arg8 : memref<128xi32, #tpu.memory_space<vmem>>)
        %dma_wait3A_123 = arith.constant 0 : i32
        %dma_wait3A_124 = arith.constant 0 : i32
        %dma_wait3A_125 = tpu.memref_slice %arg5[%dma_wait3A_123, %dma_wait3A_124] : memref<1250x128xi32, #tpu.memory_space<hbm>> -> memref<1x128xi32, #tpu.memory_space<hbm>>
        %dma_wait3A_126 = tpu.memref_squeeze %dma_wait3A_125 : memref<1x128xi32, #tpu.memory_space<hbm>> -> memref<128xi32, #tpu.memory_space<hbm>>
        %dma_wait3A_127 = arith.constant 0 : i32
        %dma_wait3A_128 = tpu.memref_slice %arg5[%dma_wait3A_123, %dma_wait3A_127] : memref<1250x128xi32, #tpu.memory_space<hbm>> -> memref<1x128xi32, #tpu.memory_space<hbm>>
        %dma_wait3A_129 = tpu.memref_squeeze %dma_wait3A_128 : memref<1x128xi32, #tpu.memory_space<hbm>> -> memref<128xi32, #tpu.memory_space<hbm>>
        tpu.wait_dma2 semaphore(%arg16 : memref<!tpu.dma_semaphore, #tpu.memory_space<semaphore_mem>>) src(%dma_wait3A_129 : memref<128xi32, #tpu.memory_space<hbm>>) dst(%arg10 : memref<128xi32, #tpu.memory_space<vmem>>)
        %ge3A = arith.constant 1 : i32
        %ge3A_130 = arith.cmpi sge, %add3A_99, %ge3A : i32
        %convert_element_type3A_131 = arith.extui %ge3A_130 : i1 to i32
        %cond3A_132 = arith.constant 0 : i32
        %cond3A_133 = arith.cmpi ne, %convert_element_type3A_131, %cond3A_132 : i32
        scf.if %cond3A_133 {
          %dma_wait3A_139 = arith.constant 0 : i32
          %dma_wait3A_140 = arith.constant 0 : i32
          %dma_wait3A_141 = tpu.memref_slice %arg6[%dma_wait3A_139, %dma_wait3A_140] : memref<160000x256xf32, #tpu.memory_space<hbm>> -> memref<128x256xf32, #tpu.memory_space<hbm>>
          %dma_wait3A_142 = arith.constant 0 : i32
          %dma_wait3A_143 = arith.constant 0 : i32
          %dma_wait3A_144 = tpu.memref_slice %arg6[%dma_wait3A_142, %dma_wait3A_143] : memref<160000x256xf32, #tpu.memory_space<hbm>> -> memref<128x256xf32, #tpu.memory_space<hbm>>
          tpu.wait_dma2 semaphore(%arg20 : memref<!tpu.dma_semaphore, #tpu.memory_space<semaphore_mem>>) src(%arg12 : memref<128x256xf32, #tpu.memory_space<vmem>>) dst(%dma_wait3A_144 : memref<128x256xf32, #tpu.memory_space<hbm>>)
          %dma_wait3A_145 = arith.constant 0 : i32
          %dma_wait3A_146 = arith.constant 0 : i32
          %dma_wait3A_147 = tpu.memref_slice %arg7[%dma_wait3A_145, %dma_wait3A_146] : memref<160000x128xf32, #tpu.memory_space<hbm>> -> memref<128x128xf32, #tpu.memory_space<hbm>>
          %dma_wait3A_148 = arith.constant 0 : i32
          %dma_wait3A_149 = arith.constant 0 : i32
          %dma_wait3A_150 = tpu.memref_slice %arg7[%dma_wait3A_148, %dma_wait3A_149] : memref<160000x128xf32, #tpu.memory_space<hbm>> -> memref<128x128xf32, #tpu.memory_space<hbm>>
          tpu.wait_dma2 semaphore(%arg20 : memref<!tpu.dma_semaphore, #tpu.memory_space<semaphore_mem>>) src(%arg14 : memref<128x128xf32, #tpu.memory_space<vmem>>) dst(%dma_wait3A_150 : memref<128x128xf32, #tpu.memory_space<hbm>>)
        } else {
        }
        %dma_start3A = arith.constant 0 : i32
        %dma_start3A_134 = arith.constant 0 : i32
        %dma_start3A_135 = tpu.memref_slice %arg2[%dma_start3A, %dma_start3A_134] : memref<10000x256xf32, #tpu.memory_space<hbm>> -> memref<10000x256xf32, #tpu.memory_space<hbm>>
        tpu.enqueue_indirect_dma source(%dma_start3A_135 : memref<10000x256xf32, #tpu.memory_space<hbm>>) target(%arg12 : memref<128x256xf32, #tpu.memory_space<vmem>>) offsets(%arg8 : memref<128xi32, #tpu.memory_space<vmem>>) semaphore(%arg18 : memref<!tpu.dma_semaphore, #tpu.memory_space<semaphore_mem>>)
        %dma_start3A_136 = arith.constant 0 : i32
        %dma_start3A_137 = arith.constant 0 : i32
        %dma_start3A_138 = tpu.memref_slice %arg3[%dma_start3A_136, %dma_start3A_137] : memref<10000x128xf32, #tpu.memory_space<hbm>> -> memref<10000x128xf32, #tpu.memory_space<hbm>>
        tpu.enqueue_indirect_dma source(%dma_start3A_138 : memref<10000x128xf32, #tpu.memory_space<hbm>>) target(%arg14 : memref<128x128xf32, #tpu.memory_space<vmem>>) offsets(%arg10 : memref<128xi32, #tpu.memory_space<vmem>>) semaphore(%arg18 : memref<!tpu.dma_semaphore, #tpu.memory_space<semaphore_mem>>)
      } else {
      }
      %lt3A_106 = arith.cmpi slt, %add3A_99, %select_n3A : i32
      %convert_element_type3A_107 = arith.extui %lt3A_106 : i1 to i32
      %cond3A_108 = arith.constant 0 : i32
      %cond3A_109 = arith.cmpi ne, %convert_element_type3A_107, %cond3A_108 : i32
      scf.if %cond3A_109 {
        %dma_wait3A = arith.constant 0 : i32
        %dma_wait3A_117 = arith.constant 0 : i32
        %dma_wait3A_118 = tpu.memref_slice %arg2[%dma_wait3A, %dma_wait3A_117] : memref<10000x256xf32, #tpu.memory_space<hbm>> -> memref<10000x256xf32, #tpu.memory_space<hbm>>
        tpu.wait_indirect_dma semaphore(%arg19 : memref<!tpu.dma_semaphore, #tpu.memory_space<semaphore_mem>>) src(%dma_wait3A_118 : memref<10000x256xf32, #tpu.memory_space<hbm>>) dst(%arg13 : memref<128x256xf32, #tpu.memory_space<vmem>>)
        %dma_wait3A_119 = arith.constant 0 : i32
        %dma_wait3A_120 = arith.constant 0 : i32
        %dma_wait3A_121 = tpu.memref_slice %arg3[%dma_wait3A_119, %dma_wait3A_120] : memref<10000x128xf32, #tpu.memory_space<hbm>> -> memref<10000x128xf32, #tpu.memory_space<hbm>>
        tpu.wait_indirect_dma semaphore(%arg19 : memref<!tpu.dma_semaphore, #tpu.memory_space<semaphore_mem>>) src(%dma_wait3A_121 : memref<10000x128xf32, #tpu.memory_space<hbm>>) dst(%arg15 : memref<128x128xf32, #tpu.memory_space<vmem>>)
        %mul3A_122 = arith.constant 32 : i32
        %mul3A_123 = arith.muli %add3A_99, %mul3A_122 : i32
        %add3A_124 = arith.addi %add3A, %mul3A_123 : i32
        %mul3A_125 = arith.constant 128 : i32
        %mul3A_126 = arith.muli %add3A_124, %mul3A_125 : i32
        %dma_start3A = arith.constant 0 : i32
        %dma_start3A_127 = tpu.memref_slice %arg6[%mul3A_126, %dma_start3A] : memref<160000x256xf32, #tpu.memory_space<hbm>> -> memref<128x256xf32, #tpu.memory_space<hbm>>
        %dma_start3A_128 = arith.constant 0 : i32
        %dma_start3A_129 = tpu.memref_slice %arg6[%mul3A_126, %dma_start3A_128] : memref<160000x256xf32, #tpu.memory_space<hbm>> -> memref<128x256xf32, #tpu.memory_space<hbm>>
        tpu.enqueue_dma source(%arg13 : memref<128x256xf32, #tpu.memory_space<vmem>>) target(%dma_start3A_129 : memref<128x256xf32, #tpu.memory_space<hbm>>) target_semaphore(%arg21 : memref<!tpu.dma_semaphore, #tpu.memory_space<semaphore_mem>>)
        %dma_start3A_130 = arith.constant 0 : i32
        %dma_start3A_131 = tpu.memref_slice %arg7[%mul3A_126, %dma_start3A_130] : memref<160000x128xf32, #tpu.memory_space<hbm>> -> memref<128x128xf32, #tpu.memory_space<hbm>>
        %dma_start3A_132 = arith.constant 0 : i32
        %dma_start3A_133 = tpu.memref_slice %arg7[%mul3A_126, %dma_start3A_132] : memref<160000x128xf32, #tpu.memory_space<hbm>> -> memref<128x128xf32, #tpu.memory_space<hbm>>
        tpu.enqueue_dma source(%arg15 : memref<128x128xf32, #tpu.memory_space<vmem>>) target(%dma_start3A_133 : memref<128x128xf32, #tpu.memory_space<hbm>>) target_semaphore(%arg21 : memref<!tpu.dma_semaphore, #tpu.memory_space<semaphore_mem>>)
      } else {
      }
      %add3A_110 = arith.constant 2 : i32
      %add3A_111 = arith.addi %add3A_99, %add3A_110 : i32
      %lt3A_112 = arith.cmpi slt, %add3A_111, %select_n3A : i32
      %convert_element_type3A_113 = arith.extui %lt3A_112 : i1 to i32
      %cond3A_114 = arith.constant 0 : i32
      %cond3A_115 = arith.cmpi ne, %convert_element_type3A_113, %cond3A_114 : i32
      scf.if %cond3A_115 {
        %add3A_117 = arith.constant 2 : i32
        %add3A_118 = arith.addi %add3A_99, %add3A_117 : i32
        %mul3A_119 = arith.constant 32 : i32
        %mul3A_120 = arith.muli %add3A_118, %mul3A_119 : i32
        %add3A_121 = arith.addi %add3A, %mul3A_120 : i32
        %dma_start3A = arith.constant 0 : i32
        %dma_start3A_122 = tpu.memref_slice %arg4[%add3A_121, %dma_start3A] : memref<1250x128xi32, #tpu.memory_space<hbm>> -> memref<1x128xi32, #tpu.memory_space<hbm>>
        %dma_start3A_123 = tpu.memref_squeeze %dma_start3A_122 : memref<1x128xi32, #tpu.memory_space<hbm>> -> memref<128xi32, #tpu.memory_space<hbm>>
        %dma_start3A_124 = arith.constant 0 : i32
        %dma_start3A_125 = tpu.memref_slice %arg4[%add3A_121, %dma_start3A_124] : memref<1250x128xi32, #tpu.memory_space<hbm>> -> memref<1x128xi32, #tpu.memory_space<hbm>>
        %dma_start3A_126 = tpu.memref_squeeze %dma_start3A_125 : memref<1x128xi32, #tpu.memory_space<hbm>> -> memref<128xi32, #tpu.memory_space<hbm>>
        tpu.enqueue_dma source(%dma_start3A_126 : memref<128xi32, #tpu.memory_space<hbm>>) target(%arg9 : memref<128xi32, #tpu.memory_space<vmem>>) target_semaphore(%arg17 : memref<!tpu.dma_semaphore, #tpu.memory_space<semaphore_mem>>)
        %dma_start3A_127 = arith.constant 0 : i32
        %dma_start3A_128 = tpu.memref_slice %arg5[%add3A_121, %dma_start3A_127] : memref<1250x128xi32, #tpu.memory_space<hbm>> -> memref<1x128xi32, #tpu.memory_space<hbm>>
        %dma_start3A_129 = tpu.memref_squeeze %dma_start3A_128 : memref<1x128xi32, #tpu.memory_space<hbm>> -> memref<128xi32, #tpu.memory_space<hbm>>
        %dma_start3A_130 = arith.constant 0 : i32
        %dma_start3A_131 = tpu.memref_slice %arg5[%add3A_121, %dma_start3A_130] : memref<1250x128xi32, #tpu.memory_space<hbm>> -> memref<1x128xi32, #tpu.memory_space<hbm>>
        %dma_start3A_132 = tpu.memref_squeeze %dma_start3A_131 : memref<1x128xi32, #tpu.memory_space<hbm>> -> memref<128xi32, #tpu.memory_space<hbm>>
        tpu.enqueue_dma source(%dma_start3A_132 : memref<128xi32, #tpu.memory_space<hbm>>) target(%arg11 : memref<128xi32, #tpu.memory_space<vmem>>) target_semaphore(%arg17 : memref<!tpu.dma_semaphore, #tpu.memory_space<semaphore_mem>>)
      } else {
      }
      %while3A_116 = arith.constant 0 : i32
      scf.yield %while3A_116 : i32
    }
    %while3A_65 = arith.constant 1 : i32
    %while3A_66 = scf.for %while3A_77 = %while3A_62 to %while3A_58 step %while3A_65 iter_args(%while3A_78 = %while3A_64) -> (i32)  : i32 {
      %mul3A_79 = arith.constant 2 : i32
      %mul3A_80 = arith.muli %mul3A_79, %while3A_77 : i32
      %add3A_81 = arith.constant 1 : i32
      %add3A_82 = arith.addi %mul3A_80, %add3A_81 : i32
      %lt3A = arith.cmpi slt, %add3A_82, %select_n3A : i32
      %convert_element_type3A_83 = arith.extui %lt3A : i1 to i32
      %cond3A_84 = arith.constant 0 : i32
      %cond3A_85 = arith.cmpi ne, %convert_element_type3A_83, %cond3A_84 : i32
      scf.if %cond3A_85 {
        %dma_wait3A = arith.constant 0 : i32
        %dma_wait3A_117 = arith.constant 0 : i32
        %dma_wait3A_118 = tpu.memref_slice %arg4[%dma_wait3A, %dma_wait3A_117] : memref<1250x128xi32, #tpu.memory_space<hbm>> -> memref<1x128xi32, #tpu.memory_space<hbm>>
        %dma_wait3A_119 = tpu.memref_squeeze %dma_wait3A_118 : memref<1x128xi32, #tpu.memory_space<hbm>> -> memref<128xi32, #tpu.memory_space<hbm>>
        %dma_wait3A_120 = arith.constant 0 : i32
        %dma_wait3A_121 = tpu.memref_slice %arg4[%dma_wait3A, %dma_wait3A_120] : memref<1250x128xi32, #tpu.memory_space<hbm>> -> memref<1x128xi32, #tpu.memory_space<hbm>>
        %dma_wait3A_122 = tpu.memref_squeeze %dma_wait3A_121 : memref<1x128xi32, #tpu.memory_space<hbm>> -> memref<128xi32, #tpu.memory_space<hbm>>
        tpu.wait_dma2 semaphore(%arg17 : memref<!tpu.dma_semaphore, #tpu.memory_space<semaphore_mem>>) src(%dma_wait3A_122 : memref<128xi32, #tpu.memory_space<hbm>>) dst(%arg9 : memref<128xi32, #tpu.memory_space<vmem>>)
        %dma_wait3A_123 = arith.constant 0 : i32
        %dma_wait3A_124 = arith.constant 0 : i32
        %dma_wait3A_125 = tpu.memref_slice %arg5[%dma_wait3A_123, %dma_wait3A_124] : memref<1250x128xi32, #tpu.memory_space<hbm>> -> memref<1x128xi32, #tpu.memory_space<hbm>>
        %dma_wait3A_126 = tpu.memref_squeeze %dma_wait3A_125 : memref<1x128xi32, #tpu.memory_space<hbm>> -> memref<128xi32, #tpu.memory_space<hbm>>
        %dma_wait3A_127 = arith.constant 0 : i32
        %dma_wait3A_128 = tpu.memref_slice %arg5[%dma_wait3A_123, %dma_wait3A_127] : memref<1250x128xi32, #tpu.memory_space<hbm>> -> memref<1x128xi32, #tpu.memory_space<hbm>>
        %dma_wait3A_129 = tpu.memref_squeeze %dma_wait3A_128 : memref<1x128xi32, #tpu.memory_space<hbm>> -> memref<128xi32, #tpu.memory_space<hbm>>
        tpu.wait_dma2 semaphore(%arg17 : memref<!tpu.dma_semaphore, #tpu.memory_space<semaphore_mem>>) src(%dma_wait3A_129 : memref<128xi32, #tpu.memory_space<hbm>>) dst(%arg11 : memref<128xi32, #tpu.memory_space<vmem>>)
        %ge3A = arith.constant 1 : i32
        %ge3A_130 = arith.cmpi sge, %mul3A_80, %ge3A : i32
        %convert_element_type3A_131 = arith.extui %ge3A_130 : i1 to i32
        %cond3A_132 = arith.constant 0 : i32
        %cond3A_133 = arith.cmpi ne, %convert_element_type3A_131, %cond3A_132 : i32
        scf.if %cond3A_133 {
          %dma_wait3A_139 = arith.constant 0 : i32
          %dma_wait3A_140 = arith.constant 0 : i32
          %dma_wait3A_141 = tpu.memref_slice %arg6[%dma_wait3A_139, %dma_wait3A_140] : memref<160000x256xf32, #tpu.memory_space<hbm>> -> memref<128x256xf32, #tpu.memory_space<hbm>>
          %dma_wait3A_142 = arith.constant 0 : i32
          %dma_wait3A_143 = arith.constant 0 : i32
          %dma_wait3A_144 = tpu.memref_slice %arg6[%dma_wait3A_142, %dma_wait3A_143] : memref<160000x256xf32, #tpu.memory_space<hbm>> -> memref<128x256xf32, #tpu.memory_space<hbm>>
          tpu.wait_dma2 semaphore(%arg21 : memref<!tpu.dma_semaphore, #tpu.memory_space<semaphore_mem>>) src(%arg13 : memref<128x256xf32, #tpu.memory_space<vmem>>) dst(%dma_wait3A_144 : memref<128x256xf32, #tpu.memory_space<hbm>>)
          %dma_wait3A_145 = arith.constant 0 : i32
          %dma_wait3A_146 = arith.constant 0 : i32
          %dma_wait3A_147 = tpu.memref_slice %arg7[%dma_wait3A_145, %dma_wait3A_146] : memref<160000x128xf32, #tpu.memory_space<hbm>> -> memref<128x128xf32, #tpu.memory_space<hbm>>
          %dma_wait3A_148 = arith.constant 0 : i32
          %dma_wait3A_149 = arith.constant 0 : i32
          %dma_wait3A_150 = tpu.memref_slice %arg7[%dma_wait3A_148, %dma_wait3A_149] : memref<160000x128xf32, #tpu.memory_space<hbm>> -> memref<128x128xf32, #tpu.memory_space<hbm>>
          tpu.wait_dma2 semaphore(%arg21 : memref<!tpu.dma_semaphore, #tpu.memory_space<semaphore_mem>>) src(%arg15 : memref<128x128xf32, #tpu.memory_space<vmem>>) dst(%dma_wait3A_150 : memref<128x128xf32, #tpu.memory_space<hbm>>)
        } else {
        }
        %dma_start3A = arith.constant 0 : i32
        %dma_start3A_134 = arith.constant 0 : i32
        %dma_start3A_135 = tpu.memref_slice %arg2[%dma_start3A, %dma_start3A_134] : memref<10000x256xf32, #tpu.memory_space<hbm>> -> memref<10000x256xf32, #tpu.memory_space<hbm>>
        tpu.enqueue_indirect_dma source(%dma_start3A_135 : memref<10000x256xf32, #tpu.memory_space<hbm>>) target(%arg13 : memref<128x256xf32, #tpu.memory_space<vmem>>) offsets(%arg9 : memref<128xi32, #tpu.memory_space<vmem>>) semaphore(%arg19 : memref<!tpu.dma_semaphore, #tpu.memory_space<semaphore_mem>>)
        %dma_start3A_136 = arith.constant 0 : i32
        %dma_start3A_137 = arith.constant 0 : i32
        %dma_start3A_138 = tpu.memref_slice %arg3[%dma_start3A_136, %dma_start3A_137] : memref<10000x128xf32, #tpu.memory_space<hbm>> -> memref<10000x128xf32, #tpu.memory_space<hbm>>
        tpu.enqueue_indirect_dma source(%dma_start3A_138 : memref<10000x128xf32, #tpu.memory_space<hbm>>) target(%arg15 : memref<128x128xf32, #tpu.memory_space<vmem>>) offsets(%arg11 : memref<128xi32, #tpu.memory_space<vmem>>) semaphore(%arg19 : memref<!tpu.dma_semaphore, #tpu.memory_space<semaphore_mem>>)
      } else {
      }
      %lt3A_86 = arith.cmpi slt, %mul3A_80, %select_n3A : i32
      %convert_element_type3A_87 = arith.extui %lt3A_86 : i1 to i32
      %cond3A_88 = arith.constant 0 : i32
      %cond3A_89 = arith.cmpi ne, %convert_element_type3A_87, %cond3A_88 : i32
      scf.if %cond3A_89 {
        %dma_wait3A = arith.constant 0 : i32
        %dma_wait3A_117 = arith.constant 0 : i32
        %dma_wait3A_118 = tpu.memref_slice %arg2[%dma_wait3A, %dma_wait3A_117] : memref<10000x256xf32, #tpu.memory_space<hbm>> -> memref<10000x256xf32, #tpu.memory_space<hbm>>
        tpu.wait_indirect_dma semaphore(%arg18 : memref<!tpu.dma_semaphore, #tpu.memory_space<semaphore_mem>>) src(%dma_wait3A_118 : memref<10000x256xf32, #tpu.memory_space<hbm>>) dst(%arg12 : memref<128x256xf32, #tpu.memory_space<vmem>>)
        %dma_wait3A_119 = arith.constant 0 : i32
        %dma_wait3A_120 = arith.constant 0 : i32
        %dma_wait3A_121 = tpu.memref_slice %arg3[%dma_wait3A_119, %dma_wait3A_120] : memref<10000x128xf32, #tpu.memory_space<hbm>> -> memref<10000x128xf32, #tpu.memory_space<hbm>>
        tpu.wait_indirect_dma semaphore(%arg18 : memref<!tpu.dma_semaphore, #tpu.memory_space<semaphore_mem>>) src(%dma_wait3A_121 : memref<10000x128xf32, #tpu.memory_space<hbm>>) dst(%arg14 : memref<128x128xf32, #tpu.memory_space<vmem>>)
        %mul3A_122 = arith.constant 32 : i32
        %mul3A_123 = arith.muli %mul3A_80, %mul3A_122 : i32
        %add3A_124 = arith.addi %add3A, %mul3A_123 : i32
        %mul3A_125 = arith.constant 128 : i32
        %mul3A_126 = arith.muli %add3A_124, %mul3A_125 : i32
        %dma_start3A = arith.constant 0 : i32
        %dma_start3A_127 = tpu.memref_slice %arg6[%mul3A_126, %dma_start3A] : memref<160000x256xf32, #tpu.memory_space<hbm>> -> memref<128x256xf32, #tpu.memory_space<hbm>>
        %dma_start3A_128 = arith.constant 0 : i32
        %dma_start3A_129 = tpu.memref_slice %arg6[%mul3A_126, %dma_start3A_128] : memref<160000x256xf32, #tpu.memory_space<hbm>> -> memref<128x256xf32, #tpu.memory_space<hbm>>
        tpu.enqueue_dma source(%arg12 : memref<128x256xf32, #tpu.memory_space<vmem>>) target(%dma_start3A_129 : memref<128x256xf32, #tpu.memory_space<hbm>>) target_semaphore(%arg20 : memref<!tpu.dma_semaphore, #tpu.memory_space<semaphore_mem>>)
        %dma_start3A_130 = arith.constant 0 : i32
        %dma_start3A_131 = tpu.memref_slice %arg7[%mul3A_126, %dma_start3A_130] : memref<160000x128xf32, #tpu.memory_space<hbm>> -> memref<128x128xf32, #tpu.memory_space<hbm>>
        %dma_start3A_132 = arith.constant 0 : i32
        %dma_start3A_133 = tpu.memref_slice %arg7[%mul3A_126, %dma_start3A_132] : memref<160000x128xf32, #tpu.memory_space<hbm>> -> memref<128x128xf32, #tpu.memory_space<hbm>>
        tpu.enqueue_dma source(%arg14 : memref<128x128xf32, #tpu.memory_space<vmem>>) target(%dma_start3A_133 : memref<128x128xf32, #tpu.memory_space<hbm>>) target_semaphore(%arg20 : memref<!tpu.dma_semaphore, #tpu.memory_space<semaphore_mem>>)
      } else {
      }
      %add3A_90 = arith.constant 2 : i32
      %add3A_91 = arith.addi %mul3A_80, %add3A_90 : i32
      %lt3A_92 = arith.cmpi slt, %add3A_91, %select_n3A : i32
      %convert_element_type3A_93 = arith.extui %lt3A_92 : i1 to i32
      %cond3A_94 = arith.constant 0 : i32
      %cond3A_95 = arith.cmpi ne, %convert_element_type3A_93, %cond3A_94 : i32
      scf.if %cond3A_95 {
        %add3A_117 = arith.constant 2 : i32
        %add3A_118 = arith.addi %mul3A_80, %add3A_117 : i32
        %mul3A_119 = arith.constant 32 : i32
        %mul3A_120 = arith.muli %add3A_118, %mul3A_119 : i32
        %add3A_121 = arith.addi %add3A, %mul3A_120 : i32
        %dma_start3A = arith.constant 0 : i32
        %dma_start3A_122 = tpu.memref_slice %arg4[%add3A_121, %dma_start3A] : memref<1250x128xi32, #tpu.memory_space<hbm>> -> memref<1x128xi32, #tpu.memory_space<hbm>>
        %dma_start3A_123 = tpu.memref_squeeze %dma_start3A_122 : memref<1x128xi32, #tpu.memory_space<hbm>> -> memref<128xi32, #tpu.memory_space<hbm>>
        %dma_start3A_124 = arith.constant 0 : i32
        %dma_start3A_125 = tpu.memref_slice %arg4[%add3A_121, %dma_start3A_124] : memref<1250x128xi32, #tpu.memory_space<hbm>> -> memref<1x128xi32, #tpu.memory_space<hbm>>
        %dma_start3A_126 = tpu.memref_squeeze %dma_start3A_125 : memref<1x128xi32, #tpu.memory_space<hbm>> -> memref<128xi32, #tpu.memory_space<hbm>>
        tpu.enqueue_dma source(%dma_start3A_126 : memref<128xi32, #tpu.memory_space<hbm>>) target(%arg8 : memref<128xi32, #tpu.memory_space<vmem>>) target_semaphore(%arg16 : memref<!tpu.dma_semaphore, #tpu.memory_space<semaphore_mem>>)
        %dma_start3A_127 = arith.constant 0 : i32
        %dma_start3A_128 = tpu.memref_slice %arg5[%add3A_121, %dma_start3A_127] : memref<1250x128xi32, #tpu.memory_space<hbm>> -> memref<1x128xi32, #tpu.memory_space<hbm>>
        %dma_start3A_129 = tpu.memref_squeeze %dma_start3A_128 : memref<1x128xi32, #tpu.memory_space<hbm>> -> memref<128xi32, #tpu.memory_space<hbm>>
        %dma_start3A_130 = arith.constant 0 : i32
        %dma_start3A_131 = tpu.memref_slice %arg5[%add3A_121, %dma_start3A_130] : memref<1250x128xi32, #tpu.memory_space<hbm>> -> memref<1x128xi32, #tpu.memory_space<hbm>>
        %dma_start3A_132 = tpu.memref_squeeze %dma_start3A_131 : memref<1x128xi32, #tpu.memory_space<hbm>> -> memref<128xi32, #tpu.memory_space<hbm>>
        tpu.enqueue_dma source(%dma_start3A_132 : memref<128xi32, #tpu.memory_space<hbm>>) target(%arg10 : memref<128xi32, #tpu.memory_space<vmem>>) target_semaphore(%arg16 : memref<!tpu.dma_semaphore, #tpu.memory_space<semaphore_mem>>)
      } else {
      }
      %mul3A_96 = arith.constant 2 : i32
      %mul3A_97 = arith.muli %mul3A_96, %while3A_77 : i32
      %add3A_98 = arith.constant 1 : i32
      %add3A_99 = arith.addi %mul3A_97, %add3A_98 : i32
      %add3A_100 = arith.constant 1 : i32
      %add3A_101 = arith.addi %add3A_99, %add3A_100 : i32
      %lt3A_102 = arith.cmpi slt, %add3A_101, %select_n3A : i32
      %convert_element_type3A_103 = arith.extui %lt3A_102 : i1 to i32
      %cond3A_104 = arith.constant 0 : i32
      %cond3A_105 = arith.cmpi ne, %convert_element_type3A_103, %cond3A_104 : i32
      scf.if %cond3A_105 {
        %dma_wait3A = arith.constant 0 : i32
        %dma_wait3A_117 = arith.constant 0 : i32
        %dma_wait3A_118 = tpu.memref_slice %arg4[%dma_wait3A, %dma_wait3A_117] : memref<1250x128xi32, #tpu.memory_space<hbm>> -> memref<1x128xi32, #tpu.memory_space<hbm>>
        %dma_wait3A_119 = tpu.memref_squeeze %dma_wait3A_118 : memref<1x128xi32, #tpu.memory_space<hbm>> -> memref<128xi32, #tpu.memory_space<hbm>>
        %dma_wait3A_120 = arith.constant 0 : i32
        %dma_wait3A_121 = tpu.memref_slice %arg4[%dma_wait3A, %dma_wait3A_120] : memref<1250x128xi32, #tpu.memory_space<hbm>> -> memref<1x128xi32, #tpu.memory_space<hbm>>
        %dma_wait3A_122 = tpu.memref_squeeze %dma_wait3A_121 : memref<1x128xi32, #tpu.memory_space<hbm>> -> memref<128xi32, #tpu.memory_space<hbm>>
        tpu.wait_dma2 semaphore(%arg16 : memref<!tpu.dma_semaphore, #tpu.memory_space<semaphore_mem>>) src(%dma_wait3A_122 : memref<128xi32, #tpu.memory_space<hbm>>) dst(%arg8 : memref<128xi32, #tpu.memory_space<vmem>>)
        %dma_wait3A_123 = arith.constant 0 : i32
        %dma_wait3A_124 = arith.constant 0 : i32
        %dma_wait3A_125 = tpu.memref_slice %arg5[%dma_wait3A_123, %dma_wait3A_124] : memref<1250x128xi32, #tpu.memory_space<hbm>> -> memref<1x128xi32, #tpu.memory_space<hbm>>
        %dma_wait3A_126 = tpu.memref_squeeze %dma_wait3A_125 : memref<1x128xi32, #tpu.memory_space<hbm>> -> memref<128xi32, #tpu.memory_space<hbm>>
        %dma_wait3A_127 = arith.constant 0 : i32
        %dma_wait3A_128 = tpu.memref_slice %arg5[%dma_wait3A_123, %dma_wait3A_127] : memref<1250x128xi32, #tpu.memory_space<hbm>> -> memref<1x128xi32, #tpu.memory_space<hbm>>
        %dma_wait3A_129 = tpu.memref_squeeze %dma_wait3A_128 : memref<1x128xi32, #tpu.memory_space<hbm>> -> memref<128xi32, #tpu.memory_space<hbm>>
        tpu.wait_dma2 semaphore(%arg16 : memref<!tpu.dma_semaphore, #tpu.memory_space<semaphore_mem>>) src(%dma_wait3A_129 : memref<128xi32, #tpu.memory_space<hbm>>) dst(%arg10 : memref<128xi32, #tpu.memory_space<vmem>>)
        %ge3A = arith.constant 1 : i32
        %ge3A_130 = arith.cmpi sge, %add3A_99, %ge3A : i32
        %convert_element_type3A_131 = arith.extui %ge3A_130 : i1 to i32
        %cond3A_132 = arith.constant 0 : i32
        %cond3A_133 = arith.cmpi ne, %convert_element_type3A_131, %cond3A_132 : i32
        scf.if %cond3A_133 {
          %dma_wait3A_139 = arith.constant 0 : i32
          %dma_wait3A_140 = arith.constant 0 : i32
          %dma_wait3A_141 = tpu.memref_slice %arg6[%dma_wait3A_139, %dma_wait3A_140] : memref<160000x256xf32, #tpu.memory_space<hbm>> -> memref<128x256xf32, #tpu.memory_space<hbm>>
          %dma_wait3A_142 = arith.constant 0 : i32
          %dma_wait3A_143 = arith.constant 0 : i32
          %dma_wait3A_144 = tpu.memref_slice %arg6[%dma_wait3A_142, %dma_wait3A_143] : memref<160000x256xf32, #tpu.memory_space<hbm>> -> memref<128x256xf32, #tpu.memory_space<hbm>>
          tpu.wait_dma2 semaphore(%arg20 : memref<!tpu.dma_semaphore, #tpu.memory_space<semaphore_mem>>) src(%arg12 : memref<128x256xf32, #tpu.memory_space<vmem>>) dst(%dma_wait3A_144 : memref<128x256xf32, #tpu.memory_space<hbm>>)
          %dma_wait3A_145 = arith.constant 0 : i32
          %dma_wait3A_146 = arith.constant 0 : i32
          %dma_wait3A_147 = tpu.memref_slice %arg7[%dma_wait3A_145, %dma_wait3A_146] : memref<160000x128xf32, #tpu.memory_space<hbm>> -> memref<128x128xf32, #tpu.memory_space<hbm>>
          %dma_wait3A_148 = arith.constant 0 : i32
          %dma_wait3A_149 = arith.constant 0 : i32
          %dma_wait3A_150 = tpu.memref_slice %arg7[%dma_wait3A_148, %dma_wait3A_149] : memref<160000x128xf32, #tpu.memory_space<hbm>> -> memref<128x128xf32, #tpu.memory_space<hbm>>
          tpu.wait_dma2 semaphore(%arg20 : memref<!tpu.dma_semaphore, #tpu.memory_space<semaphore_mem>>) src(%arg14 : memref<128x128xf32, #tpu.memory_space<vmem>>) dst(%dma_wait3A_150 : memref<128x128xf32, #tpu.memory_space<hbm>>)
        } else {
        }
        %dma_start3A = arith.constant 0 : i32
        %dma_start3A_134 = arith.constant 0 : i32
        %dma_start3A_135 = tpu.memref_slice %arg2[%dma_start3A, %dma_start3A_134] : memref<10000x256xf32, #tpu.memory_space<hbm>> -> memref<10000x256xf32, #tpu.memory_space<hbm>>
        tpu.enqueue_indirect_dma source(%dma_start3A_135 : memref<10000x256xf32, #tpu.memory_space<hbm>>) target(%arg12 : memref<128x256xf32, #tpu.memory_space<vmem>>) offsets(%arg8 : memref<128xi32, #tpu.memory_space<vmem>>) semaphore(%arg18 : memref<!tpu.dma_semaphore, #tpu.memory_space<semaphore_mem>>)
        %dma_start3A_136 = arith.constant 0 : i32
        %dma_start3A_137 = arith.constant 0 : i32
        %dma_start3A_138 = tpu.memref_slice %arg3[%dma_start3A_136, %dma_start3A_137] : memref<10000x128xf32, #tpu.memory_space<hbm>> -> memref<10000x128xf32, #tpu.memory_space<hbm>>
        tpu.enqueue_indirect_dma source(%dma_start3A_138 : memref<10000x128xf32, #tpu.memory_space<hbm>>) target(%arg14 : memref<128x128xf32, #tpu.memory_space<vmem>>) offsets(%arg10 : memref<128xi32, #tpu.memory_space<vmem>>) semaphore(%arg18 : memref<!tpu.dma_semaphore, #tpu.memory_space<semaphore_mem>>)
      } else {
      }
      %lt3A_106 = arith.cmpi slt, %add3A_99, %select_n3A : i32
      %convert_element_type3A_107 = arith.extui %lt3A_106 : i1 to i32
      %cond3A_108 = arith.constant 0 : i32
      %cond3A_109 = arith.cmpi ne, %convert_element_type3A_107, %cond3A_108 : i32
      scf.if %cond3A_109 {
        %dma_wait3A = arith.constant 0 : i32
        %dma_wait3A_117 = arith.constant 0 : i32
        %dma_wait3A_118 = tpu.memref_slice %arg2[%dma_wait3A, %dma_wait3A_117] : memref<10000x256xf32, #tpu.memory_space<hbm>> -> memref<10000x256xf32, #tpu.memory_space<hbm>>
        tpu.wait_indirect_dma semaphore(%arg19 : memref<!tpu.dma_semaphore, #tpu.memory_space<semaphore_mem>>) src(%dma_wait3A_118 : memref<10000x256xf32, #tpu.memory_space<hbm>>) dst(%arg13 : memref<128x256xf32, #tpu.memory_space<vmem>>)
        %dma_wait3A_119 = arith.constant 0 : i32
        %dma_wait3A_120 = arith.constant 0 : i32
        %dma_wait3A_121 = tpu.memref_slice %arg3[%dma_wait3A_119, %dma_wait3A_120] : memref<10000x128xf32, #tpu.memory_space<hbm>> -> memref<10000x128xf32, #tpu.memory_space<hbm>>
        tpu.wait_indirect_dma semaphore(%arg19 : memref<!tpu.dma_semaphore, #tpu.memory_space<semaphore_mem>>) src(%dma_wait3A_121 : memref<10000x128xf32, #tpu.memory_space<hbm>>) dst(%arg15 : memref<128x128xf32, #tpu.memory_space<vmem>>)
        %mul3A_122 = arith.constant 32 : i32
        %mul3A_123 = arith.muli %add3A_99, %mul3A_122 : i32
        %add3A_124 = arith.addi %add3A, %mul3A_123 : i32
        %mul3A_125 = arith.constant 128 : i32
        %mul3A_126 = arith.muli %add3A_124, %mul3A_125 : i32
        %dma_start3A = arith.constant 0 : i32
        %dma_start3A_127 = tpu.memref_slice %arg6[%mul3A_126, %dma_start3A] : memref<160000x256xf32, #tpu.memory_space<hbm>> -> memref<128x256xf32, #tpu.memory_space<hbm>>
        %dma_start3A_128 = arith.constant 0 : i32
        %dma_start3A_129 = tpu.memref_slice %arg6[%mul3A_126, %dma_start3A_128] : memref<160000x256xf32, #tpu.memory_space<hbm>> -> memref<128x256xf32, #tpu.memory_space<hbm>>
        tpu.enqueue_dma source(%arg13 : memref<128x256xf32, #tpu.memory_space<vmem>>) target(%dma_start3A_129 : memref<128x256xf32, #tpu.memory_space<hbm>>) target_semaphore(%arg21 : memref<!tpu.dma_semaphore, #tpu.memory_space<semaphore_mem>>)
        %dma_start3A_130 = arith.constant 0 : i32
        %dma_start3A_131 = tpu.memref_slice %arg7[%mul3A_126, %dma_start3A_130] : memref<160000x128xf32, #tpu.memory_space<hbm>> -> memref<128x128xf32, #tpu.memory_space<hbm>>
        %dma_start3A_132 = arith.constant 0 : i32
        %dma_start3A_133 = tpu.memref_slice %arg7[%mul3A_126, %dma_start3A_132] : memref<160000x128xf32, #tpu.memory_space<hbm>> -> memref<128x128xf32, #tpu.memory_space<hbm>>
        tpu.enqueue_dma source(%arg15 : memref<128x128xf32, #tpu.memory_space<vmem>>) target(%dma_start3A_133 : memref<128x128xf32, #tpu.memory_space<hbm>>) target_semaphore(%arg21 : memref<!tpu.dma_semaphore, #tpu.memory_space<semaphore_mem>>)
      } else {
      }
      %add3A_110 = arith.constant 2 : i32
      %add3A_111 = arith.addi %add3A_99, %add3A_110 : i32
      %lt3A_112 = arith.cmpi slt, %add3A_111, %select_n3A : i32
      %convert_element_type3A_113 = arith.extui %lt3A_112 : i1 to i32
      %cond3A_114 = arith.constant 0 : i32
      %cond3A_115 = arith.cmpi ne, %convert_element_type3A_113, %cond3A_114 : i32
      scf.if %cond3A_115 {
        %add3A_117 = arith.constant 2 : i32
        %add3A_118 = arith.addi %add3A_99, %add3A_117 : i32
        %mul3A_119 = arith.constant 32 : i32
        %mul3A_120 = arith.muli %add3A_118, %mul3A_119 : i32
        %add3A_121 = arith.addi %add3A, %mul3A_120 : i32
        %dma_start3A = arith.constant 0 : i32
        %dma_start3A_122 = tpu.memref_slice %arg4[%add3A_121, %dma_start3A] : memref<1250x128xi32, #tpu.memory_space<hbm>> -> memref<1x128xi32, #tpu.memory_space<hbm>>
        %dma_start3A_123 = tpu.memref_squeeze %dma_start3A_122 : memref<1x128xi32, #tpu.memory_space<hbm>> -> memref<128xi32, #tpu.memory_space<hbm>>
        %dma_start3A_124 = arith.constant 0 : i32
        %dma_start3A_125 = tpu.memref_slice %arg4[%add3A_121, %dma_start3A_124] : memref<1250x128xi32, #tpu.memory_space<hbm>> -> memref<1x128xi32, #tpu.memory_space<hbm>>
        %dma_start3A_126 = tpu.memref_squeeze %dma_start3A_125 : memref<1x128xi32, #tpu.memory_space<hbm>> -> memref<128xi32, #tpu.memory_space<hbm>>
        tpu.enqueue_dma source(%dma_start3A_126 : memref<128xi32, #tpu.memory_space<hbm>>) target(%arg9 : memref<128xi32, #tpu.memory_space<vmem>>) target_semaphore(%arg17 : memref<!tpu.dma_semaphore, #tpu.memory_space<semaphore_mem>>)
        %dma_start3A_127 = arith.constant 0 : i32
        %dma_start3A_128 = tpu.memref_slice %arg5[%add3A_121, %dma_start3A_127] : memref<1250x128xi32, #tpu.memory_space<hbm>> -> memref<1x128xi32, #tpu.memory_space<hbm>>
        %dma_start3A_129 = tpu.memref_squeeze %dma_start3A_128 : memref<1x128xi32, #tpu.memory_space<hbm>> -> memref<128xi32, #tpu.memory_space<hbm>>
        %dma_start3A_130 = arith.constant 0 : i32
        %dma_start3A_131 = tpu.memref_slice %arg5[%add3A_121, %dma_start3A_130] : memref<1250x128xi32, #tpu.memory_space<hbm>> -> memref<1x128xi32, #tpu.memory_space<hbm>>
        %dma_start3A_132 = tpu.memref_squeeze %dma_start3A_131 : memref<1x128xi32, #tpu.memory_space<hbm>> -> memref<128xi32, #tpu.memory_space<hbm>>
        tpu.enqueue_dma source(%dma_start3A_132 : memref<128xi32, #tpu.memory_space<hbm>>) target(%arg11 : memref<128xi32, #tpu.memory_space<vmem>>) target_semaphore(%arg17 : memref<!tpu.dma_semaphore, #tpu.memory_space<semaphore_mem>>)
      } else {
      }
      %while3A_116 = arith.constant 0 : i32
      scf.yield %while3A_116 : i32
    }
    %gt3A_67 = arith.constant 1 : i32
    %gt3A_68 = arith.cmpi sgt, %select_n3A, %gt3A_67 : i32
    %convert_element_type3A_69 = arith.extui %gt3A_68 : i1 to i32
    %cond3A_70 = arith.constant 0 : i32
    %cond3A_71 = arith.cmpi ne, %convert_element_type3A_69, %cond3A_70 : i32
    scf.if %cond3A_71 {
      %dma_wait3A = arith.constant 0 : i32
      %dma_wait3A_77 = arith.constant 0 : i32
      %dma_wait3A_78 = tpu.memref_slice %arg6[%dma_wait3A, %dma_wait3A_77] : memref<160000x256xf32, #tpu.memory_space<hbm>> -> memref<128x256xf32, #tpu.memory_space<hbm>>
      %dma_wait3A_79 = arith.constant 0 : i32
      %dma_wait3A_80 = arith.constant 0 : i32
      %dma_wait3A_81 = tpu.memref_slice %arg6[%dma_wait3A_79, %dma_wait3A_80] : memref<160000x256xf32, #tpu.memory_space<hbm>> -> memref<128x256xf32, #tpu.memory_space<hbm>>
      tpu.wait_dma2 semaphore(%arg21 : memref<!tpu.dma_semaphore, #tpu.memory_space<semaphore_mem>>) src(%arg13 : memref<128x256xf32, #tpu.memory_space<vmem>>) dst(%dma_wait3A_81 : memref<128x256xf32, #tpu.memory_space<hbm>>)
      %dma_wait3A_82 = arith.constant 0 : i32
      %dma_wait3A_83 = arith.constant 0 : i32
      %dma_wait3A_84 = tpu.memref_slice %arg7[%dma_wait3A_82, %dma_wait3A_83] : memref<160000x128xf32, #tpu.memory_space<hbm>> -> memref<128x128xf32, #tpu.memory_space<hbm>>
      %dma_wait3A_85 = arith.constant 0 : i32
      %dma_wait3A_86 = arith.constant 0 : i32
      %dma_wait3A_87 = tpu.memref_slice %arg7[%dma_wait3A_85, %dma_wait3A_86] : memref<160000x128xf32, #tpu.memory_space<hbm>> -> memref<128x128xf32, #tpu.memory_space<hbm>>
      tpu.wait_dma2 semaphore(%arg21 : memref<!tpu.dma_semaphore, #tpu.memory_space<semaphore_mem>>) src(%arg15 : memref<128x128xf32, #tpu.memory_space<vmem>>) dst(%dma_wait3A_87 : memref<128x128xf32, #tpu.memory_space<hbm>>)
    } else {
    }
    %gt3A_72 = arith.constant 0 : i32
    %gt3A_73 = arith.cmpi sgt, %select_n3A, %gt3A_72 : i32
    %convert_element_type3A_74 = arith.extui %gt3A_73 : i1 to i32
    %cond3A_75 = arith.constant 0 : i32
    %cond3A_76 = arith.cmpi ne, %convert_element_type3A_74, %cond3A_75 : i32
    scf.if %cond3A_76 {
      %dma_wait3A = arith.constant 0 : i32
      %dma_wait3A_77 = arith.constant 0 : i32
      %dma_wait3A_78 = tpu.memref_slice %arg6[%dma_wait3A, %dma_wait3A_77] : memref<160000x256xf32, #tpu.memory_space<hbm>> -> memref<128x256xf32, #tpu.memory_space<hbm>>
      %dma_wait3A_79 = arith.constant 0 : i32
      %dma_wait3A_80 = arith.constant 0 : i32
      %dma_wait3A_81 = tpu.memref_slice %arg6[%dma_wait3A_79, %dma_wait3A_80] : memref<160000x256xf32, #tpu.memory_space<hbm>> -> memref<128x256xf32, #tpu.memory_space<hbm>>
      tpu.wait_dma2 semaphore(%arg20 : memref<!tpu.dma_semaphore, #tpu.memory_space<semaphore_mem>>) src(%arg12 : memref<128x256xf32, #tpu.memory_space<vmem>>) dst(%dma_wait3A_81 : memref<128x256xf32, #tpu.memory_space<hbm>>)
      %dma_wait3A_82 = arith.constant 0 : i32
      %dma_wait3A_83 = arith.constant 0 : i32
      %dma_wait3A_84 = tpu.memref_slice %arg7[%dma_wait3A_82, %dma_wait3A_83] : memref<160000x128xf32, #tpu.memory_space<hbm>> -> memref<128x128xf32, #tpu.memory_space<hbm>>
      %dma_wait3A_85 = arith.constant 0 : i32
      %dma_wait3A_86 = arith.constant 0 : i32
      %dma_wait3A_87 = tpu.memref_slice %arg7[%dma_wait3A_85, %dma_wait3A_86] : memref<160000x128xf32, #tpu.memory_space<hbm>> -> memref<128x128xf32, #tpu.memory_space<hbm>>
      tpu.wait_dma2 semaphore(%arg20 : memref<!tpu.dma_semaphore, #tpu.memory_space<semaphore_mem>>) src(%arg14 : memref<128x128xf32, #tpu.memory_space<vmem>>) dst(%dma_wait3A_87 : memref<128x128xf32, #tpu.memory_space<hbm>>)
    } else {
    }
    return
  }
}

module attributes {stable_mosaic.version = 14 : i64} {
  func.func @_mm_body(%arg0: i32, %arg1: memref<2000x128xf32, #tpu.memory_space<vmem>>, %arg2: memref<128x256xf32, #tpu.memory_space<vmem>>, %arg3: memref<1x256xf32, #tpu.memory_space<vmem>>, %arg4: memref<2000x256xf32, #tpu.memory_space<vmem>>) attributes {dimension_semantics = [#tpu.dimension_semantics<arbitrary>], iteration_bounds = array<i64: 5>, scalar_prefetch = 0 : i64, scratch_operands = 0 : i64, tpu.core_type = #tpu.core_type<tc>, window_params = [{transform_indices = @transform_0, window_bounds = array<i64: 2000, 128>}, {pipeline_mode = #tpu.pipeline_mode<synchronous>, transform_indices = @transform_1, window_bounds = array<i64: 128, 256>}, {pipeline_mode = #tpu.pipeline_mode<synchronous>, transform_indices = @transform_2, window_bounds = array<i64: 1, 256>}, {transform_indices = @transform_3, window_bounds = array<i64: 2000, 256>}]} {
    %get3A = arith.constant 0 : index
    %get3A_0 = arith.constant 0 : index
    %get3A_1 = vector.load %arg1[%get3A, %get3A_0] : memref<2000x128xf32, #tpu.memory_space<vmem>>, vector<2000x128xf32>
    %get3A_2 = arith.constant 0 : index
    %get3A_3 = arith.constant 0 : index
    %get3A_4 = vector.load %arg2[%get3A_2, %get3A_3] : memref<128x256xf32, #tpu.memory_space<vmem>>, vector<128x256xf32>
    %dot_general3A = arith.constant dense<0.000000e+00> : vector<2000x256xf32>
    %dot_general3A_5 = tpu.matmul %get3A_1, %get3A_4, %dot_general3A {dimension_numbers = #tpu.dot_dimension_numbers<[1], [0], [0], [1], [0, 0, 1, 1], [], []>, transpose_lhs_hint = false} : vector<2000x128xf32>, vector<128x256xf32>, vector<2000x256xf32> -> vector<2000x256xf32>
    %get3A_6 = arith.constant 0 : index
    %get3A_7 = arith.constant 0 : index
    %get3A_8 = vector.load %arg3[%get3A_6, %get3A_7] : memref<1x256xf32, #tpu.memory_space<vmem>>, vector<1x256xf32>
    %add3A = vector.broadcast %get3A_8 : vector<1x256xf32> to vector<2000x256xf32>
    %add3A_9 = arith.addf %dot_general3A_5, %add3A : vector<2000x256xf32>
    %swap3A = arith.constant 0 : index
    %swap3A_10 = arith.constant 0 : index
    %swap3A_11 = vector.load %arg4[%swap3A, %swap3A_10] : memref<2000x256xf32, #tpu.memory_space<vmem>>, vector<2000x256xf32>
    tpu.vector_store %arg4[%swap3A, %swap3A_10], %add3A_9 {strides = array<i32>} : memref<2000x256xf32, #tpu.memory_space<vmem>>, vector<2000x256xf32>,
    return
  }
  func.func @transform_0(%arg0: i32) -> (i32, i32) {
    %c0_i32 = arith.constant 0 : i32
    %c0_i32_0 = arith.constant 0 : i32
    return %arg0, %c0_i32 : i32, i32
  }
  func.func @transform_1(%arg0: i32) -> (i32, i32) {
    %c0_i32 = arith.constant 0 : i32
    %c0_i32_0 = arith.constant 0 : i32
    %c0_i32_1 = arith.constant 0 : i32
    return %c0_i32, %c0_i32_0 : i32, i32
  }
  func.func @transform_2(%arg0: i32) -> (i32, i32) {
    %c0_i32 = arith.constant 0 : i32
    %c0_i32_0 = arith.constant 0 : i32
    %c0_i32_1 = arith.constant 0 : i32
    return %c0_i32, %c0_i32_0 : i32, i32
  }
  func.func @transform_3(%arg0: i32) -> (i32, i32) {
    %c0_i32 = arith.constant 0 : i32
    %c0_i32_0 = arith.constant 0 : i32
    return %arg0, %c0_i32 : i32, i32
  }
}

module attributes {stable_mosaic.version = 14 : i64} {
  func.func @_mm_body(%arg0: i32, %arg1: memref<2000x128xf32, #tpu.memory_space<vmem>>, %arg2: memref<128x128xf32, #tpu.memory_space<vmem>>, %arg3: memref<1x128xf32, #tpu.memory_space<vmem>>, %arg4: memref<2000x128xf32, #tpu.memory_space<vmem>>) attributes {dimension_semantics = [#tpu.dimension_semantics<arbitrary>], iteration_bounds = array<i64: 5>, scalar_prefetch = 0 : i64, scratch_operands = 0 : i64, tpu.core_type = #tpu.core_type<tc>, window_params = [{transform_indices = @transform_0, window_bounds = array<i64: 2000, 128>}, {pipeline_mode = #tpu.pipeline_mode<synchronous>, transform_indices = @transform_1, window_bounds = array<i64: 128, 128>}, {pipeline_mode = #tpu.pipeline_mode<synchronous>, transform_indices = @transform_2, window_bounds = array<i64: 1, 128>}, {transform_indices = @transform_3, window_bounds = array<i64: 2000, 128>}]} {
    %get3A = arith.constant 0 : index
    %get3A_0 = arith.constant 0 : index
    %get3A_1 = vector.load %arg1[%get3A, %get3A_0] : memref<2000x128xf32, #tpu.memory_space<vmem>>, vector<2000x128xf32>
    %get3A_2 = arith.constant 0 : index
    %get3A_3 = arith.constant 0 : index
    %get3A_4 = vector.load %arg2[%get3A_2, %get3A_3] : memref<128x128xf32, #tpu.memory_space<vmem>>, vector<128x128xf32>
    %dot_general3A = arith.constant dense<0.000000e+00> : vector<2000x128xf32>
    %dot_general3A_5 = tpu.matmul %get3A_1, %get3A_4, %dot_general3A {dimension_numbers = #tpu.dot_dimension_numbers<[1], [0], [0], [1], [0, 0, 1, 1], [], []>, transpose_lhs_hint = false} : vector<2000x128xf32>, vector<128x128xf32>, vector<2000x128xf32> -> vector<2000x128xf32>
    %get3A_6 = arith.constant 0 : index
    %get3A_7 = arith.constant 0 : index
    %get3A_8 = vector.load %arg3[%get3A_6, %get3A_7] : memref<1x128xf32, #tpu.memory_space<vmem>>, vector<1x128xf32>
    %add3A = vector.broadcast %get3A_8 : vector<1x128xf32> to vector<2000x128xf32>
    %add3A_9 = arith.addf %dot_general3A_5, %add3A : vector<2000x128xf32>
    %swap3A = arith.constant 0 : index
    %swap3A_10 = arith.constant 0 : index
    %swap3A_11 = vector.load %arg4[%swap3A, %swap3A_10] : memref<2000x128xf32, #tpu.memory_space<vmem>>, vector<2000x128xf32>
    tpu.vector_store %arg4[%swap3A, %swap3A_10], %add3A_9 {strides = array<i32>} : memref<2000x128xf32, #tpu.memory_space<vmem>>, vector<2000x128xf32>,
    return
  }
  func.func @transform_0(%arg0: i32) -> (i32, i32) {
    %c0_i32 = arith.constant 0 : i32
    %c0_i32_0 = arith.constant 0 : i32
    return %arg0, %c0_i32 : i32, i32
  }
  func.func @transform_1(%arg0: i32) -> (i32, i32) {
    %c0_i32 = arith.constant 0 : i32
    %c0_i32_0 = arith.constant 0 : i32
    %c0_i32_1 = arith.constant 0 : i32
    return %c0_i32, %c0_i32_0 : i32, i32
  }
  func.func @transform_2(%arg0: i32) -> (i32, i32) {
    %c0_i32 = arith.constant 0 : i32
    %c0_i32_0 = arith.constant 0 : i32
    %c0_i32_1 = arith.constant 0 : i32
    return %c0_i32, %c0_i32_0 : i32, i32
  }
  func.func @transform_3(%arg0: i32) -> (i32, i32) {
    %c0_i32 = arith.constant 0 : i32
    %c0_i32_0 = arith.constant 0 : i32
    return %arg0, %c0_i32 : i32, i32
  }
}

module attributes {stable_mosaic.version = 14 : i64} {
  func.func @_edge_stage_body(%arg0: i32, %arg1: memref<2000x256xf32, #tpu.memory_space<vmem>>, %arg2: memref<2000x128xf32, #tpu.memory_space<vmem>>, %arg3: memref<2000x128xf32, #tpu.memory_space<vmem>>, %arg4: memref<128x128xf32, #tpu.memory_space<vmem>>, %arg5: memref<1x128xf32, #tpu.memory_space<vmem>>, %arg6: memref<2000x128xf32, #tpu.memory_space<vmem>>, %arg7: memref<2000x256xf32, #tpu.memory_space<vmem>>) attributes {dimension_semantics = [#tpu.dimension_semantics<arbitrary>], iteration_bounds = array<i64: 80>, scalar_prefetch = 0 : i64, scratch_operands = 0 : i64, tpu.core_type = #tpu.core_type<tc>, window_params = [{transform_indices = @transform_0, window_bounds = array<i64: 2000, 256>}, {transform_indices = @transform_1, window_bounds = array<i64: 2000, 128>}, {transform_indices = @transform_2, window_bounds = array<i64: 2000, 128>}, {pipeline_mode = #tpu.pipeline_mode<synchronous>, transform_indices = @transform_3, window_bounds = array<i64: 128, 128>}, {pipeline_mode = #tpu.pipeline_mode<synchronous>, transform_indices = @transform_4, window_bounds = array<i64: 1, 128>}, {transform_indices = @transform_5, window_bounds = array<i64: 2000, 128>}, {transform_indices = @transform_6, window_bounds = array<i64: 2000, 256>}]} {
    %get3A = arith.constant 0 : index
    %get3A_0 = arith.constant 0 : index
    %get3A_1 = vector.load %arg3[%get3A, %get3A_0] : memref<2000x128xf32, #tpu.memory_space<vmem>>, vector<2000x128xf32>
    %get3A_2 = arith.constant 0 : index
    %get3A_3 = arith.constant 0 : index
    %get3A_4 = vector.load %arg4[%get3A_2, %get3A_3] : memref<128x128xf32, #tpu.memory_space<vmem>>, vector<128x128xf32>
    %dot_general3A = arith.constant dense<0.000000e+00> : vector<2000x128xf32>
    %dot_general3A_5 = tpu.matmul %get3A_1, %get3A_4, %dot_general3A {dimension_numbers = #tpu.dot_dimension_numbers<[1], [0], [0], [1], [0, 0, 1, 1], [], []>, transpose_lhs_hint = false} : vector<2000x128xf32>, vector<128x128xf32>, vector<2000x128xf32> -> vector<2000x128xf32>
    %get3A_6 = arith.constant 0 : index
    %get3A_7 = arith.constant 0 : index
    %get3A_8 = vector.load %arg5[%get3A_6, %get3A_7] : memref<1x128xf32, #tpu.memory_space<vmem>>, vector<1x128xf32>
    %add3A = vector.broadcast %get3A_8 : vector<1x128xf32> to vector<2000x128xf32>
    %add3A_9 = arith.addf %dot_general3A_5, %add3A : vector<2000x128xf32>
    %get3A_10 = arith.constant 0 : index
    %get3A_11 = arith.constant 0 : index
    %get3A_12 = vector.load %arg1[%get3A_10, %get3A_11] : memref<2000x256xf32, #tpu.memory_space<vmem>>, vector<2000x128xf32>
    %get3A_13 = arith.constant 0 : index
    %get3A_14 = arith.constant 128 : index
    %get3A_15 = vector.load %arg1[%get3A_13, %get3A_14] : memref<2000x256xf32, #tpu.memory_space<vmem>>, vector<2000x128xf32>
    %get3A_16 = arith.constant 0 : index
    %get3A_17 = arith.constant 0 : index
    %get3A_18 = vector.load %arg2[%get3A_16, %get3A_17] : memref<2000x128xf32, #tpu.memory_space<vmem>>, vector<2000x128xf32>
    %add3A_19 = arith.addf %get3A_12, %get3A_18 : vector<2000x128xf32>
    %add3A_20 = arith.addf %add3A_19, %add3A_9 : vector<2000x128xf32>
    %logistic3A = arith.negf %add3A_20 : vector<2000x128xf32>
    %logistic3A_21 = math.exp %logistic3A : vector<2000x128xf32>
    %logistic3A_22 = arith.constant 1.000000e+00 : f32
    %logistic3A_23 = vector.broadcast %logistic3A_22 : f32 to vector<2000x128xf32>
    %logistic3A_24 = arith.addf %logistic3A_23, %logistic3A_21 : vector<2000x128xf32>
    %logistic3A_25 = arith.divf %logistic3A_23, %logistic3A_24 : vector<2000x128xf32>
    %max3A = arith.constant 0.000000e+00 : f32
    %max3A_26 = vector.broadcast %max3A : f32 to vector<2000x128xf32>
    %max3A_27 = arith.maximumf %add3A_20, %max3A_26 : vector<2000x128xf32>
    %swap3A = arith.constant 0 : index
    %swap3A_28 = arith.constant 0 : index
    %swap3A_29 = vector.load %arg6[%swap3A, %swap3A_28] : memref<2000x128xf32, #tpu.memory_space<vmem>>, vector<2000x128xf32>
    tpu.vector_store %arg6[%swap3A, %swap3A_28], %max3A_27 {strides = array<i32>} : memref<2000x128xf32, #tpu.memory_space<vmem>>, vector<2000x128xf32>,
    %mul3A = arith.mulf %logistic3A_25, %get3A_15 : vector<2000x128xf32>
    %swap3A_30 = arith.constant 0 : index
    %swap3A_31 = arith.constant 0 : index
    %swap3A_32 = vector.load %arg7[%swap3A_30, %swap3A_31] : memref<2000x256xf32, #tpu.memory_space<vmem>>, vector<2000x128xf32>
    tpu.vector_store %arg7[%swap3A_30, %swap3A_31], %mul3A {strides = array<i32>} : memref<2000x256xf32, #tpu.memory_space<vmem>>, vector<2000x128xf32>,
    %swap3A_33 = arith.constant 0 : index
    %swap3A_34 = arith.constant 128 : index
    %swap3A_35 = vector.load %arg7[%swap3A_33, %swap3A_34] : memref<2000x256xf32, #tpu.memory_space<vmem>>, vector<2000x128xf32>
    tpu.vector_store %arg7[%swap3A_33, %swap3A_34], %logistic3A_25 {strides = array<i32>} : memref<2000x256xf32, #tpu.memory_space<vmem>>, vector<2000x128xf32>,
    return
  }
  func.func @transform_0(%arg0: i32) -> (i32, i32) {
    %c0_i32 = arith.constant 0 : i32
    %c0_i32_0 = arith.constant 0 : i32
    return %arg0, %c0_i32 : i32, i32
  }
  func.func @transform_1(%arg0: i32) -> (i32, i32) {
    %c0_i32 = arith.constant 0 : i32
    %c0_i32_0 = arith.constant 0 : i32
    return %arg0, %c0_i32 : i32, i32
  }
  func.func @transform_2(%arg0: i32) -> (i32, i32) {
    %c0_i32 = arith.constant 0 : i32
    %c0_i32_0 = arith.constant 0 : i32
    return %arg0, %c0_i32 : i32, i32
  }
  func.func @transform_3(%arg0: i32) -> (i32, i32) {
    %c0_i32 = arith.constant 0 : i32
    %c0_i32_0 = arith.constant 0 : i32
    %c0_i32_1 = arith.constant 0 : i32
    return %c0_i32, %c0_i32_0 : i32, i32
  }
  func.func @transform_4(%arg0: i32) -> (i32, i32) {
    %c0_i32 = arith.constant 0 : i32
    %c0_i32_0 = arith.constant 0 : i32
    %c0_i32_1 = arith.constant 0 : i32
    return %c0_i32, %c0_i32_0 : i32, i32
  }
  func.func @transform_5(%arg0: i32) -> (i32, i32) {
    %c0_i32 = arith.constant 0 : i32
    %c0_i32_0 = arith.constant 0 : i32
    return %arg0, %c0_i32 : i32, i32
  }
  func.func @transform_6(%arg0: i32) -> (i32, i32) {
    %c0_i32 = arith.constant 0 : i32
    %c0_i32_0 = arith.constant 0 : i32
    return %arg0, %c0_i32 : i32, i32
  }
}

module attributes {stable_mosaic.version = 14 : i64} {
  func.func @_mm_body(%arg0: i32, %arg1: memref<2000x128xf32, #tpu.memory_space<vmem>>, %arg2: memref<128x256xf32, #tpu.memory_space<vmem>>, %arg3: memref<1x256xf32, #tpu.memory_space<vmem>>, %arg4: memref<2000x256xf32, #tpu.memory_space<vmem>>) attributes {dimension_semantics = [#tpu.dimension_semantics<arbitrary>], iteration_bounds = array<i64: 80>, scalar_prefetch = 0 : i64, scratch_operands = 0 : i64, tpu.core_type = #tpu.core_type<tc>, window_params = [{transform_indices = @transform_0, window_bounds = array<i64: 2000, 128>}, {pipeline_mode = #tpu.pipeline_mode<synchronous>, transform_indices = @transform_1, window_bounds = array<i64: 128, 256>}, {pipeline_mode = #tpu.pipeline_mode<synchronous>, transform_indices = @transform_2, window_bounds = array<i64: 1, 256>}, {transform_indices = @transform_3, window_bounds = array<i64: 2000, 256>}]} {
    %get3A = arith.constant 0 : index
    %get3A_0 = arith.constant 0 : index
    %get3A_1 = vector.load %arg1[%get3A, %get3A_0] : memref<2000x128xf32, #tpu.memory_space<vmem>>, vector<2000x128xf32>
    %get3A_2 = arith.constant 0 : index
    %get3A_3 = arith.constant 0 : index
    %get3A_4 = vector.load %arg2[%get3A_2, %get3A_3] : memref<128x256xf32, #tpu.memory_space<vmem>>, vector<128x256xf32>
    %dot_general3A = arith.constant dense<0.000000e+00> : vector<2000x256xf32>
    %dot_general3A_5 = tpu.matmul %get3A_1, %get3A_4, %dot_general3A {dimension_numbers = #tpu.dot_dimension_numbers<[1], [0], [0], [1], [0, 0, 1, 1], [], []>, transpose_lhs_hint = false} : vector<2000x128xf32>, vector<128x256xf32>, vector<2000x256xf32> -> vector<2000x256xf32>
    %get3A_6 = arith.constant 0 : index
    %get3A_7 = arith.constant 0 : index
    %get3A_8 = vector.load %arg3[%get3A_6, %get3A_7] : memref<1x256xf32, #tpu.memory_space<vmem>>, vector<1x256xf32>
    %add3A = vector.broadcast %get3A_8 : vector<1x256xf32> to vector<2000x256xf32>
    %add3A_9 = arith.addf %dot_general3A_5, %add3A : vector<2000x256xf32>
    %swap3A = arith.constant 0 : index
    %swap3A_10 = arith.constant 0 : index
    %swap3A_11 = vector.load %arg4[%swap3A, %swap3A_10] : memref<2000x256xf32, #tpu.memory_space<vmem>>, vector<2000x256xf32>
    tpu.vector_store %arg4[%swap3A, %swap3A_10], %add3A_9 {strides = array<i32>} : memref<2000x256xf32, #tpu.memory_space<vmem>>, vector<2000x256xf32>,
    return
  }
  func.func @transform_0(%arg0: i32) -> (i32, i32) {
    %c0_i32 = arith.constant 0 : i32
    %c0_i32_0 = arith.constant 0 : i32
    return %arg0, %c0_i32 : i32, i32
  }
  func.func @transform_1(%arg0: i32) -> (i32, i32) {
    %c0_i32 = arith.constant 0 : i32
    %c0_i32_0 = arith.constant 0 : i32
    %c0_i32_1 = arith.constant 0 : i32
    return %c0_i32, %c0_i32_0 : i32, i32
  }
  func.func @transform_2(%arg0: i32) -> (i32, i32) {
    %c0_i32 = arith.constant 0 : i32
    %c0_i32_0 = arith.constant 0 : i32
    %c0_i32_1 = arith.constant 0 : i32
    return %c0_i32, %c0_i32_0 : i32, i32
  }
  func.func @transform_3(%arg0: i32) -> (i32, i32) {
    %c0_i32 = arith.constant 0 : i32
    %c0_i32_0 = arith.constant 0 : i32
    return %arg0, %c0_i32 : i32, i32
  }
}

module attributes {stable_mosaic.version = 14 : i64} {
  func.func @_mm_body(%arg0: i32, %arg1: memref<2000x128xf32, #tpu.memory_space<vmem>>, %arg2: memref<128x128xf32, #tpu.memory_space<vmem>>, %arg3: memref<1x128xf32, #tpu.memory_space<vmem>>, %arg4: memref<2000x128xf32, #tpu.memory_space<vmem>>) attributes {dimension_semantics = [#tpu.dimension_semantics<arbitrary>], iteration_bounds = array<i64: 80>, scalar_prefetch = 0 : i64, scratch_operands = 0 : i64, tpu.core_type = #tpu.core_type<tc>, window_params = [{transform_indices = @transform_0, window_bounds = array<i64: 2000, 128>}, {pipeline_mode = #tpu.pipeline_mode<synchronous>, transform_indices = @transform_1, window_bounds = array<i64: 128, 128>}, {pipeline_mode = #tpu.pipeline_mode<synchronous>, transform_indices = @transform_2, window_bounds = array<i64: 1, 128>}, {transform_indices = @transform_3, window_bounds = array<i64: 2000, 128>}]} {
    %get3A = arith.constant 0 : index
    %get3A_0 = arith.constant 0 : index
    %get3A_1 = vector.load %arg1[%get3A, %get3A_0] : memref<2000x128xf32, #tpu.memory_space<vmem>>, vector<2000x128xf32>
    %get3A_2 = arith.constant 0 : index
    %get3A_3 = arith.constant 0 : index
    %get3A_4 = vector.load %arg2[%get3A_2, %get3A_3] : memref<128x128xf32, #tpu.memory_space<vmem>>, vector<128x128xf32>
    %dot_general3A = arith.constant dense<0.000000e+00> : vector<2000x128xf32>
    %dot_general3A_5 = tpu.matmul %get3A_1, %get3A_4, %dot_general3A {dimension_numbers = #tpu.dot_dimension_numbers<[1], [0], [0], [1], [0, 0, 1, 1], [], []>, transpose_lhs_hint = false} : vector<2000x128xf32>, vector<128x128xf32>, vector<2000x128xf32> -> vector<2000x128xf32>
    %get3A_6 = arith.constant 0 : index
    %get3A_7 = arith.constant 0 : index
    %get3A_8 = vector.load %arg3[%get3A_6, %get3A_7] : memref<1x128xf32, #tpu.memory_space<vmem>>, vector<1x128xf32>
    %add3A = vector.broadcast %get3A_8 : vector<1x128xf32> to vector<2000x128xf32>
    %add3A_9 = arith.addf %dot_general3A_5, %add3A : vector<2000x128xf32>
    %swap3A = arith.constant 0 : index
    %swap3A_10 = arith.constant 0 : index
    %swap3A_11 = vector.load %arg4[%swap3A, %swap3A_10] : memref<2000x128xf32, #tpu.memory_space<vmem>>, vector<2000x128xf32>
    tpu.vector_store %arg4[%swap3A, %swap3A_10], %add3A_9 {strides = array<i32>} : memref<2000x128xf32, #tpu.memory_space<vmem>>, vector<2000x128xf32>,
    return
  }
  func.func @transform_0(%arg0: i32) -> (i32, i32) {
    %c0_i32 = arith.constant 0 : i32
    %c0_i32_0 = arith.constant 0 : i32
    return %arg0, %c0_i32 : i32, i32
  }
  func.func @transform_1(%arg0: i32) -> (i32, i32) {
    %c0_i32 = arith.constant 0 : i32
    %c0_i32_0 = arith.constant 0 : i32
    %c0_i32_1 = arith.constant 0 : i32
    return %c0_i32, %c0_i32_0 : i32, i32
  }
  func.func @transform_2(%arg0: i32) -> (i32, i32) {
    %c0_i32 = arith.constant 0 : i32
    %c0_i32_0 = arith.constant 0 : i32
    %c0_i32_1 = arith.constant 0 : i32
    return %c0_i32, %c0_i32_0 : i32, i32
  }
  func.func @transform_3(%arg0: i32) -> (i32, i32) {
    %c0_i32 = arith.constant 0 : i32
    %c0_i32_0 = arith.constant 0 : i32
    return %arg0, %c0_i32 : i32, i32
  }
}

module attributes {stable_mosaic.version = 14 : i64} {
  func.func @_edge_stage_body(%arg0: i32, %arg1: memref<2000x256xf32, #tpu.memory_space<vmem>>, %arg2: memref<2000x128xf32, #tpu.memory_space<vmem>>, %arg3: memref<2000x128xf32, #tpu.memory_space<vmem>>, %arg4: memref<128x128xf32, #tpu.memory_space<vmem>>, %arg5: memref<1x128xf32, #tpu.memory_space<vmem>>, %arg6: memref<2000x128xf32, #tpu.memory_space<vmem>>, %arg7: memref<2000x256xf32, #tpu.memory_space<vmem>>) attributes {dimension_semantics = [#tpu.dimension_semantics<arbitrary>], iteration_bounds = array<i64: 160>, scalar_prefetch = 0 : i64, scratch_operands = 0 : i64, tpu.core_type = #tpu.core_type<tc>, window_params = [{transform_indices = @transform_0, window_bounds = array<i64: 2000, 256>}, {transform_indices = @transform_1, window_bounds = array<i64: 2000, 128>}, {transform_indices = @transform_2, window_bounds = array<i64: 2000, 128>}, {pipeline_mode = #tpu.pipeline_mode<synchronous>, transform_indices = @transform_3, window_bounds = array<i64: 128, 128>}, {pipeline_mode = #tpu.pipeline_mode<synchronous>, transform_indices = @transform_4, window_bounds = array<i64: 1, 128>}, {transform_indices = @transform_5, window_bounds = array<i64: 2000, 128>}, {transform_indices = @transform_6, window_bounds = array<i64: 2000, 256>}]} {
    %get3A = arith.constant 0 : index
    %get3A_0 = arith.constant 0 : index
    %get3A_1 = vector.load %arg3[%get3A, %get3A_0] : memref<2000x128xf32, #tpu.memory_space<vmem>>, vector<2000x128xf32>
    %get3A_2 = arith.constant 0 : index
    %get3A_3 = arith.constant 0 : index
    %get3A_4 = vector.load %arg4[%get3A_2, %get3A_3] : memref<128x128xf32, #tpu.memory_space<vmem>>, vector<128x128xf32>
    %dot_general3A = arith.constant dense<0.000000e+00> : vector<2000x128xf32>
    %dot_general3A_5 = tpu.matmul %get3A_1, %get3A_4, %dot_general3A {dimension_numbers = #tpu.dot_dimension_numbers<[1], [0], [0], [1], [0, 0, 1, 1], [], []>, transpose_lhs_hint = false} : vector<2000x128xf32>, vector<128x128xf32>, vector<2000x128xf32> -> vector<2000x128xf32>
    %get3A_6 = arith.constant 0 : index
    %get3A_7 = arith.constant 0 : index
    %get3A_8 = vector.load %arg5[%get3A_6, %get3A_7] : memref<1x128xf32, #tpu.memory_space<vmem>>, vector<1x128xf32>
    %add3A = vector.broadcast %get3A_8 : vector<1x128xf32> to vector<2000x128xf32>
    %add3A_9 = arith.addf %dot_general3A_5, %add3A : vector<2000x128xf32>
    %get3A_10 = arith.constant 0 : index
    %get3A_11 = arith.constant 0 : index
    %get3A_12 = vector.load %arg1[%get3A_10, %get3A_11] : memref<2000x256xf32, #tpu.memory_space<vmem>>, vector<2000x128xf32>
    %get3A_13 = arith.constant 0 : index
    %get3A_14 = arith.constant 128 : index
    %get3A_15 = vector.load %arg1[%get3A_13, %get3A_14] : memref<2000x256xf32, #tpu.memory_space<vmem>>, vector<2000x128xf32>
    %get3A_16 = arith.constant 0 : index
    %get3A_17 = arith.constant 0 : index
    %get3A_18 = vector.load %arg2[%get3A_16, %get3A_17] : memref<2000x128xf32, #tpu.memory_space<vmem>>, vector<2000x128xf32>
    %add3A_19 = arith.addf %get3A_12, %get3A_18 : vector<2000x128xf32>
    %add3A_20 = arith.addf %add3A_19, %add3A_9 : vector<2000x128xf32>
    %logistic3A = arith.negf %add3A_20 : vector<2000x128xf32>
    %logistic3A_21 = math.exp %logistic3A : vector<2000x128xf32>
    %logistic3A_22 = arith.constant 1.000000e+00 : f32
    %logistic3A_23 = vector.broadcast %logistic3A_22 : f32 to vector<2000x128xf32>
    %logistic3A_24 = arith.addf %logistic3A_23, %logistic3A_21 : vector<2000x128xf32>
    %logistic3A_25 = arith.divf %logistic3A_23, %logistic3A_24 : vector<2000x128xf32>
    %max3A = arith.constant 0.000000e+00 : f32
    %max3A_26 = vector.broadcast %max3A : f32 to vector<2000x128xf32>
    %max3A_27 = arith.maximumf %add3A_20, %max3A_26 : vector<2000x128xf32>
    %swap3A = arith.constant 0 : index
    %swap3A_28 = arith.constant 0 : index
    %swap3A_29 = vector.load %arg6[%swap3A, %swap3A_28] : memref<2000x128xf32, #tpu.memory_space<vmem>>, vector<2000x128xf32>
    tpu.vector_store %arg6[%swap3A, %swap3A_28], %max3A_27 {strides = array<i32>} : memref<2000x128xf32, #tpu.memory_space<vmem>>, vector<2000x128xf32>,
    %mul3A = arith.mulf %logistic3A_25, %get3A_15 : vector<2000x128xf32>
    %swap3A_30 = arith.constant 0 : index
    %swap3A_31 = arith.constant 0 : index
    %swap3A_32 = vector.load %arg7[%swap3A_30, %swap3A_31] : memref<2000x256xf32, #tpu.memory_space<vmem>>, vector<2000x128xf32>
    tpu.vector_store %arg7[%swap3A_30, %swap3A_31], %mul3A {strides = array<i32>} : memref<2000x256xf32, #tpu.memory_space<vmem>>, vector<2000x128xf32>,
    %swap3A_33 = arith.constant 0 : index
    %swap3A_34 = arith.constant 128 : index
    %swap3A_35 = vector.load %arg7[%swap3A_33, %swap3A_34] : memref<2000x256xf32, #tpu.memory_space<vmem>>, vector<2000x128xf32>
    tpu.vector_store %arg7[%swap3A_33, %swap3A_34], %logistic3A_25 {strides = array<i32>} : memref<2000x256xf32, #tpu.memory_space<vmem>>, vector<2000x128xf32>,
    return
  }
  func.func @transform_0(%arg0: i32) -> (i32, i32) {
    %c0_i32 = arith.constant 0 : i32
    %c0_i32_0 = arith.constant 0 : i32
    return %arg0, %c0_i32 : i32, i32
  }
  func.func @transform_1(%arg0: i32) -> (i32, i32) {
    %c0_i32 = arith.constant 0 : i32
    %c0_i32_0 = arith.constant 0 : i32
    return %arg0, %c0_i32 : i32, i32
  }
  func.func @transform_2(%arg0: i32) -> (i32, i32) {
    %c0_i32 = arith.constant 0 : i32
    %c0_i32_0 = arith.constant 0 : i32
    return %arg0, %c0_i32 : i32, i32
  }
  func.func @transform_3(%arg0: i32) -> (i32, i32) {
    %c0_i32 = arith.constant 0 : i32
    %c0_i32_0 = arith.constant 0 : i32
    %c0_i32_1 = arith.constant 0 : i32
    return %c0_i32, %c0_i32_0 : i32, i32
  }
  func.func @transform_4(%arg0: i32) -> (i32, i32) {
    %c0_i32 = arith.constant 0 : i32
    %c0_i32_0 = arith.constant 0 : i32
    %c0_i32_1 = arith.constant 0 : i32
    return %c0_i32, %c0_i32_0 : i32, i32
  }
  func.func @transform_5(%arg0: i32) -> (i32, i32) {
    %c0_i32 = arith.constant 0 : i32
    %c0_i32_0 = arith.constant 0 : i32
    return %arg0, %c0_i32 : i32, i32
  }
  func.func @transform_6(%arg0: i32) -> (i32, i32) {
    %c0_i32 = arith.constant 0 : i32
    %c0_i32_0 = arith.constant 0 : i32
    return %arg0, %c0_i32 : i32, i32
  }
}

module attributes {stable_mosaic.version = 14 : i64} {
  func.func @_node_stage_body(%arg0: i32, %arg1: memref<2000x128xf32, #tpu.memory_space<vmem>>, %arg2: memref<128x128xf32, #tpu.memory_space<vmem>>, %arg3: memref<1x128xf32, #tpu.memory_space<vmem>>, %arg4: memref<2000x256xf32, #tpu.memory_space<vmem>>, %arg5: memref<2000x128xf32, #tpu.memory_space<vmem>>) attributes {dimension_semantics = [#tpu.dimension_semantics<arbitrary>], iteration_bounds = array<i64: 5>, scalar_prefetch = 0 : i64, scratch_operands = 0 : i64, tpu.core_type = #tpu.core_type<tc>, window_params = [{transform_indices = @transform_0, window_bounds = array<i64: 2000, 128>}, {pipeline_mode = #tpu.pipeline_mode<synchronous>, transform_indices = @transform_1, window_bounds = array<i64: 128, 128>}, {pipeline_mode = #tpu.pipeline_mode<synchronous>, transform_indices = @transform_2, window_bounds = array<i64: 1, 128>}, {transform_indices = @transform_3, window_bounds = array<i64: 2000, 256>}, {transform_indices = @transform_4, window_bounds = array<i64: 2000, 128>}]} {
    %get3A = arith.constant 0 : index
    %get3A_0 = arith.constant 0 : index
    %get3A_1 = vector.load %arg1[%get3A, %get3A_0] : memref<2000x128xf32, #tpu.memory_space<vmem>>, vector<2000x128xf32>
    %get3A_2 = arith.constant 0 : index
    %get3A_3 = arith.constant 0 : index
    %get3A_4 = vector.load %arg2[%get3A_2, %get3A_3] : memref<128x128xf32, #tpu.memory_space<vmem>>, vector<128x128xf32>
    %dot_general3A = arith.constant dense<0.000000e+00> : vector<2000x128xf32>
    %dot_general3A_5 = tpu.matmul %get3A_1, %get3A_4, %dot_general3A {dimension_numbers = #tpu.dot_dimension_numbers<[1], [0], [0], [1], [0, 0, 1, 1], [], []>, transpose_lhs_hint = false} : vector<2000x128xf32>, vector<128x128xf32>, vector<2000x128xf32> -> vector<2000x128xf32>
    %get3A_6 = arith.constant 0 : index
    %get3A_7 = arith.constant 0 : index
    %get3A_8 = vector.load %arg3[%get3A_6, %get3A_7] : memref<1x128xf32, #tpu.memory_space<vmem>>, vector<1x128xf32>
    %add3A = vector.broadcast %get3A_8 : vector<1x128xf32> to vector<2000x128xf32>
    %add3A_9 = arith.addf %dot_general3A_5, %add3A : vector<2000x128xf32>
    %get3A_10 = arith.constant 0 : index
    %get3A_11 = arith.constant 0 : index
    %get3A_12 = vector.load %arg4[%get3A_10, %get3A_11] : memref<2000x256xf32, #tpu.memory_space<vmem>>, vector<2000x128xf32>
    %get3A_13 = arith.constant 0 : index
    %get3A_14 = arith.constant 128 : index
    %get3A_15 = vector.load %arg4[%get3A_13, %get3A_14] : memref<2000x256xf32, #tpu.memory_space<vmem>>, vector<2000x128xf32>
    %add3A_16 = arith.constant 9.99999997E-7 : f32
    %add3A_17 = vector.broadcast %add3A_16 : f32 to vector<2000x128xf32>
    %add3A_18 = arith.addf %get3A_15, %add3A_17 : vector<2000x128xf32>
    %div3A = arith.divf %get3A_12, %add3A_18 : vector<2000x128xf32>
    %add3A_19 = arith.addf %add3A_9, %div3A : vector<2000x128xf32>
    %max3A = arith.constant 0.000000e+00 : f32
    %max3A_20 = vector.broadcast %max3A : f32 to vector<2000x128xf32>
    %max3A_21 = arith.maximumf %add3A_19, %max3A_20 : vector<2000x128xf32>
    %swap3A = arith.constant 0 : index
    %swap3A_22 = arith.constant 0 : index
    %swap3A_23 = vector.load %arg5[%swap3A, %swap3A_22] : memref<2000x128xf32, #tpu.memory_space<vmem>>, vector<2000x128xf32>
    tpu.vector_store %arg5[%swap3A, %swap3A_22], %max3A_21 {strides = array<i32>} : memref<2000x128xf32, #tpu.memory_space<vmem>>, vector<2000x128xf32>,
    return
  }
  func.func @transform_0(%arg0: i32) -> (i32, i32) {
    %c0_i32 = arith.constant 0 : i32
    %c0_i32_0 = arith.constant 0 : i32
    return %arg0, %c0_i32 : i32, i32
  }
  func.func @transform_1(%arg0: i32) -> (i32, i32) {
    %c0_i32 = arith.constant 0 : i32
    %c0_i32_0 = arith.constant 0 : i32
    %c0_i32_1 = arith.constant 0 : i32
    return %c0_i32, %c0_i32_0 : i32, i32
  }
  func.func @transform_2(%arg0: i32) -> (i32, i32) {
    %c0_i32 = arith.constant 0 : i32
    %c0_i32_0 = arith.constant 0 : i32
    %c0_i32_1 = arith.constant 0 : i32
    return %c0_i32, %c0_i32_0 : i32, i32
  }
  func.func @transform_3(%arg0: i32) -> (i32, i32) {
    %c0_i32 = arith.constant 0 : i32
    %c0_i32_0 = arith.constant 0 : i32
    return %arg0, %c0_i32 : i32, i32
  }
  func.func @transform_4(%arg0: i32) -> (i32, i32) {
    %c0_i32 = arith.constant 0 : i32
    %c0_i32_0 = arith.constant 0 : i32
    return %arg0, %c0_i32 : i32, i32
  }
}

module attributes {stable_mosaic.version = 14 : i64} {
  func.func @_node_stage_body(%arg0: i32, %arg1: memref<2000x128xf32, #tpu.memory_space<vmem>>, %arg2: memref<128x128xf32, #tpu.memory_space<vmem>>, %arg3: memref<1x128xf32, #tpu.memory_space<vmem>>, %arg4: memref<2000x256xf32, #tpu.memory_space<vmem>>, %arg5: memref<2000x128xf32, #tpu.memory_space<vmem>>) attributes {dimension_semantics = [#tpu.dimension_semantics<arbitrary>], iteration_bounds = array<i64: 80>, scalar_prefetch = 0 : i64, scratch_operands = 0 : i64, tpu.core_type = #tpu.core_type<tc>, window_params = [{transform_indices = @transform_0, window_bounds = array<i64: 2000, 128>}, {pipeline_mode = #tpu.pipeline_mode<synchronous>, transform_indices = @transform_1, window_bounds = array<i64: 128, 128>}, {pipeline_mode = #tpu.pipeline_mode<synchronous>, transform_indices = @transform_2, window_bounds = array<i64: 1, 128>}, {transform_indices = @transform_3, window_bounds = array<i64: 2000, 256>}, {transform_indices = @transform_4, window_bounds = array<i64: 2000, 128>}]} {
    %get3A = arith.constant 0 : index
    %get3A_0 = arith.constant 0 : index
    %get3A_1 = vector.load %arg1[%get3A, %get3A_0] : memref<2000x128xf32, #tpu.memory_space<vmem>>, vector<2000x128xf32>
    %get3A_2 = arith.constant 0 : index
    %get3A_3 = arith.constant 0 : index
    %get3A_4 = vector.load %arg2[%get3A_2, %get3A_3] : memref<128x128xf32, #tpu.memory_space<vmem>>, vector<128x128xf32>
    %dot_general3A = arith.constant dense<0.000000e+00> : vector<2000x128xf32>
    %dot_general3A_5 = tpu.matmul %get3A_1, %get3A_4, %dot_general3A {dimension_numbers = #tpu.dot_dimension_numbers<[1], [0], [0], [1], [0, 0, 1, 1], [], []>, transpose_lhs_hint = false} : vector<2000x128xf32>, vector<128x128xf32>, vector<2000x128xf32> -> vector<2000x128xf32>
    %get3A_6 = arith.constant 0 : index
    %get3A_7 = arith.constant 0 : index
    %get3A_8 = vector.load %arg3[%get3A_6, %get3A_7] : memref<1x128xf32, #tpu.memory_space<vmem>>, vector<1x128xf32>
    %add3A = vector.broadcast %get3A_8 : vector<1x128xf32> to vector<2000x128xf32>
    %add3A_9 = arith.addf %dot_general3A_5, %add3A : vector<2000x128xf32>
    %get3A_10 = arith.constant 0 : index
    %get3A_11 = arith.constant 0 : index
    %get3A_12 = vector.load %arg4[%get3A_10, %get3A_11] : memref<2000x256xf32, #tpu.memory_space<vmem>>, vector<2000x128xf32>
    %get3A_13 = arith.constant 0 : index
    %get3A_14 = arith.constant 128 : index
    %get3A_15 = vector.load %arg4[%get3A_13, %get3A_14] : memref<2000x256xf32, #tpu.memory_space<vmem>>, vector<2000x128xf32>
    %add3A_16 = arith.constant 9.99999997E-7 : f32
    %add3A_17 = vector.broadcast %add3A_16 : f32 to vector<2000x128xf32>
    %add3A_18 = arith.addf %get3A_15, %add3A_17 : vector<2000x128xf32>
    %div3A = arith.divf %get3A_12, %add3A_18 : vector<2000x128xf32>
    %add3A_19 = arith.addf %add3A_9, %div3A : vector<2000x128xf32>
    %max3A = arith.constant 0.000000e+00 : f32
    %max3A_20 = vector.broadcast %max3A : f32 to vector<2000x128xf32>
    %max3A_21 = arith.maximumf %add3A_19, %max3A_20 : vector<2000x128xf32>
    %swap3A = arith.constant 0 : index
    %swap3A_22 = arith.constant 0 : index
    %swap3A_23 = vector.load %arg5[%swap3A, %swap3A_22] : memref<2000x128xf32, #tpu.memory_space<vmem>>, vector<2000x128xf32>
    tpu.vector_store %arg5[%swap3A, %swap3A_22], %max3A_21 {strides = array<i32>} : memref<2000x128xf32, #tpu.memory_space<vmem>>, vector<2000x128xf32>,
    return
  }
  func.func @transform_0(%arg0: i32) -> (i32, i32) {
    %c0_i32 = arith.constant 0 : i32
    %c0_i32_0 = arith.constant 0 : i32
    return %arg0, %c0_i32 : i32, i32
  }
  func.func @transform_1(%arg0: i32) -> (i32, i32) {
    %c0_i32 = arith.constant 0 : i32
    %c0_i32_0 = arith.constant 0 : i32
    %c0_i32_1 = arith.constant 0 : i32
    return %c0_i32, %c0_i32_0 : i32, i32
  }
  func.func @transform_2(%arg0: i32) -> (i32, i32) {
    %c0_i32 = arith.constant 0 : i32
    %c0_i32_0 = arith.constant 0 : i32
    %c0_i32_1 = arith.constant 0 : i32
    return %c0_i32, %c0_i32_0 : i32, i32
  }
  func.func @transform_3(%arg0: i32) -> (i32, i32) {
    %c0_i32 = arith.constant 0 : i32
    %c0_i32_0 = arith.constant 0 : i32
    return %arg0, %c0_i32 : i32, i32
  }
  func.func @transform_4(%arg0: i32) -> (i32, i32) {
    %c0_i32 = arith.constant 0 : i32
    %c0_i32_0 = arith.constant 0 : i32
    return %arg0, %c0_i32 : i32, i32
  }
}

</mosaic_0001>

<sc_bundles>
// kernel: kernel.12.cloned.1.call-start
scs
__scs_entry_jumppad:
0x0: {  	(pc) =	sbr.rel $0x88, $3  }
0x1: {  	(tag) =	ssettag $0x0;
	lr =	simm.s32 $0x1  }
0x2: {  	[smem:$0x3F88] =	sst lr;
	_ =	strace $0xD0000000  }
0x3: {  	_ = 	snop  }
0x4: {  	_ = 	snop  }
0x5: {  	_ = 	snop  }
0x6: {  	_ = 	snop  }
0x7: {  	_ = 	snop  }
__scs_overlays_trampoline_lowered:
0x8: {  	[smem:$0x3F97] =	sst s0  }
0x9: {  	[smem:$0x3F98] =	sst s1  }
0xa: {  	[smem:$0x3F99] =	sst s2  }
0xb: {  	[smem:$0x3F9A] =	sst s3  }
0xc: {  	[smem:$0x3F9B] =	sst s4  }
0xd: {  	[smem:$0x3F9C] =	sst s5  }
0xe: {  	[smem:$0x3F9D] =	sst s6  }
0xf: {  	[smem:$0x3F9E] =	sst s7  }
0x10: {  	[smem:$0x3F9F] =	sst s8  }
0x11: {  	[smem:$0x3FA0] =	sst s9;
	s0 =	simm.s32 @!p0 $0x0  }
0x12: {  	s1 =	sld [smem:$0x3F86];
	s0 =	simm.s32 @p0 $0x1  }
0x13: {  	[smem:$0x3FA1] =	sst s0;
	s0 =	simm.s32 @!p1 $0x0  }
0x14: {  	s2 =	sld [smem:$0x3F85];
	s0 =	simm.s32 @p1 $0x1  }
0x15: {  	[smem:$0x3FA2] =	sst s0;
	s0 =	simm.s32 @!p2 $0x0  }
0x16: {  	s3 =	sld [smem:$0x3FDB];
	s0 =	simm.s32 @p2 $0x1  }
0x17: {  	s4 =	simm.s32 $0x1BF5;
	[smem:$0x3FA4] =	sst s0  }
0x18: {  	s0 =	sld [smem:$0x3F87];
	_ =	swait.ge [sflag:s4], $0x0  }
0x19: {  	s7 =	sld [smem:$0x3F88]  }
0x1a: {  	s8 =	sadd.s32 $0xFFFFE003, lr  }
0x1b: {  	s9 =	sadd.s32 $0xFFFFFEF7, lr;
	s5 =	simm.s32 $0xFFFFFFFF;
	p2 =	slt.u32 s8, $0xFFFFF086  }
0x1c: {  	p1 =	slt.u32 s9, $0xF7A;
	s5 =	simm.s32 @!p2 $0x0  }
0x1d: {  	s5 =	simm.s32 @p1 $0x1;
	p0 =	seq.s32 s7, s2  }
0x1e: {  	s7 =	smul.u32 @!p0 $0xF7A, s2;
	p2 =	seq.s32 @!p0 s5, $0x0  }
0x1f: {  	s9 =	smul.u32 $0xF7A, s1;
	s8 =	simm.s32 @!p0 $0x1BF5;
	p2 =	por !p2, p0  }
0x20: {  	[sflag:s8] =	ssyncset.s32 @!p0 $0xFFFFF086;
	s6 =	sadd.s32 @!p0 s3, s7;
	s7 =	simm.s32 @!p0 $0x108  }
0x21: {  	s3 =	sadd.s32 s3, s9;
	s6 =	sadd.s32 @!p0 $0x88, s6;
	s7 =	simm.s32 @p2 $0x1082  }
0x22: {  	[simem:s7], [sflag:s8] =	dma.local @!p0 [hbm:s6], $0xF7A  }
0x23: {  	s9 =	sor.u32 $0xD0000000, s2;
	s6 =	simm.s32 $0x108;
	_ =	swait.ge @!p0 [sflag:s8], $0x0  }
0x24: {  	s3 =	sadd.s32 $0x88, s3;
	s6 =	simm.s32 @!p1 $0x1082;
	[sflag:s4] =	ssyncset.s32 $0xFFFFF086  }
0x25: {  	[simem:s6], [sflag:s4] =	dma.local [hbm:s3], $0xF7A  }
0x26: {  	[smem:$0x3F88] =	sst s1;
	(tag) =	ssettag s2;
	_ =	strace s9  }
0x27: {  	s1 =	sld [smem:$0x3F98]  }
0x28: {  	s2 =	sld [smem:$0x3F99]  }
0x29: {  	s4 =	sld [smem:$0x3F9B]  }
0x2a: {  	p0 =	seq.s32 s5, $0x0;
	s5 =	sld [smem:$0x3F9C]  }
0x2b: {  	s6 =	sld [smem:$0x3F9D]  }
0x2c: {  	s7 =	sld [smem:$0x3F9E]  }
0x2d: {  	s3 =	simm.s32 $0x108;
	s8 =	sld [smem:$0x3F9F]  }
0x2e: {  	s3 =	simm.s32 @!p0 $0x1082;
	s9 =	sld [smem:$0x3FA0]  }
0x2f: {  	lr =	sadd.s32 s0, s3;
	s0 =	sld [smem:$0x3F97]  }
0x30: {  	s3 =	sld [smem:$0x3F9A]  }
0x31: {  	[smem:$0x3FA3] =	sst s10  }
0x32: {  	s10 =	sld [smem:$0x3FA1];
	_ =	sdelay $0x3  }
0x33: {  	p0 =	seq.s32 s10, $0x1;
	s10 =	sld [smem:$0x3FA3];
	_ =	sdelay $0x3  }
0x34: {  	[smem:$0x3FA3] =	sst s10  }
0x35: {  	s10 =	sld [smem:$0x3FA2];
	_ =	sdelay $0x3  }
0x36: {  	p1 =	seq.s32 s10, $0x1;
	s10 =	sld [smem:$0x3FA3];
	_ =	sdelay $0x3  }
0x37: {  	[smem:$0x3FA3] =	sst s10  }
0x38: {  	s10 =	sld [smem:$0x3FA4]  }
0x39: {  	_ = 	snop;
	(pc) =	sbr.ind lr, $3  }
0x3a: {  	_ = 	snop  }
0x3b: {  	_ = 	snop  }
0x3c: {  	p2 =	seq.s32 s10, $0x1;
	s10 =	sld [smem:$0x3FA3]  }
0x3d: {  	_ =	shalt  }
0x3e: {  	_ =	shalt  }
0x3f: {  	_ =	shalt  }
0x40: {  	_ =	shalt  }
0x41: {  	_ =	shalt  }
0x42: {  	_ =	shalt  }
0x43: {  	_ =	shalt  }
0x44: {  	_ =	shalt  }
0x45: {  	_ =	shalt  }
0x46: {  	_ =	shalt  }
0x47: {  	_ =	shalt  }
0x48: {  	_ =	shalt  }
0x49: {  	_ =	shalt  }
0x4a: {  	_ =	shalt  }
0x4b: {  	_ =	shalt  }
0x4c: {  	_ =	shalt  }
0x4d: {  	_ =	shalt  }
0x4e: {  	_ =	shalt  }
0x4f: {  	_ =	shalt  }
0x50: {  	_ =	shalt  }
0x51: {  	_ =	shalt  }
0x52: {  	_ =	shalt  }
0x53: {  	_ =	shalt  }
0x54: {  	_ =	shalt  }
0x55: {  	_ =	shalt  }
0x56: {  	_ =	shalt  }
0x57: {  	_ =	shalt  }
0x58: {  	_ =	shalt  }
0x59: {  	_ =	shalt  }
0x5a: {  	_ =	shalt  }
0x5b: {  	_ =	shalt  }
0x5c: {  	_ =	shalt  }
0x5d: {  	_ =	shalt  }
0x5e: {  	_ =	shalt  }
0x5f: {  	_ =	shalt  }
0x60: {  	_ =	shalt  }
0x61: {  	_ =	shalt  }
0x62: {  	_ =	shalt  }
0x63: {  	_ =	shalt  }
0x64: {  	_ =	shalt  }
0x65: {  	_ =	shalt  }
0x66: {  	_ =	shalt  }
0x67: {  	_ =	shalt  }
0x68: {  	_ =	shalt  }
0x69: {  	_ =	shalt  }
0x6a: {  	_ =	shalt  }
0x6b: {  	_ =	shalt  }
0x6c: {  	_ =	shalt  }
0x6d: {  	_ =	shalt  }
0x6e: {  	_ =	shalt  }
0x6f: {  	_ =	shalt  }
0x70: {  	_ =	shalt  }
0x71: {  	_ =	shalt  }
0x72: {  	_ =	shalt  }
0x73: {  	_ =	shalt  }
0x74: {  	_ =	shalt  }
0x75: {  	_ =	shalt  }
0x76: {  	_ =	shalt  }
0x77: {  	_ =	shalt  }
0x78: {  	_ =	shalt  }
0x79: {  	_ =	shalt  }
0x7a: {  	_ =	shalt  }
0x7b: {  	_ =	shalt  }
0x7c: {  	_ =	shalt  }
0x7d: {  	_ =	shalt  }
0x7e: {  	_ =	shalt  }
0x7f: {  	_ =	shalt  }
0x80: {  	_ =	shalt  }
0x81: {  	_ =	shalt  }
0x82: {  	_ =	shalt  }
0x83: {  	_ =	shalt  }
0x84: {  	_ =	shalt  }
0x85: {  	_ =	shalt  }
0x86: {  	_ =	shalt  }
0x87: {  	_ =	shalt  }
.Lfunc_end0:
.L_simem_size_0:
called_computation.2_lowered:
.L_overlay_start_0:
0x88: {  	s2 =	sld [smem:$0x3FD9]  }
0x89: {  	s3 =	sld [smem:$0x3FFE];
	_ =	sdelay $0x1  }
0x8a: {  	s1 =	srdreg.scid  }
0x8b: {  	s0 =	sand.u32 $0x1, s1  }
0x8c: {  	s14 =	sshll.u32 s0, $0xA;
	s2 =	sadd.s32 s3, s2  }
0x8d: {  	s2 =	sadd.s32 s2, s14  }
0x8e: {  	[smem:$0x3FAF] =	sst s2  }
0x8f: {  	_ = 	snop  }
0x90: {  	s2 =	sld [smem:$0x3FD0];
	_ =	sdelay $0x2  }
0x91: {  	s15 =	simm.s32 $0xB;
	s4 =	simm.s32 $0x10  }
0x92: {  	[smem:s4], [sflag:s15] =	dma.local [hbm:s2], $0x1  }
0x93: {  	_ =	swait.eq [sflag:s15], $0x1  }
0x94: {  	s16 =	sld [smem:$0x10];
	[sflag:s15] =	ssyncset.done $0x0  }
0x95: {  	s17 =	sld [smem:$0x11];
	[sflag:s15] =	ssyncadd.s32 $0xFFFFFFFF  }
0x96: {  	s18 =	sld [smem:$0x12];
	(tm) =	ssettm $0x1  }
0x97: {  	s5 =	sld [smem:$0x3FFB];
	_ =	sdelay $0x3  }
0x98: {  	_ =	strace s5  }
0x99: {  	s5 =	sld [smem:$0x3FFC];
	_ =	sdelay $0x3  }
0x9a: {  	_ =	strace s5  }
0x9b: {  	s5 =	sld [smem:$0x3FFD];
	_ =	sdelay $0x3  }
0x9c: {  	_ =	strace s5  }
0x9d: {  	_ =	strace $0x8FFFFFFF  }
0x9e: {  	s19 =	sld [smem:$0x3FDB];
	_ =	sdelay $0x1  }
0x9f: {  	s6 =	simm.s32 $_scs_section_size  }
0xa0: {  	s7 =	simm.s32 $_size__tile_overlayer_lowered;
	s8 =	simm.s32 $_tile_overlayer_lowered  }
0xa1: {  	s22 =	simm.s32 $0x1BFF;
	s21 =	sshll.u32 s8, $0x1;
	s5 =	sadd.s32 s6, s19  }
0xa2: {  	s9 =	simm.s32 $0x0;
	s20 =	sshll.u32 s7, $0x1;
	s7 =	sadd.s32 s21, s5  }
0xa3: {  	[timem:s9], [sflag:s22] =	dma.local [hbm:s7], s20  }
0xa4: {  	_ =	swait.ge [sflag:s22], s20  }
0xa5: {  	s6 =	ssub.s32 $0x0, s20;
	[sflag:s22] =	ssyncset.done $0x0  }
0xa6: {  	[sflag:s22] =	ssyncadd.s32 s6;
	_ =	sdelay $0x1  }
0xa7: {  	s23 =	simm.s32 $0x1B8B  }
0xa8: {  	_ =	swait.ge [sflag:s23], $0x1  }
0xa9: {  	[sflag:s23] =	ssyncset.done $0x0  }
0xaa: {  	s25 =	simm.s32 $0x1B8E;
	s24 =	sld [smem:$0x3FFE];
	[sflag:s23] =	ssyncadd.s32 $0xFFFFFFFF  }
0xab: {  	s26 =	simm.s32 $execute0_lowered;
	[smem:$0x3FD2] =	sst s25  }
0xac: {  	s7 =	sshll.u32 s26, $0x1;
	_ =	strace $0x80000046;
	[dreg:$0x1] =	wrdreg $0xFFFFFFFF  }
0xad: {  	s28 =	simm.s32 $_size_execute0_lowered;
	s5 =	sadd.s32 s5, s7;
	[dreg:$0x0] =	wrdreg $0x0  }
0xae: {  	s7 =	sshll.u32 s28, $0x1;
	[dreg:$0x2] =	wrdreg s5  }
0xaf: {  	[dreg:$0x3] =	wrdreg s7  }
0xb0: {  	[dreg:$0x4] =	wrdreg $0xC0  }
0xb1: {  	_ =	task [dreg:s9], $0x5FFFF  }
0xb2: {  	[dreg:$0x1] =	wrdreg $0xFFFFFFFF  }
0xb3: {  	[dreg:$0x0] =	wrdreg $0x60  }
0xb4: {  	[dreg:$0x2] =	wrdreg s24  }
0xb5: {  	[dreg:$0x3] =	wrdreg s16  }
0xb6: {  	[dreg:$0x4] =	wrdreg s18  }
0xb7: {  	[dreg:$0x5] =	wrdreg s17  }
0xb8: {  	[dreg:$0x6] =	wrdreg $0x9  }
0xb9: {  	_ =	task.clear_ibuf [dreg:s9], $0x7FFFF;
	_ =	strace $0x90000046  }
0xba: {  	s29 =	simm.s32 $0x9;
	_ =	strace $0x80000048  }
0xbb: {  	_ =	swait.ge [sflag:s29], $0x1  }
0xbc: {  	[sflag:s29] =	ssyncadd.s32 $0xFFFFFFFF  }
0xbd: {  	_ =	strace $0x90000048  }
0xbe: {  	_ =	sfence  }
0xbf: {  	s30 =	sld [smem:$0x0];
	_ =	sdelay $0x2  }
0xc0: {  	s31 =	sshll.u32 s1, $0xD;
	s1 =	sshrl.u32 s1, $0x2  }
0xc1: {  	s3 =	sand.u32 $0x4000, s31;
	s1 =	sadd.s32 s1, s30  }
0xc2: {  	s0 =	sor.u32 s3, s0;
	s1 =	sshll.u32 s1, $0x11  }
0xc3: {  	s0 =	sor.u32 s1, s0  }
0xc4: {  	s0 =	sadd.s32 $0x8F2B, s0  }
0xc5: {  	[sflag:s0] =	ssyncadd.remote.s32 $0x1  }
0xc6: {  	_ =	sfence.sel $0xFFFF  }
0xc7: {  	[dreg:$0x0] =	wrdreg $0xFFFFFFFF;
	(pc) =	sbr.abs _section_cstart, $3  }
0xc8: {  	[dreg:$0x1] =	wrdreg $0xFFFFFFFF  }
0xc9: {  	_ =	task.clear_ibuf [dreg:s9], $0x2FFFF;
	_ =	strace $0x9FFFFFFF  }
0xca: {  	(tm) =	ssettm $0x7FFFFFFF  }
0xcb: {  	_ =	shalt  }
tec
execute0_lowered:
.L_overlay_start_1:
0x0: {  	(tag) =	ssettag $0x1  }
0x1: {  	s0 =	rddreg [dreg:$0x0]  }
0x2: {  	s1 =	rddreg [dreg:$0x1]  }
0x3: {  	s2 =	rddreg [dreg:$0x2]  }
0x4: {  	s6 =	rddreg [dreg:$0x3];
	s3 =	simm.s32 $0x0  }
0x5: {  	s5 =	srdreg.scid;
	s12 =	stileid.u32;
	s28 =	simm.s32 $0x5200  }
0x6: {  	s29 =	simm.s32 $0x5A00;
	s30 =	simm.s32 $0x6200;
	s31 =	simm.s32 $0x6A00  }
0x7: {  	[smem:$0x7FF] =	sst s3;
	s4 =	sadd.s32 $0xAA00, s0;
	s7 =	sand.u32 $0x1, s5  }
0x8: {  	s15 =	sshll.u32 s12, $0x1;
	s8 =	sadd.s32 $0xA00, s0;
	s0 =	sadd.s32 $0x5A00, s0  }
0x9: {  	s20 =	sshll.u32 s12, $0x5;
	s22 =	sshll.u32 s12, $0xC;
	s12 =	sshll.u32 s12, $0xD  }
0xa: {  	_ =	strace $0x80000047;
	s9 =	ssub.s32 $0x2, s7;
	s10 =	sor.u32 s7, s15  }
0xb: {  	s21 =	sand.u32 $0x180, s20;
	s6 =	sadd.s32 s22, s6;
	s23 =	sshll.u32 s7, $0xB  }
0xc: {  	s2 =	sadd.s32 s12, s2;
	s24 =	sshll.u32 s7, $0xC;
	s7 =	sshll.u32 s7, $0x4  }
0xd: {  	s15 =	simm.s32 $0x100;
	s12 =	simm.s32 $0x0;
	s16 =	sshrl.u32 s9, $0x1  }
0xe: {  	s11 =	ssub.s32 $0x501, s10;
	s10 =	sshll.u32 s10, $0x4;
	s6 =	sadd.s32 s23, s6  }
0xf: {  	s2 =	sadd.s32 s24, s2;
	s25 =	sor.u32 s7, s20;
	s26 =	sadd.s32 s21, s8  }
0x10: {  	s7 =	simm.s32 $0x10200;
	s20 =	simm.s32 $0xFA00;
	s9 =	ssub.s32 s9, s16  }
0x11: {  	s5 =	sshrl.u32 s11, $0x5;
	s17 =	sadd.s32 s8, s10;
	[dreg:$0xa] =	wrdreg s6  }
0x12: {  	s18 =	sadd.s32 s0, s10;
	s10 =	sor.u32 $0x200, s10;
	[dreg:$0xb] =	wrdreg s2  }
0x13: {  	s2 =	sand.u32 $0x70, s25;
	s16 =	simm.s32 $0x1;
	[dreg:$0x5] =	wrdreg s17  }
0x14: {  	s6 =	simm.s32 $0x80;
	s11 =	simm.s32 $0x14200;
	[dreg:$0x6] =	wrdreg s18  }
0x15: {  	s19 =	sadd.s32 s8, s10;
	s10 =	sadd.s32 s0, s10;
	s9 =	smax.u32 s9, $0x1  }
.Ltmp0:
0x16: {  	s0 =	sadd.s32 s21, s0;
	s14 =	sadd.s32 s2, s26;
	(pc) =	sbr.rel .LBB2_1-.Ltmp0, $4  }
0x17: {  	s17 =	simm.s32 $0x200;
	s26 =	simm.s32 $0x4A00;
	[dreg:$0x7] =	wrdreg s19  }
0x18: {  	v2 =	vlaneseq.u32;
	s8 =	simm.s32 $0x180;
	s21 =	simm.s32 $0x3;
	[dreg:$0x8] =	wrdreg s10  }
0x19: {  	vm0 =	vmmov $0xffff;
	v1 =	vshrl.u32 v2, $0x3;
	s18 =	simm.s32 $0x5;
	[dreg:$0x9] =	wrdreg s9;
	s13 =	sadd.s32 s2, s0  }
0x1a: {  	v0 =	vand.u32 $0x7, v2;
	v2 =	vor.u32 $0x8, v2;
	v1 =	vmul.u32 $0x8, v1;
	s0 =	simm.s32 $0x7200;
	s2 =	simm.s32 $0x7A00;
	s9 =	simm.s32 $0x2  }
.LBB2_7:
0x1b: {  	s10 =	simm.s32 $0x6  }
0x1c: {  	_ =	swait.ge [sflag:s10], $0x8000  }
0x1d: {  	[sflag:s10] =	ssyncset.done $0x0  }
0x1e: {  	[sflag:s10] =	ssyncadd.s32 $0xFFFF8000  }
0x1f: {  	_ =	swait.ge [sflag:s10], $0x4000  }
0x20: {  	[sflag:s10] =	ssyncset.done $0x0  }
0x21: {  	[sflag:s10] =	ssyncadd.s32 $0xFFFFC000  }
0x22: {  	_ =	swait.ge [sflag:s18], $0x8000  }
0x23: {  	[sflag:s18] =	ssyncset.done $0x0  }
0x24: {  	[sflag:s18] =	ssyncadd.s32 $0xFFFF8000  }
0x25: {  	_ =	swait.ge [sflag:s18], $0x4000  }
0x26: {  	s12 =	rddreg [dreg:$0xc]  }
0x27: {  	s25 =	rddreg [dreg:$0x9];
	s12 =	sadd.s32 $0x1, s12  }
0x28: {  	p0 =	sne.s32 s12, s25  }
.Ltmp1:
0x29: {  	_ = 	snop;
	(pc) =	sbr.rel @!p0 .LBB2_8-.Ltmp1, $3  }
0x2a: {  	_ =	sdelay $0x1  }
0x2b: {  	[sflag:s18] =	ssyncset.done $0x0  }
0x2c: {  	[sflag:s18] =	ssyncadd.s32 $0xFFFFC000  }
.LBB2_1:
0x2d: {  	[dreg:$0xc] =	wrdreg s12  }
0x2e: {  	s10 =	rddreg [dreg:$0x5]  }
0x2f: {  	[tilespmem:s3], [sflag:$0x1] =	stream.linear.gather [hbm4b:s10+s3], $0x80, $0x38;
	[tilespmem:$0x18200] =	vst v63  }
0x30: {  	s19 =	rddreg [dreg:$0x6]  }
0x31: {  	[tilespmem:s15], [sflag:$0x1] =	stream.linear.gather [hbm4b:s19+s3], $0x80, $0x38;
	[tilespmem:$0x18200] =	vst v63  }
0x32: {  	_ =	swait.ge [sflag:s16], $0x80  }
0x33: {  	[sflag:s16] =	ssyncset.done $0x0  }
0x34: {  	[sflag:s16] =	ssyncadd.s32 $0xFFFFFF80  }
0x35: {  	_ =	swait.ge [sflag:s16], $0x80  }
0x36: {  	[sflag:s16] =	ssyncset.done $0x0  }
0x37: {  	[sflag:s16] =	ssyncadd.s32 $0xFFFFFF80  }
0x38: {  	v3 =	vld [tilespmem:$0x0];
	_ =	sdelay $0x4  }
0x39: {  	v4 =	vshll.u32 v3, $0x1  }
0x3a: {  	v3 =	vand.u32 $0x7, v3;
	v4 =	vand.u32 $0xFFFFFFF0, v4  }
0x3b: {  	v3 =	vor.u32 v3, v4  }
0x3c: {  	v4 =	vperm.xlane v3, v0;
	_ =	sdelay $0x1  }
0x3d: {  	v3 =	vperm.xlane v3, v2;
	v4 =	vadd.s32 v1, v4;
	_ =	sdelay $0x1  }
0x3e: {  	v3 =	vadd.s32 v1, v3;
	_ =	sdelay $0x2  }
0x3f: {  	[tilespmem:s17], [sflag:$0x3] =	stream.indirect_vreg.gather [hbm4b:s4+s3], $0x80, v4, vm0, $0xb8;
	[tilespmem:$0x18200] =	vst v63  }
0x40: {  	s22 =	simm.s32 $0xA00  }
0x41: {  	[tilespmem:s22], [sflag:$0x3] =	stream.indirect_vreg.gather [hbm4b:s4+s3], $0x80, v3, vm0, $0xb8;
	[tilespmem:$0x18200] =	vst v63  }
0x42: {  	v3 =	vld [tilespmem:$0x10];
	_ =	sdelay $0x4  }
0x43: {  	v57 =	vshll.u32 v3, $0x1  }
0x44: {  	v3 =	vand.u32 $0x7, v3;
	v4 =	vand.u32 $0xFFFFFFF0, v57  }
0x45: {  	v3 =	vor.u32 v3, v4  }
0x46: {  	v4 =	vperm.xlane v3, v0;
	_ =	sdelay $0x1  }
0x47: {  	v3 =	vperm.xlane v3, v2;
	v4 =	vadd.s32 v1, v4;
	_ =	sdelay $0x1  }
0x48: {  	v3 =	vadd.s32 v1, v3;
	_ =	sdelay $0x1  }
0x49: {  	s23 =	simm.s32 $0x1200  }
0x4a: {  	[tilespmem:s23], [sflag:$0x3] =	stream.indirect_vreg.gather [hbm4b:s4+s3], $0x80, v4, vm0, $0xb8;
	[tilespmem:$0x18200] =	vst v63  }
0x4b: {  	s24 =	simm.s32 $0x1A00  }
0x4c: {  	[tilespmem:s24], [sflag:$0x3] =	stream.indirect_vreg.gather [hbm4b:s4+s3], $0x80, v3, vm0, $0xb8;
	[tilespmem:$0x18200] =	vst v63  }
0x4d: {  	v3 =	vld [tilespmem:$0x20];
	_ =	sdelay $0x4  }
0x4e: {  	v58 =	vshll.u32 v3, $0x1  }
0x4f: {  	v3 =	vand.u32 $0x7, v3;
	v4 =	vand.u32 $0xFFFFFFF0, v58  }
0x50: {  	v3 =	vor.u32 v3, v4  }
0x51: {  	v4 =	vperm.xlane v3, v0;
	_ =	sdelay $0x1  }
0x52: {  	v3 =	vperm.xlane v3, v2;
	v4 =	vadd.s32 v1, v4;
	_ =	sdelay $0x1  }
0x53: {  	v3 =	vadd.s32 v1, v3;
	_ =	sdelay $0x1  }
0x54: {  	s25 =	simm.s32 $0x2200  }
0x55: {  	[tilespmem:s25], [sflag:$0x3] =	stream.indirect_vreg.gather [hbm4b:s4+s3], $0x80, v4, vm0, $0xb8;
	[tilespmem:$0x18200] =	vst v63  }
0x56: {  	s12 =	simm.s32 $0x2A00  }
0x57: {  	[tilespmem:s12], [sflag:$0x3] =	stream.indirect_vreg.gather [hbm4b:s4+s3], $0x80, v3, vm0, $0xb8;
	[tilespmem:$0x18200] =	vst v63  }
0x58: {  	v3 =	vld [tilespmem:$0x30];
	_ =	sdelay $0x4  }
0x59: {  	v59 =	vshll.u32 v3, $0x1  }
0x5a: {  	v3 =	vand.u32 $0x7, v3;
	v4 =	vand.u32 $0xFFFFFFF0, v59  }
0x5b: {  	v3 =	vor.u32 v3, v4  }
0x5c: {  	v4 =	vperm.xlane v3, v0;
	_ =	sdelay $0x1  }
0x5d: {  	v3 =	vperm.xlane v3, v2;
	v4 =	vadd.s32 v1, v4;
	_ =	sdelay $0x1  }
0x5e: {  	v3 =	vadd.s32 v1, v3;
	_ =	sdelay $0x1  }
0x5f: {  	s19 =	simm.s32 $0x3200  }
0x60: {  	[tilespmem:s19], [sflag:$0x3] =	stream.indirect_vreg.gather [hbm4b:s4+s3], $0x80, v4, vm0, $0xb8;
	[tilespmem:$0x18200] =	vst v63  }
0x61: {  	s22 =	simm.s32 $0x3A00  }
0x62: {  	[tilespmem:s22], [sflag:$0x3] =	stream.indirect_vreg.gather [hbm4b:s4+s3], $0x80, v3, vm0, $0xb8;
	[tilespmem:$0x18200] =	vst v63  }
0x63: {  	v3 =	vld [tilespmem:$0x40];
	_ =	sdelay $0x4  }
0x64: {  	v60 =	vshll.u32 v3, $0x1  }
0x65: {  	v3 =	vand.u32 $0x7, v3;
	v4 =	vand.u32 $0xFFFFFFF0, v60  }
0x66: {  	v3 =	vor.u32 v3, v4  }
0x67: {  	v4 =	vperm.xlane v3, v0;
	_ =	sdelay $0x1  }
0x68: {  	v3 =	vperm.xlane v3, v2;
	v4 =	vadd.s32 v1, v4;
	_ =	sdelay $0x1  }
0x69: {  	v3 =	vadd.s32 v1, v3;
	_ =	sdelay $0x1  }
0x6a: {  	s23 =	simm.s32 $0x4200  }
0x6b: {  	[tilespmem:s23], [sflag:$0x3] =	stream.indirect_vreg.gather [hbm4b:s4+s3], $0x80, v4, vm0, $0xb8;
	[tilespmem:$0x18200] =	vst v63  }
0x6c: {  	_ = 	snop  }
0x6d: {  	[tilespmem:s26], [sflag:$0x3] =	stream.indirect_vreg.gather [hbm4b:s4+s3], $0x80, v3, vm0, $0xb8;
	[tilespmem:$0x18200] =	vst v63  }
0x6e: {  	v3 =	vld [tilespmem:$0x50];
	_ =	sdelay $0x4  }
0x6f: {  	v61 =	vshll.u32 v3, $0x1  }
0x70: {  	v3 =	vand.u32 $0x7, v3;
	v4 =	vand.u32 $0xFFFFFFF0, v61  }
0x71: {  	v3 =	vor.u32 v3, v4  }
0x72: {  	v4 =	vperm.xlane v3, v0;
	_ =	sdelay $0x1  }
0x73: {  	v3 =	vperm.xlane v3, v2;
	v4 =	vadd.s32 v1, v4;
	_ =	sdelay $0x1  }
0x74: {  	v3 =	vadd.s32 v1, v3;
	_ =	sdelay $0x2  }
0x75: {  	[tilespmem:s28], [sflag:$0x3] =	stream.indirect_vreg.gather [hbm4b:s4+s3], $0x80, v4, vm0, $0xb8;
	[tilespmem:$0x18200] =	vst v63  }
0x76: {  	_ = 	snop  }
0x77: {  	[tilespmem:s29], [sflag:$0x3] =	stream.indirect_vreg.gather [hbm4b:s4+s3], $0x80, v3, vm0, $0xb8;
	[tilespmem:$0x18200] =	vst v63  }
0x78: {  	v3 =	vld [tilespmem:$0x60];
	_ =	sdelay $0x4  }
0x79: {  	v62 =	vshll.u32 v3, $0x1  }
0x7a: {  	v3 =	vand.u32 $0x7, v3;
	v4 =	vand.u32 $0xFFFFFFF0, v62  }
0x7b: {  	v3 =	vor.u32 v3, v4  }
0x7c: {  	v4 =	vperm.xlane v3, v0;
	_ =	sdelay $0x1  }
0x7d: {  	v3 =	vperm.xlane v3, v2;
	v4 =	vadd.s32 v1, v4;
	_ =	sdelay $0x1  }
0x7e: {  	v3 =	vadd.s32 v1, v3;
	_ =	sdelay $0x2  }
0x7f: {  	[tilespmem:s30], [sflag:$0x3] =	stream.indirect_vreg.gather [hbm4b:s4+s3], $0x80, v4, vm0, $0xb8;
	[tilespmem:$0x18200] =	vst v63  }
0x80: {  	_ = 	snop  }
0x81: {  	[tilespmem:s31], [sflag:$0x3] =	stream.indirect_vreg.gather [hbm4b:s4+s3], $0x80, v3, vm0, $0xb8;
	[tilespmem:$0x18200] =	vst v63  }
0x82: {  	v3 =	vld [tilespmem:$0x70];
	_ =	sdelay $0x4  }
0x83: {  	v63 =	vshll.u32 v3, $0x1  }
0x84: {  	v3 =	vand.u32 $0x7, v3;
	v4 =	vand.u32 $0xFFFFFFF0, v63  }
0x85: {  	v3 =	vor.u32 v3, v4  }
0x86: {  	v4 =	vperm.xlane v3, v0;
	_ =	sdelay $0x1  }
0x87: {  	v3 =	vperm.xlane v3, v2;
	v4 =	vadd.s32 v1, v4;
	_ =	sdelay $0x1  }
0x88: {  	v3 =	vadd.s32 v1, v3;
	_ =	sdelay $0x2  }
0x89: {  	[tilespmem:s0], [sflag:$0x3] =	stream.indirect_vreg.gather [hbm4b:s4+s3], $0x80, v4, vm0, $0xb8;
	[tilespmem:$0x18200] =	vst v63  }
0x8a: {  	_ = 	snop  }
0x8b: {  	[tilespmem:s2], [sflag:$0x3] =	stream.indirect_vreg.gather [hbm4b:s4+s3], $0x80, v3, vm0, $0xb8;
	[tilespmem:$0x18200] =	vst v63  }
0x8c: {  	s24 =	rddreg [dreg:$0x7]  }
0x8d: {  	[tilespmem:s7], [sflag:$0x3] =	stream.indirect.gather [hbm4b:s1+s6], $0x80, s15, s6, $0xb8;
	[tilespmem:$0x18200] =	vst v63  }
.Ltmp2:
0x8e: {  	s25 =	rddreg [dreg:$0x8];
	(pc) =	sbr.rel .LBB2_2-.Ltmp2, $4  }
0x8f: {  	s12 =	rddreg [dreg:$0xa]  }
0x90: {  	[tilespmem:s6], [sflag:$0x2] =	stream.linear.gather [hbm4b:s24+s3], $0x80, $0x38;
	[tilespmem:$0x18200] =	vst v63  }
0x91: {  	s22 =	simm.s32 $0x3;
	s23 =	rddreg [dreg:$0xb];
	s24 =	simm.s32 $0x0  }
0x92: {  	[tilespmem:s8], [sflag:$0x2] =	stream.linear.gather [hbm4b:s25+s3], $0x80, $0x38;
	[tilespmem:$0x18200] =	vst v63  }
.LBB2_6:
0x93: {  	s19 =	simm.s32 @!p0 $0x4  }
0x94: {  	_ =	swait.ge @!p0 [sflag:s19], $0x8000  }
0x95: {  	[sflag:s19] =	ssyncset.done @!p0 $0x0  }
0x96: {  	[sflag:s19] =	ssyncadd.s32 @!p0 $0xFFFF8000  }
0x97: {  	_ =	swait.ge @!p0 [sflag:s19], $0x4000  }
0x98: {  	s25 =	simm.s32 @!p0 $0x0;
	[sflag:s19] =	ssyncset.done @!p0 $0x0  }
0x99: {  	s10 =	simm.s32 @!p0 $0x8200;
	[sflag:s19] =	ssyncadd.s32 @!p0 $0xFFFFC000;
	s19 =	sadd.s32 @!p0 $0x20000, s23  }
0x9a: {  	[hbm4b:s19+s25] =	stream.linear.scatter @!p0 [tilespmem:s10], [sflag:$0x6], $0x8000, $0x38;
	[tilespmem:$0x18200] =	vst v63  }
0x9b: {  	s10 =	sadd.s32 @!p0 $0x10000, s12;
	s19 =	simm.s32 @!p0 $0x14200  }
0x9c: {  	[hbm4b:s10+s25] =	stream.linear.scatter @!p0 [tilespmem:s19], [sflag:$0x6], $0x4000, $0x38;
	[tilespmem:$0x18200] =	vst v63  }
0x9d: {  	p0 =	sge.u32 s22, s5  }
0x9e: {  	s10 =	sadd.s32 @!p0 s24, s14  }
0x9f: {  	s19 =	simm.s32 @!p0 $0x0;
	s25 =	simm.s32 @!p0 $0x80;
	s10 =	sadd.s32 @!p0 $0x600, s10  }
0xa0: {  	[tilespmem:s25], [sflag:$0x2] =	stream.linear.gather @!p0 [hbm4b:s10+s19], $0x80, $0x38;
	[tilespmem:$0x18200] =	vst v63  }
0xa1: {  	s10 =	sadd.s32 @!p0 s24, s13  }
0xa2: {  	s25 =	simm.s32 @!p0 $0x180;
	s24 =	sadd.s32 $0x400, s24;
	s10 =	sadd.s32 @!p0 $0x600, s10  }
0xa3: {  	[tilespmem:s25], [sflag:$0x2] =	stream.linear.gather @!p0 [hbm4b:s10+s19], $0x80, $0x38;
	[tilespmem:$0x18200] =	vst v63  }
0xa4: {  	p0 =	sne.s32 s24, $0x5000  }
.Ltmp3:
0xa5: {  	_ = 	snop;
	(pc) =	sbr.rel @!p0 .LBB2_7-.Ltmp3, $2  }
0xa6: {  	_ =	sdelay $0x2  }
0xa7: {  	s23 =	sadd.s32 $0x40000, s23;
	s12 =	sadd.s32 $0x20000, s12;
	s22 =	sadd.s32 $0x2, s22  }
.LBB2_2:
0xa8: {  	s19 =	sadd.s32 $0xFFFFFFFE, s22  }
0xa9: {  	p0 =	sge.u32 s19, s5  }
.Ltmp4:
0xaa: {  	_ = 	snop;
	(pc) =	sbr.rel @p0 .LBB2_4-.Ltmp4, $1  }
0xab: {  	_ =	sdelay $0x3  }
0xac: {  	_ =	swait.ge [sflag:s9], $0x80  }
0xad: {  	[sflag:s9] =	ssyncset.done $0x0  }
0xae: {  	[sflag:s9] =	ssyncadd.s32 $0xFFFFFF80  }
0xaf: {  	_ =	swait.ge [sflag:s9], $0x80  }
0xb0: {  	p1 =	seq.s32 s24, $0x0;
	[sflag:s9] =	ssyncset.done $0x0  }
0xb1: {  	s19 =	simm.s32 @!p1 $0x6;
	[sflag:s9] =	ssyncadd.s32 $0xFFFFFF80  }
0xb2: {  	_ =	swait.ge @!p1 [sflag:s19], $0x8000  }
0xb3: {  	[sflag:s19] =	ssyncset.done @!p1 $0x0  }
0xb4: {  	[sflag:s19] =	ssyncadd.s32 @!p1 $0xFFFF8000  }
0xb5: {  	_ =	swait.ge @!p1 [sflag:s19], $0x4000  }
0xb6: {  	[sflag:s19] =	ssyncset.done @!p1 $0x0  }
0xb7: {  	[sflag:s19] =	ssyncadd.s32 @!p1 $0xFFFFC000  }
0xb8: {  	v3 =	vld [tilespmem:$0x80];
	_ =	sdelay $0x4  }
0xb9: {  	v4 =	vshll.u32 v3, $0x1  }
0xba: {  	v3 =	vand.u32 $0x7, v3;
	v4 =	vand.u32 $0xFFFFFFF0, v4  }
0xbb: {  	v3 =	vor.u32 v3, v4  }
0xbc: {  	v4 =	vperm.xlane v3, v0;
	_ =	sdelay $0x1  }
0xbd: {  	v3 =	vperm.xlane v3, v2;
	v4 =	vadd.s32 v1, v4;
	_ =	sdelay $0x1  }
0xbe: {  	v3 =	vadd.s32 v1, v3;
	_ =	sdelay $0x1  }
0xbf: {  	s10 =	simm.s32 $0x8200  }
0xc0: {  	[tilespmem:s10], [sflag:$0x4] =	stream.indirect_vreg.gather [hbm4b:s4+s3], $0x80, v4, vm0, $0xb8;
	[tilespmem:$0x18200] =	vst v63  }
0xc1: {  	s19 =	simm.s32 $0x8A00  }
0xc2: {  	[tilespmem:s19], [sflag:$0x4] =	stream.indirect_vreg.gather [hbm4b:s4+s3], $0x80, v3, vm0, $0xb8;
	[tilespmem:$0x18200] =	vst v63  }
0xc3: {  	v3 =	vld [tilespmem:$0x90];
	_ =	sdelay $0x4  }
0xc4: {  	v57 =	vshll.u32 v3, $0x1  }
0xc5: {  	v3 =	vand.u32 $0x7, v3;
	v4 =	vand.u32 $0xFFFFFFF0, v57  }
0xc6: {  	v3 =	vor.u32 v3, v4  }
0xc7: {  	v4 =	vperm.xlane v3, v0;
	_ =	sdelay $0x1  }
0xc8: {  	v3 =	vperm.xlane v3, v2;
	v4 =	vadd.s32 v1, v4;
	_ =	sdelay $0x1  }
0xc9: {  	v3 =	vadd.s32 v1, v3;
	_ =	sdelay $0x1  }
0xca: {  	s25 =	simm.s32 $0x9200  }
0xcb: {  	[tilespmem:s25], [sflag:$0x4] =	stream.indirect_vreg.gather [hbm4b:s4+s3], $0x80, v4, vm0, $0xb8;
	[tilespmem:$0x18200] =	vst v63  }
0xcc: {  	s19 =	simm.s32 $0x9A00  }
0xcd: {  	[tilespmem:s19], [sflag:$0x4] =	stream.indirect_vreg.gather [hbm4b:s4+s3], $0x80, v3, vm0, $0xb8;
	[tilespmem:$0x18200] =	vst v63  }
0xce: {  	v3 =	vld [tilespmem:$0xA0];
	_ =	sdelay $0x4  }
0xcf: {  	v58 =	vshll.u32 v3, $0x1  }
0xd0: {  	v3 =	vand.u32 $0x7, v3;
	v4 =	vand.u32 $0xFFFFFFF0, v58  }
0xd1: {  	v3 =	vor.u32 v3, v4  }
0xd2: {  	v4 =	vperm.xlane v3, v0;
	_ =	sdelay $0x1  }
0xd3: {  	v3 =	vperm.xlane v3, v2;
	v4 =	vadd.s32 v1, v4;
	_ =	sdelay $0x1  }
0xd4: {  	v3 =	vadd.s32 v1, v3;
	_ =	sdelay $0x1  }
0xd5: {  	s25 =	simm.s32 $0xA200  }
0xd6: {  	[tilespmem:s25], [sflag:$0x4] =	stream.indirect_vreg.gather [hbm4b:s4+s3], $0x80, v4, vm0, $0xb8;
	[tilespmem:$0x18200] =	vst v63  }
0xd7: {  	s19 =	simm.s32 $0xAA00  }
0xd8: {  	[tilespmem:s19], [sflag:$0x4] =	stream.indirect_vreg.gather [hbm4b:s4+s3], $0x80, v3, vm0, $0xb8;
	[tilespmem:$0x18200] =	vst v63  }
0xd9: {  	v3 =	vld [tilespmem:$0xB0];
	_ =	sdelay $0x4  }
0xda: {  	v59 =	vshll.u32 v3, $0x1  }
0xdb: {  	v3 =	vand.u32 $0x7, v3;
	v4 =	vand.u32 $0xFFFFFFF0, v59  }
0xdc: {  	v3 =	vor.u32 v3, v4  }
0xdd: {  	v4 =	vperm.xlane v3, v0;
	_ =	sdelay $0x1  }
0xde: {  	v3 =	vperm.xlane v3, v2;
	v4 =	vadd.s32 v1, v4;
	_ =	sdelay $0x1  }
0xdf: {  	v3 =	vadd.s32 v1, v3;
	_ =	sdelay $0x1  }
0xe0: {  	s25 =	simm.s32 $0xB200  }
0xe1: {  	[tilespmem:s25], [sflag:$0x4] =	stream.indirect_vreg.gather [hbm4b:s4+s3], $0x80, v4, vm0, $0xb8;
	[tilespmem:$0x18200] =	vst v63  }
0xe2: {  	s19 =	simm.s32 $0xBA00  }
0xe3: {  	[tilespmem:s19], [sflag:$0x4] =	stream.indirect_vreg.gather [hbm4b:s4+s3], $0x80, v3, vm0, $0xb8;
	[tilespmem:$0x18200] =	vst v63  }
0xe4: {  	v3 =	vld [tilespmem:$0xC0];
	_ =	sdelay $0x4  }
0xe5: {  	v60 =	vshll.u32 v3, $0x1  }
0xe6: {  	v3 =	vand.u32 $0x7, v3;
	v4 =	vand.u32 $0xFFFFFFF0, v60  }
0xe7: {  	v3 =	vor.u32 v3, v4  }
0xe8: {  	v4 =	vperm.xlane v3, v0;
	_ =	sdelay $0x1  }
0xe9: {  	v3 =	vperm.xlane v3, v2;
	v4 =	vadd.s32 v1, v4;
	_ =	sdelay $0x1  }
0xea: {  	v3 =	vadd.s32 v1, v3;
	_ =	sdelay $0x1  }
0xeb: {  	s25 =	simm.s32 $0xC200  }
0xec: {  	[tilespmem:s25], [sflag:$0x4] =	stream.indirect_vreg.gather [hbm4b:s4+s3], $0x80, v4, vm0, $0xb8;
	[tilespmem:$0x18200] =	vst v63  }
0xed: {  	s19 =	simm.s32 $0xCA00  }
0xee: {  	[tilespmem:s19], [sflag:$0x4] =	stream.indirect_vreg.gather [hbm4b:s4+s3], $0x80, v3, vm0, $0xb8;
	[tilespmem:$0x18200] =	vst v63  }
0xef: {  	v3 =	vld [tilespmem:$0xD0];
	_ =	sdelay $0x4  }
0xf0: {  	v61 =	vshll.u32 v3, $0x1  }
0xf1: {  	v3 =	vand.u32 $0x7, v3;
	v4 =	vand.u32 $0xFFFFFFF0, v61  }
0xf2: {  	v3 =	vor.u32 v3, v4  }
0xf3: {  	v4 =	vperm.xlane v3, v0;
	_ =	sdelay $0x1  }
0xf4: {  	v3 =	vperm.xlane v3, v2;
	v4 =	vadd.s32 v1, v4;
	_ =	sdelay $0x1  }
0xf5: {  	v3 =	vadd.s32 v1, v3;
	_ =	sdelay $0x1  }
0xf6: {  	s25 =	simm.s32 $0xD200  }
0xf7: {  	[tilespmem:s25], [sflag:$0x4] =	stream.indirect_vreg.gather [hbm4b:s4+s3], $0x80, v4, vm0, $0xb8;
	[tilespmem:$0x18200] =	vst v63  }
0xf8: {  	s19 =	simm.s32 $0xDA00  }
0xf9: {  	[tilespmem:s19], [sflag:$0x4] =	stream.indirect_vreg.gather [hbm4b:s4+s3], $0x80, v3, vm0, $0xb8;
	[tilespmem:$0x18200] =	vst v63  }
0xfa: {  	v3 =	vld [tilespmem:$0xE0];
	_ =	sdelay $0x4  }
0xfb: {  	v62 =	vshll.u32 v3, $0x1  }
0xfc: {  	v3 =	vand.u32 $0x7, v3;
	v4 =	vand.u32 $0xFFFFFFF0, v62  }
0xfd: {  	v3 =	vor.u32 v3, v4  }
0xfe: {  	v4 =	vperm.xlane v3, v0;
	_ =	sdelay $0x1  }
0xff: {  	v3 =	vperm.xlane v3, v2;
	v4 =	vadd.s32 v1, v4;
	_ =	sdelay $0x1  }
0x100: {  	v3 =	vadd.s32 v1, v3;
	_ =	sdelay $0x1  }
0x101: {  	s25 =	simm.s32 $0xE200  }
0x102: {  	[tilespmem:s25], [sflag:$0x4] =	stream.indirect_vreg.gather [hbm4b:s4+s3], $0x80, v4, vm0, $0xb8;
	[tilespmem:$0x18200] =	vst v63  }
0x103: {  	s19 =	simm.s32 $0xEA00  }
0x104: {  	[tilespmem:s19], [sflag:$0x4] =	stream.indirect_vreg.gather [hbm4b:s4+s3], $0x80, v3, vm0, $0xb8;
	[tilespmem:$0x18200] =	vst v63  }
0x105: {  	v3 =	vld [tilespmem:$0xF0];
	_ =	sdelay $0x4  }
0x106: {  	v63 =	vshll.u32 v3, $0x1  }
0x107: {  	v3 =	vand.u32 $0x7, v3;
	v4 =	vand.u32 $0xFFFFFFF0, v63  }
0x108: {  	v3 =	vor.u32 v3, v4  }
0x109: {  	v4 =	vperm.xlane v3, v0;
	_ =	sdelay $0x1  }
0x10a: {  	v3 =	vperm.xlane v3, v2;
	v4 =	vadd.s32 v1, v4;
	_ =	sdelay $0x1  }
0x10b: {  	v3 =	vadd.s32 v1, v3;
	_ =	sdelay $0x1  }
0x10c: {  	s25 =	simm.s32 $0xF200  }
0x10d: {  	[tilespmem:s25], [sflag:$0x4] =	stream.indirect_vreg.gather [hbm4b:s4+s3], $0x80, v4, vm0, $0xb8;
	[tilespmem:$0x18200] =	vst v63  }
0x10e: {  	_ = 	snop  }
0x10f: {  	[tilespmem:s20], [sflag:$0x4] =	stream.indirect_vreg.gather [hbm4b:s4+s3], $0x80, v3, vm0, $0xb8;
	[tilespmem:$0x18200] =	vst v63  }
0x110: {  	_ = 	snop  }
0x111: {  	[tilespmem:s11], [sflag:$0x4] =	stream.indirect.gather [hbm4b:s1+s6], $0x80, s8, s6, $0xb8;
	[tilespmem:$0x18200] =	vst v63  }
.LBB2_4:
0x112: {  	_ =	swait.ge [sflag:s21], $0x8000  }
0x113: {  	[sflag:s21] =	ssyncset.done $0x0  }
0x114: {  	s19 =	sadd.s32 $0xFFFFFFFF, s22;
	[sflag:s21] =	ssyncadd.s32 $0xFFFF8000  }
0x115: {  	p1 =	sge.u32 s19, s5;
	_ =	swait.ge [sflag:s21], $0x4000  }
.Ltmp5:
0x116: {  	[sflag:s21] =	ssyncset.done $0x0;
	(pc) =	sbr.rel @p1 .LBB2_6-.Ltmp5, $4  }
0x117: {  	[sflag:s21] =	ssyncadd.s32 $0xFFFFC000  }
0x118: {  	[hbm4b:s23+s3] =	stream.linear.scatter [tilespmem:s17], [sflag:$0x5], $0x8000, $0x38;
	[tilespmem:$0x18200] =	vst v63  }
0x119: {  	_ = 	snop  }
0x11a: {  	[hbm4b:s12+s3] =	stream.linear.scatter [tilespmem:s7], [sflag:$0x5], $0x4000, $0x38;
	[tilespmem:$0x18200] =	vst v63  }
0x11b: {  	s19 =	sadd.s32 s24, s14  }
0x11c: {  	s10 =	sadd.s32 s24, s13;
	s19 =	sadd.s32 $0x400, s19  }
0x11d: {  	[tilespmem:s3], [sflag:$0x1] =	stream.linear.gather [hbm4b:s19+s3], $0x80, $0x38;
	[tilespmem:$0x18200] =	vst v63  }
0x11e: {  	s19 =	sadd.s32 $0x400, s10  }
0x11f: {  	[tilespmem:s15], [sflag:$0x1] =	stream.linear.gather [hbm4b:s19+s3], $0x80, $0x38;
	[tilespmem:$0x18200] =	vst v63  }
0x120: {  	_ =	swait.ge [sflag:s16], $0x80  }
0x121: {  	[sflag:s16] =	ssyncset.done $0x0  }
0x122: {  	[sflag:s16] =	ssyncadd.s32 $0xFFFFFF80  }
0x123: {  	_ =	swait.ge [sflag:s16], $0x80  }
0x124: {  	[sflag:s16] =	ssyncset.done $0x0  }
0x125: {  	[sflag:s16] =	ssyncadd.s32 $0xFFFFFF80  }
0x126: {  	_ =	swait.ge [sflag:s18], $0x8000  }
0x127: {  	[sflag:s18] =	ssyncset.done $0x0  }
0x128: {  	[sflag:s18] =	ssyncadd.s32 $0xFFFF8000  }
0x129: {  	_ =	swait.ge [sflag:s18], $0x4000  }
0x12a: {  	[sflag:s18] =	ssyncset.done $0x0  }
0x12b: {  	[sflag:s18] =	ssyncadd.s32 $0xFFFFC000  }
0x12c: {  	v3 =	vld [tilespmem:$0x0];
	_ =	sdelay $0x4  }
0x12d: {  	v4 =	vshll.u32 v3, $0x1  }
0x12e: {  	v3 =	vand.u32 $0x7, v3;
	v4 =	vand.u32 $0xFFFFFFF0, v4  }
0x12f: {  	v3 =	vor.u32 v3, v4  }
0x130: {  	v4 =	vperm.xlane v3, v0;
	_ =	sdelay $0x1  }
0x131: {  	v3 =	vperm.xlane v3, v2;
	v4 =	vadd.s32 v1, v4;
	_ =	sdelay $0x1  }
0x132: {  	v3 =	vadd.s32 v1, v3;
	_ =	sdelay $0x2  }
0x133: {  	[tilespmem:s17], [sflag:$0x3] =	stream.indirect_vreg.gather [hbm4b:s4+s3], $0x80, v4, vm0, $0xb8;
	[tilespmem:$0x18200] =	vst v63  }
0x134: {  	s10 =	simm.s32 $0xA00  }
0x135: {  	[tilespmem:s10], [sflag:$0x3] =	stream.indirect_vreg.gather [hbm4b:s4+s3], $0x80, v3, vm0, $0xb8;
	[tilespmem:$0x18200] =	vst v63  }
0x136: {  	v3 =	vld [tilespmem:$0x10];
	_ =	sdelay $0x4  }
0x137: {  	v57 =	vshll.u32 v3, $0x1  }
0x138: {  	v3 =	vand.u32 $0x7, v3;
	v4 =	vand.u32 $0xFFFFFFF0, v57  }
0x139: {  	v3 =	vor.u32 v3, v4  }
0x13a: {  	v4 =	vperm.xlane v3, v0;
	_ =	sdelay $0x1  }
0x13b: {  	v3 =	vperm.xlane v3, v2;
	v4 =	vadd.s32 v1, v4;
	_ =	sdelay $0x1  }
0x13c: {  	v3 =	vadd.s32 v1, v3;
	_ =	sdelay $0x1  }
0x13d: {  	s25 =	simm.s32 $0x1200  }
0x13e: {  	[tilespmem:s25], [sflag:$0x3] =	stream.indirect_vreg.gather [hbm4b:s4+s3], $0x80, v4, vm0, $0xb8;
	[tilespmem:$0x18200] =	vst v63  }
0x13f: {  	s19 =	simm.s32 $0x1A00  }
0x140: {  	[tilespmem:s19], [sflag:$0x3] =	stream.indirect_vreg.gather [hbm4b:s4+s3], $0x80, v3, vm0, $0xb8;
	[tilespmem:$0x18200] =	vst v63  }
0x141: {  	v3 =	vld [tilespmem:$0x20];
	_ =	sdelay $0x4  }
0x142: {  	v58 =	vshll.u32 v3, $0x1  }
0x143: {  	v3 =	vand.u32 $0x7, v3;
	v4 =	vand.u32 $0xFFFFFFF0, v58  }
0x144: {  	v3 =	vor.u32 v3, v4  }
0x145: {  	v4 =	vperm.xlane v3, v0;
	_ =	sdelay $0x1  }
0x146: {  	v3 =	vperm.xlane v3, v2;
	v4 =	vadd.s32 v1, v4;
	_ =	sdelay $0x1  }
0x147: {  	v3 =	vadd.s32 v1, v3;
	_ =	sdelay $0x1  }
0x148: {  	s25 =	simm.s32 $0x2200  }
0x149: {  	[tilespmem:s25], [sflag:$0x3] =	stream.indirect_vreg.gather [hbm4b:s4+s3], $0x80, v4, vm0, $0xb8;
	[tilespmem:$0x18200] =	vst v63  }
0x14a: {  	s19 =	simm.s32 $0x2A00  }
0x14b: {  	[tilespmem:s19], [sflag:$0x3] =	stream.indirect_vreg.gather [hbm4b:s4+s3], $0x80, v3, vm0, $0xb8;
	[tilespmem:$0x18200] =	vst v63  }
0x14c: {  	v3 =	vld [tilespmem:$0x30];
	_ =	sdelay $0x4  }
0x14d: {  	v59 =	vshll.u32 v3, $0x1  }
0x14e: {  	v3 =	vand.u32 $0x7, v3;
	v4 =	vand.u32 $0xFFFFFFF0, v59  }
0x14f: {  	v3 =	vor.u32 v3, v4  }
0x150: {  	v4 =	vperm.xlane v3, v0;
	_ =	sdelay $0x1  }
0x151: {  	v3 =	vperm.xlane v3, v2;
	v4 =	vadd.s32 v1, v4;
	_ =	sdelay $0x1  }
0x152: {  	v3 =	vadd.s32 v1, v3;
	_ =	sdelay $0x1  }
0x153: {  	s25 =	simm.s32 $0x3200  }
0x154: {  	[tilespmem:s25], [sflag:$0x3] =	stream.indirect_vreg.gather [hbm4b:s4+s3], $0x80, v4, vm0, $0xb8;
	[tilespmem:$0x18200] =	vst v63  }
0x155: {  	s19 =	simm.s32 $0x3A00  }
0x156: {  	[tilespmem:s19], [sflag:$0x3] =	stream.indirect_vreg.gather [hbm4b:s4+s3], $0x80, v3, vm0, $0xb8;
	[tilespmem:$0x18200] =	vst v63  }
0x157: {  	v3 =	vld [tilespmem:$0x40];
	_ =	sdelay $0x4  }
0x158: {  	v60 =	vshll.u32 v3, $0x1  }
0x159: {  	v3 =	vand.u32 $0x7, v3;
	v4 =	vand.u32 $0xFFFFFFF0, v60  }
0x15a: {  	v3 =	vor.u32 v3, v4  }
0x15b: {  	v4 =	vperm.xlane v3, v0;
	_ =	sdelay $0x1  }
0x15c: {  	v3 =	vperm.xlane v3, v2;
	v4 =	vadd.s32 v1, v4;
	_ =	sdelay $0x1  }
0x15d: {  	v3 =	vadd.s32 v1, v3;
	_ =	sdelay $0x1  }
0x15e: {  	s25 =	simm.s32 $0x4200  }
0x15f: {  	[tilespmem:s25], [sflag:$0x3] =	stream.indirect_vreg.gather [hbm4b:s4+s3], $0x80, v4, vm0, $0xb8;
	[tilespmem:$0x18200] =	vst v63  }
0x160: {  	_ = 	snop  }
0x161: {  	[tilespmem:s26], [sflag:$0x3] =	stream.indirect_vreg.gather [hbm4b:s4+s3], $0x80, v3, vm0, $0xb8;
	[tilespmem:$0x18200] =	vst v63  }
0x162: {  	v3 =	vld [tilespmem:$0x50];
	_ =	sdelay $0x4  }
0x163: {  	v61 =	vshll.u32 v3, $0x1  }
0x164: {  	v3 =	vand.u32 $0x7, v3;
	v4 =	vand.u32 $0xFFFFFFF0, v61  }
0x165: {  	v3 =	vor.u32 v3, v4  }
0x166: {  	v4 =	vperm.xlane v3, v0;
	_ =	sdelay $0x1  }
0x167: {  	v3 =	vperm.xlane v3, v2;
	v4 =	vadd.s32 v1, v4;
	_ =	sdelay $0x1  }
0x168: {  	v3 =	vadd.s32 v1, v3;
	_ =	sdelay $0x2  }
0x169: {  	[tilespmem:s28], [sflag:$0x3] =	stream.indirect_vreg.gather [hbm4b:s4+s3], $0x80, v4, vm0, $0xb8;
	[tilespmem:$0x18200] =	vst v63  }
0x16a: {  	_ = 	snop  }
0x16b: {  	[tilespmem:s29], [sflag:$0x3] =	stream.indirect_vreg.gather [hbm4b:s4+s3], $0x80, v3, vm0, $0xb8;
	[tilespmem:$0x18200] =	vst v63  }
0x16c: {  	v3 =	vld [tilespmem:$0x60];
	_ =	sdelay $0x4  }
0x16d: {  	v62 =	vshll.u32 v3, $0x1  }
0x16e: {  	v3 =	vand.u32 $0x7, v3;
	v4 =	vand.u32 $0xFFFFFFF0, v62  }
0x16f: {  	v3 =	vor.u32 v3, v4  }
0x170: {  	v4 =	vperm.xlane v3, v0;
	_ =	sdelay $0x1  }
0x171: {  	v3 =	vperm.xlane v3, v2;
	v4 =	vadd.s32 v1, v4;
	_ =	sdelay $0x1  }
0x172: {  	v3 =	vadd.s32 v1, v3;
	_ =	sdelay $0x2  }
0x173: {  	[tilespmem:s30], [sflag:$0x3] =	stream.indirect_vreg.gather [hbm4b:s4+s3], $0x80, v4, vm0, $0xb8;
	[tilespmem:$0x18200] =	vst v63  }
0x174: {  	_ = 	snop  }
0x175: {  	[tilespmem:s31], [sflag:$0x3] =	stream.indirect_vreg.gather [hbm4b:s4+s3], $0x80, v3, vm0, $0xb8;
	[tilespmem:$0x18200] =	vst v63  }
0x176: {  	v3 =	vld [tilespmem:$0x70];
	_ =	sdelay $0x4  }
0x177: {  	v63 =	vshll.u32 v3, $0x1  }
0x178: {  	v3 =	vand.u32 $0x7, v3;
	v4 =	vand.u32 $0xFFFFFFF0, v63  }
0x179: {  	v3 =	vor.u32 v3, v4  }
0x17a: {  	v4 =	vperm.xlane v3, v0;
	_ =	sdelay $0x1  }
0x17b: {  	v4 =	vadd.s32 v1, v4  }
0x17c: {  	v3 =	vperm.xlane v3, v2;
	_ =	sdelay $0x1  }
0x17d: {  	v3 =	vadd.s32 v1, v3;
	_ =	sdelay $0x1  }
0x17e: {  	[tilespmem:s0], [sflag:$0x3] =	stream.indirect_vreg.gather [hbm4b:s4+s3], $0x80, v4, vm0, $0xb8;
	[tilespmem:$0x18200] =	vst v63  }
.Ltmp6:
0x17f: {  	_ = 	snop;
	(pc) =	sbr.rel .LBB2_6-.Ltmp6, $4  }
0x180: {  	_ = 	snop  }
0x181: {  	[tilespmem:s2], [sflag:$0x3] =	stream.indirect_vreg.gather [hbm4b:s4+s3], $0x80, v3, vm0, $0xb8;
	[tilespmem:$0x18200] =	vst v63  }
0x182: {  	_ = 	snop  }
0x183: {  	[tilespmem:s7], [sflag:$0x3] =	stream.indirect.gather [hbm4b:s1+s6], $0x80, s15, s6, $0xb8;
	[tilespmem:$0x18200] =	vst v63  }
.LBB2_8:
0x184: {  	_ =	sfence.sel $0x180000  }
0x185: {  	[bflag:$0x0] =	sbarrier.arrive $0xFFFF  }
0x186: {  	_ =	strace $0x90000047  }
0x187: {  	s0 =	stileid.u32;
	[bflag:$0x2] =	sbarrier.arrive $0xFFFF  }
0x188: {  	p0 =	sne.s32 s0, $0x0;
	s0 =	rddreg [dreg:$0x4]  }
0x189: {  	s0 =	sadd.s32 @!p0 $0x100000, s0  }
0x18a: {  	[sflag:s0] =	ssyncadd.tile.s32 @!p0 $0x1;
	_ =	shalt  }
.Lfunc_end2:
_tile_overlayer_lowered:
.L_overlay_start_2:
0x18b: {  	(tag) =	ssettag $0x2  }
0x18c: {  	s0 =	rddreg [dreg:$0x0];
	s2 =	stileid.u32  }
0x18d: {  	s1 =	rddreg [dreg:$0x1];
	p0 =	sne.s32 s2, $0x0  }
0x18e: {  	s3 =	rddreg [dreg:$0x2];
	[bflag:$0x3] =	sbarrier.arrive $0xFFFF;
	s2 =	simm.s32 @!p0 $0x1C07  }
0x18f: {  	[timem:s3], [sflag:s2] =	dma.local @!p0 [hbm:s0], s1  }
0x190: {  	s0 =	simm.s32 @!p0 $0x7  }
0x191: {  	_ =	swait.ge @!p0 [sflag:s0], s1  }
0x192: {  	s1 =	ssub.s32 @!p0 $0x0, s1;
	[sflag:s0] =	ssyncset.done @!p0 $0x0  }
0x193: {  	[sflag:s0] =	ssyncadd.s32 @!p0 s1  }
0x194: {  	[bflag:$0x3] =	sbarrier.arrive $0xFFFF  }
0x195: {  	_ =	shalt  }

// kernel: kernel.15.cloned.1.call-start
scs
__scs_entry_jumppad:
0x0: {  	(pc) =	sbr.rel $0x88, $3  }
0x1: {  	(tag) =	ssettag $0x0;
	lr =	simm.s32 $0x1  }
0x2: {  	[smem:$0x3F88] =	sst lr;
	_ =	strace $0xD0000000  }
0x3: {  	_ = 	snop  }
0x4: {  	_ = 	snop  }
0x5: {  	_ = 	snop  }
0x6: {  	_ = 	snop  }
0x7: {  	_ = 	snop  }
__scs_overlays_trampoline_lowered:
0x8: {  	[smem:$0x3F97] =	sst s0  }
0x9: {  	[smem:$0x3F98] =	sst s1  }
0xa: {  	[smem:$0x3F99] =	sst s2  }
0xb: {  	[smem:$0x3F9A] =	sst s3  }
0xc: {  	[smem:$0x3F9B] =	sst s4  }
0xd: {  	[smem:$0x3F9C] =	sst s5  }
0xe: {  	[smem:$0x3F9D] =	sst s6  }
0xf: {  	[smem:$0x3F9E] =	sst s7  }
0x10: {  	[smem:$0x3F9F] =	sst s8  }
0x11: {  	[smem:$0x3FA0] =	sst s9;
	s0 =	simm.s32 @!p0 $0x0  }
0x12: {  	s1 =	sld [smem:$0x3F86];
	s0 =	simm.s32 @p0 $0x1  }
0x13: {  	[smem:$0x3FA1] =	sst s0;
	s0 =	simm.s32 @!p1 $0x0  }
0x14: {  	s2 =	sld [smem:$0x3F85];
	s0 =	simm.s32 @p1 $0x1  }
0x15: {  	[smem:$0x3FA2] =	sst s0;
	s0 =	simm.s32 @!p2 $0x0  }
0x16: {  	s3 =	sld [smem:$0x3FDB];
	s0 =	simm.s32 @p2 $0x1  }
0x17: {  	s4 =	simm.s32 $0x1BF5;
	[smem:$0x3FA4] =	sst s0  }
0x18: {  	s0 =	sld [smem:$0x3F87];
	_ =	swait.ge [sflag:s4], $0x0  }
0x19: {  	s7 =	sld [smem:$0x3F88]  }
0x1a: {  	s8 =	sadd.s32 $0xFFFFE003, lr  }
0x1b: {  	s9 =	sadd.s32 $0xFFFFFEF7, lr;
	s5 =	simm.s32 $0xFFFFFFFF;
	p2 =	slt.u32 s8, $0xFFFFF086  }
0x1c: {  	p1 =	slt.u32 s9, $0xF7A;
	s5 =	simm.s32 @!p2 $0x0  }
0x1d: {  	s5 =	simm.s32 @p1 $0x1;
	p0 =	seq.s32 s7, s2  }
0x1e: {  	s7 =	smul.u32 @!p0 $0xF7A, s2;
	p2 =	seq.s32 @!p0 s5, $0x0  }
0x1f: {  	s9 =	smul.u32 $0xF7A, s1;
	s8 =	simm.s32 @!p0 $0x1BF5;
	p2 =	por !p2, p0  }
0x20: {  	[sflag:s8] =	ssyncset.s32 @!p0 $0xFFFFF086;
	s6 =	sadd.s32 @!p0 s3, s7;
	s7 =	simm.s32 @!p0 $0x108  }
0x21: {  	s3 =	sadd.s32 s3, s9;
	s6 =	sadd.s32 @!p0 $0x88, s6;
	s7 =	simm.s32 @p2 $0x1082  }
0x22: {  	[simem:s7], [sflag:s8] =	dma.local @!p0 [hbm:s6], $0xF7A  }
0x23: {  	s9 =	sor.u32 $0xD0000000, s2;
	s6 =	simm.s32 $0x108;
	_ =	swait.ge @!p0 [sflag:s8], $0x0  }
0x24: {  	s3 =	sadd.s32 $0x88, s3;
	s6 =	simm.s32 @!p1 $0x1082;
	[sflag:s4] =	ssyncset.s32 $0xFFFFF086  }
0x25: {  	[simem:s6], [sflag:s4] =	dma.local [hbm:s3], $0xF7A  }
0x26: {  	[smem:$0x3F88] =	sst s1;
	(tag) =	ssettag s2;
	_ =	strace s9  }
0x27: {  	s1 =	sld [smem:$0x3F98]  }
0x28: {  	s2 =	sld [smem:$0x3F99]  }
0x29: {  	s4 =	sld [smem:$0x3F9B]  }
0x2a: {  	p0 =	seq.s32 s5, $0x0;
	s5 =	sld [smem:$0x3F9C]  }
0x2b: {  	s6 =	sld [smem:$0x3F9D]  }
0x2c: {  	s7 =	sld [smem:$0x3F9E]  }
0x2d: {  	s3 =	simm.s32 $0x108;
	s8 =	sld [smem:$0x3F9F]  }
0x2e: {  	s3 =	simm.s32 @!p0 $0x1082;
	s9 =	sld [smem:$0x3FA0]  }
0x2f: {  	lr =	sadd.s32 s0, s3;
	s0 =	sld [smem:$0x3F97]  }
0x30: {  	s3 =	sld [smem:$0x3F9A]  }
0x31: {  	[smem:$0x3FA3] =	sst s10  }
0x32: {  	s10 =	sld [smem:$0x3FA1];
	_ =	sdelay $0x3  }
0x33: {  	p0 =	seq.s32 s10, $0x1;
	s10 =	sld [smem:$0x3FA3];
	_ =	sdelay $0x3  }
0x34: {  	[smem:$0x3FA3] =	sst s10  }
0x35: {  	s10 =	sld [smem:$0x3FA2];
	_ =	sdelay $0x3  }
0x36: {  	p1 =	seq.s32 s10, $0x1;
	s10 =	sld [smem:$0x3FA3];
	_ =	sdelay $0x3  }
0x37: {  	[smem:$0x3FA3] =	sst s10  }
0x38: {  	s10 =	sld [smem:$0x3FA4]  }
0x39: {  	_ = 	snop;
	(pc) =	sbr.ind lr, $3  }
0x3a: {  	_ = 	snop  }
0x3b: {  	_ = 	snop  }
0x3c: {  	p2 =	seq.s32 s10, $0x1;
	s10 =	sld [smem:$0x3FA3]  }
0x3d: {  	_ =	shalt  }
0x3e: {  	_ =	shalt  }
0x3f: {  	_ =	shalt  }
0x40: {  	_ =	shalt  }
0x41: {  	_ =	shalt  }
0x42: {  	_ =	shalt  }
0x43: {  	_ =	shalt  }
0x44: {  	_ =	shalt  }
0x45: {  	_ =	shalt  }
0x46: {  	_ =	shalt  }
0x47: {  	_ =	shalt  }
0x48: {  	_ =	shalt  }
0x49: {  	_ =	shalt  }
0x4a: {  	_ =	shalt  }
0x4b: {  	_ =	shalt  }
0x4c: {  	_ =	shalt  }
0x4d: {  	_ =	shalt  }
0x4e: {  	_ =	shalt  }
0x4f: {  	_ =	shalt  }
0x50: {  	_ =	shalt  }
0x51: {  	_ =	shalt  }
0x52: {  	_ =	shalt  }
0x53: {  	_ =	shalt  }
0x54: {  	_ =	shalt  }
0x55: {  	_ =	shalt  }
0x56: {  	_ =	shalt  }
0x57: {  	_ =	shalt  }
0x58: {  	_ =	shalt  }
0x59: {  	_ =	shalt  }
0x5a: {  	_ =	shalt  }
0x5b: {  	_ =	shalt  }
0x5c: {  	_ =	shalt  }
0x5d: {  	_ =	shalt  }
0x5e: {  	_ =	shalt  }
0x5f: {  	_ =	shalt  }
0x60: {  	_ =	shalt  }
0x61: {  	_ =	shalt  }
0x62: {  	_ =	shalt  }
0x63: {  	_ =	shalt  }
0x64: {  	_ =	shalt  }
0x65: {  	_ =	shalt  }
0x66: {  	_ =	shalt  }
0x67: {  	_ =	shalt  }
0x68: {  	_ =	shalt  }
0x69: {  	_ =	shalt  }
0x6a: {  	_ =	shalt  }
0x6b: {  	_ =	shalt  }
0x6c: {  	_ =	shalt  }
0x6d: {  	_ =	shalt  }
0x6e: {  	_ =	shalt  }
0x6f: {  	_ =	shalt  }
0x70: {  	_ =	shalt  }
0x71: {  	_ =	shalt  }
0x72: {  	_ =	shalt  }
0x73: {  	_ =	shalt  }
0x74: {  	_ =	shalt  }
0x75: {  	_ =	shalt  }
0x76: {  	_ =	shalt  }
0x77: {  	_ =	shalt  }
0x78: {  	_ =	shalt  }
0x79: {  	_ =	shalt  }
0x7a: {  	_ =	shalt  }
0x7b: {  	_ =	shalt  }
0x7c: {  	_ =	shalt  }
0x7d: {  	_ =	shalt  }
0x7e: {  	_ =	shalt  }
0x7f: {  	_ =	shalt  }
0x80: {  	_ =	shalt  }
0x81: {  	_ =	shalt  }
0x82: {  	_ =	shalt  }
0x83: {  	_ =	shalt  }
0x84: {  	_ =	shalt  }
0x85: {  	_ =	shalt  }
0x86: {  	_ =	shalt  }
0x87: {  	_ =	shalt  }
.Lfunc_end0:
.L_simem_size_0:
called_computation.3_lowered:
.L_overlay_start_0:
0x88: {  	s2 =	sld [smem:$0x3FD9]  }
0x89: {  	s3 =	sld [smem:$0x3FFE];
	_ =	sdelay $0x1  }
0x8a: {  	s1 =	srdreg.scid  }
0x8b: {  	s0 =	sand.u32 $0x1, s1  }
0x8c: {  	s14 =	sshll.u32 s0, $0xA;
	s2 =	sadd.s32 s3, s2  }
0x8d: {  	s2 =	sadd.s32 s2, s14  }
0x8e: {  	[smem:$0x3FAF] =	sst s2  }
0x8f: {  	_ = 	snop  }
0x90: {  	s2 =	sld [smem:$0x3FD0];
	_ =	sdelay $0x2  }
0x91: {  	s15 =	simm.s32 $0xB;
	s4 =	simm.s32 $0x10  }
0x92: {  	[smem:s4], [sflag:s15] =	dma.local [hbm:s2], $0x1  }
0x93: {  	_ =	swait.eq [sflag:s15], $0x1  }
0x94: {  	[sflag:s15] =	ssyncset.done $0x0  }
0x95: {  	s16 =	sld [smem:$0x11];
	[sflag:s15] =	ssyncadd.s32 $0xFFFFFFFF  }
0x96: {  	s17 =	sld [smem:$0x12];
	(tm) =	ssettm $0x1  }
0x97: {  	s18 =	sld [smem:$0x3FFB];
	_ =	sdelay $0x3  }
0x98: {  	_ =	strace s18  }
0x99: {  	s4 =	sld [smem:$0x3FFC];
	_ =	sdelay $0x3  }
0x9a: {  	_ =	strace s4  }
0x9b: {  	s4 =	sld [smem:$0x3FFD];
	_ =	sdelay $0x3  }
0x9c: {  	_ =	strace s4  }
0x9d: {  	_ =	strace $0x8FFFFFFF  }
0x9e: {  	s19 =	sld [smem:$0x3FDB];
	_ =	sdelay $0x1  }
0x9f: {  	s5 =	simm.s32 $_scs_section_size  }
0xa0: {  	s6 =	simm.s32 $_size__tile_overlayer_lowered;
	s7 =	simm.s32 $_tile_overlayer_lowered  }
0xa1: {  	s22 =	simm.s32 $0x1BFF;
	s21 =	sshll.u32 s7, $0x1;
	s4 =	sadd.s32 s5, s19  }
0xa2: {  	s8 =	simm.s32 $0x0;
	s20 =	sshll.u32 s6, $0x1;
	s6 =	sadd.s32 s21, s4  }
0xa3: {  	[timem:s8], [sflag:s22] =	dma.local [hbm:s6], s20  }
0xa4: {  	_ =	swait.ge [sflag:s22], s20  }
0xa5: {  	s5 =	ssub.s32 $0x0, s20;
	[sflag:s22] =	ssyncset.done $0x0  }
0xa6: {  	[sflag:s22] =	ssyncadd.s32 s5;
	_ =	sdelay $0x1  }
0xa7: {  	s23 =	simm.s32 $0x1B8B  }
0xa8: {  	_ =	swait.ge [sflag:s23], $0x1  }
0xa9: {  	[sflag:s23] =	ssyncset.done $0x0  }
0xaa: {  	s25 =	simm.s32 $0x1B8E;
	s24 =	sld [smem:$0x3FFE];
	[sflag:s23] =	ssyncadd.s32 $0xFFFFFFFF  }
0xab: {  	s26 =	simm.s32 $execute0_lowered;
	[smem:$0x3FD2] =	sst s25  }
0xac: {  	s6 =	sshll.u32 s26, $0x1;
	_ =	strace $0x80000049;
	[dreg:$0x1] =	wrdreg $0xFFFFFFFF  }
0xad: {  	s28 =	simm.s32 $_size_execute0_lowered;
	s4 =	sadd.s32 s4, s6;
	[dreg:$0x0] =	wrdreg $0x0  }
0xae: {  	s6 =	sshll.u32 s28, $0x1;
	[dreg:$0x2] =	wrdreg s4  }
0xaf: {  	[dreg:$0x3] =	wrdreg s6  }
0xb0: {  	[dreg:$0x4] =	wrdreg $0xC0  }
0xb1: {  	_ =	task [dreg:s8], $0x5FFFF  }
0xb2: {  	[dreg:$0x1] =	wrdreg $0xFFFFFFFF  }
0xb3: {  	[dreg:$0x0] =	wrdreg $0x60  }
0xb4: {  	[dreg:$0x2] =	wrdreg s17  }
0xb5: {  	[dreg:$0x3] =	wrdreg s16  }
0xb6: {  	[dreg:$0x4] =	wrdreg s24  }
0xb7: {  	[dreg:$0x5] =	wrdreg $0xA  }
0xb8: {  	_ =	task.clear_ibuf [dreg:s8], $0x6FFFF;
	_ =	strace $0x90000049  }
0xb9: {  	s29 =	simm.s32 $0xA;
	_ =	strace $0x8000004B  }
0xba: {  	_ =	swait.ge [sflag:s29], $0x1  }
0xbb: {  	[sflag:s29] =	ssyncadd.s32 $0xFFFFFFFF  }
0xbc: {  	_ =	strace $0x9000004B  }
0xbd: {  	_ =	sfence  }
0xbe: {  	s30 =	sld [smem:$0x0];
	_ =	sdelay $0x2  }
0xbf: {  	s31 =	sshll.u32 s1, $0xD;
	s1 =	sshrl.u32 s1, $0x2  }
0xc0: {  	s3 =	sand.u32 $0x4000, s31;
	s1 =	sadd.s32 s1, s30  }
0xc1: {  	s0 =	sor.u32 s3, s0;
	s1 =	sshll.u32 s1, $0x11  }
0xc2: {  	s0 =	sor.u32 s1, s0  }
0xc3: {  	s0 =	sadd.s32 $0x8F2B, s0  }
0xc4: {  	[sflag:s0] =	ssyncadd.remote.s32 $0x1  }
0xc5: {  	_ =	sfence.sel $0xFFFF  }
0xc6: {  	[dreg:$0x0] =	wrdreg $0xFFFFFFFF;
	(pc) =	sbr.abs _section_cstart, $3  }
0xc7: {  	[dreg:$0x1] =	wrdreg $0xFFFFFFFF  }
0xc8: {  	_ =	task.clear_ibuf [dreg:s8], $0x2FFFF;
	_ =	strace $0x9FFFFFFF  }
0xc9: {  	(tm) =	ssettm $0x7FFFFFFF  }
tec
execute0_lowered:
.L_overlay_start_1:
0x0: {  	(tag) =	ssettag $0x1  }
0x1: {  	s1 =	rddreg [dreg:$0x0]  }
0x2: {  	s2 =	rddreg [dreg:$0x1]  }
0x3: {  	s0 =	rddreg [dreg:$0x2];
	s4 =	simm.s32 $0x0  }
0x4: {  	s12 =	stileid.u32;
	s7 =	srdreg.scid;
	s30 =	simm.s32 $0x5200  }
0x5: {  	s31 =	simm.s32 $0x5A00;
	s13 =	simm.s32 $0x2;
	[smem:$0x7FF] =	sst s4  }
0x6: {  	s5 =	sadd.s32 $0x58C00, s0;
	s6 =	sadd.s32 $0x62A00, s0;
	s3 =	sshll.u32 s12, $0xD  }
0x7: {  	s8 =	sand.u32 $0x1, s7;
	s16 =	sshll.u32 s12, $0x1;
	s9 =	sshll.u32 s12, $0xC  }
0x8: {  	s22 =	sshll.u32 s12, $0x8;
	s12 =	simm.s32 $0x180;
	_ =	strace $0x8000004A  }
0x9: {  	s3 =	sadd.s32 s3, s0;
	s10 =	ssub.s32 $0x2, s8;
	s11 =	sor.u32 s8, s16  }
0xa: {  	s0 =	sadd.s32 s9, s0;
	s24 =	sshll.u32 s8, $0xB;
	s25 =	sshll.u32 s8, $0xC  }
0xb: {  	s8 =	sshll.u32 s8, $0x7;
	s16 =	simm.s32 $0x14200;
	s17 =	sshrl.u32 s10, $0x1  }
0xc: {  	s18 =	ssub.s32 $0x9E3, s11;
	s19 =	sshll.u32 s11, $0x4;
	s0 =	sadd.s32 s24, s0  }
0xd: {  	s26 =	sadd.s32 s25, s3;
	s28 =	sor.u32 s8, s22;
	s3 =	simm.s32 $0x6A00  }
0xe: {  	s8 =	simm.s32 $0x7200;
	s22 =	simm.s32 $0xFA00;
	s10 =	ssub.s32 s10, s17  }
0xf: {  	s7 =	sshrl.u32 s18, $0x5;
	s11 =	sadd.s32 s5, s19;
	s20 =	sadd.s32 s6, s19  }
0x10: {  	s9 =	sor.u32 $0x200, s19;
	s0 =	sadd.s32 $0x1183800, s0;
	[dreg:$0x4] =	wrdreg s11  }
0x11: {  	s29 =	sor.u32 $0x2000, s28;
	s17 =	simm.s32 $0x100;
	[dreg:$0x5] =	wrdreg s20  }
0x12: {  	s18 =	simm.s32 $0x1;
	s19 =	simm.s32 $0xF200;
	[dreg:$0x9] =	wrdreg s0  }
0x13: {  	s21 =	sadd.s32 s5, s9;
	s9 =	sadd.s32 s6, s9;
	[dreg:$0xb] =	wrdreg s29  }
.Ltmp0:
0x14: {  	s10 =	smax.u32 s10, $0x1;
	[dreg:$0x6] =	wrdreg s21;
	(pc) =	sbr.rel .LBB2_1-.Ltmp0, $4  }
0x15: {  	s23 =	sadd.s32 $0x1, s7;
	s0 =	sadd.s32 $0x7BF800, s26;
	[dreg:$0x7] =	wrdreg s9  }
0x16: {  	v2 =	vlaneseq.u32;
	s11 =	simm.s32 $0x10200;
	s20 =	simm.s32 $0x0;
	[dreg:$0x8] =	wrdreg s10  }
0x17: {  	vm0 =	vmmov $0xffff;
	v1 =	vshrl.u32 v2, $0x3;
	s14 =	sand.u32 $0x5E, s23;
	[dreg:$0xa] =	wrdreg s0;
	s0 =	simm.s32 $0x6200  }
0x18: {  	v0 =	vand.u32 $0x7, v2;
	v2 =	vor.u32 $0x8, v2;
	v1 =	vmul.u32 $0x8, v1;
	s9 =	simm.s32 $0x7A00;
	s10 =	simm.s32 $0x80;
	s23 =	simm.s32 $0x5  }
.LBB2_7:
0x19: {  	s15 =	simm.s32 $0x6  }
0x1a: {  	_ =	swait.ge [sflag:s15], $0x8000  }
0x1b: {  	[sflag:s15] =	ssyncset.done $0x0  }
0x1c: {  	[sflag:s15] =	ssyncadd.s32 $0xFFFF8000  }
0x1d: {  	_ =	swait.ge [sflag:s15], $0x4000  }
0x1e: {  	[sflag:s15] =	ssyncset.done $0x0  }
0x1f: {  	[sflag:s15] =	ssyncadd.s32 $0xFFFFC000  }
0x20: {  	_ =	swait.ge [sflag:s23], $0x8000  }
0x21: {  	[sflag:s23] =	ssyncset.done $0x0  }
0x22: {  	[sflag:s23] =	ssyncadd.s32 $0xFFFF8000  }
0x23: {  	_ =	swait.ge [sflag:s23], $0x4000  }
0x24: {  	s20 =	rddreg [dreg:$0xc]  }
0x25: {  	s29 =	rddreg [dreg:$0x8];
	s20 =	sadd.s32 $0x1, s20  }
0x26: {  	p0 =	sne.s32 s20, s29  }
.Ltmp1:
0x27: {  	_ = 	snop;
	(pc) =	sbr.rel @!p0 .LBB2_8-.Ltmp1, $3  }
0x28: {  	_ =	sdelay $0x1  }
0x29: {  	[sflag:s23] =	ssyncset.done $0x0  }
0x2a: {  	[sflag:s23] =	ssyncadd.s32 $0xFFFFC000  }
.LBB2_1:
0x2b: {  	[dreg:$0xc] =	wrdreg s20  }
0x2c: {  	s15 =	rddreg [dreg:$0x4]  }
0x2d: {  	[tilespmem:s4], [sflag:$0x1] =	stream.linear.gather [hbm4b:s15+s4], $0x80, $0x38;
	[tilespmem:$0x18200] =	vst v63  }
0x2e: {  	s21 =	rddreg [dreg:$0x5]  }
0x2f: {  	[tilespmem:s17], [sflag:$0x1] =	stream.linear.gather [hbm4b:s21+s4], $0x80, $0x38;
	[tilespmem:$0x18200] =	vst v63  }
0x30: {  	_ =	swait.ge [sflag:s18], $0x80  }
0x31: {  	[sflag:s18] =	ssyncset.done $0x0  }
0x32: {  	[sflag:s18] =	ssyncadd.s32 $0xFFFFFF80  }
0x33: {  	_ =	swait.ge [sflag:s18], $0x80  }
0x34: {  	[sflag:s18] =	ssyncset.done $0x0  }
0x35: {  	[sflag:s18] =	ssyncadd.s32 $0xFFFFFF80  }
0x36: {  	v3 =	vld [tilespmem:$0x0];
	_ =	sdelay $0x4  }
0x37: {  	v4 =	vshll.u32 v3, $0x1  }
0x38: {  	v3 =	vand.u32 $0x7, v3;
	v4 =	vand.u32 $0xFFFFFFF0, v4  }
0x39: {  	v3 =	vor.u32 v3, v4  }
0x3a: {  	v4 =	vperm.xlane v3, v0;
	_ =	sdelay $0x1  }
0x3b: {  	v3 =	vperm.xlane v3, v2;
	v4 =	vadd.s32 v1, v4;
	_ =	sdelay $0x1  }
0x3c: {  	v3 =	vadd.s32 v1, v3;
	_ =	sdelay $0x1  }
0x3d: {  	s24 =	simm.s32 $0x200  }
0x3e: {  	[tilespmem:s24], [sflag:$0x3] =	stream.indirect_vreg.gather [hbm4b:s1+s4], $0x80, v4, vm0, $0xb8;
	[tilespmem:$0x18200] =	vst v63  }
0x3f: {  	s25 =	simm.s32 $0xA00  }
0x40: {  	[tilespmem:s25], [sflag:$0x3] =	stream.indirect_vreg.gather [hbm4b:s1+s4], $0x80, v3, vm0, $0xb8;
	[tilespmem:$0x18200] =	vst v63  }
0x41: {  	v3 =	vld [tilespmem:$0x10];
	_ =	sdelay $0x4  }
0x42: {  	v57 =	vshll.u32 v3, $0x1  }
0x43: {  	v3 =	vand.u32 $0x7, v3;
	v4 =	vand.u32 $0xFFFFFFF0, v57  }
0x44: {  	v3 =	vor.u32 v3, v4  }
0x45: {  	v4 =	vperm.xlane v3, v0;
	_ =	sdelay $0x1  }
0x46: {  	v3 =	vperm.xlane v3, v2;
	v4 =	vadd.s32 v1, v4;
	_ =	sdelay $0x1  }
0x47: {  	v3 =	vadd.s32 v1, v3;
	_ =	sdelay $0x1  }
0x48: {  	s26 =	simm.s32 $0x1200  }
0x49: {  	[tilespmem:s26], [sflag:$0x3] =	stream.indirect_vreg.gather [hbm4b:s1+s4], $0x80, v4, vm0, $0xb8;
	[tilespmem:$0x18200] =	vst v63  }
0x4a: {  	s28 =	simm.s32 $0x1A00  }
0x4b: {  	[tilespmem:s28], [sflag:$0x3] =	stream.indirect_vreg.gather [hbm4b:s1+s4], $0x80, v3, vm0, $0xb8;
	[tilespmem:$0x18200] =	vst v63  }
0x4c: {  	v3 =	vld [tilespmem:$0x20];
	_ =	sdelay $0x4  }
0x4d: {  	v58 =	vshll.u32 v3, $0x1  }
0x4e: {  	v3 =	vand.u32 $0x7, v3;
	v4 =	vand.u32 $0xFFFFFFF0, v58  }
0x4f: {  	v3 =	vor.u32 v3, v4  }
0x50: {  	v4 =	vperm.xlane v3, v0;
	_ =	sdelay $0x1  }
0x51: {  	v3 =	vperm.xlane v3, v2;
	v4 =	vadd.s32 v1, v4;
	_ =	sdelay $0x1  }
0x52: {  	v3 =	vadd.s32 v1, v3;
	_ =	sdelay $0x1  }
0x53: {  	s29 =	simm.s32 $0x2200  }
0x54: {  	[tilespmem:s29], [sflag:$0x3] =	stream.indirect_vreg.gather [hbm4b:s1+s4], $0x80, v4, vm0, $0xb8;
	[tilespmem:$0x18200] =	vst v63  }
0x55: {  	s20 =	simm.s32 $0x2A00  }
0x56: {  	[tilespmem:s20], [sflag:$0x3] =	stream.indirect_vreg.gather [hbm4b:s1+s4], $0x80, v3, vm0, $0xb8;
	[tilespmem:$0x18200] =	vst v63  }
0x57: {  	v3 =	vld [tilespmem:$0x30];
	_ =	sdelay $0x4  }
0x58: {  	v59 =	vshll.u32 v3, $0x1  }
0x59: {  	v3 =	vand.u32 $0x7, v3;
	v4 =	vand.u32 $0xFFFFFFF0, v59  }
0x5a: {  	v3 =	vor.u32 v3, v4  }
0x5b: {  	v4 =	vperm.xlane v3, v0;
	_ =	sdelay $0x1  }
0x5c: {  	v3 =	vperm.xlane v3, v2;
	v4 =	vadd.s32 v1, v4;
	_ =	sdelay $0x1  }
0x5d: {  	v3 =	vadd.s32 v1, v3;
	_ =	sdelay $0x1  }
0x5e: {  	s21 =	simm.s32 $0x3200  }
0x5f: {  	[tilespmem:s21], [sflag:$0x3] =	stream.indirect_vreg.gather [hbm4b:s1+s4], $0x80, v4, vm0, $0xb8;
	[tilespmem:$0x18200] =	vst v63  }
0x60: {  	s24 =	simm.s32 $0x3A00  }
0x61: {  	[tilespmem:s24], [sflag:$0x3] =	stream.indirect_vreg.gather [hbm4b:s1+s4], $0x80, v3, vm0, $0xb8;
	[tilespmem:$0x18200] =	vst v63  }
0x62: {  	v3 =	vld [tilespmem:$0x40];
	_ =	sdelay $0x4  }
0x63: {  	v60 =	vshll.u32 v3, $0x1  }
0x64: {  	v3 =	vand.u32 $0x7, v3;
	v4 =	vand.u32 $0xFFFFFFF0, v60  }
0x65: {  	v3 =	vor.u32 v3, v4  }
0x66: {  	v4 =	vperm.xlane v3, v0;
	_ =	sdelay $0x1  }
0x67: {  	v3 =	vperm.xlane v3, v2;
	v4 =	vadd.s32 v1, v4;
	_ =	sdelay $0x1  }
0x68: {  	v3 =	vadd.s32 v1, v3;
	_ =	sdelay $0x1  }
0x69: {  	s25 =	simm.s32 $0x4200  }
0x6a: {  	[tilespmem:s25], [sflag:$0x3] =	stream.indirect_vreg.gather [hbm4b:s1+s4], $0x80, v4, vm0, $0xb8;
	[tilespmem:$0x18200] =	vst v63  }
0x6b: {  	s26 =	simm.s32 $0x4A00  }
0x6c: {  	[tilespmem:s26], [sflag:$0x3] =	stream.indirect_vreg.gather [hbm4b:s1+s4], $0x80, v3, vm0, $0xb8;
	[tilespmem:$0x18200] =	vst v63  }
0x6d: {  	v3 =	vld [tilespmem:$0x50];
	_ =	sdelay $0x4  }
0x6e: {  	v61 =	vshll.u32 v3, $0x1  }
0x6f: {  	v3 =	vand.u32 $0x7, v3;
	v4 =	vand.u32 $0xFFFFFFF0, v61  }
0x70: {  	v3 =	vor.u32 v3, v4  }
0x71: {  	v4 =	vperm.xlane v3, v0;
	_ =	sdelay $0x1  }
0x72: {  	v3 =	vperm.xlane v3, v2;
	v4 =	vadd.s32 v1, v4;
	_ =	sdelay $0x1  }
0x73: {  	v3 =	vadd.s32 v1, v3;
	_ =	sdelay $0x2  }
0x74: {  	[tilespmem:s30], [sflag:$0x3] =	stream.indirect_vreg.gather [hbm4b:s1+s4], $0x80, v4, vm0, $0xb8;
	[tilespmem:$0x18200] =	vst v63  }
0x75: {  	_ = 	snop  }
0x76: {  	[tilespmem:s31], [sflag:$0x3] =	stream.indirect_vreg.gather [hbm4b:s1+s4], $0x80, v3, vm0, $0xb8;
	[tilespmem:$0x18200] =	vst v63  }
0x77: {  	v3 =	vld [tilespmem:$0x60];
	_ =	sdelay $0x4  }
0x78: {  	v62 =	vshll.u32 v3, $0x1  }
0x79: {  	v3 =	vand.u32 $0x7, v3;
	v4 =	vand.u32 $0xFFFFFFF0, v62  }
0x7a: {  	v3 =	vor.u32 v3, v4  }
0x7b: {  	v4 =	vperm.xlane v3, v0;
	_ =	sdelay $0x1  }
0x7c: {  	v3 =	vperm.xlane v3, v2;
	v4 =	vadd.s32 v1, v4;
	_ =	sdelay $0x1  }
0x7d: {  	v3 =	vadd.s32 v1, v3;
	_ =	sdelay $0x2  }
0x7e: {  	[tilespmem:s0], [sflag:$0x3] =	stream.indirect_vreg.gather [hbm4b:s1+s4], $0x80, v4, vm0, $0xb8;
	[tilespmem:$0x18200] =	vst v63  }
0x7f: {  	_ = 	snop  }
0x80: {  	[tilespmem:s3], [sflag:$0x3] =	stream.indirect_vreg.gather [hbm4b:s1+s4], $0x80, v3, vm0, $0xb8;
	[tilespmem:$0x18200] =	vst v63  }
0x81: {  	v3 =	vld [tilespmem:$0x70];
	_ =	sdelay $0x4  }
0x82: {  	v63 =	vshll.u32 v3, $0x1  }
0x83: {  	v3 =	vand.u32 $0x7, v3;
	v4 =	vand.u32 $0xFFFFFFF0, v63  }
0x84: {  	v3 =	vor.u32 v3, v4  }
0x85: {  	v4 =	vperm.xlane v3, v0;
	_ =	sdelay $0x1  }
0x86: {  	v3 =	vperm.xlane v3, v2;
	v4 =	vadd.s32 v1, v4;
	_ =	sdelay $0x1  }
0x87: {  	v3 =	vadd.s32 v1, v3;
	_ =	sdelay $0x2  }
0x88: {  	[tilespmem:s8], [sflag:$0x3] =	stream.indirect_vreg.gather [hbm4b:s1+s4], $0x80, v4, vm0, $0xb8;
	[tilespmem:$0x18200] =	vst v63  }
0x89: {  	s28 =	rddreg [dreg:$0x6]  }
0x8a: {  	[tilespmem:s9], [sflag:$0x3] =	stream.indirect_vreg.gather [hbm4b:s1+s4], $0x80, v3, vm0, $0xb8;
	[tilespmem:$0x18200] =	vst v63  }
0x8b: {  	s29 =	rddreg [dreg:$0x7]  }
0x8c: {  	[tilespmem:s11], [sflag:$0x3] =	stream.indirect.gather [hbm4b:s2+s10], $0x80, s17, s10, $0xb8;
	[tilespmem:$0x18200] =	vst v63  }
.Ltmp2:
0x8d: {  	s20 =	rddreg [dreg:$0xa];
	(pc) =	sbr.rel .LBB2_2-.Ltmp2, $4  }
0x8e: {  	s24 =	rddreg [dreg:$0xb]  }
0x8f: {  	[tilespmem:s10], [sflag:$0x2] =	stream.linear.gather [hbm4b:s28+s4], $0x80, $0x38;
	[tilespmem:$0x18200] =	vst v63  }
0x90: {  	s15 =	simm.s32 $0x0;
	s25 =	rddreg [dreg:$0x9]  }
0x91: {  	[tilespmem:s12], [sflag:$0x2] =	stream.linear.gather [hbm4b:s29+s4], $0x80, $0x38;
	[tilespmem:$0x18200] =	vst v63  }
.LBB2_6:
0x92: {  	s21 =	simm.s32 @!p0 $0x4  }
0x93: {  	_ =	swait.ge @!p0 [sflag:s21], $0x8000  }
0x94: {  	[sflag:s21] =	ssyncset.done @!p0 $0x0  }
0x95: {  	[sflag:s21] =	ssyncadd.s32 @!p0 $0xFFFF8000  }
0x96: {  	_ =	swait.ge @!p0 [sflag:s21], $0x4000  }
0x97: {  	s28 =	simm.s32 @!p0 $0x0;
	[sflag:s21] =	ssyncset.done @!p0 $0x0  }
0x98: {  	s29 =	simm.s32 @!p0 $0x8200;
	[sflag:s21] =	ssyncadd.s32 @!p0 $0xFFFFC000;
	s21 =	sadd.s32 @!p0 $0x20000, s20  }
0x99: {  	[hbm4b:s21+s28] =	stream.linear.scatter @!p0 [tilespmem:s29], [sflag:$0x6], $0x8000, $0x38;
	[tilespmem:$0x18200] =	vst v63  }
0x9a: {  	s15 =	sadd.s32 $0x3, s15;
	s21 =	sadd.s32 @!p0 $0x10000, s25;
	s29 =	simm.s32 @!p0 $0x14200  }
0x9b: {  	[hbm4b:s21+s28] =	stream.linear.scatter @!p0 [tilespmem:s29], [sflag:$0x6], $0x4000, $0x38;
	[tilespmem:$0x18200] =	vst v63  }
0x9c: {  	p0 =	sge.u32 s15, s7  }
0x9d: {  	s15 =	sadd.s32 @!p0 $0x1000, s24  }
0x9e: {  	s15 =	sshrl.u32 @!p0 s15, $0x3  }
0x9f: {  	s28 =	simm.s32 @!p0 $0x0;
	s29 =	simm.s32 @!p0 $0x80;
	s21 =	sadd.s32 @!p0 s5, s15  }
0xa0: {  	[tilespmem:s29], [sflag:$0x2] =	stream.linear.gather @!p0 [hbm4b:s21+s28], $0x80, $0x38;
	[tilespmem:$0x18200] =	vst v63  }
0xa1: {  	s15 =	sadd.s32 @!p0 s6, s15;
	s21 =	simm.s32 @!p0 $0x180  }
0xa2: {  	[tilespmem:s21], [sflag:$0x2] =	stream.linear.gather @!p0 [hbm4b:s15+s28], $0x80, $0x38;
	[tilespmem:$0x18200] =	vst v63  }
0xa3: {  	p0 =	sne.s32 s14, s26  }
.Ltmp3:
0xa4: {  	_ = 	snop;
	(pc) =	sbr.rel @!p0 .LBB2_7-.Ltmp3, $3  }
0xa5: {  	_ =	sdelay $0x1  }
0xa6: {  	s20 =	sadd.s32 $0x40000, s20  }
0xa7: {  	s25 =	sadd.s32 $0x20000, s25;
	s24 =	sadd.s32 $0x2000, s24;
	s15 =	smov.u32 s26  }
.LBB2_2:
0xa8: {  	s26 =	sadd.s32 $0x1, s15  }
0xa9: {  	p0 =	sge.u32 s26, s7  }
.Ltmp4:
0xaa: {  	_ = 	snop;
	(pc) =	sbr.rel @p0 .LBB2_4-.Ltmp4, $1  }
0xab: {  	_ =	sdelay $0x3  }
0xac: {  	_ =	swait.ge [sflag:s13], $0x80  }
0xad: {  	[sflag:s13] =	ssyncset.done $0x0  }
0xae: {  	[sflag:s13] =	ssyncadd.s32 $0xFFFFFF80  }
0xaf: {  	_ =	swait.ge [sflag:s13], $0x80  }
0xb0: {  	p1 =	seq.s32 s15, $0x0;
	[sflag:s13] =	ssyncset.done $0x0  }
0xb1: {  	s26 =	simm.s32 @!p1 $0x6;
	[sflag:s13] =	ssyncadd.s32 $0xFFFFFF80  }
0xb2: {  	_ =	swait.ge @!p1 [sflag:s26], $0x8000  }
0xb3: {  	[sflag:s26] =	ssyncset.done @!p1 $0x0  }
0xb4: {  	[sflag:s26] =	ssyncadd.s32 @!p1 $0xFFFF8000  }
0xb5: {  	_ =	swait.ge @!p1 [sflag:s26], $0x4000  }
0xb6: {  	[sflag:s26] =	ssyncset.done @!p1 $0x0  }
0xb7: {  	[sflag:s26] =	ssyncadd.s32 @!p1 $0xFFFFC000  }
0xb8: {  	v3 =	vld [tilespmem:$0x80];
	_ =	sdelay $0x4  }
0xb9: {  	v4 =	vshll.u32 v3, $0x1  }
0xba: {  	v3 =	vand.u32 $0x7, v3;
	v4 =	vand.u32 $0xFFFFFFF0, v4  }
0xbb: {  	v3 =	vor.u32 v3, v4  }
0xbc: {  	v4 =	vperm.xlane v3, v0;
	_ =	sdelay $0x1  }
0xbd: {  	v3 =	vperm.xlane v3, v2;
	v4 =	vadd.s32 v1, v4;
	_ =	sdelay $0x1  }
0xbe: {  	v3 =	vadd.s32 v1, v3;
	_ =	sdelay $0x1  }
0xbf: {  	s21 =	simm.s32 $0x8200  }
0xc0: {  	[tilespmem:s21], [sflag:$0x4] =	stream.indirect_vreg.gather [hbm4b:s1+s4], $0x80, v4, vm0, $0xb8;
	[tilespmem:$0x18200] =	vst v63  }
0xc1: {  	s29 =	simm.s32 $0x8A00  }
0xc2: {  	[tilespmem:s29], [sflag:$0x4] =	stream.indirect_vreg.gather [hbm4b:s1+s4], $0x80, v3, vm0, $0xb8;
	[tilespmem:$0x18200] =	vst v63  }
0xc3: {  	v3 =	vld [tilespmem:$0x90];
	_ =	sdelay $0x4  }
0xc4: {  	v57 =	vshll.u32 v3, $0x1  }
0xc5: {  	v3 =	vand.u32 $0x7, v3;
	v4 =	vand.u32 $0xFFFFFFF0, v57  }
0xc6: {  	v3 =	vor.u32 v3, v4  }
0xc7: {  	v4 =	vperm.xlane v3, v0;
	_ =	sdelay $0x1  }
0xc8: {  	v3 =	vperm.xlane v3, v2;
	v4 =	vadd.s32 v1, v4;
	_ =	sdelay $0x1  }
0xc9: {  	v3 =	vadd.s32 v1, v3;
	_ =	sdelay $0x1  }
0xca: {  	s26 =	simm.s32 $0x9200  }
0xcb: {  	[tilespmem:s26], [sflag:$0x4] =	stream.indirect_vreg.gather [hbm4b:s1+s4], $0x80, v4, vm0, $0xb8;
	[tilespmem:$0x18200] =	vst v63  }
0xcc: {  	s28 =	simm.s32 $0x9A00  }
0xcd: {  	[tilespmem:s28], [sflag:$0x4] =	stream.indirect_vreg.gather [hbm4b:s1+s4], $0x80, v3, vm0, $0xb8;
	[tilespmem:$0x18200] =	vst v63  }
0xce: {  	v3 =	vld [tilespmem:$0xA0];
	_ =	sdelay $0x4  }
0xcf: {  	v58 =	vshll.u32 v3, $0x1  }
0xd0: {  	v3 =	vand.u32 $0x7, v3;
	v4 =	vand.u32 $0xFFFFFFF0, v58  }
0xd1: {  	v3 =	vor.u32 v3, v4  }
0xd2: {  	v4 =	vperm.xlane v3, v0;
	_ =	sdelay $0x1  }
0xd3: {  	v3 =	vperm.xlane v3, v2;
	v4 =	vadd.s32 v1, v4;
	_ =	sdelay $0x1  }
0xd4: {  	v3 =	vadd.s32 v1, v3;
	_ =	sdelay $0x1  }
0xd5: {  	s29 =	simm.s32 $0xA200  }
0xd6: {  	[tilespmem:s29], [sflag:$0x4] =	stream.indirect_vreg.gather [hbm4b:s1+s4], $0x80, v4, vm0, $0xb8;
	[tilespmem:$0x18200] =	vst v63  }
0xd7: {  	s26 =	simm.s32 $0xAA00  }
0xd8: {  	[tilespmem:s26], [sflag:$0x4] =	stream.indirect_vreg.gather [hbm4b:s1+s4], $0x80, v3, vm0, $0xb8;
	[tilespmem:$0x18200] =	vst v63  }
0xd9: {  	v3 =	vld [tilespmem:$0xB0];
	_ =	sdelay $0x4  }
0xda: {  	v59 =	vshll.u32 v3, $0x1  }
0xdb: {  	v3 =	vand.u32 $0x7, v3;
	v4 =	vand.u32 $0xFFFFFFF0, v59  }
0xdc: {  	v3 =	vor.u32 v3, v4  }
0xdd: {  	v4 =	vperm.xlane v3, v0;
	_ =	sdelay $0x1  }
0xde: {  	v3 =	vperm.xlane v3, v2;
	v4 =	vadd.s32 v1, v4;
	_ =	sdelay $0x1  }
0xdf: {  	v3 =	vadd.s32 v1, v3;
	_ =	sdelay $0x1  }
0xe0: {  	s28 =	simm.s32 $0xB200  }
0xe1: {  	[tilespmem:s28], [sflag:$0x4] =	stream.indirect_vreg.gather [hbm4b:s1+s4], $0x80, v4, vm0, $0xb8;
	[tilespmem:$0x18200] =	vst v63  }
0xe2: {  	s29 =	simm.s32 $0xBA00  }
0xe3: {  	[tilespmem:s29], [sflag:$0x4] =	stream.indirect_vreg.gather [hbm4b:s1+s4], $0x80, v3, vm0, $0xb8;
	[tilespmem:$0x18200] =	vst v63  }
0xe4: {  	v3 =	vld [tilespmem:$0xC0];
	_ =	sdelay $0x4  }
0xe5: {  	v60 =	vshll.u32 v3, $0x1  }
0xe6: {  	v3 =	vand.u32 $0x7, v3;
	v4 =	vand.u32 $0xFFFFFFF0, v60  }
0xe7: {  	v3 =	vor.u32 v3, v4  }
0xe8: {  	v4 =	vperm.xlane v3, v0;
	_ =	sdelay $0x1  }
0xe9: {  	v3 =	vperm.xlane v3, v2;
	v4 =	vadd.s32 v1, v4;
	_ =	sdelay $0x1  }
0xea: {  	v3 =	vadd.s32 v1, v3;
	_ =	sdelay $0x1  }
0xeb: {  	s26 =	simm.s32 $0xC200  }
0xec: {  	[tilespmem:s26], [sflag:$0x4] =	stream.indirect_vreg.gather [hbm4b:s1+s4], $0x80, v4, vm0, $0xb8;
	[tilespmem:$0x18200] =	vst v63  }
0xed: {  	s28 =	simm.s32 $0xCA00  }
0xee: {  	[tilespmem:s28], [sflag:$0x4] =	stream.indirect_vreg.gather [hbm4b:s1+s4], $0x80, v3, vm0, $0xb8;
	[tilespmem:$0x18200] =	vst v63  }
0xef: {  	v3 =	vld [tilespmem:$0xD0];
	_ =	sdelay $0x4  }
0xf0: {  	v61 =	vshll.u32 v3, $0x1  }
0xf1: {  	v3 =	vand.u32 $0x7, v3;
	v4 =	vand.u32 $0xFFFFFFF0, v61  }
0xf2: {  	v3 =	vor.u32 v3, v4  }
0xf3: {  	v4 =	vperm.xlane v3, v0;
	_ =	sdelay $0x1  }
0xf4: {  	v3 =	vperm.xlane v3, v2;
	v4 =	vadd.s32 v1, v4;
	_ =	sdelay $0x1  }
0xf5: {  	v3 =	vadd.s32 v1, v3;
	_ =	sdelay $0x1  }
0xf6: {  	s29 =	simm.s32 $0xD200  }
0xf7: {  	[tilespmem:s29], [sflag:$0x4] =	stream.indirect_vreg.gather [hbm4b:s1+s4], $0x80, v4, vm0, $0xb8;
	[tilespmem:$0x18200] =	vst v63  }
0xf8: {  	s26 =	simm.s32 $0xDA00  }
0xf9: {  	[tilespmem:s26], [sflag:$0x4] =	stream.indirect_vreg.gather [hbm4b:s1+s4], $0x80, v3, vm0, $0xb8;
	[tilespmem:$0x18200] =	vst v63  }
0xfa: {  	v3 =	vld [tilespmem:$0xE0];
	_ =	sdelay $0x4  }
0xfb: {  	v62 =	vshll.u32 v3, $0x1  }
0xfc: {  	v3 =	vand.u32 $0x7, v3;
	v4 =	vand.u32 $0xFFFFFFF0, v62  }
0xfd: {  	v3 =	vor.u32 v3, v4  }
0xfe: {  	v4 =	vperm.xlane v3, v0;
	_ =	sdelay $0x1  }
0xff: {  	v3 =	vperm.xlane v3, v2;
	v4 =	vadd.s32 v1, v4;
	_ =	sdelay $0x1  }
0x100: {  	v3 =	vadd.s32 v1, v3;
	_ =	sdelay $0x1  }
0x101: {  	s28 =	simm.s32 $0xE200  }
0x102: {  	[tilespmem:s28], [sflag:$0x4] =	stream.indirect_vreg.gather [hbm4b:s1+s4], $0x80, v4, vm0, $0xb8;
	[tilespmem:$0x18200] =	vst v63  }
0x103: {  	s29 =	simm.s32 $0xEA00  }
0x104: {  	[tilespmem:s29], [sflag:$0x4] =	stream.indirect_vreg.gather [hbm4b:s1+s4], $0x80, v3, vm0, $0xb8;
	[tilespmem:$0x18200] =	vst v63  }
0x105: {  	v3 =	vld [tilespmem:$0xF0];
	_ =	sdelay $0x4  }
0x106: {  	v63 =	vshll.u32 v3, $0x1  }
0x107: {  	v3 =	vand.u32 $0x7, v3;
	v4 =	vand.u32 $0xFFFFFFF0, v63  }
0x108: {  	v3 =	vor.u32 v3, v4  }
0x109: {  	v4 =	vperm.xlane v3, v0;
	_ =	sdelay $0x1  }
0x10a: {  	v3 =	vperm.xlane v3, v2;
	v4 =	vadd.s32 v1, v4;
	_ =	sdelay $0x1  }
0x10b: {  	v3 =	vadd.s32 v1, v3;
	_ =	sdelay $0x2  }
0x10c: {  	[tilespmem:s19], [sflag:$0x4] =	stream.indirect_vreg.gather [hbm4b:s1+s4], $0x80, v4, vm0, $0xb8;
	[tilespmem:$0x18200] =	vst v63  }
0x10d: {  	_ = 	snop  }
0x10e: {  	[tilespmem:s22], [sflag:$0x4] =	stream.indirect_vreg.gather [hbm4b:s1+s4], $0x80, v3, vm0, $0xb8;
	[tilespmem:$0x18200] =	vst v63  }
0x10f: {  	_ = 	snop  }
0x110: {  	[tilespmem:s16], [sflag:$0x4] =	stream.indirect.gather [hbm4b:s2+s10], $0x80, s12, s10, $0xb8;
	[tilespmem:$0x18200] =	vst v63  }
.LBB2_4:
0x111: {  	p1 =	sge.u32 s15, s7  }
0x112: {  	s26 =	simm.s32 @!p1 $0x3  }
0x113: {  	_ =	swait.ge @!p1 [sflag:s26], $0x8000  }
0x114: {  	[sflag:s26] =	ssyncset.done @!p1 $0x0  }
0x115: {  	[sflag:s26] =	ssyncadd.s32 @!p1 $0xFFFF8000  }
0x116: {  	_ =	swait.ge @!p1 [sflag:s26], $0x4000  }
0x117: {  	[sflag:s26] =	ssyncset.done @!p1 $0x0  }
0x118: {  	s21 =	simm.s32 @!p1 $0x200;
	[sflag:s26] =	ssyncadd.s32 @!p1 $0xFFFFC000;
	s26 =	simm.s32 @!p1 $0x0  }
0x119: {  	[hbm4b:s20+s26] =	stream.linear.scatter @!p1 [tilespmem:s21], [sflag:$0x5], $0x8000, $0x38;
	[tilespmem:$0x18200] =	vst v63  }
0x11a: {  	s21 =	simm.s32 @!p1 $0x10200  }
0x11b: {  	[hbm4b:s25+s26] =	stream.linear.scatter @!p1 [tilespmem:s21], [sflag:$0x5], $0x4000, $0x38;
	[tilespmem:$0x18200] =	vst v63  }
0x11c: {  	s26 =	sadd.s32 $0x2, s15  }
0x11d: {  	p1 =	sge.u32 s26, s7  }
.Ltmp5:
0x11e: {  	_ = 	snop;
	(pc) =	sbr.rel @p1 .LBB2_6-.Ltmp5, $1  }
0x11f: {  	_ =	sdelay $0x3  }
0x120: {  	s21 =	sshrl.u32 s24, $0x3  }
0x121: {  	s28 =	sadd.s32 s5, s21  }
0x122: {  	[tilespmem:s4], [sflag:$0x1] =	stream.linear.gather [hbm4b:s28+s4], $0x80, $0x38;
	[tilespmem:$0x18200] =	vst v63  }
0x123: {  	s21 =	sadd.s32 s6, s21  }
0x124: {  	[tilespmem:s17], [sflag:$0x1] =	stream.linear.gather [hbm4b:s21+s4], $0x80, $0x38;
	[tilespmem:$0x18200] =	vst v63  }
0x125: {  	_ =	swait.ge [sflag:s18], $0x80  }
0x126: {  	[sflag:s18] =	ssyncset.done $0x0  }
0x127: {  	[sflag:s18] =	ssyncadd.s32 $0xFFFFFF80  }
0x128: {  	_ =	swait.ge [sflag:s18], $0x80  }
0x129: {  	[sflag:s18] =	ssyncset.done $0x0  }
0x12a: {  	[sflag:s18] =	ssyncadd.s32 $0xFFFFFF80  }
0x12b: {  	_ =	swait.ge [sflag:s23], $0x8000  }
0x12c: {  	[sflag:s23] =	ssyncset.done $0x0  }
0x12d: {  	[sflag:s23] =	ssyncadd.s32 $0xFFFF8000  }
0x12e: {  	_ =	swait.ge [sflag:s23], $0x4000  }
0x12f: {  	[sflag:s23] =	ssyncset.done $0x0  }
0x130: {  	[sflag:s23] =	ssyncadd.s32 $0xFFFFC000  }
0x131: {  	v3 =	vld [tilespmem:$0x0];
	_ =	sdelay $0x4  }
0x132: {  	v4 =	vshll.u32 v3, $0x1  }
0x133: {  	v3 =	vand.u32 $0x7, v3;
	v4 =	vand.u32 $0xFFFFFFF0, v4  }
0x134: {  	v3 =	vor.u32 v3, v4  }
0x135: {  	v4 =	vperm.xlane v3, v0;
	_ =	sdelay $0x1  }
0x136: {  	v3 =	vperm.xlane v3, v2;
	v4 =	vadd.s32 v1, v4;
	_ =	sdelay $0x1  }
0x137: {  	v3 =	vadd.s32 v1, v3;
	_ =	sdelay $0x1  }
0x138: {  	s28 =	simm.s32 $0x200  }
0x139: {  	[tilespmem:s28], [sflag:$0x3] =	stream.indirect_vreg.gather [hbm4b:s1+s4], $0x80, v4, vm0, $0xb8;
	[tilespmem:$0x18200] =	vst v63  }
0x13a: {  	s29 =	simm.s32 $0xA00  }
0x13b: {  	[tilespmem:s29], [sflag:$0x3] =	stream.indirect_vreg.gather [hbm4b:s1+s4], $0x80, v3, vm0, $0xb8;
	[tilespmem:$0x18200] =	vst v63  }
0x13c: {  	v3 =	vld [tilespmem:$0x10];
	_ =	sdelay $0x4  }
0x13d: {  	v57 =	vshll.u32 v3, $0x1  }
0x13e: {  	v3 =	vand.u32 $0x7, v3;
	v4 =	vand.u32 $0xFFFFFFF0, v57  }
0x13f: {  	v3 =	vor.u32 v3, v4  }
0x140: {  	v4 =	vperm.xlane v3, v0;
	_ =	sdelay $0x1  }
0x141: {  	v3 =	vperm.xlane v3, v2;
	v4 =	vadd.s32 v1, v4;
	_ =	sdelay $0x1  }
0x142: {  	v3 =	vadd.s32 v1, v3;
	_ =	sdelay $0x1  }
0x143: {  	s28 =	simm.s32 $0x1200  }
0x144: {  	[tilespmem:s28], [sflag:$0x3] =	stream.indirect_vreg.gather [hbm4b:s1+s4], $0x80, v4, vm0, $0xb8;
	[tilespmem:$0x18200] =	vst v63  }
0x145: {  	s29 =	simm.s32 $0x1A00  }
0x146: {  	[tilespmem:s29], [sflag:$0x3] =	stream.indirect_vreg.gather [hbm4b:s1+s4], $0x80, v3, vm0, $0xb8;
	[tilespmem:$0x18200] =	vst v63  }
0x147: {  	v3 =	vld [tilespmem:$0x20];
	_ =	sdelay $0x4  }
0x148: {  	v58 =	vshll.u32 v3, $0x1  }
0x149: {  	v3 =	vand.u32 $0x7, v3;
	v4 =	vand.u32 $0xFFFFFFF0, v58  }
0x14a: {  	v3 =	vor.u32 v3, v4  }
0x14b: {  	v4 =	vperm.xlane v3, v0;
	_ =	sdelay $0x1  }
0x14c: {  	v3 =	vperm.xlane v3, v2;
	v4 =	vadd.s32 v1, v4;
	_ =	sdelay $0x1  }
0x14d: {  	v3 =	vadd.s32 v1, v3;
	_ =	sdelay $0x1  }
0x14e: {  	s28 =	simm.s32 $0x2200  }
0x14f: {  	[tilespmem:s28], [sflag:$0x3] =	stream.indirect_vreg.gather [hbm4b:s1+s4], $0x80, v4, vm0, $0xb8;
	[tilespmem:$0x18200] =	vst v63  }
0x150: {  	s29 =	simm.s32 $0x2A00  }
0x151: {  	[tilespmem:s29], [sflag:$0x3] =	stream.indirect_vreg.gather [hbm4b:s1+s4], $0x80, v3, vm0, $0xb8;
	[tilespmem:$0x18200] =	vst v63  }
0x152: {  	v3 =	vld [tilespmem:$0x30];
	_ =	sdelay $0x4  }
0x153: {  	v59 =	vshll.u32 v3, $0x1  }
0x154: {  	v3 =	vand.u32 $0x7, v3;
	v4 =	vand.u32 $0xFFFFFFF0, v59  }
0x155: {  	v3 =	vor.u32 v3, v4  }
0x156: {  	v4 =	vperm.xlane v3, v0;
	_ =	sdelay $0x1  }
0x157: {  	v3 =	vperm.xlane v3, v2;
	v4 =	vadd.s32 v1, v4;
	_ =	sdelay $0x1  }
0x158: {  	v3 =	vadd.s32 v1, v3;
	_ =	sdelay $0x1  }
0x159: {  	s28 =	simm.s32 $0x3200  }
0x15a: {  	[tilespmem:s28], [sflag:$0x3] =	stream.indirect_vreg.gather [hbm4b:s1+s4], $0x80, v4, vm0, $0xb8;
	[tilespmem:$0x18200] =	vst v63  }
0x15b: {  	s29 =	simm.s32 $0x3A00  }
0x15c: {  	[tilespmem:s29], [sflag:$0x3] =	stream.indirect_vreg.gather [hbm4b:s1+s4], $0x80, v3, vm0, $0xb8;
	[tilespmem:$0x18200] =	vst v63  }
0x15d: {  	v3 =	vld [tilespmem:$0x40];
	_ =	sdelay $0x4  }
0x15e: {  	v60 =	vshll.u32 v3, $0x1  }
0x15f: {  	v3 =	vand.u32 $0x7, v3;
	v4 =	vand.u32 $0xFFFFFFF0, v60  }
0x160: {  	v3 =	vor.u32 v3, v4  }
0x161: {  	v4 =	vperm.xlane v3, v0;
	_ =	sdelay $0x1  }
0x162: {  	v3 =	vperm.xlane v3, v2;
	v4 =	vadd.s32 v1, v4;
	_ =	sdelay $0x1  }
0x163: {  	v3 =	vadd.s32 v1, v3;
	_ =	sdelay $0x1  }
0x164: {  	s28 =	simm.s32 $0x4200  }
0x165: {  	[tilespmem:s28], [sflag:$0x3] =	stream.indirect_vreg.gather [hbm4b:s1+s4], $0x80, v4, vm0, $0xb8;
	[tilespmem:$0x18200] =	vst v63  }
0x166: {  	s29 =	simm.s32 $0x4A00  }
0x167: {  	[tilespmem:s29], [sflag:$0x3] =	stream.indirect_vreg.gather [hbm4b:s1+s4], $0x80, v3, vm0, $0xb8;
	[tilespmem:$0x18200] =	vst v63  }
0x168: {  	v3 =	vld [tilespmem:$0x50];
	_ =	sdelay $0x4  }
0x169: {  	v61 =	vshll.u32 v3, $0x1  }
0x16a: {  	v3 =	vand.u32 $0x7, v3;
	v4 =	vand.u32 $0xFFFFFFF0, v61  }
0x16b: {  	v3 =	vor.u32 v3, v4  }
0x16c: {  	v4 =	vperm.xlane v3, v0;
	_ =	sdelay $0x1  }
0x16d: {  	v3 =	vperm.xlane v3, v2;
	v4 =	vadd.s32 v1, v4;
	_ =	sdelay $0x1  }
0x16e: {  	v3 =	vadd.s32 v1, v3;
	_ =	sdelay $0x2  }
0x16f: {  	[tilespmem:s30], [sflag:$0x3] =	stream.indirect_vreg.gather [hbm4b:s1+s4], $0x80, v4, vm0, $0xb8;
	[tilespmem:$0x18200] =	vst v63  }
0x170: {  	_ = 	snop  }
0x171: {  	[tilespmem:s31], [sflag:$0x3] =	stream.indirect_vreg.gather [hbm4b:s1+s4], $0x80, v3, vm0, $0xb8;
	[tilespmem:$0x18200] =	vst v63  }
0x172: {  	v3 =	vld [tilespmem:$0x60];
	_ =	sdelay $0x4  }
0x173: {  	v62 =	vshll.u32 v3, $0x1  }
0x174: {  	v3 =	vand.u32 $0x7, v3;
	v4 =	vand.u32 $0xFFFFFFF0, v62  }
0x175: {  	v3 =	vor.u32 v3, v4  }
0x176: {  	v4 =	vperm.xlane v3, v0;
	_ =	sdelay $0x1  }
0x177: {  	v3 =	vperm.xlane v3, v2;
	v4 =	vadd.s32 v1, v4;
	_ =	sdelay $0x1  }
0x178: {  	v3 =	vadd.s32 v1, v3;
	_ =	sdelay $0x2  }
0x179: {  	[tilespmem:s0], [sflag:$0x3] =	stream.indirect_vreg.gather [hbm4b:s1+s4], $0x80, v4, vm0, $0xb8;
	[tilespmem:$0x18200] =	vst v63  }
0x17a: {  	_ = 	snop  }
0x17b: {  	[tilespmem:s3], [sflag:$0x3] =	stream.indirect_vreg.gather [hbm4b:s1+s4], $0x80, v3, vm0, $0xb8;
	[tilespmem:$0x18200] =	vst v63  }
0x17c: {  	v3 =	vld [tilespmem:$0x70];
	_ =	sdelay $0x4  }
0x17d: {  	v63 =	vshll.u32 v3, $0x1  }
0x17e: {  	v3 =	vand.u32 $0x7, v3;
	v4 =	vand.u32 $0xFFFFFFF0, v63  }
0x17f: {  	v3 =	vor.u32 v3, v4  }
0x180: {  	v4 =	vperm.xlane v3, v0;
	_ =	sdelay $0x1  }
0x181: {  	v4 =	vadd.s32 v1, v4  }
0x182: {  	v3 =	vperm.xlane v3, v2;
	_ =	sdelay $0x1  }
0x183: {  	v3 =	vadd.s32 v1, v3;
	_ =	sdelay $0x1  }
0x184: {  	[tilespmem:s8], [sflag:$0x3] =	stream.indirect_vreg.gather [hbm4b:s1+s4], $0x80, v4, vm0, $0xb8;
	[tilespmem:$0x18200] =	vst v63  }
.Ltmp6:
0x185: {  	_ = 	snop;
	(pc) =	sbr.rel .LBB2_6-.Ltmp6, $4  }
0x186: {  	_ = 	snop  }
0x187: {  	[tilespmem:s9], [sflag:$0x3] =	stream.indirect_vreg.gather [hbm4b:s1+s4], $0x80, v3, vm0, $0xb8;
	[tilespmem:$0x18200] =	vst v63  }
0x188: {  	_ = 	snop  }
0x189: {  	[tilespmem:s11], [sflag:$0x3] =	stream.indirect.gather [hbm4b:s2+s10], $0x80, s17, s10, $0xb8;
	[tilespmem:$0x18200] =	vst v63  }
.LBB2_8:
0x18a: {  	_ =	sfence.sel $0x180000  }
0x18b: {  	[bflag:$0x0] =	sbarrier.arrive $0xFFFF  }
0x18c: {  	_ =	strace $0x9000004A  }
0x18d: {  	s0 =	stileid.u32;
	[bflag:$0x2] =	sbarrier.arrive $0xFFFF  }
0x18e: {  	p0 =	sne.s32 s0, $0x0;
	s0 =	rddreg [dreg:$0x3]  }
0x18f: {  	s0 =	sadd.s32 @!p0 $0x100000, s0  }
0x190: {  	[sflag:s0] =	ssyncadd.tile.s32 @!p0 $0x1;
	_ =	shalt  }
.Lfunc_end2:
_tile_overlayer_lowered:
.L_overlay_start_2:
0x191: {  	(tag) =	ssettag $0x2  }
0x192: {  	s0 =	rddreg [dreg:$0x0];
	s2 =	stileid.u32  }
0x193: {  	s1 =	rddreg [dreg:$0x1];
	p0 =	sne.s32 s2, $0x0  }
0x194: {  	s3 =	rddreg [dreg:$0x2];
	[bflag:$0x3] =	sbarrier.arrive $0xFFFF;
	s2 =	simm.s32 @!p0 $0x1C07  }
0x195: {  	[timem:s3], [sflag:s2] =	dma.local @!p0 [hbm:s0], s1  }
0x196: {  	s0 =	simm.s32 @!p0 $0x7  }
0x197: {  	_ =	swait.ge @!p0 [sflag:s0], s1  }
0x198: {  	s1 =	ssub.s32 @!p0 $0x0, s1;
	[sflag:s0] =	ssyncset.done @!p0 $0x0  }
0x199: {  	[sflag:s0] =	ssyncadd.s32 @!p0 s1  }
0x19a: {  	[bflag:$0x3] =	sbarrier.arrive $0xFFFF  }
0x19b: {  	_ =	shalt  }

// kernel: scatter_offload_async_start.1
scs
__scs_entry_jumppad:
0x0: {  	(pc) =	sbr.rel $0x88, $3  }
0x1: {  	(tag) =	ssettag $0x0;
	lr =	simm.s32 $0x1  }
0x2: {  	[smem:$0x3F88] =	sst lr;
	_ =	strace $0xD0000000  }
0x3: {  	_ = 	snop  }
0x4: {  	_ = 	snop  }
0x5: {  	_ = 	snop  }
0x6: {  	_ = 	snop  }
0x7: {  	_ = 	snop  }
__scs_overlays_trampoline_lowered:
0x8: {  	[smem:$0x3F97] =	sst s0  }
0x9: {  	[smem:$0x3F98] =	sst s1  }
0xa: {  	[smem:$0x3F99] =	sst s2  }
0xb: {  	[smem:$0x3F9A] =	sst s3  }
0xc: {  	[smem:$0x3F9B] =	sst s4  }
0xd: {  	[smem:$0x3F9C] =	sst s5  }
0xe: {  	[smem:$0x3F9D] =	sst s6  }
0xf: {  	[smem:$0x3F9E] =	sst s7  }
0x10: {  	[smem:$0x3F9F] =	sst s8  }
0x11: {  	[smem:$0x3FA0] =	sst s9;
	s0 =	simm.s32 @!p0 $0x0  }
0x12: {  	s1 =	sld [smem:$0x3F86];
	s0 =	simm.s32 @p0 $0x1  }
0x13: {  	[smem:$0x3FA1] =	sst s0;
	s0 =	simm.s32 @!p1 $0x0  }
0x14: {  	s2 =	sld [smem:$0x3F85];
	s0 =	simm.s32 @p1 $0x1  }
0x15: {  	[smem:$0x3FA2] =	sst s0;
	s0 =	simm.s32 @!p2 $0x0  }
0x16: {  	s3 =	sld [smem:$0x3FDB];
	s0 =	simm.s32 @p2 $0x1  }
0x17: {  	s4 =	simm.s32 $0x1BF5;
	[smem:$0x3FA4] =	sst s0  }
0x18: {  	s0 =	sld [smem:$0x3F87];
	_ =	swait.ge [sflag:s4], $0x0  }
0x19: {  	s7 =	sld [smem:$0x3F88]  }
0x1a: {  	s8 =	sadd.s32 $0xFFFFE003, lr  }
0x1b: {  	s9 =	sadd.s32 $0xFFFFFEF7, lr;
	s5 =	simm.s32 $0xFFFFFFFF;
	p2 =	slt.u32 s8, $0xFFFFF086  }
0x1c: {  	p1 =	slt.u32 s9, $0xF7A;
	s5 =	simm.s32 @!p2 $0x0  }
0x1d: {  	s5 =	simm.s32 @p1 $0x1;
	p0 =	seq.s32 s7, s2  }
0x1e: {  	s7 =	smul.u32 @!p0 $0xF7A, s2;
	p2 =	seq.s32 @!p0 s5, $0x0  }
0x1f: {  	s9 =	smul.u32 $0xF7A, s1;
	s8 =	simm.s32 @!p0 $0x1BF5;
	p2 =	por !p2, p0  }
0x20: {  	[sflag:s8] =	ssyncset.s32 @!p0 $0xFFFFF086;
	s6 =	sadd.s32 @!p0 s3, s7;
	s7 =	simm.s32 @!p0 $0x108  }
0x21: {  	s3 =	sadd.s32 s3, s9;
	s6 =	sadd.s32 @!p0 $0x88, s6;
	s7 =	simm.s32 @p2 $0x1082  }
0x22: {  	[simem:s7], [sflag:s8] =	dma.local @!p0 [hbm:s6], $0xF7A  }
0x23: {  	s9 =	sor.u32 $0xD0000000, s2;
	s6 =	simm.s32 $0x108;
	_ =	swait.ge @!p0 [sflag:s8], $0x0  }
0x24: {  	s3 =	sadd.s32 $0x88, s3;
	s6 =	simm.s32 @!p1 $0x1082;
	[sflag:s4] =	ssyncset.s32 $0xFFFFF086  }
0x25: {  	[simem:s6], [sflag:s4] =	dma.local [hbm:s3], $0xF7A  }
0x26: {  	[smem:$0x3F88] =	sst s1;
	(tag) =	ssettag s2;
	_ =	strace s9  }
0x27: {  	s1 =	sld [smem:$0x3F98]  }
0x28: {  	s2 =	sld [smem:$0x3F99]  }
0x29: {  	s4 =	sld [smem:$0x3F9B]  }
0x2a: {  	p0 =	seq.s32 s5, $0x0;
	s5 =	sld [smem:$0x3F9C]  }
0x2b: {  	s6 =	sld [smem:$0x3F9D]  }
0x2c: {  	s7 =	sld [smem:$0x3F9E]  }
0x2d: {  	s3 =	simm.s32 $0x108;
	s8 =	sld [smem:$0x3F9F]  }
0x2e: {  	s3 =	simm.s32 @!p0 $0x1082;
	s9 =	sld [smem:$0x3FA0]  }
0x2f: {  	lr =	sadd.s32 s0, s3;
	s0 =	sld [smem:$0x3F97]  }
0x30: {  	s3 =	sld [smem:$0x3F9A]  }
0x31: {  	[smem:$0x3FA3] =	sst s10  }
0x32: {  	s10 =	sld [smem:$0x3FA1];
	_ =	sdelay $0x3  }
0x33: {  	p0 =	seq.s32 s10, $0x1;
	s10 =	sld [smem:$0x3FA3];
	_ =	sdelay $0x3  }
0x34: {  	[smem:$0x3FA3] =	sst s10  }
0x35: {  	s10 =	sld [smem:$0x3FA2];
	_ =	sdelay $0x3  }
0x36: {  	p1 =	seq.s32 s10, $0x1;
	s10 =	sld [smem:$0x3FA3];
	_ =	sdelay $0x3  }
0x37: {  	[smem:$0x3FA3] =	sst s10  }
0x38: {  	s10 =	sld [smem:$0x3FA4]  }
0x39: {  	_ = 	snop;
	(pc) =	sbr.ind lr, $3  }
0x3a: {  	_ = 	snop  }
0x3b: {  	_ = 	snop  }
0x3c: {  	p2 =	seq.s32 s10, $0x1;
	s10 =	sld [smem:$0x3FA3]  }
0x3d: {  	_ =	shalt  }
0x3e: {  	_ =	shalt  }
0x3f: {  	_ =	shalt  }
0x40: {  	_ =	shalt  }
0x41: {  	_ =	shalt  }
0x42: {  	_ =	shalt  }
0x43: {  	_ =	shalt  }
0x44: {  	_ =	shalt  }
0x45: {  	_ =	shalt  }
0x46: {  	_ =	shalt  }
0x47: {  	_ =	shalt  }
0x48: {  	_ =	shalt  }
0x49: {  	_ =	shalt  }
0x4a: {  	_ =	shalt  }
0x4b: {  	_ =	shalt  }
0x4c: {  	_ =	shalt  }
0x4d: {  	_ =	shalt  }
0x4e: {  	_ =	shalt  }
0x4f: {  	_ =	shalt  }
0x50: {  	_ =	shalt  }
0x51: {  	_ =	shalt  }
0x52: {  	_ =	shalt  }
0x53: {  	_ =	shalt  }
0x54: {  	_ =	shalt  }
0x55: {  	_ =	shalt  }
0x56: {  	_ =	shalt  }
0x57: {  	_ =	shalt  }
0x58: {  	_ =	shalt  }
0x59: {  	_ =	shalt  }
0x5a: {  	_ =	shalt  }
0x5b: {  	_ =	shalt  }
0x5c: {  	_ =	shalt  }
0x5d: {  	_ =	shalt  }
0x5e: {  	_ =	shalt  }
0x5f: {  	_ =	shalt  }
0x60: {  	_ =	shalt  }
0x61: {  	_ =	shalt  }
0x62: {  	_ =	shalt  }
0x63: {  	_ =	shalt  }
0x64: {  	_ =	shalt  }
0x65: {  	_ =	shalt  }
0x66: {  	_ =	shalt  }
0x67: {  	_ =	shalt  }
0x68: {  	_ =	shalt  }
0x69: {  	_ =	shalt  }
0x6a: {  	_ =	shalt  }
0x6b: {  	_ =	shalt  }
0x6c: {  	_ =	shalt  }
0x6d: {  	_ =	shalt  }
0x6e: {  	_ =	shalt  }
0x6f: {  	_ =	shalt  }
0x70: {  	_ =	shalt  }
0x71: {  	_ =	shalt  }
0x72: {  	_ =	shalt  }
0x73: {  	_ =	shalt  }
0x74: {  	_ =	shalt  }
0x75: {  	_ =	shalt  }
0x76: {  	_ =	shalt  }
0x77: {  	_ =	shalt  }
0x78: {  	_ =	shalt  }
0x79: {  	_ =	shalt  }
0x7a: {  	_ =	shalt  }
0x7b: {  	_ =	shalt  }
0x7c: {  	_ =	shalt  }
0x7d: {  	_ =	shalt  }
0x7e: {  	_ =	shalt  }
0x7f: {  	_ =	shalt  }
0x80: {  	_ =	shalt  }
0x81: {  	_ =	shalt  }
0x82: {  	_ =	shalt  }
0x83: {  	_ =	shalt  }
0x84: {  	_ =	shalt  }
0x85: {  	_ =	shalt  }
0x86: {  	_ =	shalt  }
0x87: {  	_ =	shalt  }
.Lfunc_end0:
.L_simem_size_0:
called_computation.1_lowered:
.L_overlay_start_0:
0x88: {  	s2 =	sld [smem:$0x3FD9]  }
0x89: {  	s3 =	sld [smem:$0x3FFE];
	_ =	sdelay $0x1  }
0x8a: {  	s1 =	srdreg.scid  }
0x8b: {  	s0 =	sand.u32 $0x1, s1  }
0x8c: {  	s17 =	sshll.u32 s0, $0xA;
	s2 =	sadd.s32 s3, s2  }
0x8d: {  	s2 =	sadd.s32 s2, s17  }
0x8e: {  	[smem:$0x3FAF] =	sst s2  }
0x8f: {  	_ = 	snop  }
0x90: {  	(tm) =	ssettm $0x1  }
0x91: {  	s18 =	sld [smem:$0x3FFB];
	_ =	sdelay $0x3  }
0x92: {  	_ =	strace s18  }
0x93: {  	s2 =	sld [smem:$0x3FFC];
	_ =	sdelay $0x3  }
0x94: {  	_ =	strace s2  }
0x95: {  	s2 =	sld [smem:$0x3FFD];
	_ =	sdelay $0x3  }
0x96: {  	_ =	strace s2  }
0x97: {  	_ =	strace $0x8FFFFFFF  }
0x98: {  	s19 =	sld [smem:$0x3FDB];
	_ =	sdelay $0x1  }
0x99: {  	s20 =	simm.s32 $_scs_section_size  }
0x9a: {  	s4 =	simm.s32 $_size__tile_overlayer_lowered;
	s5 =	simm.s32 $_tile_overlayer_lowered  }
0x9b: {  	s6 =	simm.s32 $0x1BFF;
	s21 =	sshll.u32 s5, $0x1;
	s3 =	sadd.s32 s20, s19  }
0x9c: {  	s22 =	simm.s32 $0x0;
	s4 =	sshll.u32 s4, $0x1;
	s5 =	sadd.s32 s21, s3  }
0x9d: {  	[timem:s22], [sflag:s6] =	dma.local [hbm:s5], s4  }
0x9e: {  	_ =	swait.ge [sflag:s6], s4  }
0x9f: {  	s4 =	ssub.s32 $0x0, s4;
	[sflag:s6] =	ssyncset.done $0x0  }
0xa0: {  	[sflag:s6] =	ssyncadd.s32 s4;
	_ =	sdelay $0x1  }
0xa1: {  	s23 =	simm.s32 $0x1B8B  }
0xa2: {  	_ =	swait.ge [sflag:s23], $0x1  }
0xa3: {  	[sflag:s23] =	ssyncset.done $0x0  }
0xa4: {  	[sflag:s23] =	ssyncadd.s32 $0xFFFFFFFF  }
0xa5: {  	s4 =	sld [smem:$0x0]  }
0xa6: {  	s5 =	sand.u32 $0xFFFFFFFE, s1  }
0xa7: {  	p0 =	sne.s32 s1, s5  }
0xa8: {  	s5 =	sshll.u32 @p0 s5, $0xE  }
0xa9: {  	s5 =	sadd.s32 @p0 $0x11B8D, s5;
	s6 =	sshll.u32 @p0 s4, $0x11  }
0xaa: {  	s5 =	sor.u32 @p0 s6, s5  }
0xab: {  	[sflag:s5] =	ssyncadd.remote.s32 @p0 $0x1;
	_ =	sdelay $0x1  }
0xac: {  	s5 =	simm.s32 @p0 $0x1B8D  }
0xad: {  	_ =	swait.eq @p0 [sflag:s5], $0x1  }
0xae: {  	[sflag:s5] =	ssyncadd.s32 @p0 $0xFFFFFFFF  }
0xaf: {  	s6 =	sshll.u32 @!p0 s1, $0xE  }
0xb0: {  	s6 =	sor.u32 @!p0 $0x4000, s6;
	s5 =	simm.s32 @!p0 $0x1B8D  }
0xb1: {  	s7 =	sshll.u32 @!p0 s4, $0x11;
	s6 =	sadd.s32 @!p0 $0x11B8D, s6;
	_ =	swait.eq @!p0 [sflag:s5], $0x1  }
0xb2: {  	[sflag:s5] =	ssyncadd.s32 @!p0 $0xFFFFFFFF;
	s5 =	sor.u32 @!p0 s7, s6  }
0xb3: {  	s25 =	simm.s32 $0x1B8E;
	s24 =	sld [smem:$0x3FFE];
	[sflag:s5] =	ssyncadd.remote.s32 @!p0 $0x1  }
0xb4: {  	s26 =	simm.s32 $execute0_lowered;
	[smem:$0x3FD2] =	sst s25  }
0xb5: {  	s6 =	sshll.u32 s26, $0x1;
	_ =	strace $0x8000004F;
	[dreg:$0x1] =	wrdreg $0xFFFFFFFF  }
0xb6: {  	s28 =	simm.s32 $_size_execute0_lowered;
	s3 =	sadd.s32 s3, s6;
	[dreg:$0x0] =	wrdreg $0x0  }
0xb7: {  	s6 =	sshll.u32 s28, $0x1;
	[dreg:$0x2] =	wrdreg s3  }
0xb8: {  	[dreg:$0x3] =	wrdreg s6  }
0xb9: {  	[dreg:$0x4] =	wrdreg $0xC0  }
0xba: {  	_ =	task [dreg:s22], $0x5FFFF  }
0xbb: {  	[dreg:$0x1] =	wrdreg $0xFFFFFFFF  }
0xbc: {  	[dreg:$0x0] =	wrdreg $0x60  }
0xbd: {  	[dreg:$0x2] =	wrdreg s24  }
0xbe: {  	[dreg:$0x3] =	wrdreg s1  }
0xbf: {  	[dreg:$0x4] =	wrdreg s4  }
0xc0: {  	[dreg:$0x5] =	wrdreg $0xA  }
0xc1: {  	_ =	task.clear_ibuf [dreg:s22], $0x6FFFF;
	_ =	strace $0x9000004F  }
0xc2: {  	s29 =	simm.s32 $0xA;
	_ =	strace $0x80000051  }
0xc3: {  	_ =	swait.ge [sflag:s29], $0x1  }
0xc4: {  	[sflag:s29] =	ssyncadd.s32 $0xFFFFFFFF  }
0xc5: {  	_ =	strace $0x90000051  }
0xc6: {  	_ =	sfence  }
0xc7: {  	s30 =	sld [smem:$0x0];
	_ =	sdelay $0x2  }
0xc8: {  	s31 =	sshll.u32 s1, $0xD;
	s1 =	sshrl.u32 s1, $0x2  }
0xc9: {  	s4 =	sand.u32 $0x4000, s31;
	s1 =	sadd.s32 s1, s30  }
0xca: {  	s0 =	sor.u32 s4, s0;
	s1 =	sshll.u32 s1, $0x11  }
0xcb: {  	s0 =	sor.u32 s1, s0  }
0xcc: {  	s0 =	sadd.s32 $0x8F2B, s0  }
0xcd: {  	[sflag:s0] =	ssyncadd.remote.s32 $0x1  }
0xce: {  	_ =	sfence.sel $0xFFFF  }
0xcf: {  	[dreg:$0x0] =	wrdreg $0xFFFFFFFF;
	(pc) =	sbr.abs _section_cstart, $3  }
0xd0: {  	[dreg:$0x1] =	wrdreg $0xFFFFFFFF  }
0xd1: {  	_ =	task.clear_ibuf [dreg:s22], $0x2FFFF;
	_ =	strace $0x9FFFFFFF  }
0xd2: {  	(tm) =	ssettm $0x7FFFFFFF  }
0xd3: {  	_ =	shalt  }
tec
execute0_lowered:
.L_overlay_start_1:
0x0: {  	(tag) =	ssettag $0x1  }
0x1: {  	s2 =	rddreg [dreg:$0x0]  }
0x2: {  	s3 =	rddreg [dreg:$0x1];
	_ =	strace $0x80000050;
	s0 =	simm.s32 $0x1  }
0x3: {  	s5 =	simm.s32 $0x208;
	v0 =	vimm.s32 $0x0;
	[sflag:s0] =	ssyncpa.u1 $0x0  }
0x4: {  	[tilespmem:s5+$0x70] =	vst v0  }
0x5: {  	[tilespmem:s5+$0x60] =	vst v0  }
0x6: {  	[tilespmem:s5+$0x50] =	vst v0  }
0x7: {  	[tilespmem:s5+$0x40] =	vst v0  }
0x8: {  	s1 =	sadd.s32 $0x7BF800, s2;
	[tilespmem:s5+$0x30] =	vst v0  }
0x9: {  	s0 =	sadd.s32 $0x1665800, s2;
	s6 =	sadd.s32 $0x1679400, s2;
	[tilespmem:s5+$0x20] =	vst v0  }
0xa: {  	s4 =	sadd.s32 $0x166F600, s2;
	s10 =	sand.u32 $0x1, s3;
	s2 =	simm.s32 $0x40;
	[tilespmem:s5+$0x10] =	vst v0  }
.LBB2_1:
0xb: {  	s2 =	sadd.s32 $0x40, s2;
	[tilespmem:s5+$0x0] =	vst v0;
	s5 =	sadd.s32 $0x80, s5  }
0xc: {  	p0 =	slt.u32 s2, $0x3880;
	[tilespmem:s5+$0x70] =	vst v0  }
0xd: {  	[tilespmem:s5+$0x60] =	vst v0  }
.Ltmp0:
0xe: {  	[tilespmem:s5+$0x50] =	vst v0;
	(pc) =	sbr.rel @p0 .LBB2_1-.Ltmp0, $4  }
0xf: {  	[tilespmem:s5+$0x40] =	vst v0  }
0x10: {  	[tilespmem:s5+$0x30] =	vst v0  }
0x11: {  	[tilespmem:s5+$0x20] =	vst v0  }
0x12: {  	[tilespmem:s5+$0x10] =	vst v0  }
0x13: {  	s11 =	stileid.u32  }
0x14: {  	s2 =	smul.u32 $0x59, s11  }
0x15: {  	s3 =	smin.u32 s11, $0x5  }
0x16: {  	s2 =	sadd.s32 s3, s2  }
0x17: {  	p0 =	slt.u32 s11, $0x5;
	s20 =	smul.u32 $0x70, s2;
	s2 =	simm.s32 $0x2760  }
0x18: {  	s2 =	simm.s32 @!p0 $0x26F0  }
0x19: {  	s2 =	sadd.s32 s2, s20  }
0x1a: {  	s8 =	smin.u32 s2, $0x27100  }
0x1b: {  	s26 =	simm.s32 $0x2;
	s2 =	ssub.s32 s8, s20  }
0x1c: {  	s9 =	simm.s32 $0x9;
	s29 =	simm.s32 $0xA;
	p0 =	sgt.s32 s2, $0x0  }
0x1d: {  	s30 =	simm.s32 $0xB;
	s31 =	smul.u32 $0x4E20, s10;
	s2 =	simm.s32 @!p0 $0x0  }
0x1e: {  	[dreg:$0x4] =	wrdreg s10;
	s12 =	simm.s32 $0x1;
	s25 =	smulhi.u32 $0x92492493, s2  }
0x1f: {  	s24 =	simm.s32 $0x0;
	p1 =	por $0x0, $0x0;
	s18 =	simm.s32 $0x80  }
0x20: {  	s19 =	simm.s32 $0x400;
	s17 =	simm.s32 $0xC;
	s3 =	sshrl.u32 s25, $0x6  }
0x21: {  	s21 =	simm.s32 $0x0;
	s23 =	simm.s32 $0x0;
	s28 =	smul.u32 $0x70, s3  }
.Ltmp1:
0x22: {  	[tilespmem:s5+$0x0] =	vst v0;
	v0 =	vimm.s32 $0xFFFFFFFF;
	[sflag:s26] =	ssyncpa.u1 $0x0;
	s16 =	sshll.u32 s11, $0x9;
	(pc) =	sbr.rel .LBB2_3-.Ltmp1, $4  }
0x23: {  	[tilespmem:$0xE408] =	vst v0;
	[sflag:s9] =	ssyncpa.u1 $0x0;
	p0 =	sne.s32 s2, s28;
	s2 =	simm.s32 $0x1  }
0x24: {  	s14 =	sadd.s32 s31, s4;
	[sflag:s29] =	ssyncpa.u1 $0x0;
	s2 =	simm.s32 @!p0 $0x0  }
0x25: {  	s15 =	sadd.s32 s31, s0;
	[sflag:s30] =	ssyncpa.u1 $0x0;
	s13 =	sadd.s32 s2, s3  }
0x26: {  	v0 =	vlaneseq.u32;
	s22 =	smov.u32 s20;
	p0 =	por $0x1, $0x1;
	s11 =	sadd.s32 $0x1, s13  }
.LBB2_24:
0x27: {  	s2 =	sshrl.u32 s4, $0x2  }
.LBB2_26:
0x28: {  	_ =	swait.ge [sflag:s17], s2  }
0x29: {  	s31 =	ssub.s32 $0x0, s2;
	v1 =	vmov s26;
	vm0 =	veq.s32 v0, $0x0;
	[sflag:s17] =	ssyncset.done $0x0  }
0x2a: {  	vm15 =	veq.s32 v0, $0x2;
	v1 =	vsel vm0, s0, v1;
	[sflag:s17] =	ssyncadd.s32 s31  }
0x2b: {  	v1 =	vsel vm15, s24, v1;
	[sflag:s17] =	ssyncpa.u1 $0x1  }
0x2c: {  	[tilespmem:$0xE408] =	vst v1  }
.LBB2_27:
0x2d: {  	s0 =	sadd.s32 $0x70, s22  }
0x2e: {  	s2 =	smov.u32 s20;
	p2 =	slt.s32 s0, s8  }
0x2f: {  	s2 =	smov.u32 @p2 s0;
	p2 =	sne.s32 s23, s11  }
.Ltmp2:
0x30: {  	_ = 	snop;
	(pc) =	sbr.rel @!p2 .LBB2_28-.Ltmp2, $4  }
0x31: {  	_ = 	snop  }
0x32: {  	s24 =	smov.u32 s21  }
0x33: {  	s31 =	sadd.s32 $0x1, s23;
	s21 =	smov.u32 s22;
	p0 =	por !p0, !p0  }
0x34: {  	p1 =	por !p1, !p1;
	s23 =	smov.u32 s31;
	s22 =	smov.u32 s2  }
.LBB2_3:
0x35: {  	p2 =	sge.u32 s23, s13  }
0x36: {  	s0 =	smulhi.u32 @!p2 $0xAAAAAAAB, s23  }
0x37: {  	s2 =	smov.u32 s22;
	p3 =	sgt.s32 @!p2 s22, $0x27090  }
0x38: {  	s3 =	sshra.s32 @!p2 s22, $0x1F;
	p3 =	por !p3, p2;
	s0 =	sshrl.u32 @!p2 s0, $0x1  }
0x39: {  	s3 =	sand.u32 @!p2 s3, s22;
	s2 =	simm.s32 @p3 $0x27090;
	s0 =	smul.u32 @!p2 $0x3, s0  }
0x3a: {  	s2 =	ssub.s32 @!p2 s2, s3  }
0x3b: {  	s2 =	sadd.s32 @!p2 $0xFFFD8F70, s2;
	s0 =	ssub.s32 @!p2 s23, s0  }
0x3c: {  	s3 =	sshll.u32 @!p2 s2, $0x2;
	p3 =	sgt.s32 @!p2 s2, $0x6F;
	s0 =	smul.u32 @!p2 $0x1C0, s0  }
0x3d: {  	s4 =	sand.u32 @!p2 $0x7, s22;
	s2 =	ssub.s32 @!p2 $0x1C0, s3;
	p3 =	por !p3, p2  }
0x3e: {  	s3 =	sshrl.u32 @!p2 s22, $0x3;
	s2 =	sshrl.u32 @!p2 s2, $0x2;
	s0 =	sshrl.u32 @!p2 s0, $0x2  }
0x3f: {  	s3 =	sadd.s32 @!p2 s3, s14;
	s2 =	simm.s32 @!p3 $0x0;
	s0 =	sadd.s32 @!p2 $0x10448, s0  }
0x40: {  	[tilespmem:s0], [sflag:$0xA] =	stream.linear.gather @!p2 [hbm4b:s3+s4], s2, $0x38;
	[tilespmem:$0x1E678] =	vst v63  }
0x41: {  	s2 =	sadd.s32 $0xFFFFFFFF, s23  }
0x42: {  	p2 =	sge.u32 s2, s13  }
0x43: {  	p3 =	sgt.s32 @!p2 s21, $0x27090  }
0x44: {  	s0 =	smov.u32 s21;
	s3 =	sshra.s32 @!p2 s21, $0x1F;
	p3 =	por !p3, p2  }
0x45: {  	s3 =	sand.u32 @!p2 s3, s21;
	s0 =	simm.s32 @p3 $0x27090  }
0x46: {  	s0 =	ssub.s32 @!p2 s0, s3  }
0x47: {  	s0 =	sadd.s32 @!p2 $0xFFFD8F70, s0  }
0x48: {  	s3 =	sshll.u32 @!p2 s0, $0x2  }
0x49: {  	p3 =	sgt.s32 @!p2 s0, $0x6F;
	s0 =	ssub.s32 @!p2 $0x1C0, s3  }
0x4a: {  	p3 =	por !p3, p2;
	s0 =	sshrl.u32 @!p2 s0, $0x2  }
0x4b: {  	s4 =	simm.s32 @!p2 $0xA;
	s3 =	sand.u32 @!p2 $0x1, s2;
	s0 =	simm.s32 @!p3 $0x0  }
0x4c: {  	s3 =	smul.u32 @!p2 $0x1C0, s3;
	_ =	swait.ge @!p2 [sflag:s4], s0  }
0x4d: {  	s5 =	ssub.s32 @!p2 $0x0, s0;
	[sflag:s4] =	ssyncset.done @!p2 $0x0  }
0x4e: {  	s3 =	sshrl.u32 @!p2 s3, $0x2;
	[sflag:s4] =	ssyncadd.s32 @!p2 s5;
	s4 =	sshrl.u32 @!p2 s21, $0x3  }
0x4f: {  	s3 =	sadd.s32 @!p2 $0x10598, s3;
	s5 =	sand.u32 @!p2 $0x7, s21;
	s4 =	sadd.s32 @!p2 s4, s15  }
0x50: {  	[tilespmem:s3], [sflag:$0xB] =	stream.linear.gather @!p2 [hbm4b:s4+s5], s0, $0x38;
	[tilespmem:$0x1E678] =	vst v63  }
0x51: {  	s0 =	ssub.s32 @!p2 $0x27100, s21  }
0x52: {  	p3 =	slt.s32 @!p2 s0, $0x1  }
0x53: {  	p3 =	por p2, p3  }
.Ltmp3:
0x54: {  	_ = 	snop;
	(pc) =	sbr.rel @p3 .LBB2_9-.Ltmp3, $1  }
0x55: {  	_ =	sdelay $0x3  }
0x56: {  	s3 =	smulhi.u32 $0xAAAAAAAB, s2;
	_ =	sdelay $0x1  }
0x57: {  	s3 =	sshrl.u32 s3, $0x1  }
0x58: {  	s3 =	smul.u32 $0x3, s3;
	_ =	sdelay $0x1  }
0x59: {  	s30 =	ssub.s32 s2, s3  }
0x5a: {  	s4 =	simm.s32 $0x1;
	s2 =	smul.u32 $0x1C0, s30  }
.Ltmp4:
0x5b: {  	s4 =	simm.s32 @!p0 $0x0;
	(pc) =	sbr.rel .LBB2_6-.Ltmp4, $4  }
0x5c: {  	s31 =	smul.u32 $0x1C000, s4  }
0x5d: {  	p3 =	slt.s32 @!p2 s0, $0x70;
	s2 =	sshrl.u32 s2, $0x2  }
0x5e: {  	p2 =	por !p3, p2;
	s3 =	sshrl.u32 s31, $0x2;
	s5 =	sadd.s32 $0x10448, s2  }
0x5f: {  	s0 =	simm.s32 @p2 $0x70;
	s4 =	sor.u32 $0x10678, s3;
	s2 =	simm.s32 $0x0;
	v1 =	vmov s5  }
.LBB2_5:
0x60: {  	p2 =	sge.s32 s2, s0  }
.Ltmp5:
0x61: {  	_ = 	snop;
	(pc) =	sbr.rel @p2 .LBB2_9-.Ltmp5, $2  }
0x62: {  	_ =	sdelay $0x2  }
0x63: {  	s4 =	sadd.s32 $0x1000, s4  }
.LBB2_6:
0x64: {  	p2 =	sle.s32 s0, s2  }
.Ltmp6:
0x65: {  	_ = 	snop;
	(pc) =	sbr.rel @p2 .LBB2_5-.Ltmp6, $2  }
0x66: {  	_ =	sdelay $0x2  }
0x67: {  	s5 =	smov.u32 s2;
	s2 =	sadd.s32 $0x10, s2  }
0x68: {  	s3 =	ssub.s32 s0, s5  }
0x69: {  	p2 =	slt.s32 s3, $0x10  }
0x6a: {  	s3 =	simm.s32 @!p2 $0x10  }
0x6b: {  	v2 =	vmov s3  }
0x6c: {  	vm0 =	vgt.s32 v2, v0;
	_ =	sdelay $0x5  }
0x6d: {  	v2 =	vld.idx.msk [tilespmem:v1+s5+$0x0 ss:$0x1], vm0;
	_ =	sdelay $0x2  }
0x6e: {  	p2 =	slt.s32 s2, s0;
	s3 =	smov.u32 s0  }
0x6f: {  	s9 =	smov.u32 s4;
	s25 =	simm.s32 $0x0;
	s3 =	smov.u32 @p2 s2  }
.LBB2_8:
0x70: {  	(v2sf) =	vpush v2, s25;
	_ =	sdelay $0xe  }
0x71: {  	s25 =	sadd.s32 $0x1, s25;
	s10 =	spop (v2sf)  }
0x72: {  	s31 =	sadd.s32 s25, s5;
	s26 =	sshll.u32 s10, $0x8;
	s10 =	sshll.u32 s10, $0x7  }
0x73: {  	p2 =	slt.s32 s31, s3;
	s26 =	sand.u32 $0xFFFFF800, s26;
	s10 =	sand.u32 $0x380, s10  }
.Ltmp7:
0x74: {  	s10 =	sor.u32 s10, s26;
	(pc) =	sbr.rel @p2 .LBB2_8-.Ltmp7, $4  }
0x75: {  	s10 =	sshrl.u32 s10, $0x3  }
0x76: {  	s10 =	sadd.s32 s6, s10  }
0x77: {  	[tilespmem:s9], [sflag:$0x9] =	stream.strided.gather [hbm4b:s10+s18], $0x100, s19, s18, $0x38;
	[tilespmem:$0x1E678] =	vst v63  }
0x78: {  	s9 =	sadd.s32 $0x100, s9  }
.Ltmp8:
0x79: {  	_ = 	snop;
	(pc) =	sbr.rel .LBB2_5-.Ltmp8, $1  }
0x7a: {  	_ =	sdelay $0x3  }
.LBB2_9:
0x7b: {  	p2 =	slt.u32 s23, $0x2  }
.Ltmp9:
0x7c: {  	_ = 	snop;
	(pc) =	sbr.rel @p2 .LBB2_27-.Ltmp9, $1  }
0x7d: {  	_ =	sdelay $0x3  }
0x7e: {  	p2 =	sgt.s32 s24, $0x27090  }
0x7f: {  	s0 =	smov.u32 s24;
	s2 =	sshra.s32 s24, $0x1F;
	s3 =	ssub.s32 $0x27100, s24  }
0x80: {  	s0 =	simm.s32 @!p2 $0x27090;
	s2 =	sand.u32 s2, s24;
	p2 =	slt.s32 s3, $0x70  }
0x81: {  	s0 =	ssub.s32 s0, s2;
	s3 =	simm.s32 @!p2 $0x70  }
0x82: {  	s0 =	sadd.s32 $0xFFFD8F70, s0;
	s9 =	sshll.u32 s3, $0x8  }
0x83: {  	s26 =	simm.s32 $0x9;
	s10 =	sshll.u32 s0, $0x2;
	s2 =	sand.u32 $0x3FFFFF00, s9  }
0x84: {  	p2 =	sgt.s32 s0, $0x6F;
	s25 =	ssub.s32 $0x1C0, s10;
	_ =	swait.ge [sflag:s26], s2  }
0x85: {  	s2 =	ssub.s32 $0x0, s2;
	[sflag:s26] =	ssyncset.done $0x0;
	s0 =	sshrl.u32 s25, $0x2  }
0x86: {  	s29 =	simm.s32 $0xB;
	[sflag:s26] =	ssyncadd.s32 s2;
	s0 =	simm.s32 @p2 $0x0  }
0x87: {  	_ =	swait.ge [sflag:s29], s0  }
0x88: {  	s0 =	ssub.s32 $0x0, s0;
	[sflag:s29] =	ssyncset.done $0x0  }
0x89: {  	[sflag:s29] =	ssyncadd.s32 s0  }
0x8a: {  	v1 =	vld [tilespmem:$0xE408];
	_ =	sdelay $0x4  }
0x8b: {  	(v2sf) =	vpush v1, $0x0  }
0x8c: {  	(v2sf) =	vpush v1, $0x1  }
0x8d: {  	(v2sf) =	vpush v1, $0x2;
	_ =	sdelay $0x3  }
0x8e: {  	s0 =	sadd.s32 $0x70, s24  }
0x8f: {  	s2 =	ssub.s32 $0x4E200, s24;
	p2 =	slt.s32 s8, s0  }
0x90: {  	s0 =	smov.u32 @p2 s8;
	p2 =	sgt.s32 s2, $0x0  }
0x91: {  	s0 =	ssub.s32 s0, s24;
	s2 =	simm.s32 @!p2 $0x0  }
0x92: {  	p2 =	slt.s32 s2, s0  }
0x93: {  	s0 =	smov.u32 @p2 s2  }
0x94: {  	s4 =	simm.s32 $0x1;
	p2 =	slt.s32 s0, $0x1  }
.Ltmp10:
0x95: {  	s4 =	simm.s32 @!p1 $0x0;
	(pc) =	sbr.rel @p2 .LBB2_14-.Ltmp10, $4  }
0x96: {  	s30 =	smul.u32 $0x1C0, s4  }
0x97: {  	s5 =	spop (v2sf)  }
0x98: {  	s31 =	sshrl.u32 s30, $0x2;
	s28 =	spop (v2sf)  }
0x99: {  	s25 =	sadd.s32 $0x10598, s31;
	s24 =	spop (v2sf)  }
0x9a: {  	s2 =	smin.u32 s0, $0x10  }
0x9b: {  	v1 =	vmov s2  }
0x9c: {  	vm1 =	vgt.u32 v1, v0  }
0x9d: {  	p3 =	sgt.s32 s0, $0x10  }
.Ltmp11:
0x9e: {  	_ = 	snop;
	(pc) =	sbr.rel @!p3 .LBB2_13-.Ltmp11, $2  }
0x9f: {  	_ =	sdelay $0x2  }
0xa0: {  	s26 =	simm.s32 $0x10;
	s29 =	sadd.s32 $0xFFFFFFF0, s0;
	s2 =	smov.u32 s25;
	vm0 =	vmmov vm1;
	v1 =	vld.msk [tilespmem:s25+$0x0 ss:$0x1], vm1  }
.LBB2_12:
0xa1: {  	s3 =	smin.u32 s29, $0x10;
	s26 =	sadd.s32 $0x10, s26  }
0xa2: {  	v2 =	vmov s3;
	p3 =	slt.s32 s26, s0  }
0xa3: {  	vm1 =	vgt.u32 v2, v0;
	_ =	sdelay $0x1  }
0xa4: {  	v2 =	vshll.u32 v1, $0x5;
	v1 =	vshll.u32 v1, $0x4  }
.Ltmp12:
0xa5: {  	v2 =	vand.u32 $0xFFFFFF00, v2;
	v1 =	vand.u32 $0x70, v1;
	(pc) =	sbr.rel @p3 .LBB2_12-.Ltmp12, $4  }
0xa6: {  	v1 =	vor.u32 v1, v2  }
0xa7: {  	[tilespmem:s2+$0x0] =	vst.msk vm0, v1;
	s2 =	sadd.s32 $0x10, s2;
	vm0 =	vmmov vm1  }
0xa8: {  	v1 =	vld.msk [tilespmem:s2+$0x0 ss:$0x1], vm1  }
0xa9: {  	s29 =	sadd.s32 $0xFFFFFFF0, s29  }
.LBB2_13:
0xaa: {  	_ =	sdelay $0x3  }
0xab: {  	v2 =	vshll.u32 v1, $0x5;
	v1 =	vshll.u32 v1, $0x4  }
0xac: {  	v2 =	vand.u32 $0xFFFFFF00, v2;
	v1 =	vand.u32 $0x70, v1  }
0xad: {  	v1 =	vor.u32 v1, v2  }
0xae: {  	[tilespmem:s2+$0x0] =	vst.msk vm0, v1  }
.LBB2_14:
0xaf: {  	s2 =	sand.u32 $0x1, s23  }
0xb0: {  	s2 =	smul.u32 $0x70, s2  }
0xb1: {  	p3 =	sne.s32 s28, $0xFFFFFFFF  }
0xb2: {  	v1 =	vld.msk @!p3 [tilespmem:s2+$0x10598], $0x1;
	_ =	sdelay $0x4  }
0xb3: {  	(v2sf) =	vpush @!p3 v1, $0x0;
	_ =	sdelay $0xc  }
.Ltmp13:
0xb4: {  	_ = 	snop;
	(pc) =	sbr.rel @p2 .LBB2_25-.Ltmp13, $4  }
0xb5: {  	_ = 	snop  }
0xb6: {  	s31 =	spop @!p3 (v2sf)  }
0xb7: {  	s24 =	simm.s32 @!p3 $0x0;
	s26 =	smov.u32 s31  }
0xb8: {  	[sflag:s17] =	ssyncpa.u1 $0x0;
	s31 =	smov.u32 @p3 s5;
	s26 =	smov.u32 @p3 s28  }
0xb9: {  	v1 =	vld.msk [tilespmem:s25+$0x0], $0x1;
	_ =	sdelay $0x4  }
0xba: {  	(v2sf) =	vpush v1, $0x0;
	_ =	sdelay $0xe  }
0xbb: {  	s7 =	smov.u32 s11;
	s5 =	spop (v2sf)  }
0xbc: {  	s17 =	smov.u32 s15;
	s2 =	smul.u32 $0x1C000, s4;
	p2 =	seq.s32 s31, s5  }
0xbd: {  	s3 =	smov.u32 s31;
	s29 =	ssub.s32 $0x0, s0;
	p3 =	sgt.s32 @!p2 s31, $0x0  }
0xbe: {  	s30 =	simm.s32 $0x0;
	s2 =	sshrl.u32 s2, $0x2;
	p3 =	por !p3, p2  }
0xbf: {  	s0 =	sadd.s32 $0x1, s29;
	s28 =	sor.u32 $0x106F8, s2;
	s3 =	simm.s32 @p3 $0x0  }
0xc0: {  	s2 =	simm.s32 @!p2 $0x1;
	p3 =	seq.s32 s0, $0x0;
	s3 =	smin.u32 @!p2 s3, $0x4E1F70  }
.Ltmp14:
0xc1: {  	s4 =	simm.s32 @!p2 $0x7308;
	s9 =	sand.u32 @!p2 $0x7FFFF8, s3;
	(pc) =	sbr.rel @p3 .LBB2_17-.Ltmp14, $4  }
0xc2: {  	s10 =	sadd.s32 @!p2 $0x80, s3;
	s11 =	sadd.s32 @!p2 s1, s9;
	s9 =	sand.u32 @!p2 $0x7, s3  }
0xc3: {  	[tilespmem:s4], [sflag:$0x2] =	stream.linear.gather @!p2 [hbm4b:s11+s9], $0x80, $0x38;
	[tilespmem:$0x1E678] =	vst v63  }
0xc4: {  	s15 =	smov.u32 s14;
	s2 =	smov.u32 @p2 s30;
	s4 =	sand.u32 @!p2 $0xFFFFF8, s10  }
0xc5: {  	s3 =	simm.s32 @!p2 $0x7388;
	s10 =	sadd.s32 @!p2 s1, s4;
	s4 =	sadd.s32 $0x1, s25  }
.LBB2_16:
0xc6: {  	s11 =	smov.u32 s2  }
0xc7: {  	[tilespmem:s3], [sflag:$0x2] =	stream.linear.gather @!p2 [hbm4b:s10+s9], $0x80, $0x38;
	[tilespmem:$0x1E678] =	vst v63  }
0xc8: {  	s0 =	sadd.s32 $0x1, s0;
	s9 =	smov.u32 s5;
	v1 =	vld.msk [tilespmem:s4+$0x0], $0x1  }
0xc9: {  	p3 =	seq.s32 s0, $0x0;
	_ =	sdelay $0x3  }
0xca: {  	(v2sf) =	vpush v1, $0x0;
	_ =	sdelay $0xe  }
0xcb: {  	s5 =	spop (v2sf)  }
0xcc: {  	p2 =	seq.s32 s9, s5  }
0xcd: {  	p4 =	sgt.s32 @!p2 s9, $0x0;
	s3 =	sshll.u32 @!p2 s2, $0xA;
	s2 =	sadd.s32 @!p2 $0x1, s2  }
0xce: {  	p4 =	por !p4, p2;
	s3 =	sshra.s32 @!p2 s3, $0x2;
	s2 =	smov.u32 @p2 s11  }
0xcf: {  	s9 =	simm.s32 @p4 $0x0;
	s10 =	sadd.s32 @!p2 $0x7308, s3;
	s3 =	sadd.s32 @!p2 $0x7388, s3  }
.Ltmp15:
0xd0: {  	s9 =	smin.u32 @!p2 s9, $0x4E1F70;
	(pc) =	sbr.rel @!p3 .LBB2_16-.Ltmp15, $4  }
0xd1: {  	s11 =	sand.u32 @!p2 $0x7FFFF8, s9;
	s14 =	sadd.s32 @!p2 $0x80, s9  }
0xd2: {  	s9 =	sand.u32 @!p2 $0x7, s9;
	s11 =	sadd.s32 @!p2 s1, s11;
	s14 =	sand.u32 @!p2 $0xFFFFF8, s14  }
0xd3: {  	[tilespmem:s10], [sflag:$0x2] =	stream.linear.gather @!p2 [hbm4b:s11+s9], $0x80, $0x38;
	[tilespmem:$0x1E678] =	vst v63  }
0xd4: {  	s4 =	sadd.s32 $0x1, s4;
	s10 =	sadd.s32 @!p2 s1, s14  }
.LBB2_17:
0xd5: {  	[tilespmem:s3], [sflag:$0x2] =	stream.linear.gather @!p2 [hbm4b:s10+s9], $0x80, $0x38;
	[tilespmem:$0x1E678] =	vst v63  }
0xd6: {  	s0 =	sshll.u32 s2, $0x8  }
.Ltmp16:
0xd7: {  	s14 =	simm.s32 $0x2;
	s0 =	sand.u32 $0x3FFFFF00, s0;
	(pc) =	sbr.rel .LBB2_18-.Ltmp16, $4  }
0xd8: {  	_ =	swait.ge [sflag:s14], s0  }
0xd9: {  	s0 =	ssub.s32 $0x0, s0;
	[sflag:s14] =	ssyncset.done $0x0  }
0xda: {  	s4 =	simm.s32 $0x0;
	s11 =	smov.u32 s7;
	[sflag:s14] =	ssyncadd.s32 s0  }
0xdb: {  	s14 =	smov.u32 s15;
	s15 =	smov.u32 s17;
	s17 =	simm.s32 $0xC  }
.LBB2_19:
0xdc: {  	v1 =	vld [tilespmem:s28+$0xFFFFFF80];
	_ =	sdelay $0x4  }
0xdd: {  	[tilespmem:s5+$0x208] =	vst.add.f32.msk $0xffff, v1  }
0xde: {  	v1 =	vld [tilespmem:s28+$0xFFFFFF90];
	_ =	sdelay $0x4  }
0xdf: {  	[tilespmem:s5+$0x218] =	vst.add.f32.msk $0xffff, v1  }
0xe0: {  	v1 =	vld [tilespmem:s28+$0xFFFFFFA0];
	_ =	sdelay $0x4  }
0xe1: {  	[tilespmem:s5+$0x228] =	vst.add.f32.msk $0xffff, v1  }
0xe2: {  	v1 =	vld [tilespmem:s28+$0xFFFFFFB0];
	_ =	sdelay $0x4  }
0xe3: {  	[tilespmem:s5+$0x238] =	vst.add.f32.msk $0xffff, v1  }
0xe4: {  	v1 =	vld [tilespmem:s28+$0xFFFFFFC0];
	_ =	sdelay $0x4  }
0xe5: {  	[tilespmem:s5+$0x248] =	vst.add.f32.msk $0xffff, v1  }
0xe6: {  	v1 =	vld [tilespmem:s28+$0xFFFFFFD0];
	_ =	sdelay $0x4  }
0xe7: {  	[tilespmem:s5+$0x258] =	vst.add.f32.msk $0xffff, v1  }
0xe8: {  	v1 =	vld [tilespmem:s28+$0xFFFFFFE0];
	_ =	sdelay $0x4  }
0xe9: {  	[tilespmem:s5+$0x268] =	vst.add.f32.msk $0xffff, v1  }
0xea: {  	v1 =	vld [tilespmem:s28+$0xFFFFFFF0];
	_ =	sdelay $0x4  }
0xeb: {  	[tilespmem:s5+$0x278] =	vst.add.f32.msk $0xffff, v1  }
0xec: {  	v1 =	vld [tilespmem:s28+$0x0];
	_ =	sdelay $0x4  }
0xed: {  	[tilespmem:s5+$0x288] =	vst.add.f32.msk $0xffff, v1  }
0xee: {  	v1 =	vld [tilespmem:s28+$0x10];
	_ =	sdelay $0x4  }
0xef: {  	[tilespmem:s5+$0x298] =	vst.add.f32.msk $0xffff, v1  }
0xf0: {  	v1 =	vld [tilespmem:s28+$0x20];
	_ =	sdelay $0x4  }
0xf1: {  	[tilespmem:s5+$0x2A8] =	vst.add.f32.msk $0xffff, v1  }
0xf2: {  	v1 =	vld [tilespmem:s28+$0x30];
	_ =	sdelay $0x4  }
0xf3: {  	[tilespmem:s5+$0x2B8] =	vst.add.f32.msk $0xffff, v1  }
0xf4: {  	v1 =	vld [tilespmem:s28+$0x40];
	_ =	sdelay $0x4  }
0xf5: {  	[tilespmem:s5+$0x2C8] =	vst.add.f32.msk $0xffff, v1  }
0xf6: {  	v1 =	vld [tilespmem:s28+$0x50];
	_ =	sdelay $0x4  }
0xf7: {  	[tilespmem:s5+$0x2D8] =	vst.add.f32.msk $0xffff, v1  }
0xf8: {  	v1 =	vld [tilespmem:s28+$0x60];
	_ =	sdelay $0x4  }
0xf9: {  	[tilespmem:s5+$0x2E8] =	vst.add.f32.msk $0xffff, v1  }
0xfa: {  	v1 =	vld [tilespmem:s28+$0x70];
	_ =	sdelay $0x4  }
0xfb: {  	[tilespmem:s5+$0x2F8] =	vst.add.f32.msk $0xffff, v1  }
.LBB2_23:
0xfc: {  	s29 =	sadd.s32 $0x1, s29  }
0xfd: {  	p2 =	seq.s32 s29, $0x0  }
.Ltmp17:
0xfe: {  	_ = 	snop;
	(pc) =	sbr.rel @p2 .LBB2_24-.Ltmp17, $2  }
0xff: {  	_ =	sdelay $0x2  }
0x100: {  	s25 =	sadd.s32 $0x1, s25;
	s28 =	sadd.s32 $0x100, s28;
	s31 =	smov.u32 s0  }
.LBB2_18:
0x101: {  	v1 =	vld.msk [tilespmem:s25+$0x0], $0x1;
	_ =	sdelay $0x4  }
0x102: {  	(v2sf) =	vpush v1, $0x0;
	_ =	sdelay $0xe  }
0x103: {  	s0 =	spop (v2sf)  }
0x104: {  	p2 =	sne.s32 s31, s0  }
.Ltmp18:
0x105: {  	_ = 	snop;
	(pc) =	sbr.rel @!p2 .LBB2_19-.Ltmp18, $3  }
0x106: {  	_ =	sdelay $0x1  }
0x107: {  	s2 =	sshll.u32 s24, $0xA  }
0x108: {  	s5 =	sshra.s32 s2, $0x2  }
0x109: {  	p2 =	seq.s32 s31, s26  }
.Ltmp19:
0x10a: {  	_ = 	snop;
	(pc) =	sbr.rel @!p2 .LBB2_21-.Ltmp19, $1  }
0x10b: {  	_ =	sdelay $0x3  }
.Ltmp20:
0x10c: {  	s2 =	sadd.s32 $0x208, s5;
	(pc) =	sbr.rel .LBB2_22-.Ltmp20, $4  }
0x10d: {  	[spmem:s16] =	stream.linear.scatter [tilespmem:s2], [sflag:$0x1], $0x100, $0x38;
	[tilespmem:$0x1E678] =	vst v63  }
0x10e: {  	_ =	swait.ge [sflag:s12], $0x100  }
0x10f: {  	[sflag:s12] =	ssyncset.done $0x0  }
0x110: {  	[sflag:s12] =	ssyncadd.s32 $0xFFFFFF00  }
.LBB2_21:
0x111: {  	s2 =	sshll.u32 s30, $0xA  }
0x112: {  	s2 =	sshra.s32 s2, $0x2  }
0x113: {  	v1 =	vld [tilespmem:s2+$0x7308];
	_ =	sdelay $0x4  }
0x114: {  	[tilespmem:s5+$0x208] =	vst.add.f32.msk $0xffff, v1  }
0x115: {  	v1 =	vld [tilespmem:s2+$0x7318];
	_ =	sdelay $0x4  }
0x116: {  	[tilespmem:s5+$0x218] =	vst.add.f32.msk $0xffff, v1  }
0x117: {  	v1 =	vld [tilespmem:s2+$0x7328];
	_ =	sdelay $0x4  }
0x118: {  	[tilespmem:s5+$0x228] =	vst.add.f32.msk $0xffff, v1  }
0x119: {  	v1 =	vld [tilespmem:s2+$0x7338];
	_ =	sdelay $0x4  }
0x11a: {  	[tilespmem:s5+$0x238] =	vst.add.f32.msk $0xffff, v1  }
0x11b: {  	v1 =	vld [tilespmem:s2+$0x7348];
	_ =	sdelay $0x4  }
0x11c: {  	[tilespmem:s5+$0x248] =	vst.add.f32.msk $0xffff, v1  }
0x11d: {  	v1 =	vld [tilespmem:s2+$0x7358];
	_ =	sdelay $0x4  }
0x11e: {  	[tilespmem:s5+$0x258] =	vst.add.f32.msk $0xffff, v1  }
0x11f: {  	v1 =	vld [tilespmem:s2+$0x7368];
	_ =	sdelay $0x4  }
0x120: {  	[tilespmem:s5+$0x268] =	vst.add.f32.msk $0xffff, v1  }
0x121: {  	v1 =	vld [tilespmem:s2+$0x7378];
	_ =	sdelay $0x4  }
0x122: {  	[tilespmem:s5+$0x278] =	vst.add.f32.msk $0xffff, v1  }
0x123: {  	v1 =	vld [tilespmem:s2+$0x7388];
	_ =	sdelay $0x4  }
0x124: {  	[tilespmem:s5+$0x288] =	vst.add.f32.msk $0xffff, v1  }
0x125: {  	v1 =	vld [tilespmem:s2+$0x7398];
	_ =	sdelay $0x4  }
0x126: {  	[tilespmem:s5+$0x298] =	vst.add.f32.msk $0xffff, v1  }
0x127: {  	v1 =	vld [tilespmem:s2+$0x73A8];
	_ =	sdelay $0x4  }
0x128: {  	[tilespmem:s5+$0x2A8] =	vst.add.f32.msk $0xffff, v1  }
0x129: {  	v1 =	vld [tilespmem:s2+$0x73B8];
	_ =	sdelay $0x4  }
0x12a: {  	[tilespmem:s5+$0x2B8] =	vst.add.f32.msk $0xffff, v1  }
0x12b: {  	v1 =	vld [tilespmem:s2+$0x73C8];
	_ =	sdelay $0x4  }
0x12c: {  	[tilespmem:s5+$0x2C8] =	vst.add.f32.msk $0xffff, v1  }
0x12d: {  	v1 =	vld [tilespmem:s2+$0x73D8];
	_ =	sdelay $0x4  }
0x12e: {  	[tilespmem:s5+$0x2D8] =	vst.add.f32.msk $0xffff, v1  }
0x12f: {  	v1 =	vld [tilespmem:s2+$0x73E8];
	_ =	sdelay $0x4  }
0x130: {  	[tilespmem:s5+$0x2E8] =	vst.add.f32.msk $0xffff, v1  }
0x131: {  	v1 =	vld [tilespmem:s2+$0x73F8];
	_ =	sdelay $0x2  }
0x132: {  	p2 =	sgt.u32 s31, $0x4E1F70  }
0x133: {  	s2 =	sand.u32 @!p2 $0x7FFFF8, s31  }
0x134: {  	s3 =	sadd.s32 $0x208, s5;
	s9 =	sand.u32 @!p2 $0x7, s31;
	s2 =	sadd.s32 @!p2 s1, s2;
	[tilespmem:s5+$0x2F8] =	vst.add.f32.msk $0xffff, v1  }
0x135: {  	[hbm4b:s2+s9] =	stream.linear.scatter @!p2 [tilespmem:s3], [sflag:$0xC], $0x80, $0x38;
	[tilespmem:$0x1E678] =	vst v63  }
0x136: {  	s2 =	sadd.s32 @!p2 $0x80, s31  }
0x137: {  	s2 =	sand.u32 @!p2 $0xFFFFF8, s2  }
0x138: {  	s3 =	sadd.s32 $0x288, s5;
	s2 =	sadd.s32 @!p2 s1, s2  }
0x139: {  	[hbm4b:s2+s9] =	stream.linear.scatter @!p2 [tilespmem:s3], [sflag:$0xC], $0x80, $0x38;
	[tilespmem:$0x1E678] =	vst v63  }
0x13a: {  	s2 =	simm.s32 $0x0  }
0x13b: {  	s2 =	simm.s32 @!p2 $0x400  }
0x13c: {  	s4 =	sadd.s32 s2, s4  }
.LBB2_22:
0x13d: {  	s2 =	sadd.s32 $0x1, s24  }
0x13e: {  	s3 =	sshrl.u32 s2, $0x4  }
0x13f: {  	s3 =	smulhi.u32 $0x24924925, s3  }
0x140: {  	v1 =	vld [tilespmem:s28+$0xFFFFFF80]  }
0x141: {  	s3 =	smul.u32 $0x70, s3;
	_ =	sdelay $0x1  }
0x142: {  	s24 =	ssub.s32 s2, s3  }
0x143: {  	s2 =	sshll.u32 s24, $0x8  }
0x144: {  	[tilespmem:s2+$0x208] =	vst v1  }
0x145: {  	v1 =	vld [tilespmem:s28+$0xFFFFFF90];
	_ =	sdelay $0x4  }
0x146: {  	[tilespmem:s2+$0x218] =	vst v1  }
0x147: {  	v1 =	vld [tilespmem:s28+$0xFFFFFFA0];
	_ =	sdelay $0x4  }
0x148: {  	[tilespmem:s2+$0x228] =	vst v1  }
0x149: {  	v1 =	vld [tilespmem:s28+$0xFFFFFFB0];
	_ =	sdelay $0x4  }
0x14a: {  	[tilespmem:s2+$0x238] =	vst v1  }
0x14b: {  	v1 =	vld [tilespmem:s28+$0xFFFFFFC0];
	_ =	sdelay $0x4  }
0x14c: {  	[tilespmem:s2+$0x248] =	vst v1  }
0x14d: {  	v1 =	vld [tilespmem:s28+$0xFFFFFFD0];
	_ =	sdelay $0x4  }
0x14e: {  	[tilespmem:s2+$0x258] =	vst v1  }
0x14f: {  	v1 =	vld [tilespmem:s28+$0xFFFFFFE0];
	_ =	sdelay $0x4  }
0x150: {  	[tilespmem:s2+$0x268] =	vst v1  }
0x151: {  	v1 =	vld [tilespmem:s28+$0xFFFFFFF0];
	_ =	sdelay $0x4  }
0x152: {  	[tilespmem:s2+$0x278] =	vst v1  }
0x153: {  	v1 =	vld [tilespmem:s28+$0x0];
	_ =	sdelay $0x4  }
0x154: {  	[tilespmem:s2+$0x288] =	vst v1  }
0x155: {  	v1 =	vld [tilespmem:s28+$0x10];
	_ =	sdelay $0x4  }
0x156: {  	[tilespmem:s2+$0x298] =	vst v1  }
0x157: {  	v1 =	vld [tilespmem:s28+$0x20];
	_ =	sdelay $0x4  }
0x158: {  	[tilespmem:s2+$0x2A8] =	vst v1  }
0x159: {  	v1 =	vld [tilespmem:s28+$0x30];
	_ =	sdelay $0x4  }
0x15a: {  	[tilespmem:s2+$0x2B8] =	vst v1  }
0x15b: {  	v1 =	vld [tilespmem:s28+$0x40];
	_ =	sdelay $0x4  }
0x15c: {  	[tilespmem:s2+$0x2C8] =	vst v1  }
0x15d: {  	v1 =	vld [tilespmem:s28+$0x50];
	_ =	sdelay $0x4  }
0x15e: {  	[tilespmem:s2+$0x2D8] =	vst v1  }
0x15f: {  	v1 =	vld [tilespmem:s28+$0x60];
	_ =	sdelay $0x4  }
0x160: {  	[tilespmem:s2+$0x2E8] =	vst v1  }
0x161: {  	v1 =	vld [tilespmem:s28+$0x70]  }
.Ltmp21:
0x162: {  	_ = 	snop;
	(pc) =	sbr.rel .LBB2_23-.Ltmp21, $2  }
0x163: {  	_ =	sdelay $0x2  }
0x164: {  	s30 =	sadd.s32 $0x1, s30;
	[tilespmem:s2+$0x2F8] =	vst v1  }
.LBB2_25:
.Ltmp22:
0x165: {  	(pc) =	sbr.rel .LBB2_26-.Ltmp22, $4  }
0x166: {  	_ = 	snop  }
0x167: {  	s0 =	simm.s32 $0x2  }
0x168: {  	_ =	swait.ge [sflag:s0], $0x0  }
0x169: {  	s2 =	simm.s32 $0x0;
	[sflag:s0] =	ssyncset.done $0x0;
	s0 =	smov.u32 s31  }
.LBB2_28:
0x16a: {  	_ =	sfence.sel $0x180000  }
0x16b: {  	s0 =	simm.s32 $0x9;
	[bflag:$0x0] =	sbarrier.arrive $0xFFFF  }
0x16c: {  	s24 =	simm.s32 $0xA;
	[sflag:s0] =	ssyncpa.u1 $0x1  }
0x16d: {  	s25 =	simm.s32 $0xB;
	[sflag:s24] =	ssyncpa.u1 $0x1  }
0x16e: {  	s26 =	simm.s32 $0x2;
	[sflag:s25] =	ssyncpa.u1 $0x1  }
0x16f: {  	[sflag:s26] =	ssyncpa.u1 $0x1  }
0x170: {  	v0 =	vld [tilespmem:$0xE408];
	_ =	sdelay $0x4  }
0x171: {  	(v2sf) =	vpush v0, $0x0  }
0x172: {  	(v2sf) =	vpush v0, $0x1;
	_ =	sdelay $0x1  }
0x173: {  	(v2sf) =	vpush v0, $0x2;
	_ =	sdelay $0xb  }
0x174: {  	s0 =	spop (v2sf)  }
0x175: {  	s2 =	spop (v2sf)  }
0x176: {  	s3 =	smov.u32 s0;
	p0 =	sne.s32 s0, s2  }
0x177: {  	s4 =	spop (v2sf);
	s3 =	simm.s32 @!p0 $0xFFFFFFFF  }
0x178: {  	v2 =	vimm.s32 $0x1;
	v3 =	vlaneseq.u32;
	p0 =	seq.s32 s4, $0xFFFFFFFF;
	v1 =	vmov s3  }
0x179: {  	s15 =	stileid.u32;
	v0 =	vperm.xlane v0, v2;
	p1 =	sne.s32 @!p0 s0, s2;
	v1 =	vperm.xlane v1, v3  }
0x17a: {  	vm0 =	vcmask $0x3F04;
	s6 =	simm.s32 $0xE408;
	s0 =	simm.s32 @!p0 $0x1;
	p1 =	por !p1, p0  }
0x17b: {  	s3 =	sshll.u32 s15, $0x1;
	s2 =	sshll.u32 @!p0 s4, $0xA;
	s0 =	simm.s32 @p1 $0x0;
	v0 =	vsel vm0, v1, v0  }
0x17c: {  	s5 =	sor.u32 $0x2000, s3;
	s2 =	sshra.s32 @!p0 s2, $0x2;
	s0 =	sor.u32 @!p0 s0, s3;
	[tilespmem:$0xE408] =	vst v0  }
0x17d: {  	[spmem:s5] =	stream.linear.scatter [tilespmem:s6], [sflag:$0x1], $0x2, $0x38;
	[tilespmem:$0x1E678] =	vst v63  }
0x17e: {  	s2 =	sadd.s32 @!p0 $0x208, s2;
	s0 =	sshll.u32 @!p0 s0, $0x8  }
0x17f: {  	[spmem:s0] =	stream.linear.scatter @!p0 [tilespmem:s2], [sflag:$0x1], $0x100, $0x38;
	[tilespmem:$0x1E678] =	vst v63  }
0x180: {  	s0 =	simm.s32 @!p0 $0x102  }
0x181: {  	s28 =	simm.s32 $0x1;
	s0 =	simm.s32 @p0 $0x2  }
0x182: {  	_ =	swait.ge [sflag:s28], s0  }
0x183: {  	s0 =	ssub.s32 $0x0, s0;
	[sflag:s28] =	ssyncset.done $0x0  }
0x184: {  	p0 =	sne.s32 s15, $0x0;
	[sflag:s28] =	ssyncadd.s32 s0  }
.Ltmp23:
0x185: {  	_ =	sfence.stream.spmem;
	(pc) =	sbr.rel @p0 .LBB2_45-.Ltmp23, $4  }
0x186: {  	s29 =	simm.s32 $0x3;
	[bflag:$0x0] =	sbarrier.arrive $0xFFFF  }
0x187: {  	s30 =	simm.s32 $0x4;
	[sflag:s29] =	ssyncpa.u1 $0x1  }
0x188: {  	s31 =	simm.s32 $0x3C;
	[sflag:s30] =	ssyncpa.u1 $0x1  }
0x189: {  	s14 =	rddreg [dreg:$0x4];
	[sflag:s31] =	ssyncpa.u1 $0x1  }
0x18a: {  	_ =	sfence.stream.spmem;
	s0 =	simm.s32 $0x5  }
0x18b: {  	s2 =	simm.s32 $0x2000;
	s3 =	simm.s32 $0xE418;
	[sflag:s0] =	ssyncpa.u1 $0x0  }
0x18c: {  	[tilespmem:s3], [sflag:$0x5] =	stream.linear.gather [spmem:s2], $0x20, $0x38;
	[tilespmem:$0x1E678] =	vst v63  }
0x18d: {  	s26 =	simm.s32 $0x0;
	s28 =	simm.s32 $0xE438  }
0x18e: {  	[tilespmem:s28], [sflag:$0x5] =	stream.linear.gather [spmem:s26], $0x2000, $0x38;
	[tilespmem:$0x1E678] =	vst v63  }
0x18f: {  	_ =	swait.ge [sflag:s0], $0x2020  }
0x190: {  	[sflag:s0] =	ssyncset.done $0x0  }
0x191: {  	s29 =	simm.s32 $0x0;
	[sflag:s0] =	ssyncadd.s32 $0xFFFFDFE0  }
0x192: {  	v0 =	vld.msk [tilespmem:s29+$0xE418], $0x1;
	_ =	sdelay $0x1  }
0x193: {  	s30 =	simm.s32 $0x1  }
0x194: {  	v1 =	vld.msk [tilespmem:s30+$0xE418], $0x1;
	_ =	sdelay $0x1  }
0x195: {  	(v2sf) =	vpush v0, $0x0;
	_ =	sdelay $0x2  }
0x196: {  	(v2sf) =	vpush v1, $0x0;
	_ =	sdelay $0x2  }
0x197: {  	s31 =	simm.s32 $0x2  }
0x198: {  	v0 =	vld.msk [tilespmem:s31+$0xE418], $0x1;
	_ =	sdelay $0x2  }
0x199: {  	s2 =	simm.s32 $0xFFFFFFFF;
	s3 =	simm.s32 $0xFFFFFFFF;
	s0 =	simm.s32 $0xC  }
.LBB2_30:
0x19a: {  	s4 =	smov.u32 s3;
	s5 =	smov.u32 s2  }
0x19b: {  	s2 =	sshra.s32 s0, $0x2;
	p1 =	sne.s32 s0, $0x7C;
	s0 =	sadd.s32 $0x4, s0;
	(v2sf) =	vpush v0, $0x0  }
0x19c: {  	v0 =	vld.msk [tilespmem:s2+$0xE418], $0x1  }
.Ltmp24:
0x19d: {  	(pc) =	sbr.rel @p1 .LBB2_30-.Ltmp24, $4  }
0x19e: {  	s3 =	spop (v2sf)  }
0x19f: {  	p2 =	sne.s32 s5, $0xFFFFFFFF;
	s2 =	smov.u32 s3  }
0x1a0: {  	p3 =	seq.s32 s3, $0xFFFFFFFF;
	s2 =	smov.u32 @p2 s5  }
0x1a1: {  	s3 =	smov.u32 @p3 s4;
	s2 =	smov.u32 @p3 s5  }
0x1a2: {  	(v2sf) =	vpush v0, $0x0;
	_ =	sdelay $0x8  }
0x1a3: {  	s0 =	spop (v2sf)  }
0x1a4: {  	p1 =	sne.s32 s2, $0xFFFFFFFF;
	s9 =	simm.s32 $0x6;
	s4 =	smov.u32 s0  }
0x1a5: {  	s6 =	simm.s32 $0x0;
	p2 =	seq.s32 s0, $0xFFFFFFFF;
	s4 =	smov.u32 @p1 s2  }
0x1a6: {  	s10 =	simm.s32 $0xE308;
	s4 =	smov.u32 @p2 s2;
	s2 =	spop (v2sf)  }
0x1a7: {  	s0 =	smov.u32 @p2 s3;
	p1 =	sne.s32 s4, $0xFFFFFFFF;
	s5 =	smov.u32 s2  }
.Ltmp25:
0x1a8: {  	p2 =	seq.s32 s2, $0xFFFFFFFF;
	s5 =	smov.u32 @p1 s4;
	(pc) =	sbr.rel .LBB2_32-.Ltmp25, $4  }
0x1a9: {  	s11 =	simm.s32 $0xE388;
	s5 =	smov.u32 @p2 s4;
	s7 =	spop (v2sf)  }
0x1aa: {  	s12 =	simm.s32 $0x0;
	p1 =	sne.s32 s5, $0xFFFFFFFF;
	s8 =	smov.u32 s7  }
0x1ab: {  	s2 =	smov.u32 @p2 s0;
	p2 =	seq.s32 s7, $0xFFFFFFFF;
	s8 =	smov.u32 @p1 s5  }
0x1ac: {  	[sflag:s9] =	ssyncpa.u1 $0x0;
	s7 =	smov.u32 @p2 s2;
	s8 =	smov.u32 @p2 s5  }
.LBB2_38:
0x1ad: {  	p1 =	sgt.u32 s0, $0x4E1F70  }
0x1ae: {  	p2 =	seq.s32 @!p1 s0, s8  }
0x1af: {  	p1 =	por p1, p2  }
0x1b0: {  	p2 =	sne.s32 @!p1 s0, s7  }
0x1b1: {  	p1 =	por p1, !p2  }
0x1b2: {  	s0 =	sshll.u32 @p1 s12, $0xA  }
0x1b3: {  	s2 =	sand.u32 @!p1 $0x7FFFF8, s0;
	s3 =	sand.u32 @!p1 $0x7, s0;
	s0 =	sadd.s32 @!p1 $0x80, s0  }
0x1b4: {  	s2 =	sadd.s32 @!p1 s1, s2;
	s0 =	sand.u32 @!p1 $0xFFFFF8, s0  }
0x1b5: {  	[tilespmem:s10], [sflag:$0x6] =	stream.linear.gather @!p1 [hbm4b:s2+s3], $0x80, $0x38;
	[tilespmem:$0x1E678] =	vst v63  }
0x1b6: {  	s0 =	sadd.s32 @!p1 s1, s0  }
0x1b7: {  	[tilespmem:s11], [sflag:$0x6] =	stream.linear.gather @!p1 [hbm4b:s0+s3], $0x80, $0x38;
	[tilespmem:$0x1E678] =	vst v63  }
0x1b8: {  	_ =	swait.ge @!p1 [sflag:s9], $0x100  }
0x1b9: {  	[sflag:s9] =	ssyncset.done @!p1 $0x0  }
0x1ba: {  	[sflag:s9] =	ssyncadd.s32 @!p1 $0xFFFFFF00  }
0x1bb: {  	v1 =	vld @!p1 [tilespmem:$0xE308];
	_ =	sdelay $0x2  }
0x1bc: {  	s0 =	sshll.u32 @!p1 s12, $0xA  }
0x1bd: {  	s2 =	sshrl.u32 @!p1 s0, $0x2  }
0x1be: {  	[tilespmem:s2+$0xE438] =	vst.add.f32.msk @!p1 $0xffff, v1  }
0x1bf: {  	v1 =	vld @!p1 [tilespmem:$0xE318];
	_ =	sdelay $0x4  }
0x1c0: {  	[tilespmem:s2+$0xE448] =	vst.add.f32.msk @!p1 $0xffff, v1  }
0x1c1: {  	v1 =	vld @!p1 [tilespmem:$0xE328];
	_ =	sdelay $0x4  }
0x1c2: {  	[tilespmem:s2+$0xE458] =	vst.add.f32.msk @!p1 $0xffff, v1  }
0x1c3: {  	v1 =	vld @!p1 [tilespmem:$0xE338];
	_ =	sdelay $0x4  }
0x1c4: {  	[tilespmem:s2+$0xE468] =	vst.add.f32.msk @!p1 $0xffff, v1  }
0x1c5: {  	v1 =	vld @!p1 [tilespmem:$0xE348];
	_ =	sdelay $0x4  }
0x1c6: {  	[tilespmem:s2+$0xE478] =	vst.add.f32.msk @!p1 $0xffff, v1  }
0x1c7: {  	v1 =	vld @!p1 [tilespmem:$0xE358];
	_ =	sdelay $0x4  }
0x1c8: {  	[tilespmem:s2+$0xE488] =	vst.add.f32.msk @!p1 $0xffff, v1  }
0x1c9: {  	v1 =	vld @!p1 [tilespmem:$0xE368];
	_ =	sdelay $0x4  }
0x1ca: {  	[tilespmem:s2+$0xE498] =	vst.add.f32.msk @!p1 $0xffff, v1  }
0x1cb: {  	v1 =	vld @!p1 [tilespmem:$0xE378];
	_ =	sdelay $0x4  }
0x1cc: {  	[tilespmem:s2+$0xE4A8] =	vst.add.f32.msk @!p1 $0xffff, v1  }
0x1cd: {  	v1 =	vld @!p1 [tilespmem:$0xE388];
	_ =	sdelay $0x4  }
0x1ce: {  	[tilespmem:s2+$0xE4B8] =	vst.add.f32.msk @!p1 $0xffff, v1  }
0x1cf: {  	v1 =	vld @!p1 [tilespmem:$0xE398];
	_ =	sdelay $0x4  }
0x1d0: {  	[tilespmem:s2+$0xE4C8] =	vst.add.f32.msk @!p1 $0xffff, v1  }
0x1d1: {  	v1 =	vld @!p1 [tilespmem:$0xE3A8];
	_ =	sdelay $0x4  }
0x1d2: {  	[tilespmem:s2+$0xE4D8] =	vst.add.f32.msk @!p1 $0xffff, v1  }
0x1d3: {  	v1 =	vld @!p1 [tilespmem:$0xE3B8];
	_ =	sdelay $0x4  }
0x1d4: {  	[tilespmem:s2+$0xE4E8] =	vst.add.f32.msk @!p1 $0xffff, v1  }
0x1d5: {  	v1 =	vld @!p1 [tilespmem:$0xE3C8];
	_ =	sdelay $0x4  }
0x1d6: {  	[tilespmem:s2+$0xE4F8] =	vst.add.f32.msk @!p1 $0xffff, v1  }
0x1d7: {  	v1 =	vld @!p1 [tilespmem:$0xE3D8];
	_ =	sdelay $0x4  }
0x1d8: {  	[tilespmem:s2+$0xE508] =	vst.add.f32.msk @!p1 $0xffff, v1  }
0x1d9: {  	v1 =	vld @!p1 [tilespmem:$0xE3E8];
	_ =	sdelay $0x4  }
0x1da: {  	[tilespmem:s2+$0xE518] =	vst.add.f32.msk @!p1 $0xffff, v1  }
0x1db: {  	v1 =	vld @!p1 [tilespmem:$0xE3F8];
	_ =	sdelay $0x4  }
0x1dc: {  	[tilespmem:s2+$0xE528] =	vst.add.f32.msk @!p1 $0xffff, v1  }
0x1dd: {  	s0 =	sshrl.u32 s0, $0x2;
	[tilespmem:s6+$0xE418] =	vst.msk $0x1, v0  }
0x1de: {  	v0 =	vld [tilespmem:s0+$0xE438];
	_ =	sdelay $0x2  }
0x1df: {  	s31 =	sshll.u32 s6, $0xA  }
0x1e0: {  	s2 =	sshra.s32 s31, $0x2  }
0x1e1: {  	[tilespmem:s2+$0xE438] =	vst v0  }
0x1e2: {  	v0 =	vld [tilespmem:s0+$0xE448];
	_ =	sdelay $0x4  }
0x1e3: {  	[tilespmem:s2+$0xE448] =	vst v0  }
0x1e4: {  	v0 =	vld [tilespmem:s0+$0xE458];
	_ =	sdelay $0x4  }
0x1e5: {  	[tilespmem:s2+$0xE458] =	vst v0  }
0x1e6: {  	v0 =	vld [tilespmem:s0+$0xE468];
	_ =	sdelay $0x4  }
0x1e7: {  	[tilespmem:s2+$0xE468] =	vst v0  }
0x1e8: {  	v0 =	vld [tilespmem:s0+$0xE478];
	_ =	sdelay $0x4  }
0x1e9: {  	[tilespmem:s2+$0xE478] =	vst v0  }
0x1ea: {  	v0 =	vld [tilespmem:s0+$0xE488];
	_ =	sdelay $0x4  }
0x1eb: {  	[tilespmem:s2+$0xE488] =	vst v0  }
0x1ec: {  	v0 =	vld [tilespmem:s0+$0xE498];
	_ =	sdelay $0x4  }
0x1ed: {  	[tilespmem:s2+$0xE498] =	vst v0  }
0x1ee: {  	v0 =	vld [tilespmem:s0+$0xE4A8];
	_ =	sdelay $0x4  }
0x1ef: {  	[tilespmem:s2+$0xE4A8] =	vst v0  }
0x1f0: {  	v0 =	vld [tilespmem:s0+$0xE4B8];
	_ =	sdelay $0x4  }
0x1f1: {  	[tilespmem:s2+$0xE4B8] =	vst v0  }
0x1f2: {  	v0 =	vld [tilespmem:s0+$0xE4C8];
	_ =	sdelay $0x4  }
0x1f3: {  	[tilespmem:s2+$0xE4C8] =	vst v0  }
0x1f4: {  	v0 =	vld [tilespmem:s0+$0xE4D8];
	_ =	sdelay $0x4  }
0x1f5: {  	[tilespmem:s2+$0xE4D8] =	vst v0  }
0x1f6: {  	v0 =	vld [tilespmem:s0+$0xE4E8];
	_ =	sdelay $0x4  }
0x1f7: {  	[tilespmem:s2+$0xE4E8] =	vst v0  }
0x1f8: {  	v0 =	vld [tilespmem:s0+$0xE4F8];
	_ =	sdelay $0x4  }
0x1f9: {  	[tilespmem:s2+$0xE4F8] =	vst v0  }
0x1fa: {  	v0 =	vld [tilespmem:s0+$0xE508];
	_ =	sdelay $0x4  }
0x1fb: {  	[tilespmem:s2+$0xE508] =	vst v0  }
0x1fc: {  	v0 =	vld [tilespmem:s0+$0xE518];
	_ =	sdelay $0x4  }
0x1fd: {  	[tilespmem:s2+$0xE518] =	vst v0  }
0x1fe: {  	v0 =	vld [tilespmem:s0+$0xE528];
	_ =	sdelay $0x4  }
0x1ff: {  	s6 =	sadd.s32 $0x1, s6;
	[tilespmem:s2+$0xE528] =	vst v0  }
.LBB2_39:
0x200: {  	s12 =	sadd.s32 $0x1, s12  }
0x201: {  	p1 =	sne.s32 s12, $0x20  }
.Ltmp26:
0x202: {  	_ = 	snop;
	(pc) =	sbr.rel @!p1 .LBB2_40-.Ltmp26, $1  }
0x203: {  	_ =	sdelay $0x3  }
.LBB2_32:
0x204: {  	v0 =	vld.msk [tilespmem:s12+$0xE418], $0x1;
	_ =	sdelay $0x4  }
0x205: {  	(v2sf) =	vpush v0, $0x0;
	_ =	sdelay $0xe  }
0x206: {  	s0 =	spop (v2sf)  }
0x207: {  	p1 =	seq.s32 s0, $0xFFFFFFFF  }
.Ltmp27:
0x208: {  	_ = 	snop;
	(pc) =	sbr.rel @p1 .LBB2_39-.Ltmp27, $1  }
0x209: {  	_ =	sdelay $0x3  }
0x20a: {  	p1 =	slt.s32 s6, $0x1  }
.Ltmp28:
0x20b: {  	_ = 	snop;
	(pc) =	sbr.rel @p1 .LBB2_38-.Ltmp28, $1  }
0x20c: {  	_ =	sdelay $0x3  }
0x20d: {  	s4 =	simm.s32 $0xE418;
	p1 =	por $0x0, $0x0  }
0x20e: {  	v1 =	vld.msk @!p1 [tilespmem:s4+$0x0], $0x1;
	_ =	sdelay $0x4  }
0x20f: {  	(v2sf) =	vpush @!p1 v1, $0x0;
	_ =	sdelay $0xd  }
0x210: {  	p3 =	sne.s32 s6, $0x1  }
.Ltmp29:
0x211: {  	s2 =	spop @!p1 (v2sf);
	(pc) =	sbr.rel @!p3 .LBB2_36-.Ltmp29, $4  }
0x212: {  	p2 =	seq.s32 @!p1 s0, s2  }
0x213: {  	s5 =	simm.s32 $0x0;
	p2 =	por !p2, p1  }
0x214: {  	s2 =	simm.s32 $0xFFFFFFFF;
	s5 =	simm.s32 @p2 $0xFFFFFFFF  }
0x215: {  	s13 =	simm.s32 $0x1;
	s5 =	smov.u32 @p1 s2  }
.LBB2_35:
0x216: {  	s2 =	smov.u32 s5;
	p1 =	sne.s32 s5, $0xFFFFFFFF  }
0x217: {  	s4 =	sadd.s32 $0x1, s4;
	s5 =	smov.u32 s13;
	s13 =	sadd.s32 $0x1, s13  }
0x218: {  	p2 =	sne.s32 s6, s13;
	v1 =	vld.msk @!p1 [tilespmem:s4+$0x0], $0x1;
	_ =	sdelay $0x4  }
0x219: {  	(v2sf) =	vpush @!p1 v1, $0x0;
	_ =	sdelay $0xe  }
.Ltmp30:
0x21a: {  	s3 =	spop @!p1 (v2sf);
	(pc) =	sbr.rel @p2 .LBB2_35-.Ltmp30, $4  }
0x21b: {  	p3 =	seq.s32 @!p1 s0, s3  }
0x21c: {  	p3 =	por !p3, p1  }
0x21d: {  	s5 =	simm.s32 @p3 $0xFFFFFFFF  }
0x21e: {  	s5 =	smov.u32 @p1 s2  }
.LBB2_36:
0x21f: {  	p1 =	seq.s32 s5, $0xFFFFFFFF  }
.Ltmp31:
0x220: {  	_ = 	snop;
	(pc) =	sbr.rel @p1 .LBB2_38-.Ltmp31, $1  }
0x221: {  	_ =	sdelay $0x3  }
0x222: {  	s0 =	sshll.u32 s12, $0x8  }
0x223: {  	s0 =	sand.u32 $0x3FFFFF00, s0  }
0x224: {  	v0 =	vld [tilespmem:s0+$0xE438];
	_ =	sdelay $0x2  }
0x225: {  	s2 =	sshll.u32 s5, $0xA  }
0x226: {  	s2 =	sshra.s32 s2, $0x2  }
0x227: {  	[tilespmem:s2+$0xE438] =	vst.add.f32.msk $0xffff, v0  }
0x228: {  	v0 =	vld [tilespmem:s0+$0xE448];
	_ =	sdelay $0x4  }
0x229: {  	[tilespmem:s2+$0xE448] =	vst.add.f32.msk $0xffff, v0  }
0x22a: {  	v0 =	vld [tilespmem:s0+$0xE458];
	_ =	sdelay $0x4  }
0x22b: {  	[tilespmem:s2+$0xE458] =	vst.add.f32.msk $0xffff, v0  }
0x22c: {  	v0 =	vld [tilespmem:s0+$0xE468];
	_ =	sdelay $0x4  }
0x22d: {  	[tilespmem:s2+$0xE468] =	vst.add.f32.msk $0xffff, v0  }
0x22e: {  	v0 =	vld [tilespmem:s0+$0xE478];
	_ =	sdelay $0x4  }
0x22f: {  	[tilespmem:s2+$0xE478] =	vst.add.f32.msk $0xffff, v0  }
0x230: {  	v0 =	vld [tilespmem:s0+$0xE488];
	_ =	sdelay $0x4  }
0x231: {  	[tilespmem:s2+$0xE488] =	vst.add.f32.msk $0xffff, v0  }
0x232: {  	v0 =	vld [tilespmem:s0+$0xE498];
	_ =	sdelay $0x4  }
0x233: {  	[tilespmem:s2+$0xE498] =	vst.add.f32.msk $0xffff, v0  }
0x234: {  	v0 =	vld [tilespmem:s0+$0xE4A8];
	_ =	sdelay $0x4  }
0x235: {  	[tilespmem:s2+$0xE4A8] =	vst.add.f32.msk $0xffff, v0  }
0x236: {  	v0 =	vld [tilespmem:s0+$0xE4B8];
	_ =	sdelay $0x4  }
0x237: {  	[tilespmem:s2+$0xE4B8] =	vst.add.f32.msk $0xffff, v0  }
0x238: {  	v0 =	vld [tilespmem:s0+$0xE4C8];
	_ =	sdelay $0x4  }
0x239: {  	[tilespmem:s2+$0xE4C8] =	vst.add.f32.msk $0xffff, v0  }
0x23a: {  	v0 =	vld [tilespmem:s0+$0xE4D8];
	_ =	sdelay $0x4  }
0x23b: {  	[tilespmem:s2+$0xE4D8] =	vst.add.f32.msk $0xffff, v0  }
0x23c: {  	v0 =	vld [tilespmem:s0+$0xE4E8];
	_ =	sdelay $0x4  }
0x23d: {  	[tilespmem:s2+$0xE4E8] =	vst.add.f32.msk $0xffff, v0  }
0x23e: {  	v0 =	vld [tilespmem:s0+$0xE4F8];
	_ =	sdelay $0x4  }
0x23f: {  	[tilespmem:s2+$0xE4F8] =	vst.add.f32.msk $0xffff, v0  }
0x240: {  	v0 =	vld [tilespmem:s0+$0xE508];
	_ =	sdelay $0x4  }
0x241: {  	[tilespmem:s2+$0xE508] =	vst.add.f32.msk $0xffff, v0  }
0x242: {  	v0 =	vld [tilespmem:s0+$0xE518];
	_ =	sdelay $0x4  }
0x243: {  	[tilespmem:s2+$0xE518] =	vst.add.f32.msk $0xffff, v0  }
0x244: {  	v0 =	vld [tilespmem:s0+$0xE528]  }
.Ltmp32:
0x245: {  	_ = 	snop;
	(pc) =	sbr.rel .LBB2_39-.Ltmp32, $2  }
0x246: {  	_ =	sdelay $0x2  }
0x247: {  	[tilespmem:s2+$0xE528] =	vst.add.f32.msk $0xffff, v0  }
.LBB2_40:
0x248: {  	s0 =	simm.s32 $0x6;
	p1 =	seq.s32 s6, $0x0  }
0x249: {  	[sflag:s0] =	ssyncpa.u1 $0x1;
	v0 =	vimm.s32 @p1 $0xFFFFFFFF  }
0x24a: {  	s0 =	sadd.s32 $0xFFFFFFFF, s6;
	[tilespmem:$0x10438] =	vst @p1 v0  }
0x24b: {  	v0 =	vld.msk @!p1 [tilespmem:s0+$0xE418], $0x1;
	_ =	sdelay $0x1  }
0x24c: {  	v1 =	vld.msk @!p1 [tilespmem:$0xE418], $0x1;
	_ =	sdelay $0x2  }
0x24d: {  	p2 =	seq.s32 @!p1 s0, $0x0;
	v0 =	vbroadcast @!p1 v0, $0x0  }
0x24e: {  	vm0 =	vmmov @!p1 $0x1;
	p2 =	por !p2, p1  }
0x24f: {  	v1 =	vnsel @!p1 vm0, $0xFFFFFFFF, v1;
	vm0 =	vcmask @!p1 $0x308;
	v0 =	vpsel !p2, $0xFFFFFFFF, v0  }
0x250: {  	p2 =	sne.s32 @!p1 s8, s7;
	v0 =	vsel @!p1 vm0, v1, v0  }
0x251: {  	s2 =	simm.s32 @!p1 $0xE438;
	s3 =	simm.s32 @!p1 $0x0;
	p3 =	por !p2, p1;
	[tilespmem:$0x10438] =	vst @!p1 v0  }
0x252: {  	[spmem:s3] =	stream.linear.scatter @!p1 [tilespmem:s2], [sflag:$0x1], $0x100, $0x38;
	[tilespmem:$0x1E678] =	vst v63  }
0x253: {  	s2 =	sshll.u32 @!p3 s0, $0xA  }
0x254: {  	s2 =	sshra.s32 @!p3 s2, $0x2  }
0x255: {  	s3 =	simm.s32 @!p3 $0x100;
	s2 =	sadd.s32 @!p3 $0xE438, s2  }
0x256: {  	[spmem:s3] =	stream.linear.scatter @!p3 [tilespmem:s2], [sflag:$0x1], $0x100, $0x38;
	[tilespmem:$0x1E678] =	vst v63  }
0x257: {  	s2 =	simm.s32 @!p3 $0x1  }
0x258: {  	_ =	swait.ge @!p3 [sflag:s2], $0x200  }
0x259: {  	p1 =	por p2, p1;
	[sflag:s2] =	ssyncset.done @!p3 $0x0  }
0x25a: {  	[sflag:s2] =	ssyncadd.s32 @!p3 $0xFFFFFE00;
	s2 =	simm.s32 @!p1 $0x1  }
0x25b: {  	_ =	swait.ge @!p1 [sflag:s2], $0x100  }
0x25c: {  	s29 =	simm.s32 $0x10438;
	[sflag:s2] =	ssyncset.done @!p1 $0x0  }
0x25d: {  	s30 =	simm.s32 $0x2000;
	s31 =	simm.s32 $0x1;
	[sflag:s2] =	ssyncadd.s32 @!p1 $0xFFFFFF00  }
0x25e: {  	[spmem:s30] =	stream.linear.scatter [tilespmem:s29], [sflag:$0x1], $0x10, $0x38;
	[tilespmem:$0x1E678] =	vst v63  }
0x25f: {  	_ =	swait.ge [sflag:s31], $0x10  }
0x260: {  	[sflag:s31] =	ssyncset.done $0x0  }
0x261: {  	p1 =	seq.s32 s14, $0x0;
	s9 =	rddreg [dreg:$0x1];
	[sflag:s31] =	ssyncadd.s32 $0xFFFFFFF0  }
0x262: {  	s3 =	sshll.u32 @p1 s9, $0xE;
	s8 =	rddreg [dreg:$0x2]  }
0x263: {  	s2 =	sadd.s32 @p1 $0x15C3C, s3;
	s3 =	sshll.u32 @p1 s8, $0x11  }
0x264: {  	_ =	sfence.stream.spmem;
	s2 =	sor.u32 @p1 s3, s2  }
0x265: {  	[sflag:s2] =	ssyncadd.remote.s32 @p1 $0x1;
	s2 =	simm.s32 @p1 $0x4  }
0x266: {  	s4 =	simm.s32 @!p1 $0x3C;
	s3 =	sand.u32 $0xFFFFFFFE, s9;
	_ =	swait.ge @p1 [sflag:s2], $0x42  }
0x267: {  	s5 =	simm.s32 @!p1 $0x0;
	s3 =	sadd.s32 @!p1 $0x4, s3;
	[sflag:s2] =	ssyncset.done @p1 $0x0  }
0x268: {  	s7 =	simm.s32 @!p1 $0x200;
	[sflag:s2] =	ssyncadd.s32 @p1 $0xFFFFFFBE;
	s2 =	sshll.u32 @!p1 s3, $0x1A  }
0x269: {  	s3 =	sshll.u32 @!p1 s3, $0xD;
	s2 =	sor.u32 @!p1 s2, s8;
	_ =	swait.eq @!p1 [sflag:s4], $0x1  }
0x26a: {  	s3 =	sor.u32 @!p1 $0x1C04, s3;
	s4 =	simm.s32 @!p1 $0x1C03;
	s2 =	sor.u32 @!p1 $0x80004000, s2  }
0x26b: {  	[spmem:s7], [sflag:s3] =	dma.general @!p1 [spmem:s5], [sflag:s4], length:$0x40, [dreg:$0x0], stride_count:$0x0, ici_dest:s2, dma_misc:DstOpCode:WRITE  }
0x26c: {  	p2 =	slt.s32 s0, $0x2;
	s5 =	simm.s32 @!p1 $0x400;
	s7 =	simm.s32 @!p1 $0x402  }
0x26d: {  	[spmem:s7], [sflag:s3] =	dma.general @!p1 [spmem:s5], [sflag:s4], length:$0x2, [dreg:$0x0], stride_count:$0x0, ici_dest:s2, dma_misc:DstOpCode:WRITE  }
.Ltmp33:
0x26e: {  	s2 =	simm.s32 @!p1 $0x3;
	(pc) =	sbr.rel @p2 .LBB2_44-.Ltmp33, $4  }
0x26f: {  	s3 =	sshll.u32 @!p1 s9, $0xE;
	_ =	swait.ge @!p1 [sflag:s2], $0x42  }
0x270: {  	s4 =	sshll.u32 @!p1 s8, $0x11;
	s3 =	sadd.s32 @!p1 $0x11C3C, s3;
	[sflag:s2] =	ssyncset.done @!p1 $0x0  }
0x271: {  	[sflag:s2] =	ssyncadd.s32 @!p1 $0xFFFFFFBE;
	s2 =	sor.u32 @!p1 s4, s3  }
0x272: {  	s0 =	simm.s32 $0x0;
	[sflag:s2] =	ssyncadd.remote.s32 @!p1 $0xFFFFFFFF  }
0x273: {  	s0 =	simm.s32 $0xE419  }
0x274: {  	v0 =	vld.msk [tilespmem:s0+$0x0], $0x1;
	_ =	sdelay $0x4  }
0x275: {  	(v2sf) =	vpush v0, $0x0;
	_ =	sdelay $0xd  }
0x276: {  	s31 =	sadd.s32 $0xFFFFFFFE, s6  }
0x277: {  	s6 =	simm.s32 $0x0;
	s0 =	sadd.s32 $0xFFFFFFFF, s31;
	s2 =	spop (v2sf)  }
0x278: {  	s3 =	simm.s32 $0xE538;
	p1 =	sne.s32 s0, $0x0;
	p2 =	sgt.u32 s2, $0x4E1F70  }
.Ltmp34:
0x279: {  	s4 =	simm.s32 $0xE638;
	s5 =	sand.u32 @!p2 $0x7FFFF8, s2;
	(pc) =	sbr.rel @!p1 .LBB2_43-.Ltmp34, $4  }
0x27a: {  	s7 =	sadd.s32 @!p2 $0x80, s2;
	s2 =	sand.u32 @!p2 $0x7, s2;
	s6 =	simm.s32 @!p2 $0x400  }
0x27b: {  	s5 =	sadd.s32 @!p2 s1, s5;
	s7 =	sand.u32 @!p2 $0xFFFFF8, s7;
	s6 =	sadd.s32 $0x0, s6  }
0x27c: {  	[hbm4b:s5+s2] =	stream.linear.scatter @!p2 [tilespmem:s3], [sflag:$0x5], $0x80, $0x38;
	[tilespmem:$0x1E678] =	vst v63  }
0x27d: {  	s5 =	simm.s32 $0xE41A;
	s3 =	simm.s32 @!p2 $0xE5B8;
	s7 =	sadd.s32 @!p2 s1, s7  }
.LBB2_42:
0x27e: {  	[hbm4b:s7+s2] =	stream.linear.scatter @!p2 [tilespmem:s3], [sflag:$0x5], $0x80, $0x38;
	[tilespmem:$0x1E678] =	vst v63  }
0x27f: {  	s0 =	sadd.s32 $0xFFFFFFFF, s0;
	s3 =	smov.u32 s4;
	v0 =	vld.msk [tilespmem:s5+$0x0], $0x1  }
0x280: {  	p1 =	sne.s32 s0, $0x0;
	_ =	sdelay $0x3  }
0x281: {  	(v2sf) =	vpush v0, $0x0;
	_ =	sdelay $0xe  }
0x282: {  	s4 =	sadd.s32 $0x100, s4;
	s8 =	simm.s32 $0x0;
	s2 =	spop (v2sf)  }
.Ltmp35:
0x283: {  	s5 =	sadd.s32 $0x1, s5;
	p2 =	sgt.u32 s2, $0x4E1F70;
	(pc) =	sbr.rel @p1 .LBB2_42-.Ltmp35, $4  }
0x284: {  	s8 =	simm.s32 @!p2 $0x400;
	s7 =	sand.u32 @!p2 $0x7FFFF8, s2;
	s9 =	sadd.s32 @!p2 $0x80, s2  }
0x285: {  	s2 =	sand.u32 @!p2 $0x7, s2;
	s7 =	sadd.s32 @!p2 s1, s7;
	s9 =	sand.u32 @!p2 $0xFFFFF8, s9  }
0x286: {  	[hbm4b:s7+s2] =	stream.linear.scatter @!p2 [tilespmem:s3], [sflag:$0x5], $0x80, $0x38;
	[tilespmem:$0x1E678] =	vst v63  }
0x287: {  	s6 =	sadd.s32 s6, s8;
	s3 =	sadd.s32 @!p2 $0x80, s3;
	s7 =	sadd.s32 @!p2 s1, s9  }
.LBB2_43:
0x288: {  	[hbm4b:s7+s2] =	stream.linear.scatter @!p2 [tilespmem:s3], [sflag:$0x5], $0x80, $0x38;
	[tilespmem:$0x1E678] =	vst v63  }
0x289: {  	s0 =	sshrl.u32 s6, $0x2  }
.LBB2_44:
0x28a: {  	s2 =	simm.s32 $0x5  }
0x28b: {  	_ =	swait.ge [sflag:s2], s0  }
0x28c: {  	s31 =	ssub.s32 $0x0, s0;
	[sflag:s2] =	ssyncset.done $0x0  }
0x28d: {  	[sflag:s2] =	ssyncadd.s32 s31  }
0x28e: {  	[sflag:s2] =	ssyncpa.u1 $0x1  }
.LBB2_45:
0x28f: {  	s0 =	sor.u32 s14, s15  }
0x290: {  	p1 =	sne.s32 s0, $0x0  }
.Ltmp36:
0x291: {  	_ = 	snop;
	(pc) =	sbr.rel @p1 .LBB2_60-.Ltmp36, $3  }
0x292: {  	_ =	sdelay $0x1  }
0x293: {  	[bflag:$0x0] =	sbarrier.arrive $0xFFFF  }
0x294: {  	_ =	sfence  }
0x295: {  	s0 =	simm.s32 $0x7  }
0x296: {  	s2 =	simm.s32 $0x2000;
	s3 =	simm.s32 $0xE418;
	[sflag:s0] =	ssyncpa.u1 $0x0  }
0x297: {  	[tilespmem:s3], [sflag:$0x7] =	stream.linear.gather [spmem:s2], $0x20, $0x38;
	[tilespmem:$0x1E678] =	vst v63  }
0x298: {  	s30 =	simm.s32 $0xE438;
	s2 =	simm.s32 $0x0  }
0x299: {  	[tilespmem:s30], [sflag:$0x7] =	stream.linear.gather [spmem:s2], $0x2000, $0x38;
	[tilespmem:$0x1E678] =	vst v63  }
.Ltmp37:
0x29a: {  	_ = 	snop;
	(pc) =	sbr.rel .LBB2_47-.Ltmp37, $4  }
0x29b: {  	_ =	swait.ge [sflag:s0], $0x2020  }
0x29c: {  	[sflag:s0] =	ssyncset.done $0x0  }
0x29d: {  	s31 =	simm.s32 $0x8;
	[sflag:s0] =	ssyncadd.s32 $0xFFFFDFE0  }
0x29e: {  	s3 =	simm.s32 $0x0;
	[sflag:s31] =	ssyncpa.u1 $0x0  }
.LBB2_53:
0x29f: {  	p1 =	slt.u32 s0, $0x4E1F71  }
0x2a0: {  	s4 =	sand.u32 @p1 $0x7FFFF8, s0;
	s5 =	sand.u32 @p1 $0x7, s0;
	s0 =	sadd.s32 @p1 $0x80, s0  }
0x2a1: {  	s6 =	simm.s32 @p1 $0xE308;
	s4 =	sadd.s32 @p1 s1, s4;
	s0 =	sand.u32 @p1 $0xFFFFF8, s0  }
0x2a2: {  	[tilespmem:s6], [sflag:$0x8] =	stream.linear.gather @p1 [hbm4b:s4+s5], $0x80, $0x38;
	[tilespmem:$0x1E678] =	vst v63  }
0x2a3: {  	s0 =	sadd.s32 @p1 s1, s0;
	s4 =	simm.s32 @p1 $0xE388  }
0x2a4: {  	[tilespmem:s4], [sflag:$0x8] =	stream.linear.gather @p1 [hbm4b:s0+s5], $0x80, $0x38;
	[tilespmem:$0x1E678] =	vst v63  }
0x2a5: {  	s0 =	simm.s32 @p1 $0x8  }
0x2a6: {  	_ =	swait.ge @p1 [sflag:s0], $0x100  }
0x2a7: {  	[sflag:s0] =	ssyncset.done @p1 $0x0  }
0x2a8: {  	[sflag:s0] =	ssyncadd.s32 @p1 $0xFFFFFF00  }
0x2a9: {  	v1 =	vld @p1 [tilespmem:$0xE308];
	_ =	sdelay $0x2  }
0x2aa: {  	s0 =	sshll.u32 @p1 s3, $0xA  }
0x2ab: {  	s4 =	sshrl.u32 @p1 s0, $0x2  }
0x2ac: {  	[tilespmem:s4+$0xE438] =	vst.add.f32.msk @p1 $0xffff, v1  }
0x2ad: {  	v1 =	vld @p1 [tilespmem:$0xE318];
	_ =	sdelay $0x4  }
0x2ae: {  	[tilespmem:s4+$0xE448] =	vst.add.f32.msk @p1 $0xffff, v1  }
0x2af: {  	v1 =	vld @p1 [tilespmem:$0xE328];
	_ =	sdelay $0x4  }
0x2b0: {  	[tilespmem:s4+$0xE458] =	vst.add.f32.msk @p1 $0xffff, v1  }
0x2b1: {  	v1 =	vld @p1 [tilespmem:$0xE338];
	_ =	sdelay $0x4  }
0x2b2: {  	[tilespmem:s4+$0xE468] =	vst.add.f32.msk @p1 $0xffff, v1  }
0x2b3: {  	v1 =	vld @p1 [tilespmem:$0xE348];
	_ =	sdelay $0x4  }
0x2b4: {  	[tilespmem:s4+$0xE478] =	vst.add.f32.msk @p1 $0xffff, v1  }
0x2b5: {  	v1 =	vld @p1 [tilespmem:$0xE358];
	_ =	sdelay $0x4  }
0x2b6: {  	[tilespmem:s4+$0xE488] =	vst.add.f32.msk @p1 $0xffff, v1  }
0x2b7: {  	v1 =	vld @p1 [tilespmem:$0xE368];
	_ =	sdelay $0x4  }
0x2b8: {  	[tilespmem:s4+$0xE498] =	vst.add.f32.msk @p1 $0xffff, v1  }
0x2b9: {  	v1 =	vld @p1 [tilespmem:$0xE378];
	_ =	sdelay $0x4  }
0x2ba: {  	[tilespmem:s4+$0xE4A8] =	vst.add.f32.msk @p1 $0xffff, v1  }
0x2bb: {  	v1 =	vld @p1 [tilespmem:$0xE388];
	_ =	sdelay $0x4  }
0x2bc: {  	[tilespmem:s4+$0xE4B8] =	vst.add.f32.msk @p1 $0xffff, v1  }
0x2bd: {  	v1 =	vld @p1 [tilespmem:$0xE398];
	_ =	sdelay $0x4  }
0x2be: {  	[tilespmem:s4+$0xE4C8] =	vst.add.f32.msk @p1 $0xffff, v1  }
0x2bf: {  	v1 =	vld @p1 [tilespmem:$0xE3A8];
	_ =	sdelay $0x4  }
0x2c0: {  	[tilespmem:s4+$0xE4D8] =	vst.add.f32.msk @p1 $0xffff, v1  }
0x2c1: {  	v1 =	vld @p1 [tilespmem:$0xE3B8];
	_ =	sdelay $0x4  }
0x2c2: {  	[tilespmem:s4+$0xE4E8] =	vst.add.f32.msk @p1 $0xffff, v1  }
0x2c3: {  	v1 =	vld @p1 [tilespmem:$0xE3C8];
	_ =	sdelay $0x4  }
0x2c4: {  	[tilespmem:s4+$0xE4F8] =	vst.add.f32.msk @p1 $0xffff, v1  }
0x2c5: {  	v1 =	vld @p1 [tilespmem:$0xE3D8];
	_ =	sdelay $0x4  }
0x2c6: {  	[tilespmem:s4+$0xE508] =	vst.add.f32.msk @p1 $0xffff, v1  }
0x2c7: {  	v1 =	vld @p1 [tilespmem:$0xE3E8];
	_ =	sdelay $0x4  }
0x2c8: {  	[tilespmem:s4+$0xE518] =	vst.add.f32.msk @p1 $0xffff, v1  }
0x2c9: {  	v1 =	vld @p1 [tilespmem:$0xE3F8];
	_ =	sdelay $0x3  }
0x2ca: {  	s5 =	sshll.u32 @!p1 s3, $0xA  }
0x2cb: {  	s5 =	smov.u32 @p1 s0;
	[tilespmem:s4+$0xE528] =	vst.add.f32.msk @p1 $0xffff, v1  }
0x2cc: {  	s0 =	sshrl.u32 s5, $0x2;
	[tilespmem:s2+$0xE418] =	vst.msk $0x1, v0  }
0x2cd: {  	v0 =	vld [tilespmem:s0+$0xE438];
	_ =	sdelay $0x2  }
0x2ce: {  	s31 =	sshll.u32 s2, $0xA  }
0x2cf: {  	s4 =	sshra.s32 s31, $0x2  }
0x2d0: {  	[tilespmem:s4+$0xE438] =	vst v0  }
0x2d1: {  	v0 =	vld [tilespmem:s0+$0xE448];
	_ =	sdelay $0x4  }
0x2d2: {  	[tilespmem:s4+$0xE448] =	vst v0  }
0x2d3: {  	v0 =	vld [tilespmem:s0+$0xE458];
	_ =	sdelay $0x4  }
0x2d4: {  	[tilespmem:s4+$0xE458] =	vst v0  }
0x2d5: {  	v0 =	vld [tilespmem:s0+$0xE468];
	_ =	sdelay $0x4  }
0x2d6: {  	[tilespmem:s4+$0xE468] =	vst v0  }
0x2d7: {  	v0 =	vld [tilespmem:s0+$0xE478];
	_ =	sdelay $0x4  }
0x2d8: {  	[tilespmem:s4+$0xE478] =	vst v0  }
0x2d9: {  	v0 =	vld [tilespmem:s0+$0xE488];
	_ =	sdelay $0x4  }
0x2da: {  	[tilespmem:s4+$0xE488] =	vst v0  }
0x2db: {  	v0 =	vld [tilespmem:s0+$0xE498];
	_ =	sdelay $0x4  }
0x2dc: {  	[tilespmem:s4+$0xE498] =	vst v0  }
0x2dd: {  	v0 =	vld [tilespmem:s0+$0xE4A8];
	_ =	sdelay $0x4  }
0x2de: {  	[tilespmem:s4+$0xE4A8] =	vst v0  }
0x2df: {  	v0 =	vld [tilespmem:s0+$0xE4B8];
	_ =	sdelay $0x4  }
0x2e0: {  	[tilespmem:s4+$0xE4B8] =	vst v0  }
0x2e1: {  	v0 =	vld [tilespmem:s0+$0xE4C8];
	_ =	sdelay $0x4  }
0x2e2: {  	[tilespmem:s4+$0xE4C8] =	vst v0  }
0x2e3: {  	v0 =	vld [tilespmem:s0+$0xE4D8];
	_ =	sdelay $0x4  }
0x2e4: {  	[tilespmem:s4+$0xE4D8] =	vst v0  }
0x2e5: {  	v0 =	vld [tilespmem:s0+$0xE4E8];
	_ =	sdelay $0x4  }
0x2e6: {  	[tilespmem:s4+$0xE4E8] =	vst v0  }
0x2e7: {  	v0 =	vld [tilespmem:s0+$0xE4F8];
	_ =	sdelay $0x4  }
0x2e8: {  	[tilespmem:s4+$0xE4F8] =	vst v0  }
0x2e9: {  	v0 =	vld [tilespmem:s0+$0xE508];
	_ =	sdelay $0x4  }
0x2ea: {  	[tilespmem:s4+$0xE508] =	vst v0  }
0x2eb: {  	v0 =	vld [tilespmem:s0+$0xE518];
	_ =	sdelay $0x4  }
0x2ec: {  	[tilespmem:s4+$0xE518] =	vst v0  }
0x2ed: {  	v0 =	vld [tilespmem:s0+$0xE528];
	_ =	sdelay $0x4  }
0x2ee: {  	s2 =	sadd.s32 $0x1, s2;
	[tilespmem:s4+$0xE528] =	vst v0  }
.LBB2_54:
0x2ef: {  	s3 =	sadd.s32 $0x1, s3  }
0x2f0: {  	p1 =	sne.s32 s3, $0x20  }
.Ltmp38:
0x2f1: {  	_ = 	snop;
	(pc) =	sbr.rel @!p1 .LBB2_55-.Ltmp38, $1  }
0x2f2: {  	_ =	sdelay $0x3  }
.LBB2_47:
0x2f3: {  	v0 =	vld.msk [tilespmem:s3+$0xE418], $0x1;
	_ =	sdelay $0x4  }
0x2f4: {  	(v2sf) =	vpush v0, $0x0;
	_ =	sdelay $0xe  }
0x2f5: {  	s0 =	spop (v2sf)  }
0x2f6: {  	p1 =	seq.s32 s0, $0xFFFFFFFF  }
.Ltmp39:
0x2f7: {  	_ = 	snop;
	(pc) =	sbr.rel @p1 .LBB2_54-.Ltmp39, $1  }
0x2f8: {  	_ =	sdelay $0x3  }
0x2f9: {  	p1 =	slt.s32 s2, $0x1  }
.Ltmp40:
0x2fa: {  	_ = 	snop;
	(pc) =	sbr.rel @p1 .LBB2_53-.Ltmp40, $1  }
0x2fb: {  	_ =	sdelay $0x3  }
0x2fc: {  	s4 =	simm.s32 $0xE418;
	p1 =	por $0x0, $0x0  }
0x2fd: {  	v1 =	vld.msk @!p1 [tilespmem:s4+$0x0], $0x1;
	_ =	sdelay $0x4  }
0x2fe: {  	(v2sf) =	vpush @!p1 v1, $0x0;
	_ =	sdelay $0xd  }
0x2ff: {  	p3 =	sne.s32 s2, $0x1  }
.Ltmp41:
0x300: {  	s5 =	spop @!p1 (v2sf);
	(pc) =	sbr.rel @!p3 .LBB2_51-.Ltmp41, $4  }
0x301: {  	p2 =	seq.s32 @!p1 s0, s5  }
0x302: {  	s5 =	simm.s32 $0x0;
	p2 =	por !p2, p1  }
0x303: {  	s7 =	simm.s32 $0xFFFFFFFF;
	s5 =	simm.s32 @p2 $0xFFFFFFFF  }
0x304: {  	s6 =	simm.s32 $0x1;
	s5 =	smov.u32 @p1 s7  }
.LBB2_50:
0x305: {  	s7 =	smov.u32 s5;
	p1 =	sne.s32 s5, $0xFFFFFFFF  }
0x306: {  	s4 =	sadd.s32 $0x1, s4;
	s5 =	smov.u32 s6;
	s6 =	sadd.s32 $0x1, s6  }
0x307: {  	p2 =	sne.s32 s2, s6;
	v1 =	vld.msk @!p1 [tilespmem:s4+$0x0], $0x1;
	_ =	sdelay $0x4  }
0x308: {  	(v2sf) =	vpush @!p1 v1, $0x0;
	_ =	sdelay $0xe  }
.Ltmp42:
0x309: {  	s8 =	spop @!p1 (v2sf);
	(pc) =	sbr.rel @p2 .LBB2_50-.Ltmp42, $4  }
0x30a: {  	p3 =	seq.s32 @!p1 s0, s8  }
0x30b: {  	p3 =	por !p3, p1  }
0x30c: {  	s5 =	simm.s32 @p3 $0xFFFFFFFF  }
0x30d: {  	s5 =	smov.u32 @p1 s7  }
.LBB2_51:
0x30e: {  	p1 =	seq.s32 s5, $0xFFFFFFFF  }
.Ltmp43:
0x30f: {  	_ = 	snop;
	(pc) =	sbr.rel @p1 .LBB2_53-.Ltmp43, $1  }
0x310: {  	_ =	sdelay $0x3  }
0x311: {  	s0 =	sshll.u32 s3, $0x8  }
0x312: {  	s0 =	sand.u32 $0x3FFFFF00, s0  }
0x313: {  	v0 =	vld [tilespmem:s0+$0xE438];
	_ =	sdelay $0x2  }
0x314: {  	s4 =	sshll.u32 s5, $0xA  }
0x315: {  	s4 =	sshra.s32 s4, $0x2  }
0x316: {  	[tilespmem:s4+$0xE438] =	vst.add.f32.msk $0xffff, v0  }
0x317: {  	v0 =	vld [tilespmem:s0+$0xE448];
	_ =	sdelay $0x4  }
0x318: {  	[tilespmem:s4+$0xE448] =	vst.add.f32.msk $0xffff, v0  }
0x319: {  	v0 =	vld [tilespmem:s0+$0xE458];
	_ =	sdelay $0x4  }
0x31a: {  	[tilespmem:s4+$0xE458] =	vst.add.f32.msk $0xffff, v0  }
0x31b: {  	v0 =	vld [tilespmem:s0+$0xE468];
	_ =	sdelay $0x4  }
0x31c: {  	[tilespmem:s4+$0xE468] =	vst.add.f32.msk $0xffff, v0  }
0x31d: {  	v0 =	vld [tilespmem:s0+$0xE478];
	_ =	sdelay $0x4  }
0x31e: {  	[tilespmem:s4+$0xE478] =	vst.add.f32.msk $0xffff, v0  }
0x31f: {  	v0 =	vld [tilespmem:s0+$0xE488];
	_ =	sdelay $0x4  }
0x320: {  	[tilespmem:s4+$0xE488] =	vst.add.f32.msk $0xffff, v0  }
0x321: {  	v0 =	vld [tilespmem:s0+$0xE498];
	_ =	sdelay $0x4  }
0x322: {  	[tilespmem:s4+$0xE498] =	vst.add.f32.msk $0xffff, v0  }
0x323: {  	v0 =	vld [tilespmem:s0+$0xE4A8];
	_ =	sdelay $0x4  }
0x324: {  	[tilespmem:s4+$0xE4A8] =	vst.add.f32.msk $0xffff, v0  }
0x325: {  	v0 =	vld [tilespmem:s0+$0xE4B8];
	_ =	sdelay $0x4  }
0x326: {  	[tilespmem:s4+$0xE4B8] =	vst.add.f32.msk $0xffff, v0  }
0x327: {  	v0 =	vld [tilespmem:s0+$0xE4C8];
	_ =	sdelay $0x4  }
0x328: {  	[tilespmem:s4+$0xE4C8] =	vst.add.f32.msk $0xffff, v0  }
0x329: {  	v0 =	vld [tilespmem:s0+$0xE4D8];
	_ =	sdelay $0x4  }
0x32a: {  	[tilespmem:s4+$0xE4D8] =	vst.add.f32.msk $0xffff, v0  }
0x32b: {  	v0 =	vld [tilespmem:s0+$0xE4E8];
	_ =	sdelay $0x4  }
0x32c: {  	[tilespmem:s4+$0xE4E8] =	vst.add.f32.msk $0xffff, v0  }
0x32d: {  	v0 =	vld [tilespmem:s0+$0xE4F8];
	_ =	sdelay $0x4  }
0x32e: {  	[tilespmem:s4+$0xE4F8] =	vst.add.f32.msk $0xffff, v0  }
0x32f: {  	v0 =	vld [tilespmem:s0+$0xE508];
	_ =	sdelay $0x4  }
0x330: {  	[tilespmem:s4+$0xE508] =	vst.add.f32.msk $0xffff, v0  }
0x331: {  	v0 =	vld [tilespmem:s0+$0xE518];
	_ =	sdelay $0x4  }
0x332: {  	[tilespmem:s4+$0xE518] =	vst.add.f32.msk $0xffff, v0  }
0x333: {  	v0 =	vld [tilespmem:s0+$0xE528]  }
.Ltmp44:
0x334: {  	_ = 	snop;
	(pc) =	sbr.rel .LBB2_54-.Ltmp44, $2  }
0x335: {  	_ =	sdelay $0x2  }
0x336: {  	[tilespmem:s4+$0xE528] =	vst.add.f32.msk $0xffff, v0  }
.LBB2_55:
0x337: {  	p1 =	slt.s32 s2, $0x1  }
.Ltmp45:
0x338: {  	_ = 	snop;
	(pc) =	sbr.rel @p1 .LBB2_59-.Ltmp45, $3  }
0x339: {  	_ =	sdelay $0x1  }
0x33a: {  	s0 =	simm.s32 $0x8  }
0x33b: {  	s4 =	simm.s32 $0x0;
	[sflag:s0] =	ssyncpa.u1 $0x1  }
0x33c: {  	s0 =	simm.s32 $0xE418  }
0x33d: {  	v0 =	vld.msk [tilespmem:s0+$0x0], $0x1;
	_ =	sdelay $0x4  }
0x33e: {  	(v2sf) =	vpush v0, $0x0;
	_ =	sdelay $0xe  }
0x33f: {  	s0 =	sadd.s32 $0xFFFFFFFF, s2;
	s3 =	spop (v2sf)  }
0x340: {  	s6 =	simm.s32 $0xE438;
	p1 =	sne.s32 s0, $0x0;
	p2 =	sgt.u32 s3, $0x4E1F70  }
.Ltmp46:
0x341: {  	s2 =	simm.s32 $0xE538;
	s5 =	sand.u32 @!p2 $0x7FFFF8, s3;
	(pc) =	sbr.rel @!p1 .LBB2_58-.Ltmp46, $4  }
0x342: {  	s7 =	sadd.s32 @!p2 $0x80, s3;
	s4 =	simm.s32 @!p2 $0x400;
	s8 =	sadd.s32 @!p2 s1, s5  }
0x343: {  	s5 =	sand.u32 @!p2 $0x7, s3;
	s3 =	simm.s32 $0xE419;
	s7 =	sand.u32 @!p2 $0xFFFFF8, s7  }
0x344: {  	[hbm4b:s8+s5] =	stream.linear.scatter @!p2 [tilespmem:s6], [sflag:$0x7], $0x80, $0x38;
	[tilespmem:$0x1E678] =	vst v63  }
0x345: {  	s4 =	sadd.s32 $0x0, s4;
	s6 =	simm.s32 @!p2 $0xE4B8;
	s7 =	sadd.s32 @!p2 s1, s7  }
.LBB2_57:
0x346: {  	[hbm4b:s7+s5] =	stream.linear.scatter @!p2 [tilespmem:s6], [sflag:$0x7], $0x80, $0x38;
	[tilespmem:$0x1E678] =	vst v63  }
0x347: {  	s0 =	sadd.s32 $0xFFFFFFFF, s0;
	s6 =	smov.u32 s2;
	v0 =	vld.msk [tilespmem:s3+$0x0], $0x1  }
0x348: {  	p1 =	sne.s32 s0, $0x0;
	_ =	sdelay $0x3  }
0x349: {  	(v2sf) =	vpush v0, $0x0;
	_ =	sdelay $0xe  }
0x34a: {  	s2 =	sadd.s32 $0x100, s2;
	s8 =	simm.s32 $0x0;
	s5 =	spop (v2sf)  }
.Ltmp47:
0x34b: {  	s3 =	sadd.s32 $0x1, s3;
	p2 =	sgt.u32 s5, $0x4E1F70;
	(pc) =	sbr.rel @p1 .LBB2_57-.Ltmp47, $4  }
0x34c: {  	s8 =	simm.s32 @!p2 $0x400;
	s7 =	sand.u32 @!p2 $0x7FFFF8, s5;
	s9 =	sadd.s32 @!p2 $0x80, s5  }
0x34d: {  	s5 =	sand.u32 @!p2 $0x7, s5;
	s7 =	sadd.s32 @!p2 s1, s7;
	s9 =	sand.u32 @!p2 $0xFFFFF8, s9  }
0x34e: {  	[hbm4b:s7+s5] =	stream.linear.scatter @!p2 [tilespmem:s6], [sflag:$0x7], $0x80, $0x38;
	[tilespmem:$0x1E678] =	vst v63  }
0x34f: {  	s4 =	sadd.s32 s4, s8;
	s6 =	sadd.s32 @!p2 $0x80, s6;
	s7 =	sadd.s32 @!p2 s1, s9  }
.LBB2_58:
0x350: {  	[hbm4b:s7+s5] =	stream.linear.scatter @!p2 [tilespmem:s6], [sflag:$0x7], $0x80, $0x38;
	[tilespmem:$0x1E678] =	vst v63  }
0x351: {  	s4 =	sshrl.u32 s4, $0x2  }
.LBB2_59:
0x352: {  	s0 =	simm.s32 $0x7  }
0x353: {  	_ =	swait.ge [sflag:s0], s4  }
0x354: {  	s1 =	ssub.s32 $0x0, s4;
	[sflag:s0] =	ssyncset.done $0x0  }
0x355: {  	[sflag:s0] =	ssyncadd.s32 s1  }
0x356: {  	[sflag:s0] =	ssyncpa.u1 $0x1  }
.LBB2_60:
0x357: {  	_ =	sfence;
	s0 =	simm.s32 $0x1  }
0x358: {  	[sflag:s0] =	ssyncpa.u1 $0x1  }
0x359: {  	_ =	strace $0x90000050  }
0x35a: {  	[bflag:$0x2] =	sbarrier.arrive $0xFFFF  }
0x35b: {  	s0 =	rddreg [dreg:$0x3]  }
0x35c: {  	s0 =	sadd.s32 @!p0 $0x100000, s0  }
0x35d: {  	[sflag:s0] =	ssyncadd.tile.s32 @!p0 $0x1;
	_ =	shalt  }
.Lfunc_end2:
_tile_overlayer_lowered:
.L_overlay_start_2:
0x35e: {  	(tag) =	ssettag $0x2  }
0x35f: {  	s0 =	rddreg [dreg:$0x0];
	s2 =	stileid.u32  }
0x360: {  	s1 =	rddreg [dreg:$0x1];
	p0 =	sne.s32 s2, $0x0  }
0x361: {  	s3 =	rddreg [dreg:$0x2];
	[bflag:$0x3] =	sbarrier.arrive $0xFFFF;
	s2 =	simm.s32 @!p0 $0x1C01  }
0x362: {  	[timem:s3], [sflag:s2] =	dma.local @!p0 [hbm:s0], s1  }
0x363: {  	s0 =	simm.s32 @!p0 $0x1  }
0x364: {  	_ =	swait.ge @!p0 [sflag:s0], s1  }
0x365: {  	s1 =	ssub.s32 @!p0 $0x0, s1;
	[sflag:s0] =	ssyncset.done @!p0 $0x0  }
0x366: {  	[sflag:s0] =	ssyncadd.s32 @!p0 s1  }
0x367: {  	[bflag:$0x3] =	sbarrier.arrive $0xFFFF  }
0x368: {  	_ =	shalt  }

// kernel: scatter_offload_async_start
scs
__scs_entry_jumppad:
0x0: {  	(pc) =	sbr.rel $0x88, $3  }
0x1: {  	(tag) =	ssettag $0x0;
	lr =	simm.s32 $0x1  }
0x2: {  	[smem:$0x3F88] =	sst lr;
	_ =	strace $0xD0000000  }
0x3: {  	_ = 	snop  }
0x4: {  	_ = 	snop  }
0x5: {  	_ = 	snop  }
0x6: {  	_ = 	snop  }
0x7: {  	_ = 	snop  }
__scs_overlays_trampoline_lowered:
0x8: {  	[smem:$0x3F97] =	sst s0  }
0x9: {  	[smem:$0x3F98] =	sst s1  }
0xa: {  	[smem:$0x3F99] =	sst s2  }
0xb: {  	[smem:$0x3F9A] =	sst s3  }
0xc: {  	[smem:$0x3F9B] =	sst s4  }
0xd: {  	[smem:$0x3F9C] =	sst s5  }
0xe: {  	[smem:$0x3F9D] =	sst s6  }
0xf: {  	[smem:$0x3F9E] =	sst s7  }
0x10: {  	[smem:$0x3F9F] =	sst s8  }
0x11: {  	[smem:$0x3FA0] =	sst s9;
	s0 =	simm.s32 @!p0 $0x0  }
0x12: {  	s1 =	sld [smem:$0x3F86];
	s0 =	simm.s32 @p0 $0x1  }
0x13: {  	[smem:$0x3FA1] =	sst s0;
	s0 =	simm.s32 @!p1 $0x0  }
0x14: {  	s2 =	sld [smem:$0x3F85];
	s0 =	simm.s32 @p1 $0x1  }
0x15: {  	[smem:$0x3FA2] =	sst s0;
	s0 =	simm.s32 @!p2 $0x0  }
0x16: {  	s3 =	sld [smem:$0x3FDB];
	s0 =	simm.s32 @p2 $0x1  }
0x17: {  	s4 =	simm.s32 $0x1BF5;
	[smem:$0x3FA4] =	sst s0  }
0x18: {  	s0 =	sld [smem:$0x3F87];
	_ =	swait.ge [sflag:s4], $0x0  }
0x19: {  	s7 =	sld [smem:$0x3F88]  }
0x1a: {  	s8 =	sadd.s32 $0xFFFFE003, lr  }
0x1b: {  	s9 =	sadd.s32 $0xFFFFFEF7, lr;
	s5 =	simm.s32 $0xFFFFFFFF;
	p2 =	slt.u32 s8, $0xFFFFF086  }
0x1c: {  	p1 =	slt.u32 s9, $0xF7A;
	s5 =	simm.s32 @!p2 $0x0  }
0x1d: {  	s5 =	simm.s32 @p1 $0x1;
	p0 =	seq.s32 s7, s2  }
0x1e: {  	s7 =	smul.u32 @!p0 $0xF7A, s2;
	p2 =	seq.s32 @!p0 s5, $0x0  }
0x1f: {  	s9 =	smul.u32 $0xF7A, s1;
	s8 =	simm.s32 @!p0 $0x1BF5;
	p2 =	por !p2, p0  }
0x20: {  	[sflag:s8] =	ssyncset.s32 @!p0 $0xFFFFF086;
	s6 =	sadd.s32 @!p0 s3, s7;
	s7 =	simm.s32 @!p0 $0x108  }
0x21: {  	s3 =	sadd.s32 s3, s9;
	s6 =	sadd.s32 @!p0 $0x88, s6;
	s7 =	simm.s32 @p2 $0x1082  }
0x22: {  	[simem:s7], [sflag:s8] =	dma.local @!p0 [hbm:s6], $0xF7A  }
0x23: {  	s9 =	sor.u32 $0xD0000000, s2;
	s6 =	simm.s32 $0x108;
	_ =	swait.ge @!p0 [sflag:s8], $0x0  }
0x24: {  	s3 =	sadd.s32 $0x88, s3;
	s6 =	simm.s32 @!p1 $0x1082;
	[sflag:s4] =	ssyncset.s32 $0xFFFFF086  }
0x25: {  	[simem:s6], [sflag:s4] =	dma.local [hbm:s3], $0xF7A  }
0x26: {  	[smem:$0x3F88] =	sst s1;
	(tag) =	ssettag s2;
	_ =	strace s9  }
0x27: {  	s1 =	sld [smem:$0x3F98]  }
0x28: {  	s2 =	sld [smem:$0x3F99]  }
0x29: {  	s4 =	sld [smem:$0x3F9B]  }
0x2a: {  	p0 =	seq.s32 s5, $0x0;
	s5 =	sld [smem:$0x3F9C]  }
0x2b: {  	s6 =	sld [smem:$0x3F9D]  }
0x2c: {  	s7 =	sld [smem:$0x3F9E]  }
0x2d: {  	s3 =	simm.s32 $0x108;
	s8 =	sld [smem:$0x3F9F]  }
0x2e: {  	s3 =	simm.s32 @!p0 $0x1082;
	s9 =	sld [smem:$0x3FA0]  }
0x2f: {  	lr =	sadd.s32 s0, s3;
	s0 =	sld [smem:$0x3F97]  }
0x30: {  	s3 =	sld [smem:$0x3F9A]  }
0x31: {  	[smem:$0x3FA3] =	sst s10  }
0x32: {  	s10 =	sld [smem:$0x3FA1];
	_ =	sdelay $0x3  }
0x33: {  	p0 =	seq.s32 s10, $0x1;
	s10 =	sld [smem:$0x3FA3];
	_ =	sdelay $0x3  }
0x34: {  	[smem:$0x3FA3] =	sst s10  }
0x35: {  	s10 =	sld [smem:$0x3FA2];
	_ =	sdelay $0x3  }
0x36: {  	p1 =	seq.s32 s10, $0x1;
	s10 =	sld [smem:$0x3FA3];
	_ =	sdelay $0x3  }
0x37: {  	[smem:$0x3FA3] =	sst s10  }
0x38: {  	s10 =	sld [smem:$0x3FA4]  }
0x39: {  	_ = 	snop;
	(pc) =	sbr.ind lr, $3  }
0x3a: {  	_ = 	snop  }
0x3b: {  	_ = 	snop  }
0x3c: {  	p2 =	seq.s32 s10, $0x1;
	s10 =	sld [smem:$0x3FA3]  }
0x3d: {  	_ =	shalt  }
0x3e: {  	_ =	shalt  }
0x3f: {  	_ =	shalt  }
0x40: {  	_ =	shalt  }
0x41: {  	_ =	shalt  }
0x42: {  	_ =	shalt  }
0x43: {  	_ =	shalt  }
0x44: {  	_ =	shalt  }
0x45: {  	_ =	shalt  }
0x46: {  	_ =	shalt  }
0x47: {  	_ =	shalt  }
0x48: {  	_ =	shalt  }
0x49: {  	_ =	shalt  }
0x4a: {  	_ =	shalt  }
0x4b: {  	_ =	shalt  }
0x4c: {  	_ =	shalt  }
0x4d: {  	_ =	shalt  }
0x4e: {  	_ =	shalt  }
0x4f: {  	_ =	shalt  }
0x50: {  	_ =	shalt  }
0x51: {  	_ =	shalt  }
0x52: {  	_ =	shalt  }
0x53: {  	_ =	shalt  }
0x54: {  	_ =	shalt  }
0x55: {  	_ =	shalt  }
0x56: {  	_ =	shalt  }
0x57: {  	_ =	shalt  }
0x58: {  	_ =	shalt  }
0x59: {  	_ =	shalt  }
0x5a: {  	_ =	shalt  }
0x5b: {  	_ =	shalt  }
0x5c: {  	_ =	shalt  }
0x5d: {  	_ =	shalt  }
0x5e: {  	_ =	shalt  }
0x5f: {  	_ =	shalt  }
0x60: {  	_ =	shalt  }
0x61: {  	_ =	shalt  }
0x62: {  	_ =	shalt  }
0x63: {  	_ =	shalt  }
0x64: {  	_ =	shalt  }
0x65: {  	_ =	shalt  }
0x66: {  	_ =	shalt  }
0x67: {  	_ =	shalt  }
0x68: {  	_ =	shalt  }
0x69: {  	_ =	shalt  }
0x6a: {  	_ =	shalt  }
0x6b: {  	_ =	shalt  }
0x6c: {  	_ =	shalt  }
0x6d: {  	_ =	shalt  }
0x6e: {  	_ =	shalt  }
0x6f: {  	_ =	shalt  }
0x70: {  	_ =	shalt  }
0x71: {  	_ =	shalt  }
0x72: {  	_ =	shalt  }
0x73: {  	_ =	shalt  }
0x74: {  	_ =	shalt  }
0x75: {  	_ =	shalt  }
0x76: {  	_ =	shalt  }
0x77: {  	_ =	shalt  }
0x78: {  	_ =	shalt  }
0x79: {  	_ =	shalt  }
0x7a: {  	_ =	shalt  }
0x7b: {  	_ =	shalt  }
0x7c: {  	_ =	shalt  }
0x7d: {  	_ =	shalt  }
0x7e: {  	_ =	shalt  }
0x7f: {  	_ =	shalt  }
0x80: {  	_ =	shalt  }
0x81: {  	_ =	shalt  }
0x82: {  	_ =	shalt  }
0x83: {  	_ =	shalt  }
0x84: {  	_ =	shalt  }
0x85: {  	_ =	shalt  }
0x86: {  	_ =	shalt  }
0x87: {  	_ =	shalt  }
.Lfunc_end0:
.L_simem_size_0:
called_computation_lowered:
.L_overlay_start_0:
0x88: {  	s2 =	sld [smem:$0x3FD9]  }
0x89: {  	s3 =	sld [smem:$0x3FFE];
	_ =	sdelay $0x1  }
0x8a: {  	s1 =	srdreg.scid  }
0x8b: {  	s0 =	sand.u32 $0x1, s1  }
0x8c: {  	s15 =	sshll.u32 s0, $0xA;
	s2 =	sadd.s32 s3, s2  }
0x8d: {  	s2 =	sadd.s32 s2, s15  }
0x8e: {  	[smem:$0x3FAF] =	sst s2  }
0x8f: {  	_ = 	snop  }
0x90: {  	s2 =	sld [smem:$0x3FD0];
	_ =	sdelay $0x2  }
0x91: {  	s16 =	simm.s32 $0xB;
	s4 =	simm.s32 $0x10  }
0x92: {  	[smem:s4], [sflag:s16] =	dma.local [hbm:s2], $0x1  }
0x93: {  	_ =	swait.eq [sflag:s16], $0x1  }
0x94: {  	[sflag:s16] =	ssyncset.done $0x0  }
0x95: {  	[sflag:s16] =	ssyncadd.s32 $0xFFFFFFFF  }
0x96: {  	s17 =	sld [smem:$0x10];
	(tm) =	ssettm $0x1  }
0x97: {  	s18 =	sld [smem:$0x3FFB];
	_ =	sdelay $0x3  }
0x98: {  	_ =	strace s18  }
0x99: {  	s2 =	sld [smem:$0x3FFC];
	_ =	sdelay $0x3  }
0x9a: {  	_ =	strace s2  }
0x9b: {  	s2 =	sld [smem:$0x3FFD];
	_ =	sdelay $0x3  }
0x9c: {  	_ =	strace s2  }
0x9d: {  	_ =	strace $0x8FFFFFFF  }
0x9e: {  	s19 =	sld [smem:$0x3FDB];
	_ =	sdelay $0x1  }
0x9f: {  	s20 =	simm.s32 $_scs_section_size  }
0xa0: {  	s5 =	simm.s32 $_size__tile_overlayer_lowered;
	s6 =	simm.s32 $_tile_overlayer_lowered  }
0xa1: {  	s7 =	simm.s32 $0x1BFF;
	s21 =	sshll.u32 s6, $0x1;
	s4 =	sadd.s32 s20, s19  }
0xa2: {  	s22 =	simm.s32 $0x0;
	s5 =	sshll.u32 s5, $0x1;
	s6 =	sadd.s32 s21, s4  }
0xa3: {  	[timem:s22], [sflag:s7] =	dma.local [hbm:s6], s5  }
0xa4: {  	_ =	swait.ge [sflag:s7], s5  }
0xa5: {  	s5 =	ssub.s32 $0x0, s5;
	[sflag:s7] =	ssyncset.done $0x0  }
0xa6: {  	[sflag:s7] =	ssyncadd.s32 s5;
	_ =	sdelay $0x1  }
0xa7: {  	s23 =	simm.s32 $0x1B8B  }
0xa8: {  	_ =	swait.ge [sflag:s23], $0x1  }
0xa9: {  	[sflag:s23] =	ssyncset.done $0x0  }
0xaa: {  	[sflag:s23] =	ssyncadd.s32 $0xFFFFFFFF  }
0xab: {  	s5 =	sld [smem:$0x0]  }
0xac: {  	s6 =	sand.u32 $0xFFFFFFFE, s1  }
0xad: {  	p0 =	sne.s32 s1, s6  }
0xae: {  	s6 =	sshll.u32 @p0 s6, $0xE  }
0xaf: {  	s6 =	sadd.s32 @p0 $0x11B8D, s6;
	s7 =	sshll.u32 @p0 s5, $0x11  }
0xb0: {  	s6 =	sor.u32 @p0 s7, s6  }
0xb1: {  	[sflag:s6] =	ssyncadd.remote.s32 @p0 $0x1;
	_ =	sdelay $0x1  }
0xb2: {  	s6 =	simm.s32 @p0 $0x1B8D  }
0xb3: {  	_ =	swait.eq @p0 [sflag:s6], $0x1  }
0xb4: {  	[sflag:s6] =	ssyncadd.s32 @p0 $0xFFFFFFFF  }
0xb5: {  	s7 =	sshll.u32 @!p0 s1, $0xE  }
0xb6: {  	s7 =	sor.u32 @!p0 $0x4000, s7;
	s6 =	simm.s32 @!p0 $0x1B8D  }
0xb7: {  	s8 =	sshll.u32 @!p0 s5, $0x11;
	s7 =	sadd.s32 @!p0 $0x11B8D, s7;
	_ =	swait.eq @!p0 [sflag:s6], $0x1  }
0xb8: {  	[sflag:s6] =	ssyncadd.s32 @!p0 $0xFFFFFFFF;
	s6 =	sor.u32 @!p0 s8, s7  }
0xb9: {  	s25 =	simm.s32 $0x1B8E;
	s24 =	sld [smem:$0x3FFE];
	[sflag:s6] =	ssyncadd.remote.s32 @!p0 $0x1  }
0xba: {  	s26 =	simm.s32 $execute0_lowered;
	[smem:$0x3FD2] =	sst s25  }
0xbb: {  	s7 =	sshll.u32 s26, $0x1;
	_ =	strace $0x8000004C;
	[dreg:$0x1] =	wrdreg $0xFFFFFFFF  }
0xbc: {  	s28 =	simm.s32 $_size_execute0_lowered;
	s4 =	sadd.s32 s4, s7;
	[dreg:$0x0] =	wrdreg $0x0  }
0xbd: {  	s7 =	sshll.u32 s28, $0x1;
	[dreg:$0x2] =	wrdreg s4  }
0xbe: {  	[dreg:$0x3] =	wrdreg s7  }
0xbf: {  	[dreg:$0x4] =	wrdreg $0xC0  }
0xc0: {  	_ =	task [dreg:s22], $0x5FFFF  }
0xc1: {  	[dreg:$0x1] =	wrdreg $0xFFFFFFFF  }
0xc2: {  	[dreg:$0x0] =	wrdreg $0x60  }
0xc3: {  	[dreg:$0x2] =	wrdreg s24  }
0xc4: {  	[dreg:$0x3] =	wrdreg s17  }
0xc5: {  	[dreg:$0x4] =	wrdreg s1  }
0xc6: {  	[dreg:$0x5] =	wrdreg s5  }
0xc7: {  	[dreg:$0x6] =	wrdreg $0x9  }
0xc8: {  	_ =	task.clear_ibuf [dreg:s22], $0x7FFFF;
	_ =	strace $0x9000004C  }
0xc9: {  	s29 =	simm.s32 $0x9;
	_ =	strace $0x8000004E  }
0xca: {  	_ =	swait.ge [sflag:s29], $0x1  }
0xcb: {  	[sflag:s29] =	ssyncadd.s32 $0xFFFFFFFF  }
0xcc: {  	_ =	strace $0x9000004E  }
0xcd: {  	_ =	sfence  }
0xce: {  	s30 =	sld [smem:$0x0];
	_ =	sdelay $0x2  }
0xcf: {  	s31 =	sshll.u32 s1, $0xD;
	s1 =	sshrl.u32 s1, $0x2  }
0xd0: {  	s4 =	sand.u32 $0x4000, s31;
	s1 =	sadd.s32 s1, s30  }
0xd1: {  	s0 =	sor.u32 s4, s0;
	s1 =	sshll.u32 s1, $0x11  }
0xd2: {  	s0 =	sor.u32 s1, s0  }
0xd3: {  	s0 =	sadd.s32 $0x8F2B, s0  }
0xd4: {  	[sflag:s0] =	ssyncadd.remote.s32 $0x1  }
0xd5: {  	_ =	sfence.sel $0xFFFF  }
0xd6: {  	[dreg:$0x0] =	wrdreg $0xFFFFFFFF;
	(pc) =	sbr.abs _section_cstart, $3  }
0xd7: {  	[dreg:$0x1] =	wrdreg $0xFFFFFFFF  }
0xd8: {  	_ =	task.clear_ibuf [dreg:s22], $0x2FFFF;
	_ =	strace $0x9FFFFFFF  }
0xd9: {  	(tm) =	ssettm $0x7FFFFFFF  }
tec
execute0_lowered:
.L_overlay_start_1:
0x0: {  	(tag) =	ssettag $0x1  }
0x1: {  	s2 =	rddreg [dreg:$0x0]  }
0x2: {  	s0 =	rddreg [dreg:$0x1]  }
0x3: {  	s3 =	rddreg [dreg:$0x2];
	_ =	strace $0x8000004D;
	s1 =	simm.s32 $0x1  }
0x4: {  	s5 =	simm.s32 $0x208;
	v0 =	vimm.s32 $0x0;
	[sflag:s1] =	ssyncpa.u1 $0x0  }
0x5: {  	[tilespmem:s5+$0x70] =	vst v0  }
0x6: {  	[tilespmem:s5+$0x60] =	vst v0  }
0x7: {  	[tilespmem:s5+$0x50] =	vst v0  }
0x8: {  	[tilespmem:s5+$0x40] =	vst v0  }
0x9: {  	[tilespmem:s5+$0x30] =	vst v0  }
0xa: {  	s1 =	sadd.s32 $0x5A00, s2;
	s6 =	sadd.s32 $0x6C800, s2;
	[tilespmem:s5+$0x20] =	vst v0  }
0xb: {  	s4 =	sadd.s32 $0xA00, s2;
	s10 =	sand.u32 $0x1, s3;
	s2 =	simm.s32 $0x40;
	[tilespmem:s5+$0x10] =	vst v0  }
.LBB2_1:
0xc: {  	s2 =	sadd.s32 $0x40, s2;
	[tilespmem:s5+$0x0] =	vst v0;
	s5 =	sadd.s32 $0x80, s5  }
0xd: {  	p0 =	slt.u32 s2, $0x3880;
	[tilespmem:s5+$0x70] =	vst v0  }
0xe: {  	[tilespmem:s5+$0x60] =	vst v0  }
.Ltmp0:
0xf: {  	[tilespmem:s5+$0x50] =	vst v0;
	(pc) =	sbr.rel @p0 .LBB2_1-.Ltmp0, $4  }
0x10: {  	[tilespmem:s5+$0x40] =	vst v0  }
0x11: {  	[tilespmem:s5+$0x30] =	vst v0  }
0x12: {  	[tilespmem:s5+$0x20] =	vst v0  }
0x13: {  	[tilespmem:s5+$0x10] =	vst v0  }
0x14: {  	s11 =	stileid.u32  }
0x15: {  	s2 =	smul.u32 $0x2C, s11  }
0x16: {  	s3 =	smin.u32 s11, $0xB  }
0x17: {  	s2 =	sadd.s32 s3, s2  }
0x18: {  	p0 =	slt.u32 s11, $0xB;
	s20 =	smul.u32 $0x70, s2;
	s2 =	simm.s32 $0x13B0  }
0x19: {  	s2 =	simm.s32 @!p0 $0x1340  }
0x1a: {  	s2 =	sadd.s32 s2, s20  }
0x1b: {  	s8 =	smin.u32 s2, $0x13880  }
0x1c: {  	s26 =	simm.s32 $0x2;
	s2 =	ssub.s32 s8, s20  }
0x1d: {  	s9 =	simm.s32 $0x9;
	s29 =	simm.s32 $0xA;
	p0 =	sgt.s32 s2, $0x0  }
0x1e: {  	s30 =	simm.s32 $0xB;
	s31 =	smul.u32 $0x2710, s10;
	s2 =	simm.s32 @!p0 $0x0  }
0x1f: {  	[dreg:$0x5] =	wrdreg s10;
	s12 =	simm.s32 $0x1;
	s25 =	smulhi.u32 $0x92492493, s2  }
0x20: {  	s24 =	simm.s32 $0x0;
	p1 =	por $0x0, $0x0;
	s18 =	simm.s32 $0x80  }
0x21: {  	s19 =	simm.s32 $0x400;
	s17 =	simm.s32 $0xC;
	s3 =	sshrl.u32 s25, $0x6  }
0x22: {  	s21 =	simm.s32 $0x0;
	s23 =	simm.s32 $0x0;
	s28 =	smul.u32 $0x70, s3  }
.Ltmp1:
0x23: {  	[tilespmem:s5+$0x0] =	vst v0;
	v0 =	vimm.s32 $0xFFFFFFFF;
	[sflag:s26] =	ssyncpa.u1 $0x0;
	s16 =	sshll.u32 s11, $0x9;
	(pc) =	sbr.rel .LBB2_3-.Ltmp1, $4  }
0x24: {  	[tilespmem:$0xE408] =	vst v0;
	[sflag:s9] =	ssyncpa.u1 $0x0;
	p0 =	sne.s32 s2, s28;
	s2 =	simm.s32 $0x1  }
0x25: {  	s14 =	sadd.s32 s31, s4;
	[sflag:s29] =	ssyncpa.u1 $0x0;
	s2 =	simm.s32 @!p0 $0x0  }
0x26: {  	s15 =	sadd.s32 s31, s0;
	[sflag:s30] =	ssyncpa.u1 $0x0;
	s13 =	sadd.s32 s2, s3  }
0x27: {  	v0 =	vlaneseq.u32;
	s22 =	smov.u32 s20;
	p0 =	por $0x1, $0x1;
	s11 =	sadd.s32 $0x1, s13  }
.LBB2_24:
0x28: {  	s2 =	sshrl.u32 s4, $0x2  }
.LBB2_26:
0x29: {  	_ =	swait.ge [sflag:s17], s2  }
0x2a: {  	s31 =	ssub.s32 $0x0, s2;
	v1 =	vmov s26;
	vm0 =	veq.s32 v0, $0x0;
	[sflag:s17] =	ssyncset.done $0x0  }
0x2b: {  	vm15 =	veq.s32 v0, $0x2;
	v1 =	vsel vm0, s0, v1;
	[sflag:s17] =	ssyncadd.s32 s31  }
0x2c: {  	v1 =	vsel vm15, s24, v1;
	[sflag:s17] =	ssyncpa.u1 $0x1  }
0x2d: {  	[tilespmem:$0xE408] =	vst v1  }
.LBB2_27:
0x2e: {  	s0 =	sadd.s32 $0x70, s22  }
0x2f: {  	s2 =	smov.u32 s20;
	p2 =	slt.s32 s0, s8  }
0x30: {  	s2 =	smov.u32 @p2 s0;
	p2 =	sne.s32 s23, s11  }
.Ltmp2:
0x31: {  	_ = 	snop;
	(pc) =	sbr.rel @!p2 .LBB2_28-.Ltmp2, $4  }
0x32: {  	_ = 	snop  }
0x33: {  	s24 =	smov.u32 s21  }
0x34: {  	s31 =	sadd.s32 $0x1, s23;
	s21 =	smov.u32 s22;
	p0 =	por !p0, !p0  }
0x35: {  	p1 =	por !p1, !p1;
	s23 =	smov.u32 s31;
	s22 =	smov.u32 s2  }
.LBB2_3:
0x36: {  	p2 =	sge.u32 s23, s13  }
0x37: {  	s0 =	smulhi.u32 @!p2 $0xAAAAAAAB, s23  }
0x38: {  	s2 =	smov.u32 s22;
	p3 =	sgt.s32 @!p2 s22, $0x13810  }
0x39: {  	s3 =	sshra.s32 @!p2 s22, $0x1F;
	p3 =	por !p3, p2;
	s0 =	sshrl.u32 @!p2 s0, $0x1  }
0x3a: {  	s3 =	sand.u32 @!p2 s3, s22;
	s2 =	simm.s32 @p3 $0x13810;
	s0 =	smul.u32 @!p2 $0x3, s0  }
0x3b: {  	s2 =	ssub.s32 @!p2 s2, s3  }
0x3c: {  	s2 =	sadd.s32 @!p2 $0xFFFEC7F0, s2;
	s0 =	ssub.s32 @!p2 s23, s0  }
0x3d: {  	s3 =	sshll.u32 @!p2 s2, $0x2;
	p3 =	sgt.s32 @!p2 s2, $0x6F;
	s0 =	smul.u32 @!p2 $0x1C0, s0  }
0x3e: {  	s4 =	sand.u32 @!p2 $0x7, s22;
	s2 =	ssub.s32 @!p2 $0x1C0, s3;
	p3 =	por !p3, p2  }
0x3f: {  	s3 =	sshrl.u32 @!p2 s22, $0x3;
	s2 =	sshrl.u32 @!p2 s2, $0x2;
	s0 =	sshrl.u32 @!p2 s0, $0x2  }
0x40: {  	s3 =	sadd.s32 @!p2 s3, s14;
	s2 =	simm.s32 @!p3 $0x0;
	s0 =	sadd.s32 @!p2 $0x10448, s0  }
0x41: {  	[tilespmem:s0], [sflag:$0xA] =	stream.linear.gather @!p2 [hbm4b:s3+s4], s2, $0x38;
	[tilespmem:$0x1E678] =	vst v63  }
0x42: {  	s2 =	sadd.s32 $0xFFFFFFFF, s23  }
0x43: {  	p2 =	sge.u32 s2, s13  }
0x44: {  	p3 =	sgt.s32 @!p2 s21, $0x13810  }
0x45: {  	s0 =	smov.u32 s21;
	s3 =	sshra.s32 @!p2 s21, $0x1F;
	p3 =	por !p3, p2  }
0x46: {  	s3 =	sand.u32 @!p2 s3, s21;
	s0 =	simm.s32 @p3 $0x13810  }
0x47: {  	s0 =	ssub.s32 @!p2 s0, s3  }
0x48: {  	s0 =	sadd.s32 @!p2 $0xFFFEC7F0, s0  }
0x49: {  	s3 =	sshll.u32 @!p2 s0, $0x2  }
0x4a: {  	p3 =	sgt.s32 @!p2 s0, $0x6F;
	s0 =	ssub.s32 @!p2 $0x1C0, s3  }
0x4b: {  	p3 =	por !p3, p2;
	s0 =	sshrl.u32 @!p2 s0, $0x2  }
0x4c: {  	s4 =	simm.s32 @!p2 $0xA;
	s3 =	sand.u32 @!p2 $0x1, s2;
	s0 =	simm.s32 @!p3 $0x0  }
0x4d: {  	s3 =	smul.u32 @!p2 $0x1C0, s3;
	_ =	swait.ge @!p2 [sflag:s4], s0  }
0x4e: {  	s5 =	ssub.s32 @!p2 $0x0, s0;
	[sflag:s4] =	ssyncset.done @!p2 $0x0  }
0x4f: {  	s3 =	sshrl.u32 @!p2 s3, $0x2;
	[sflag:s4] =	ssyncadd.s32 @!p2 s5;
	s4 =	sshrl.u32 @!p2 s21, $0x3  }
0x50: {  	s3 =	sadd.s32 @!p2 $0x10598, s3;
	s5 =	sand.u32 @!p2 $0x7, s21;
	s4 =	sadd.s32 @!p2 s4, s15  }
0x51: {  	[tilespmem:s3], [sflag:$0xB] =	stream.linear.gather @!p2 [hbm4b:s4+s5], s0, $0x38;
	[tilespmem:$0x1E678] =	vst v63  }
0x52: {  	s0 =	ssub.s32 @!p2 $0x13880, s21  }
0x53: {  	p3 =	slt.s32 @!p2 s0, $0x1  }
0x54: {  	p3 =	por p2, p3  }
.Ltmp3:
0x55: {  	_ = 	snop;
	(pc) =	sbr.rel @p3 .LBB2_9-.Ltmp3, $1  }
0x56: {  	_ =	sdelay $0x3  }
0x57: {  	s3 =	smulhi.u32 $0xAAAAAAAB, s2;
	_ =	sdelay $0x1  }
0x58: {  	s3 =	sshrl.u32 s3, $0x1  }
0x59: {  	s3 =	smul.u32 $0x3, s3;
	_ =	sdelay $0x1  }
0x5a: {  	s30 =	ssub.s32 s2, s3  }
0x5b: {  	s4 =	simm.s32 $0x1;
	s2 =	smul.u32 $0x1C0, s30  }
.Ltmp4:
0x5c: {  	s4 =	simm.s32 @!p0 $0x0;
	(pc) =	sbr.rel .LBB2_6-.Ltmp4, $4  }
0x5d: {  	s31 =	smul.u32 $0x1C000, s4  }
0x5e: {  	p3 =	slt.s32 @!p2 s0, $0x70;
	s2 =	sshrl.u32 s2, $0x2  }
0x5f: {  	p2 =	por !p3, p2;
	s3 =	sshrl.u32 s31, $0x2;
	s5 =	sadd.s32 $0x10448, s2  }
0x60: {  	s0 =	simm.s32 @p2 $0x70;
	s4 =	sor.u32 $0x10678, s3;
	s2 =	simm.s32 $0x0;
	v1 =	vmov s5  }
.LBB2_5:
0x61: {  	p2 =	sge.s32 s2, s0  }
.Ltmp5:
0x62: {  	_ = 	snop;
	(pc) =	sbr.rel @p2 .LBB2_9-.Ltmp5, $2  }
0x63: {  	_ =	sdelay $0x2  }
0x64: {  	s4 =	sadd.s32 $0x1000, s4  }
.LBB2_6:
0x65: {  	p2 =	sle.s32 s0, s2  }
.Ltmp6:
0x66: {  	_ = 	snop;
	(pc) =	sbr.rel @p2 .LBB2_5-.Ltmp6, $2  }
0x67: {  	_ =	sdelay $0x2  }
0x68: {  	s5 =	smov.u32 s2;
	s2 =	sadd.s32 $0x10, s2  }
0x69: {  	s3 =	ssub.s32 s0, s5  }
0x6a: {  	p2 =	slt.s32 s3, $0x10  }
0x6b: {  	s3 =	simm.s32 @!p2 $0x10  }
0x6c: {  	v2 =	vmov s3  }
0x6d: {  	vm0 =	vgt.s32 v2, v0;
	_ =	sdelay $0x5  }
0x6e: {  	v2 =	vld.idx.msk [tilespmem:v1+s5+$0x0 ss:$0x1], vm0;
	_ =	sdelay $0x2  }
0x6f: {  	p2 =	slt.s32 s2, s0;
	s3 =	smov.u32 s0  }
0x70: {  	s9 =	smov.u32 s4;
	s25 =	simm.s32 $0x0;
	s3 =	smov.u32 @p2 s2  }
.LBB2_8:
0x71: {  	(v2sf) =	vpush v2, s25;
	_ =	sdelay $0xe  }
0x72: {  	s25 =	sadd.s32 $0x1, s25;
	s10 =	spop (v2sf)  }
0x73: {  	s31 =	sadd.s32 s25, s5;
	s26 =	sshll.u32 s10, $0x8;
	s10 =	sshll.u32 s10, $0x7  }
0x74: {  	p2 =	slt.s32 s31, s3;
	s26 =	sand.u32 $0xFFFFF800, s26;
	s10 =	sand.u32 $0x380, s10  }
.Ltmp7:
0x75: {  	s10 =	sor.u32 s10, s26;
	(pc) =	sbr.rel @p2 .LBB2_8-.Ltmp7, $4  }
0x76: {  	s10 =	sshrl.u32 s10, $0x3  }
0x77: {  	s10 =	sadd.s32 s6, s10  }
0x78: {  	[tilespmem:s9], [sflag:$0x9] =	stream.strided.gather [hbm4b:s10+s18], $0x100, s19, s18, $0x38;
	[tilespmem:$0x1E678] =	vst v63  }
0x79: {  	s9 =	sadd.s32 $0x100, s9  }
.Ltmp8:
0x7a: {  	_ = 	snop;
	(pc) =	sbr.rel .LBB2_5-.Ltmp8, $1  }
0x7b: {  	_ =	sdelay $0x3  }
.LBB2_9:
0x7c: {  	p2 =	slt.u32 s23, $0x2  }
.Ltmp9:
0x7d: {  	_ = 	snop;
	(pc) =	sbr.rel @p2 .LBB2_27-.Ltmp9, $1  }
0x7e: {  	_ =	sdelay $0x3  }
0x7f: {  	p2 =	sgt.s32 s24, $0x13810  }
0x80: {  	s0 =	smov.u32 s24;
	s2 =	sshra.s32 s24, $0x1F;
	s3 =	ssub.s32 $0x13880, s24  }
0x81: {  	s0 =	simm.s32 @!p2 $0x13810;
	s2 =	sand.u32 s2, s24;
	p2 =	slt.s32 s3, $0x70  }
0x82: {  	s0 =	ssub.s32 s0, s2;
	s3 =	simm.s32 @!p2 $0x70  }
0x83: {  	s0 =	sadd.s32 $0xFFFEC7F0, s0;
	s9 =	sshll.u32 s3, $0x8  }
0x84: {  	s26 =	simm.s32 $0x9;
	s10 =	sshll.u32 s0, $0x2;
	s2 =	sand.u32 $0x3FFFFF00, s9  }
0x85: {  	p2 =	sgt.s32 s0, $0x6F;
	s25 =	ssub.s32 $0x1C0, s10;
	_ =	swait.ge [sflag:s26], s2  }
0x86: {  	s2 =	ssub.s32 $0x0, s2;
	[sflag:s26] =	ssyncset.done $0x0;
	s0 =	sshrl.u32 s25, $0x2  }
0x87: {  	s29 =	simm.s32 $0xB;
	[sflag:s26] =	ssyncadd.s32 s2;
	s0 =	simm.s32 @p2 $0x0  }
0x88: {  	_ =	swait.ge [sflag:s29], s0  }
0x89: {  	s0 =	ssub.s32 $0x0, s0;
	[sflag:s29] =	ssyncset.done $0x0  }
0x8a: {  	[sflag:s29] =	ssyncadd.s32 s0  }
0x8b: {  	v1 =	vld [tilespmem:$0xE408];
	_ =	sdelay $0x4  }
0x8c: {  	(v2sf) =	vpush v1, $0x0  }
0x8d: {  	(v2sf) =	vpush v1, $0x1  }
0x8e: {  	(v2sf) =	vpush v1, $0x2;
	_ =	sdelay $0x3  }
0x8f: {  	s0 =	sadd.s32 $0x70, s24  }
0x90: {  	s2 =	ssub.s32 $0x27100, s24;
	p2 =	slt.s32 s8, s0  }
0x91: {  	s0 =	smov.u32 @p2 s8;
	p2 =	sgt.s32 s2, $0x0  }
0x92: {  	s0 =	ssub.s32 s0, s24;
	s2 =	simm.s32 @!p2 $0x0  }
0x93: {  	p2 =	slt.s32 s2, s0  }
0x94: {  	s0 =	smov.u32 @p2 s2  }
0x95: {  	s4 =	simm.s32 $0x1;
	p2 =	slt.s32 s0, $0x1  }
.Ltmp10:
0x96: {  	s4 =	simm.s32 @!p1 $0x0;
	(pc) =	sbr.rel @p2 .LBB2_14-.Ltmp10, $4  }
0x97: {  	s30 =	smul.u32 $0x1C0, s4  }
0x98: {  	s5 =	spop (v2sf)  }
0x99: {  	s31 =	sshrl.u32 s30, $0x2;
	s28 =	spop (v2sf)  }
0x9a: {  	s25 =	sadd.s32 $0x10598, s31;
	s24 =	spop (v2sf)  }
0x9b: {  	s2 =	smin.u32 s0, $0x10  }
0x9c: {  	v1 =	vmov s2  }
0x9d: {  	vm1 =	vgt.u32 v1, v0  }
0x9e: {  	p3 =	sgt.s32 s0, $0x10  }
.Ltmp11:
0x9f: {  	_ = 	snop;
	(pc) =	sbr.rel @!p3 .LBB2_13-.Ltmp11, $2  }
0xa0: {  	_ =	sdelay $0x2  }
0xa1: {  	s26 =	simm.s32 $0x10;
	s29 =	sadd.s32 $0xFFFFFFF0, s0;
	s2 =	smov.u32 s25;
	vm0 =	vmmov vm1;
	v1 =	vld.msk [tilespmem:s25+$0x0 ss:$0x1], vm1  }
.LBB2_12:
0xa2: {  	s3 =	smin.u32 s29, $0x10;
	s26 =	sadd.s32 $0x10, s26  }
0xa3: {  	v2 =	vmov s3;
	p3 =	slt.s32 s26, s0  }
0xa4: {  	vm1 =	vgt.u32 v2, v0;
	_ =	sdelay $0x1  }
0xa5: {  	v2 =	vshll.u32 v1, $0x5;
	v1 =	vshll.u32 v1, $0x4  }
.Ltmp12:
0xa6: {  	v2 =	vand.u32 $0xFFFFFF00, v2;
	v1 =	vand.u32 $0x70, v1;
	(pc) =	sbr.rel @p3 .LBB2_12-.Ltmp12, $4  }
0xa7: {  	v1 =	vor.u32 v1, v2  }
0xa8: {  	[tilespmem:s2+$0x0] =	vst.msk vm0, v1;
	s2 =	sadd.s32 $0x10, s2;
	vm0 =	vmmov vm1  }
0xa9: {  	v1 =	vld.msk [tilespmem:s2+$0x0 ss:$0x1], vm1  }
0xaa: {  	s29 =	sadd.s32 $0xFFFFFFF0, s29  }
.LBB2_13:
0xab: {  	_ =	sdelay $0x3  }
0xac: {  	v2 =	vshll.u32 v1, $0x5;
	v1 =	vshll.u32 v1, $0x4  }
0xad: {  	v2 =	vand.u32 $0xFFFFFF00, v2;
	v1 =	vand.u32 $0x70, v1  }
0xae: {  	v1 =	vor.u32 v1, v2  }
0xaf: {  	[tilespmem:s2+$0x0] =	vst.msk vm0, v1  }
.LBB2_14:
0xb0: {  	s2 =	sand.u32 $0x1, s23  }
0xb1: {  	s2 =	smul.u32 $0x70, s2  }
0xb2: {  	p3 =	sne.s32 s28, $0xFFFFFFFF  }
0xb3: {  	v1 =	vld.msk @!p3 [tilespmem:s2+$0x10598], $0x1;
	_ =	sdelay $0x4  }
0xb4: {  	(v2sf) =	vpush @!p3 v1, $0x0;
	_ =	sdelay $0xc  }
.Ltmp13:
0xb5: {  	_ = 	snop;
	(pc) =	sbr.rel @p2 .LBB2_25-.Ltmp13, $4  }
0xb6: {  	_ = 	snop  }
0xb7: {  	s31 =	spop @!p3 (v2sf)  }
0xb8: {  	s24 =	simm.s32 @!p3 $0x0;
	s26 =	smov.u32 s31  }
0xb9: {  	[sflag:s17] =	ssyncpa.u1 $0x0;
	s31 =	smov.u32 @p3 s5;
	s26 =	smov.u32 @p3 s28  }
0xba: {  	v1 =	vld.msk [tilespmem:s25+$0x0], $0x1;
	_ =	sdelay $0x4  }
0xbb: {  	(v2sf) =	vpush v1, $0x0;
	_ =	sdelay $0xe  }
0xbc: {  	s7 =	smov.u32 s11;
	s5 =	spop (v2sf)  }
0xbd: {  	s17 =	smov.u32 s15;
	s2 =	smul.u32 $0x1C000, s4;
	p2 =	seq.s32 s31, s5  }
0xbe: {  	s3 =	smov.u32 s31;
	s29 =	ssub.s32 $0x0, s0;
	p3 =	sgt.s32 @!p2 s31, $0x0  }
0xbf: {  	s30 =	simm.s32 $0x0;
	s2 =	sshrl.u32 s2, $0x2;
	p3 =	por !p3, p2  }
0xc0: {  	s0 =	sadd.s32 $0x1, s29;
	s28 =	sor.u32 $0x106F8, s2;
	s3 =	simm.s32 @p3 $0x0  }
0xc1: {  	s2 =	simm.s32 @!p2 $0x1;
	p3 =	seq.s32 s0, $0x0;
	s3 =	smin.u32 @!p2 s3, $0x4E170  }
.Ltmp14:
0xc2: {  	s4 =	simm.s32 @!p2 $0x7308;
	s9 =	sand.u32 @!p2 $0x7FFF8, s3;
	(pc) =	sbr.rel @p3 .LBB2_17-.Ltmp14, $4  }
0xc3: {  	s10 =	sadd.s32 @!p2 $0x80, s3;
	s11 =	sadd.s32 @!p2 s1, s9;
	s9 =	sand.u32 @!p2 $0x7, s3  }
0xc4: {  	[tilespmem:s4], [sflag:$0x2] =	stream.linear.gather @!p2 [hbm4b:s11+s9], $0x80, $0x38;
	[tilespmem:$0x1E678] =	vst v63  }
0xc5: {  	s15 =	smov.u32 s14;
	s2 =	smov.u32 @p2 s30;
	s4 =	sand.u32 @!p2 $0xFFFF8, s10  }
0xc6: {  	s3 =	simm.s32 @!p2 $0x7388;
	s10 =	sadd.s32 @!p2 s1, s4;
	s4 =	sadd.s32 $0x1, s25  }
.LBB2_16:
0xc7: {  	s11 =	smov.u32 s2  }
0xc8: {  	[tilespmem:s3], [sflag:$0x2] =	stream.linear.gather @!p2 [hbm4b:s10+s9], $0x80, $0x38;
	[tilespmem:$0x1E678] =	vst v63  }
0xc9: {  	s0 =	sadd.s32 $0x1, s0;
	s9 =	smov.u32 s5;
	v1 =	vld.msk [tilespmem:s4+$0x0], $0x1  }
0xca: {  	p3 =	seq.s32 s0, $0x0;
	_ =	sdelay $0x3  }
0xcb: {  	(v2sf) =	vpush v1, $0x0;
	_ =	sdelay $0xe  }
0xcc: {  	s5 =	spop (v2sf)  }
0xcd: {  	p2 =	seq.s32 s9, s5  }
0xce: {  	p4 =	sgt.s32 @!p2 s9, $0x0;
	s3 =	sshll.u32 @!p2 s2, $0xA;
	s2 =	sadd.s32 @!p2 $0x1, s2  }
0xcf: {  	p4 =	por !p4, p2;
	s3 =	sshra.s32 @!p2 s3, $0x2;
	s2 =	smov.u32 @p2 s11  }
0xd0: {  	s9 =	simm.s32 @p4 $0x0;
	s10 =	sadd.s32 @!p2 $0x7308, s3;
	s3 =	sadd.s32 @!p2 $0x7388, s3  }
.Ltmp15:
0xd1: {  	s9 =	smin.u32 @!p2 s9, $0x4E170;
	(pc) =	sbr.rel @!p3 .LBB2_16-.Ltmp15, $4  }
0xd2: {  	s11 =	sand.u32 @!p2 $0x7FFF8, s9;
	s14 =	sadd.s32 @!p2 $0x80, s9  }
0xd3: {  	s9 =	sand.u32 @!p2 $0x7, s9;
	s11 =	sadd.s32 @!p2 s1, s11;
	s14 =	sand.u32 @!p2 $0xFFFF8, s14  }
0xd4: {  	[tilespmem:s10], [sflag:$0x2] =	stream.linear.gather @!p2 [hbm4b:s11+s9], $0x80, $0x38;
	[tilespmem:$0x1E678] =	vst v63  }
0xd5: {  	s4 =	sadd.s32 $0x1, s4;
	s10 =	sadd.s32 @!p2 s1, s14  }
.LBB2_17:
0xd6: {  	[tilespmem:s3], [sflag:$0x2] =	stream.linear.gather @!p2 [hbm4b:s10+s9], $0x80, $0x38;
	[tilespmem:$0x1E678] =	vst v63  }
0xd7: {  	s0 =	sshll.u32 s2, $0x8  }
.Ltmp16:
0xd8: {  	s14 =	simm.s32 $0x2;
	s0 =	sand.u32 $0x3FFFFF00, s0;
	(pc) =	sbr.rel .LBB2_18-.Ltmp16, $4  }
0xd9: {  	_ =	swait.ge [sflag:s14], s0  }
0xda: {  	s0 =	ssub.s32 $0x0, s0;
	[sflag:s14] =	ssyncset.done $0x0  }
0xdb: {  	s4 =	simm.s32 $0x0;
	s11 =	smov.u32 s7;
	[sflag:s14] =	ssyncadd.s32 s0  }
0xdc: {  	s14 =	smov.u32 s15;
	s15 =	smov.u32 s17;
	s17 =	simm.s32 $0xC  }
.LBB2_19:
0xdd: {  	v1 =	vld [tilespmem:s28+$0xFFFFFF80];
	_ =	sdelay $0x4  }
0xde: {  	[tilespmem:s5+$0x208] =	vst.add.f32.msk $0xffff, v1  }
0xdf: {  	v1 =	vld [tilespmem:s28+$0xFFFFFF90];
	_ =	sdelay $0x4  }
0xe0: {  	[tilespmem:s5+$0x218] =	vst.add.f32.msk $0xffff, v1  }
0xe1: {  	v1 =	vld [tilespmem:s28+$0xFFFFFFA0];
	_ =	sdelay $0x4  }
0xe2: {  	[tilespmem:s5+$0x228] =	vst.add.f32.msk $0xffff, v1  }
0xe3: {  	v1 =	vld [tilespmem:s28+$0xFFFFFFB0];
	_ =	sdelay $0x4  }
0xe4: {  	[tilespmem:s5+$0x238] =	vst.add.f32.msk $0xffff, v1  }
0xe5: {  	v1 =	vld [tilespmem:s28+$0xFFFFFFC0];
	_ =	sdelay $0x4  }
0xe6: {  	[tilespmem:s5+$0x248] =	vst.add.f32.msk $0xffff, v1  }
0xe7: {  	v1 =	vld [tilespmem:s28+$0xFFFFFFD0];
	_ =	sdelay $0x4  }
0xe8: {  	[tilespmem:s5+$0x258] =	vst.add.f32.msk $0xffff, v1  }
0xe9: {  	v1 =	vld [tilespmem:s28+$0xFFFFFFE0];
	_ =	sdelay $0x4  }
0xea: {  	[tilespmem:s5+$0x268] =	vst.add.f32.msk $0xffff, v1  }
0xeb: {  	v1 =	vld [tilespmem:s28+$0xFFFFFFF0];
	_ =	sdelay $0x4  }
0xec: {  	[tilespmem:s5+$0x278] =	vst.add.f32.msk $0xffff, v1  }
0xed: {  	v1 =	vld [tilespmem:s28+$0x0];
	_ =	sdelay $0x4  }
0xee: {  	[tilespmem:s5+$0x288] =	vst.add.f32.msk $0xffff, v1  }
0xef: {  	v1 =	vld [tilespmem:s28+$0x10];
	_ =	sdelay $0x4  }
0xf0: {  	[tilespmem:s5+$0x298] =	vst.add.f32.msk $0xffff, v1  }
0xf1: {  	v1 =	vld [tilespmem:s28+$0x20];
	_ =	sdelay $0x4  }
0xf2: {  	[tilespmem:s5+$0x2A8] =	vst.add.f32.msk $0xffff, v1  }
0xf3: {  	v1 =	vld [tilespmem:s28+$0x30];
	_ =	sdelay $0x4  }
0xf4: {  	[tilespmem:s5+$0x2B8] =	vst.add.f32.msk $0xffff, v1  }
0xf5: {  	v1 =	vld [tilespmem:s28+$0x40];
	_ =	sdelay $0x4  }
0xf6: {  	[tilespmem:s5+$0x2C8] =	vst.add.f32.msk $0xffff, v1  }
0xf7: {  	v1 =	vld [tilespmem:s28+$0x50];
	_ =	sdelay $0x4  }
0xf8: {  	[tilespmem:s5+$0x2D8] =	vst.add.f32.msk $0xffff, v1  }
0xf9: {  	v1 =	vld [tilespmem:s28+$0x60];
	_ =	sdelay $0x4  }
0xfa: {  	[tilespmem:s5+$0x2E8] =	vst.add.f32.msk $0xffff, v1  }
0xfb: {  	v1 =	vld [tilespmem:s28+$0x70];
	_ =	sdelay $0x4  }
0xfc: {  	[tilespmem:s5+$0x2F8] =	vst.add.f32.msk $0xffff, v1  }
.LBB2_23:
0xfd: {  	s29 =	sadd.s32 $0x1, s29  }
0xfe: {  	p2 =	seq.s32 s29, $0x0  }
.Ltmp17:
0xff: {  	_ = 	snop;
	(pc) =	sbr.rel @p2 .LBB2_24-.Ltmp17, $2  }
0x100: {  	_ =	sdelay $0x2  }
0x101: {  	s25 =	sadd.s32 $0x1, s25;
	s28 =	sadd.s32 $0x100, s28;
	s31 =	smov.u32 s0  }
.LBB2_18:
0x102: {  	v1 =	vld.msk [tilespmem:s25+$0x0], $0x1;
	_ =	sdelay $0x4  }
0x103: {  	(v2sf) =	vpush v1, $0x0;
	_ =	sdelay $0xe  }
0x104: {  	s0 =	spop (v2sf)  }
0x105: {  	p2 =	sne.s32 s31, s0  }
.Ltmp18:
0x106: {  	_ = 	snop;
	(pc) =	sbr.rel @!p2 .LBB2_19-.Ltmp18, $3  }
0x107: {  	_ =	sdelay $0x1  }
0x108: {  	s2 =	sshll.u32 s24, $0xA  }
0x109: {  	s5 =	sshra.s32 s2, $0x2  }
0x10a: {  	p2 =	seq.s32 s31, s26  }
.Ltmp19:
0x10b: {  	_ = 	snop;
	(pc) =	sbr.rel @!p2 .LBB2_21-.Ltmp19, $1  }
0x10c: {  	_ =	sdelay $0x3  }
.Ltmp20:
0x10d: {  	s2 =	sadd.s32 $0x208, s5;
	(pc) =	sbr.rel .LBB2_22-.Ltmp20, $4  }
0x10e: {  	[spmem:s16] =	stream.linear.scatter [tilespmem:s2], [sflag:$0x1], $0x100, $0x38;
	[tilespmem:$0x1E678] =	vst v63  }
0x10f: {  	_ =	swait.ge [sflag:s12], $0x100  }
0x110: {  	[sflag:s12] =	ssyncset.done $0x0  }
0x111: {  	[sflag:s12] =	ssyncadd.s32 $0xFFFFFF00  }
.LBB2_21:
0x112: {  	s2 =	sshll.u32 s30, $0xA  }
0x113: {  	s2 =	sshra.s32 s2, $0x2  }
0x114: {  	v1 =	vld [tilespmem:s2+$0x7308];
	_ =	sdelay $0x4  }
0x115: {  	[tilespmem:s5+$0x208] =	vst.add.f32.msk $0xffff, v1  }
0x116: {  	v1 =	vld [tilespmem:s2+$0x7318];
	_ =	sdelay $0x4  }
0x117: {  	[tilespmem:s5+$0x218] =	vst.add.f32.msk $0xffff, v1  }
0x118: {  	v1 =	vld [tilespmem:s2+$0x7328];
	_ =	sdelay $0x4  }
0x119: {  	[tilespmem:s5+$0x228] =	vst.add.f32.msk $0xffff, v1  }
0x11a: {  	v1 =	vld [tilespmem:s2+$0x7338];
	_ =	sdelay $0x4  }
0x11b: {  	[tilespmem:s5+$0x238] =	vst.add.f32.msk $0xffff, v1  }
0x11c: {  	v1 =	vld [tilespmem:s2+$0x7348];
	_ =	sdelay $0x4  }
0x11d: {  	[tilespmem:s5+$0x248] =	vst.add.f32.msk $0xffff, v1  }
0x11e: {  	v1 =	vld [tilespmem:s2+$0x7358];
	_ =	sdelay $0x4  }
0x11f: {  	[tilespmem:s5+$0x258] =	vst.add.f32.msk $0xffff, v1  }
0x120: {  	v1 =	vld [tilespmem:s2+$0x7368];
	_ =	sdelay $0x4  }
0x121: {  	[tilespmem:s5+$0x268] =	vst.add.f32.msk $0xffff, v1  }
0x122: {  	v1 =	vld [tilespmem:s2+$0x7378];
	_ =	sdelay $0x4  }
0x123: {  	[tilespmem:s5+$0x278] =	vst.add.f32.msk $0xffff, v1  }
0x124: {  	v1 =	vld [tilespmem:s2+$0x7388];
	_ =	sdelay $0x4  }
0x125: {  	[tilespmem:s5+$0x288] =	vst.add.f32.msk $0xffff, v1  }
0x126: {  	v1 =	vld [tilespmem:s2+$0x7398];
	_ =	sdelay $0x4  }
0x127: {  	[tilespmem:s5+$0x298] =	vst.add.f32.msk $0xffff, v1  }
0x128: {  	v1 =	vld [tilespmem:s2+$0x73A8];
	_ =	sdelay $0x4  }
0x129: {  	[tilespmem:s5+$0x2A8] =	vst.add.f32.msk $0xffff, v1  }
0x12a: {  	v1 =	vld [tilespmem:s2+$0x73B8];
	_ =	sdelay $0x4  }
0x12b: {  	[tilespmem:s5+$0x2B8] =	vst.add.f32.msk $0xffff, v1  }
0x12c: {  	v1 =	vld [tilespmem:s2+$0x73C8];
	_ =	sdelay $0x4  }
0x12d: {  	[tilespmem:s5+$0x2C8] =	vst.add.f32.msk $0xffff, v1  }
0x12e: {  	v1 =	vld [tilespmem:s2+$0x73D8];
	_ =	sdelay $0x4  }
0x12f: {  	[tilespmem:s5+$0x2D8] =	vst.add.f32.msk $0xffff, v1  }
0x130: {  	v1 =	vld [tilespmem:s2+$0x73E8];
	_ =	sdelay $0x4  }
0x131: {  	[tilespmem:s5+$0x2E8] =	vst.add.f32.msk $0xffff, v1  }
0x132: {  	v1 =	vld [tilespmem:s2+$0x73F8];
	_ =	sdelay $0x2  }
0x133: {  	p2 =	sgt.u32 s31, $0x4E170  }
0x134: {  	s2 =	sand.u32 @!p2 $0x7FFF8, s31  }
0x135: {  	s3 =	sadd.s32 $0x208, s5;
	s9 =	sand.u32 @!p2 $0x7, s31;
	s2 =	sadd.s32 @!p2 s1, s2;
	[tilespmem:s5+$0x2F8] =	vst.add.f32.msk $0xffff, v1  }
0x136: {  	[hbm4b:s2+s9] =	stream.linear.scatter @!p2 [tilespmem:s3], [sflag:$0xC], $0x80, $0x38;
	[tilespmem:$0x1E678] =	vst v63  }
0x137: {  	s2 =	sadd.s32 @!p2 $0x80, s31  }
0x138: {  	s2 =	sand.u32 @!p2 $0xFFFF8, s2  }
0x139: {  	s3 =	sadd.s32 $0x288, s5;
	s2 =	sadd.s32 @!p2 s1, s2  }
0x13a: {  	[hbm4b:s2+s9] =	stream.linear.scatter @!p2 [tilespmem:s3], [sflag:$0xC], $0x80, $0x38;
	[tilespmem:$0x1E678] =	vst v63  }
0x13b: {  	s2 =	simm.s32 $0x0  }
0x13c: {  	s2 =	simm.s32 @!p2 $0x400  }
0x13d: {  	s4 =	sadd.s32 s2, s4  }
.LBB2_22:
0x13e: {  	s2 =	sadd.s32 $0x1, s24  }
0x13f: {  	s3 =	sshrl.u32 s2, $0x4  }
0x140: {  	s3 =	smulhi.u32 $0x24924925, s3  }
0x141: {  	v1 =	vld [tilespmem:s28+$0xFFFFFF80]  }
0x142: {  	s3 =	smul.u32 $0x70, s3;
	_ =	sdelay $0x1  }
0x143: {  	s24 =	ssub.s32 s2, s3  }
0x144: {  	s2 =	sshll.u32 s24, $0x8  }
0x145: {  	[tilespmem:s2+$0x208] =	vst v1  }
0x146: {  	v1 =	vld [tilespmem:s28+$0xFFFFFF90];
	_ =	sdelay $0x4  }
0x147: {  	[tilespmem:s2+$0x218] =	vst v1  }
0x148: {  	v1 =	vld [tilespmem:s28+$0xFFFFFFA0];
	_ =	sdelay $0x4  }
0x149: {  	[tilespmem:s2+$0x228] =	vst v1  }
0x14a: {  	v1 =	vld [tilespmem:s28+$0xFFFFFFB0];
	_ =	sdelay $0x4  }
0x14b: {  	[tilespmem:s2+$0x238] =	vst v1  }
0x14c: {  	v1 =	vld [tilespmem:s28+$0xFFFFFFC0];
	_ =	sdelay $0x4  }
0x14d: {  	[tilespmem:s2+$0x248] =	vst v1  }
0x14e: {  	v1 =	vld [tilespmem:s28+$0xFFFFFFD0];
	_ =	sdelay $0x4  }
0x14f: {  	[tilespmem:s2+$0x258] =	vst v1  }
0x150: {  	v1 =	vld [tilespmem:s28+$0xFFFFFFE0];
	_ =	sdelay $0x4  }
0x151: {  	[tilespmem:s2+$0x268] =	vst v1  }
0x152: {  	v1 =	vld [tilespmem:s28+$0xFFFFFFF0];
	_ =	sdelay $0x4  }
0x153: {  	[tilespmem:s2+$0x278] =	vst v1  }
0x154: {  	v1 =	vld [tilespmem:s28+$0x0];
	_ =	sdelay $0x4  }
0x155: {  	[tilespmem:s2+$0x288] =	vst v1  }
0x156: {  	v1 =	vld [tilespmem:s28+$0x10];
	_ =	sdelay $0x4  }
0x157: {  	[tilespmem:s2+$0x298] =	vst v1  }
0x158: {  	v1 =	vld [tilespmem:s28+$0x20];
	_ =	sdelay $0x4  }
0x159: {  	[tilespmem:s2+$0x2A8] =	vst v1  }
0x15a: {  	v1 =	vld [tilespmem:s28+$0x30];
	_ =	sdelay $0x4  }
0x15b: {  	[tilespmem:s2+$0x2B8] =	vst v1  }
0x15c: {  	v1 =	vld [tilespmem:s28+$0x40];
	_ =	sdelay $0x4  }
0x15d: {  	[tilespmem:s2+$0x2C8] =	vst v1  }
0x15e: {  	v1 =	vld [tilespmem:s28+$0x50];
	_ =	sdelay $0x4  }
0x15f: {  	[tilespmem:s2+$0x2D8] =	vst v1  }
0x160: {  	v1 =	vld [tilespmem:s28+$0x60];
	_ =	sdelay $0x4  }
0x161: {  	[tilespmem:s2+$0x2E8] =	vst v1  }
0x162: {  	v1 =	vld [tilespmem:s28+$0x70]  }
.Ltmp21:
0x163: {  	_ = 	snop;
	(pc) =	sbr.rel .LBB2_23-.Ltmp21, $2  }
0x164: {  	_ =	sdelay $0x2  }
0x165: {  	s30 =	sadd.s32 $0x1, s30;
	[tilespmem:s2+$0x2F8] =	vst v1  }
.LBB2_25:
.Ltmp22:
0x166: {  	(pc) =	sbr.rel .LBB2_26-.Ltmp22, $4  }
0x167: {  	_ = 	snop  }
0x168: {  	s0 =	simm.s32 $0x2  }
0x169: {  	_ =	swait.ge [sflag:s0], $0x0  }
0x16a: {  	s2 =	simm.s32 $0x0;
	[sflag:s0] =	ssyncset.done $0x0;
	s0 =	smov.u32 s31  }
.LBB2_28:
0x16b: {  	_ =	sfence.sel $0x180000  }
0x16c: {  	s0 =	simm.s32 $0x9;
	[bflag:$0x0] =	sbarrier.arrive $0xFFFF  }
0x16d: {  	s24 =	simm.s32 $0xA;
	[sflag:s0] =	ssyncpa.u1 $0x1  }
0x16e: {  	s25 =	simm.s32 $0xB;
	[sflag:s24] =	ssyncpa.u1 $0x1  }
0x16f: {  	s26 =	simm.s32 $0x2;
	[sflag:s25] =	ssyncpa.u1 $0x1  }
0x170: {  	[sflag:s26] =	ssyncpa.u1 $0x1  }
0x171: {  	v0 =	vld [tilespmem:$0xE408];
	_ =	sdelay $0x4  }
0x172: {  	(v2sf) =	vpush v0, $0x0  }
0x173: {  	(v2sf) =	vpush v0, $0x1;
	_ =	sdelay $0x1  }
0x174: {  	(v2sf) =	vpush v0, $0x2;
	_ =	sdelay $0xb  }
0x175: {  	s0 =	spop (v2sf)  }
0x176: {  	s2 =	spop (v2sf)  }
0x177: {  	s3 =	smov.u32 s0;
	p0 =	sne.s32 s0, s2  }
0x178: {  	s4 =	spop (v2sf);
	s3 =	simm.s32 @!p0 $0xFFFFFFFF  }
0x179: {  	v2 =	vimm.s32 $0x1;
	v3 =	vlaneseq.u32;
	p0 =	seq.s32 s4, $0xFFFFFFFF;
	v1 =	vmov s3  }
0x17a: {  	s15 =	stileid.u32;
	v0 =	vperm.xlane v0, v2;
	p1 =	sne.s32 @!p0 s0, s2;
	v1 =	vperm.xlane v1, v3  }
0x17b: {  	vm0 =	vcmask $0x3F04;
	s6 =	simm.s32 $0xE408;
	s0 =	simm.s32 @!p0 $0x1;
	p1 =	por !p1, p0  }
0x17c: {  	s3 =	sshll.u32 s15, $0x1;
	s2 =	sshll.u32 @!p0 s4, $0xA;
	s0 =	simm.s32 @p1 $0x0;
	v0 =	vsel vm0, v1, v0  }
0x17d: {  	s5 =	sor.u32 $0x2000, s3;
	s2 =	sshra.s32 @!p0 s2, $0x2;
	s0 =	sor.u32 @!p0 s0, s3;
	[tilespmem:$0xE408] =	vst v0  }
0x17e: {  	[spmem:s5] =	stream.linear.scatter [tilespmem:s6], [sflag:$0x1], $0x2, $0x38;
	[tilespmem:$0x1E678] =	vst v63  }
0x17f: {  	s2 =	sadd.s32 @!p0 $0x208, s2;
	s0 =	sshll.u32 @!p0 s0, $0x8  }
0x180: {  	[spmem:s0] =	stream.linear.scatter @!p0 [tilespmem:s2], [sflag:$0x1], $0x100, $0x38;
	[tilespmem:$0x1E678] =	vst v63  }
0x181: {  	s0 =	simm.s32 @!p0 $0x102  }
0x182: {  	s28 =	simm.s32 $0x1;
	s0 =	simm.s32 @p0 $0x2  }
0x183: {  	_ =	swait.ge [sflag:s28], s0  }
0x184: {  	s0 =	ssub.s32 $0x0, s0;
	[sflag:s28] =	ssyncset.done $0x0  }
0x185: {  	p0 =	sne.s32 s15, $0x0;
	[sflag:s28] =	ssyncadd.s32 s0  }
.Ltmp23:
0x186: {  	_ =	sfence.stream.spmem;
	(pc) =	sbr.rel @p0 .LBB2_45-.Ltmp23, $4  }
0x187: {  	s29 =	simm.s32 $0x3;
	[bflag:$0x0] =	sbarrier.arrive $0xFFFF  }
0x188: {  	s30 =	simm.s32 $0x4;
	[sflag:s29] =	ssyncpa.u1 $0x1  }
0x189: {  	s31 =	simm.s32 $0x3C;
	[sflag:s30] =	ssyncpa.u1 $0x1  }
0x18a: {  	s14 =	rddreg [dreg:$0x5];
	[sflag:s31] =	ssyncpa.u1 $0x1  }
0x18b: {  	_ =	sfence.stream.spmem;
	s0 =	simm.s32 $0x5  }
0x18c: {  	s2 =	simm.s32 $0x2000;
	s3 =	simm.s32 $0xE418;
	[sflag:s0] =	ssyncpa.u1 $0x0  }
0x18d: {  	[tilespmem:s3], [sflag:$0x5] =	stream.linear.gather [spmem:s2], $0x20, $0x38;
	[tilespmem:$0x1E678] =	vst v63  }
0x18e: {  	s26 =	simm.s32 $0x0;
	s28 =	simm.s32 $0xE438  }
0x18f: {  	[tilespmem:s28], [sflag:$0x5] =	stream.linear.gather [spmem:s26], $0x2000, $0x38;
	[tilespmem:$0x1E678] =	vst v63  }
0x190: {  	_ =	swait.ge [sflag:s0], $0x2020  }
0x191: {  	[sflag:s0] =	ssyncset.done $0x0  }
0x192: {  	s29 =	simm.s32 $0x0;
	[sflag:s0] =	ssyncadd.s32 $0xFFFFDFE0  }
0x193: {  	v0 =	vld.msk [tilespmem:s29+$0xE418], $0x1;
	_ =	sdelay $0x1  }
0x194: {  	s30 =	simm.s32 $0x1  }
0x195: {  	v1 =	vld.msk [tilespmem:s30+$0xE418], $0x1;
	_ =	sdelay $0x1  }
0x196: {  	(v2sf) =	vpush v0, $0x0;
	_ =	sdelay $0x2  }
0x197: {  	(v2sf) =	vpush v1, $0x0;
	_ =	sdelay $0x2  }
0x198: {  	s31 =	simm.s32 $0x2  }
0x199: {  	v0 =	vld.msk [tilespmem:s31+$0xE418], $0x1;
	_ =	sdelay $0x2  }
0x19a: {  	s2 =	simm.s32 $0xFFFFFFFF;
	s3 =	simm.s32 $0xFFFFFFFF;
	s0 =	simm.s32 $0xC  }
.LBB2_30:
0x19b: {  	s4 =	smov.u32 s3;
	s5 =	smov.u32 s2  }
0x19c: {  	s2 =	sshra.s32 s0, $0x2;
	p1 =	sne.s32 s0, $0x7C;
	s0 =	sadd.s32 $0x4, s0;
	(v2sf) =	vpush v0, $0x0  }
0x19d: {  	v0 =	vld.msk [tilespmem:s2+$0xE418], $0x1  }
.Ltmp24:
0x19e: {  	(pc) =	sbr.rel @p1 .LBB2_30-.Ltmp24, $4  }
0x19f: {  	s3 =	spop (v2sf)  }
0x1a0: {  	p2 =	sne.s32 s5, $0xFFFFFFFF;
	s2 =	smov.u32 s3  }
0x1a1: {  	p3 =	seq.s32 s3, $0xFFFFFFFF;
	s2 =	smov.u32 @p2 s5  }
0x1a2: {  	s3 =	smov.u32 @p3 s4;
	s2 =	smov.u32 @p3 s5  }
0x1a3: {  	(v2sf) =	vpush v0, $0x0;
	_ =	sdelay $0x8  }
0x1a4: {  	s0 =	spop (v2sf)  }
0x1a5: {  	p1 =	sne.s32 s2, $0xFFFFFFFF;
	s9 =	simm.s32 $0x6;
	s4 =	smov.u32 s0  }
0x1a6: {  	s6 =	simm.s32 $0x0;
	p2 =	seq.s32 s0, $0xFFFFFFFF;
	s4 =	smov.u32 @p1 s2  }
0x1a7: {  	s10 =	simm.s32 $0xE308;
	s4 =	smov.u32 @p2 s2;
	s2 =	spop (v2sf)  }
0x1a8: {  	s0 =	smov.u32 @p2 s3;
	p1 =	sne.s32 s4, $0xFFFFFFFF;
	s5 =	smov.u32 s2  }
.Ltmp25:
0x1a9: {  	p2 =	seq.s32 s2, $0xFFFFFFFF;
	s5 =	smov.u32 @p1 s4;
	(pc) =	sbr.rel .LBB2_32-.Ltmp25, $4  }
0x1aa: {  	s11 =	simm.s32 $0xE388;
	s5 =	smov.u32 @p2 s4;
	s7 =	spop (v2sf)  }
0x1ab: {  	s12 =	simm.s32 $0x0;
	p1 =	sne.s32 s5, $0xFFFFFFFF;
	s8 =	smov.u32 s7  }
0x1ac: {  	s2 =	smov.u32 @p2 s0;
	p2 =	seq.s32 s7, $0xFFFFFFFF;
	s8 =	smov.u32 @p1 s5  }
0x1ad: {  	[sflag:s9] =	ssyncpa.u1 $0x0;
	s7 =	smov.u32 @p2 s2;
	s8 =	smov.u32 @p2 s5  }
.LBB2_38:
0x1ae: {  	p1 =	sgt.u32 s0, $0x4E170  }
0x1af: {  	p2 =	seq.s32 @!p1 s0, s8  }
0x1b0: {  	p1 =	por p1, p2  }
0x1b1: {  	p2 =	sne.s32 @!p1 s0, s7  }
0x1b2: {  	p1 =	por p1, !p2  }
0x1b3: {  	s0 =	sshll.u32 @p1 s12, $0xA  }
0x1b4: {  	s2 =	sand.u32 @!p1 $0x7FFF8, s0;
	s3 =	sand.u32 @!p1 $0x7, s0;
	s0 =	sadd.s32 @!p1 $0x80, s0  }
0x1b5: {  	s2 =	sadd.s32 @!p1 s1, s2;
	s0 =	sand.u32 @!p1 $0xFFFF8, s0  }
0x1b6: {  	[tilespmem:s10], [sflag:$0x6] =	stream.linear.gather @!p1 [hbm4b:s2+s3], $0x80, $0x38;
	[tilespmem:$0x1E678] =	vst v63  }
0x1b7: {  	s0 =	sadd.s32 @!p1 s1, s0  }
0x1b8: {  	[tilespmem:s11], [sflag:$0x6] =	stream.linear.gather @!p1 [hbm4b:s0+s3], $0x80, $0x38;
	[tilespmem:$0x1E678] =	vst v63  }
0x1b9: {  	_ =	swait.ge @!p1 [sflag:s9], $0x100  }
0x1ba: {  	[sflag:s9] =	ssyncset.done @!p1 $0x0  }
0x1bb: {  	[sflag:s9] =	ssyncadd.s32 @!p1 $0xFFFFFF00  }
0x1bc: {  	v1 =	vld @!p1 [tilespmem:$0xE308];
	_ =	sdelay $0x2  }
0x1bd: {  	s0 =	sshll.u32 @!p1 s12, $0xA  }
0x1be: {  	s2 =	sshrl.u32 @!p1 s0, $0x2  }
0x1bf: {  	[tilespmem:s2+$0xE438] =	vst.add.f32.msk @!p1 $0xffff, v1  }
0x1c0: {  	v1 =	vld @!p1 [tilespmem:$0xE318];
	_ =	sdelay $0x4  }
0x1c1: {  	[tilespmem:s2+$0xE448] =	vst.add.f32.msk @!p1 $0xffff, v1  }
0x1c2: {  	v1 =	vld @!p1 [tilespmem:$0xE328];
	_ =	sdelay $0x4  }
0x1c3: {  	[tilespmem:s2+$0xE458] =	vst.add.f32.msk @!p1 $0xffff, v1  }
0x1c4: {  	v1 =	vld @!p1 [tilespmem:$0xE338];
	_ =	sdelay $0x4  }
0x1c5: {  	[tilespmem:s2+$0xE468] =	vst.add.f32.msk @!p1 $0xffff, v1  }
0x1c6: {  	v1 =	vld @!p1 [tilespmem:$0xE348];
	_ =	sdelay $0x4  }
0x1c7: {  	[tilespmem:s2+$0xE478] =	vst.add.f32.msk @!p1 $0xffff, v1  }
0x1c8: {  	v1 =	vld @!p1 [tilespmem:$0xE358];
	_ =	sdelay $0x4  }
0x1c9: {  	[tilespmem:s2+$0xE488] =	vst.add.f32.msk @!p1 $0xffff, v1  }
0x1ca: {  	v1 =	vld @!p1 [tilespmem:$0xE368];
	_ =	sdelay $0x4  }
0x1cb: {  	[tilespmem:s2+$0xE498] =	vst.add.f32.msk @!p1 $0xffff, v1  }
0x1cc: {  	v1 =	vld @!p1 [tilespmem:$0xE378];
	_ =	sdelay $0x4  }
0x1cd: {  	[tilespmem:s2+$0xE4A8] =	vst.add.f32.msk @!p1 $0xffff, v1  }
0x1ce: {  	v1 =	vld @!p1 [tilespmem:$0xE388];
	_ =	sdelay $0x4  }
0x1cf: {  	[tilespmem:s2+$0xE4B8] =	vst.add.f32.msk @!p1 $0xffff, v1  }
0x1d0: {  	v1 =	vld @!p1 [tilespmem:$0xE398];
	_ =	sdelay $0x4  }
0x1d1: {  	[tilespmem:s2+$0xE4C8] =	vst.add.f32.msk @!p1 $0xffff, v1  }
0x1d2: {  	v1 =	vld @!p1 [tilespmem:$0xE3A8];
	_ =	sdelay $0x4  }
0x1d3: {  	[tilespmem:s2+$0xE4D8] =	vst.add.f32.msk @!p1 $0xffff, v1  }
0x1d4: {  	v1 =	vld @!p1 [tilespmem:$0xE3B8];
	_ =	sdelay $0x4  }
0x1d5: {  	[tilespmem:s2+$0xE4E8] =	vst.add.f32.msk @!p1 $0xffff, v1  }
0x1d6: {  	v1 =	vld @!p1 [tilespmem:$0xE3C8];
	_ =	sdelay $0x4  }
0x1d7: {  	[tilespmem:s2+$0xE4F8] =	vst.add.f32.msk @!p1 $0xffff, v1  }
0x1d8: {  	v1 =	vld @!p1 [tilespmem:$0xE3D8];
	_ =	sdelay $0x4  }
0x1d9: {  	[tilespmem:s2+$0xE508] =	vst.add.f32.msk @!p1 $0xffff, v1  }
0x1da: {  	v1 =	vld @!p1 [tilespmem:$0xE3E8];
	_ =	sdelay $0x4  }
0x1db: {  	[tilespmem:s2+$0xE518] =	vst.add.f32.msk @!p1 $0xffff, v1  }
0x1dc: {  	v1 =	vld @!p1 [tilespmem:$0xE3F8];
	_ =	sdelay $0x4  }
0x1dd: {  	[tilespmem:s2+$0xE528] =	vst.add.f32.msk @!p1 $0xffff, v1  }
0x1de: {  	s0 =	sshrl.u32 s0, $0x2;
	[tilespmem:s6+$0xE418] =	vst.msk $0x1, v0  }
0x1df: {  	v0 =	vld [tilespmem:s0+$0xE438];
	_ =	sdelay $0x2  }
0x1e0: {  	s31 =	sshll.u32 s6, $0xA  }
0x1e1: {  	s2 =	sshra.s32 s31, $0x2  }
0x1e2: {  	[tilespmem:s2+$0xE438] =	vst v0  }
0x1e3: {  	v0 =	vld [tilespmem:s0+$0xE448];
	_ =	sdelay $0x4  }
0x1e4: {  	[tilespmem:s2+$0xE448] =	vst v0  }
0x1e5: {  	v0 =	vld [tilespmem:s0+$0xE458];
	_ =	sdelay $0x4  }
0x1e6: {  	[tilespmem:s2+$0xE458] =	vst v0  }
0x1e7: {  	v0 =	vld [tilespmem:s0+$0xE468];
	_ =	sdelay $0x4  }
0x1e8: {  	[tilespmem:s2+$0xE468] =	vst v0  }
0x1e9: {  	v0 =	vld [tilespmem:s0+$0xE478];
	_ =	sdelay $0x4  }
0x1ea: {  	[tilespmem:s2+$0xE478] =	vst v0  }
0x1eb: {  	v0 =	vld [tilespmem:s0+$0xE488];
	_ =	sdelay $0x4  }
0x1ec: {  	[tilespmem:s2+$0xE488] =	vst v0  }
0x1ed: {  	v0 =	vld [tilespmem:s0+$0xE498];
	_ =	sdelay $0x4  }
0x1ee: {  	[tilespmem:s2+$0xE498] =	vst v0  }
0x1ef: {  	v0 =	vld [tilespmem:s0+$0xE4A8];
	_ =	sdelay $0x4  }
0x1f0: {  	[tilespmem:s2+$0xE4A8] =	vst v0  }
0x1f1: {  	v0 =	vld [tilespmem:s0+$0xE4B8];
	_ =	sdelay $0x4  }
0x1f2: {  	[tilespmem:s2+$0xE4B8] =	vst v0  }
0x1f3: {  	v0 =	vld [tilespmem:s0+$0xE4C8];
	_ =	sdelay $0x4  }
0x1f4: {  	[tilespmem:s2+$0xE4C8] =	vst v0  }
0x1f5: {  	v0 =	vld [tilespmem:s0+$0xE4D8];
	_ =	sdelay $0x4  }
0x1f6: {  	[tilespmem:s2+$0xE4D8] =	vst v0  }
0x1f7: {  	v0 =	vld [tilespmem:s0+$0xE4E8];
	_ =	sdelay $0x4  }
0x1f8: {  	[tilespmem:s2+$0xE4E8] =	vst v0  }
0x1f9: {  	v0 =	vld [tilespmem:s0+$0xE4F8];
	_ =	sdelay $0x4  }
0x1fa: {  	[tilespmem:s2+$0xE4F8] =	vst v0  }
0x1fb: {  	v0 =	vld [tilespmem:s0+$0xE508];
	_ =	sdelay $0x4  }
0x1fc: {  	[tilespmem:s2+$0xE508] =	vst v0  }
0x1fd: {  	v0 =	vld [tilespmem:s0+$0xE518];
	_ =	sdelay $0x4  }
0x1fe: {  	[tilespmem:s2+$0xE518] =	vst v0  }
0x1ff: {  	v0 =	vld [tilespmem:s0+$0xE528];
	_ =	sdelay $0x4  }
0x200: {  	s6 =	sadd.s32 $0x1, s6;
	[tilespmem:s2+$0xE528] =	vst v0  }
.LBB2_39:
0x201: {  	s12 =	sadd.s32 $0x1, s12  }
0x202: {  	p1 =	sne.s32 s12, $0x20  }
.Ltmp26:
0x203: {  	_ = 	snop;
	(pc) =	sbr.rel @!p1 .LBB2_40-.Ltmp26, $1  }
0x204: {  	_ =	sdelay $0x3  }
.LBB2_32:
0x205: {  	v0 =	vld.msk [tilespmem:s12+$0xE418], $0x1;
	_ =	sdelay $0x4  }
0x206: {  	(v2sf) =	vpush v0, $0x0;
	_ =	sdelay $0xe  }
0x207: {  	s0 =	spop (v2sf)  }
0x208: {  	p1 =	seq.s32 s0, $0xFFFFFFFF  }
.Ltmp27:
0x209: {  	_ = 	snop;
	(pc) =	sbr.rel @p1 .LBB2_39-.Ltmp27, $1  }
0x20a: {  	_ =	sdelay $0x3  }
0x20b: {  	p1 =	slt.s32 s6, $0x1  }
.Ltmp28:
0x20c: {  	_ = 	snop;
	(pc) =	sbr.rel @p1 .LBB2_38-.Ltmp28, $1  }
0x20d: {  	_ =	sdelay $0x3  }
0x20e: {  	s4 =	simm.s32 $0xE418;
	p1 =	por $0x0, $0x0  }
0x20f: {  	v1 =	vld.msk @!p1 [tilespmem:s4+$0x0], $0x1;
	_ =	sdelay $0x4  }
0x210: {  	(v2sf) =	vpush @!p1 v1, $0x0;
	_ =	sdelay $0xd  }
0x211: {  	p3 =	sne.s32 s6, $0x1  }
.Ltmp29:
0x212: {  	s2 =	spop @!p1 (v2sf);
	(pc) =	sbr.rel @!p3 .LBB2_36-.Ltmp29, $4  }
0x213: {  	p2 =	seq.s32 @!p1 s0, s2  }
0x214: {  	s5 =	simm.s32 $0x0;
	p2 =	por !p2, p1  }
0x215: {  	s2 =	simm.s32 $0xFFFFFFFF;
	s5 =	simm.s32 @p2 $0xFFFFFFFF  }
0x216: {  	s13 =	simm.s32 $0x1;
	s5 =	smov.u32 @p1 s2  }
.LBB2_35:
0x217: {  	s2 =	smov.u32 s5;
	p1 =	sne.s32 s5, $0xFFFFFFFF  }
0x218: {  	s4 =	sadd.s32 $0x1, s4;
	s5 =	smov.u32 s13;
	s13 =	sadd.s32 $0x1, s13  }
0x219: {  	p2 =	sne.s32 s6, s13;
	v1 =	vld.msk @!p1 [tilespmem:s4+$0x0], $0x1;
	_ =	sdelay $0x4  }
0x21a: {  	(v2sf) =	vpush @!p1 v1, $0x0;
	_ =	sdelay $0xe  }
.Ltmp30:
0x21b: {  	s3 =	spop @!p1 (v2sf);
	(pc) =	sbr.rel @p2 .LBB2_35-.Ltmp30, $4  }
0x21c: {  	p3 =	seq.s32 @!p1 s0, s3  }
0x21d: {  	p3 =	por !p3, p1  }
0x21e: {  	s5 =	simm.s32 @p3 $0xFFFFFFFF  }
0x21f: {  	s5 =	smov.u32 @p1 s2  }
.LBB2_36:
0x220: {  	p1 =	seq.s32 s5, $0xFFFFFFFF  }
.Ltmp31:
0x221: {  	_ = 	snop;
	(pc) =	sbr.rel @p1 .LBB2_38-.Ltmp31, $1  }
0x222: {  	_ =	sdelay $0x3  }
0x223: {  	s0 =	sshll.u32 s12, $0x8  }
0x224: {  	s0 =	sand.u32 $0x3FFFFF00, s0  }
0x225: {  	v0 =	vld [tilespmem:s0+$0xE438];
	_ =	sdelay $0x2  }
0x226: {  	s2 =	sshll.u32 s5, $0xA  }
0x227: {  	s2 =	sshra.s32 s2, $0x2  }
0x228: {  	[tilespmem:s2+$0xE438] =	vst.add.f32.msk $0xffff, v0  }
0x229: {  	v0 =	vld [tilespmem:s0+$0xE448];
	_ =	sdelay $0x4  }
0x22a: {  	[tilespmem:s2+$0xE448] =	vst.add.f32.msk $0xffff, v0  }
0x22b: {  	v0 =	vld [tilespmem:s0+$0xE458];
	_ =	sdelay $0x4  }
0x22c: {  	[tilespmem:s2+$0xE458] =	vst.add.f32.msk $0xffff, v0  }
0x22d: {  	v0 =	vld [tilespmem:s0+$0xE468];
	_ =	sdelay $0x4  }
0x22e: {  	[tilespmem:s2+$0xE468] =	vst.add.f32.msk $0xffff, v0  }
0x22f: {  	v0 =	vld [tilespmem:s0+$0xE478];
	_ =	sdelay $0x4  }
0x230: {  	[tilespmem:s2+$0xE478] =	vst.add.f32.msk $0xffff, v0  }
0x231: {  	v0 =	vld [tilespmem:s0+$0xE488];
	_ =	sdelay $0x4  }
0x232: {  	[tilespmem:s2+$0xE488] =	vst.add.f32.msk $0xffff, v0  }
0x233: {  	v0 =	vld [tilespmem:s0+$0xE498];
	_ =	sdelay $0x4  }
0x234: {  	[tilespmem:s2+$0xE498] =	vst.add.f32.msk $0xffff, v0  }
0x235: {  	v0 =	vld [tilespmem:s0+$0xE4A8];
	_ =	sdelay $0x4  }
0x236: {  	[tilespmem:s2+$0xE4A8] =	vst.add.f32.msk $0xffff, v0  }
0x237: {  	v0 =	vld [tilespmem:s0+$0xE4B8];
	_ =	sdelay $0x4  }
0x238: {  	[tilespmem:s2+$0xE4B8] =	vst.add.f32.msk $0xffff, v0  }
0x239: {  	v0 =	vld [tilespmem:s0+$0xE4C8];
	_ =	sdelay $0x4  }
0x23a: {  	[tilespmem:s2+$0xE4C8] =	vst.add.f32.msk $0xffff, v0  }
0x23b: {  	v0 =	vld [tilespmem:s0+$0xE4D8];
	_ =	sdelay $0x4  }
0x23c: {  	[tilespmem:s2+$0xE4D8] =	vst.add.f32.msk $0xffff, v0  }
0x23d: {  	v0 =	vld [tilespmem:s0+$0xE4E8];
	_ =	sdelay $0x4  }
0x23e: {  	[tilespmem:s2+$0xE4E8] =	vst.add.f32.msk $0xffff, v0  }
0x23f: {  	v0 =	vld [tilespmem:s0+$0xE4F8];
	_ =	sdelay $0x4  }
0x240: {  	[tilespmem:s2+$0xE4F8] =	vst.add.f32.msk $0xffff, v0  }
0x241: {  	v0 =	vld [tilespmem:s0+$0xE508];
	_ =	sdelay $0x4  }
0x242: {  	[tilespmem:s2+$0xE508] =	vst.add.f32.msk $0xffff, v0  }
0x243: {  	v0 =	vld [tilespmem:s0+$0xE518];
	_ =	sdelay $0x4  }
0x244: {  	[tilespmem:s2+$0xE518] =	vst.add.f32.msk $0xffff, v0  }
0x245: {  	v0 =	vld [tilespmem:s0+$0xE528]  }
.Ltmp32:
0x246: {  	_ = 	snop;
	(pc) =	sbr.rel .LBB2_39-.Ltmp32, $2  }
0x247: {  	_ =	sdelay $0x2  }
0x248: {  	[tilespmem:s2+$0xE528] =	vst.add.f32.msk $0xffff, v0  }
.LBB2_40:
0x249: {  	s0 =	simm.s32 $0x6;
	p1 =	seq.s32 s6, $0x0  }
0x24a: {  	[sflag:s0] =	ssyncpa.u1 $0x1;
	v0 =	vimm.s32 @p1 $0xFFFFFFFF  }
0x24b: {  	s0 =	sadd.s32 $0xFFFFFFFF, s6;
	[tilespmem:$0x10438] =	vst @p1 v0  }
0x24c: {  	v0 =	vld.msk @!p1 [tilespmem:s0+$0xE418], $0x1;
	_ =	sdelay $0x1  }
0x24d: {  	v1 =	vld.msk @!p1 [tilespmem:$0xE418], $0x1;
	_ =	sdelay $0x2  }
0x24e: {  	p2 =	seq.s32 @!p1 s0, $0x0;
	v0 =	vbroadcast @!p1 v0, $0x0  }
0x24f: {  	vm0 =	vmmov @!p1 $0x1;
	p2 =	por !p2, p1  }
0x250: {  	v1 =	vnsel @!p1 vm0, $0xFFFFFFFF, v1;
	vm0 =	vcmask @!p1 $0x308;
	v0 =	vpsel !p2, $0xFFFFFFFF, v0  }
0x251: {  	p2 =	sne.s32 @!p1 s8, s7;
	v0 =	vsel @!p1 vm0, v1, v0  }
0x252: {  	s2 =	simm.s32 @!p1 $0xE438;
	s3 =	simm.s32 @!p1 $0x0;
	p3 =	por !p2, p1;
	[tilespmem:$0x10438] =	vst @!p1 v0  }
0x253: {  	[spmem:s3] =	stream.linear.scatter @!p1 [tilespmem:s2], [sflag:$0x1], $0x100, $0x38;
	[tilespmem:$0x1E678] =	vst v63  }
0x254: {  	s2 =	sshll.u32 @!p3 s0, $0xA  }
0x255: {  	s2 =	sshra.s32 @!p3 s2, $0x2  }
0x256: {  	s3 =	simm.s32 @!p3 $0x100;
	s2 =	sadd.s32 @!p3 $0xE438, s2  }
0x257: {  	[spmem:s3] =	stream.linear.scatter @!p3 [tilespmem:s2], [sflag:$0x1], $0x100, $0x38;
	[tilespmem:$0x1E678] =	vst v63  }
0x258: {  	s2 =	simm.s32 @!p3 $0x1  }
0x259: {  	_ =	swait.ge @!p3 [sflag:s2], $0x200  }
0x25a: {  	p1 =	por p2, p1;
	[sflag:s2] =	ssyncset.done @!p3 $0x0  }
0x25b: {  	[sflag:s2] =	ssyncadd.s32 @!p3 $0xFFFFFE00;
	s2 =	simm.s32 @!p1 $0x1  }
0x25c: {  	_ =	swait.ge @!p1 [sflag:s2], $0x100  }
0x25d: {  	s29 =	simm.s32 $0x10438;
	[sflag:s2] =	ssyncset.done @!p1 $0x0  }
0x25e: {  	s30 =	simm.s32 $0x2000;
	s31 =	simm.s32 $0x1;
	[sflag:s2] =	ssyncadd.s32 @!p1 $0xFFFFFF00  }
0x25f: {  	[spmem:s30] =	stream.linear.scatter [tilespmem:s29], [sflag:$0x1], $0x10, $0x38;
	[tilespmem:$0x1E678] =	vst v63  }
0x260: {  	_ =	swait.ge [sflag:s31], $0x10  }
0x261: {  	[sflag:s31] =	ssyncset.done $0x0  }
0x262: {  	p1 =	seq.s32 s14, $0x0;
	s9 =	rddreg [dreg:$0x2];
	[sflag:s31] =	ssyncadd.s32 $0xFFFFFFF0  }
0x263: {  	s3 =	sshll.u32 @p1 s9, $0xE;
	s8 =	rddreg [dreg:$0x3]  }
0x264: {  	s2 =	sadd.s32 @p1 $0x15C3C, s3;
	s3 =	sshll.u32 @p1 s8, $0x11  }
0x265: {  	_ =	sfence.stream.spmem;
	s2 =	sor.u32 @p1 s3, s2  }
0x266: {  	[sflag:s2] =	ssyncadd.remote.s32 @p1 $0x1;
	s2 =	simm.s32 @p1 $0x4  }
0x267: {  	s4 =	simm.s32 @!p1 $0x3C;
	s3 =	sand.u32 $0xFFFFFFFE, s9;
	_ =	swait.ge @p1 [sflag:s2], $0x42  }
0x268: {  	s5 =	simm.s32 @!p1 $0x0;
	s3 =	sadd.s32 @!p1 $0x4, s3;
	[sflag:s2] =	ssyncset.done @p1 $0x0  }
0x269: {  	s7 =	simm.s32 @!p1 $0x200;
	[sflag:s2] =	ssyncadd.s32 @p1 $0xFFFFFFBE;
	s2 =	sshll.u32 @!p1 s3, $0x1A  }
0x26a: {  	s3 =	sshll.u32 @!p1 s3, $0xD;
	s2 =	sor.u32 @!p1 s2, s8;
	_ =	swait.eq @!p1 [sflag:s4], $0x1  }
0x26b: {  	s3 =	sor.u32 @!p1 $0x1C04, s3;
	s4 =	simm.s32 @!p1 $0x1C03;
	s2 =	sor.u32 @!p1 $0x80004000, s2  }
0x26c: {  	[spmem:s7], [sflag:s3] =	dma.general @!p1 [spmem:s5], [sflag:s4], length:$0x40, [dreg:$0x0], stride_count:$0x0, ici_dest:s2, dma_misc:DstOpCode:WRITE  }
0x26d: {  	p2 =	slt.s32 s0, $0x2;
	s5 =	simm.s32 @!p1 $0x400;
	s7 =	simm.s32 @!p1 $0x402  }
0x26e: {  	[spmem:s7], [sflag:s3] =	dma.general @!p1 [spmem:s5], [sflag:s4], length:$0x2, [dreg:$0x0], stride_count:$0x0, ici_dest:s2, dma_misc:DstOpCode:WRITE  }
.Ltmp33:
0x26f: {  	s2 =	simm.s32 @!p1 $0x3;
	(pc) =	sbr.rel @p2 .LBB2_44-.Ltmp33, $4  }
0x270: {  	s3 =	sshll.u32 @!p1 s9, $0xE;
	_ =	swait.ge @!p1 [sflag:s2], $0x42  }
0x271: {  	s4 =	sshll.u32 @!p1 s8, $0x11;
	s3 =	sadd.s32 @!p1 $0x11C3C, s3;
	[sflag:s2] =	ssyncset.done @!p1 $0x0  }
0x272: {  	[sflag:s2] =	ssyncadd.s32 @!p1 $0xFFFFFFBE;
	s2 =	sor.u32 @!p1 s4, s3  }
0x273: {  	s0 =	simm.s32 $0x0;
	[sflag:s2] =	ssyncadd.remote.s32 @!p1 $0xFFFFFFFF  }
0x274: {  	s0 =	simm.s32 $0xE419  }
0x275: {  	v0 =	vld.msk [tilespmem:s0+$0x0], $0x1;
	_ =	sdelay $0x4  }
0x276: {  	(v2sf) =	vpush v0, $0x0;
	_ =	sdelay $0xd  }
0x277: {  	s31 =	sadd.s32 $0xFFFFFFFE, s6  }
0x278: {  	s6 =	simm.s32 $0x0;
	s0 =	sadd.s32 $0xFFFFFFFF, s31;
	s2 =	spop (v2sf)  }
0x279: {  	s3 =	simm.s32 $0xE538;
	p1 =	sne.s32 s0, $0x0;
	p2 =	sgt.u32 s2, $0x4E170  }
.Ltmp34:
0x27a: {  	s4 =	simm.s32 $0xE638;
	s5 =	sand.u32 @!p2 $0x7FFF8, s2;
	(pc) =	sbr.rel @!p1 .LBB2_43-.Ltmp34, $4  }
0x27b: {  	s7 =	sadd.s32 @!p2 $0x80, s2;
	s2 =	sand.u32 @!p2 $0x7, s2;
	s6 =	simm.s32 @!p2 $0x400  }
0x27c: {  	s5 =	sadd.s32 @!p2 s1, s5;
	s7 =	sand.u32 @!p2 $0xFFFF8, s7;
	s6 =	sadd.s32 $0x0, s6  }
0x27d: {  	[hbm4b:s5+s2] =	stream.linear.scatter @!p2 [tilespmem:s3], [sflag:$0x5], $0x80, $0x38;
	[tilespmem:$0x1E678] =	vst v63  }
0x27e: {  	s5 =	simm.s32 $0xE41A;
	s3 =	simm.s32 @!p2 $0xE5B8;
	s7 =	sadd.s32 @!p2 s1, s7  }
.LBB2_42:
0x27f: {  	[hbm4b:s7+s2] =	stream.linear.scatter @!p2 [tilespmem:s3], [sflag:$0x5], $0x80, $0x38;
	[tilespmem:$0x1E678] =	vst v63  }
0x280: {  	s0 =	sadd.s32 $0xFFFFFFFF, s0;
	s3 =	smov.u32 s4;
	v0 =	vld.msk [tilespmem:s5+$0x0], $0x1  }
0x281: {  	p1 =	sne.s32 s0, $0x0;
	_ =	sdelay $0x3  }
0x282: {  	(v2sf) =	vpush v0, $0x0;
	_ =	sdelay $0xe  }
0x283: {  	s4 =	sadd.s32 $0x100, s4;
	s8 =	simm.s32 $0x0;
	s2 =	spop (v2sf)  }
.Ltmp35:
0x284: {  	s5 =	sadd.s32 $0x1, s5;
	p2 =	sgt.u32 s2, $0x4E170;
	(pc) =	sbr.rel @p1 .LBB2_42-.Ltmp35, $4  }
0x285: {  	s8 =	simm.s32 @!p2 $0x400;
	s7 =	sand.u32 @!p2 $0x7FFF8, s2;
	s9 =	sadd.s32 @!p2 $0x80, s2  }
0x286: {  	s2 =	sand.u32 @!p2 $0x7, s2;
	s7 =	sadd.s32 @!p2 s1, s7;
	s9 =	sand.u32 @!p2 $0xFFFF8, s9  }
0x287: {  	[hbm4b:s7+s2] =	stream.linear.scatter @!p2 [tilespmem:s3], [sflag:$0x5], $0x80, $0x38;
	[tilespmem:$0x1E678] =	vst v63  }
0x288: {  	s6 =	sadd.s32 s6, s8;
	s3 =	sadd.s32 @!p2 $0x80, s3;
	s7 =	sadd.s32 @!p2 s1, s9  }
.LBB2_43:
0x289: {  	[hbm4b:s7+s2] =	stream.linear.scatter @!p2 [tilespmem:s3], [sflag:$0x5], $0x80, $0x38;
	[tilespmem:$0x1E678] =	vst v63  }
0x28a: {  	s0 =	sshrl.u32 s6, $0x2  }
.LBB2_44:
0x28b: {  	s2 =	simm.s32 $0x5  }
0x28c: {  	_ =	swait.ge [sflag:s2], s0  }
0x28d: {  	s31 =	ssub.s32 $0x0, s0;
	[sflag:s2] =	ssyncset.done $0x0  }
0x28e: {  	[sflag:s2] =	ssyncadd.s32 s31  }
0x28f: {  	[sflag:s2] =	ssyncpa.u1 $0x1  }
.LBB2_45:
0x290: {  	s0 =	sor.u32 s14, s15  }
0x291: {  	p1 =	sne.s32 s0, $0x0  }
.Ltmp36:
0x292: {  	_ = 	snop;
	(pc) =	sbr.rel @p1 .LBB2_60-.Ltmp36, $3  }
0x293: {  	_ =	sdelay $0x1  }
0x294: {  	[bflag:$0x0] =	sbarrier.arrive $0xFFFF  }
0x295: {  	_ =	sfence  }
0x296: {  	s0 =	simm.s32 $0x7  }
0x297: {  	s2 =	simm.s32 $0x2000;
	s3 =	simm.s32 $0xE418;
	[sflag:s0] =	ssyncpa.u1 $0x0  }
0x298: {  	[tilespmem:s3], [sflag:$0x7] =	stream.linear.gather [spmem:s2], $0x20, $0x38;
	[tilespmem:$0x1E678] =	vst v63  }
0x299: {  	s30 =	simm.s32 $0xE438;
	s2 =	simm.s32 $0x0  }
0x29a: {  	[tilespmem:s30], [sflag:$0x7] =	stream.linear.gather [spmem:s2], $0x2000, $0x38;
	[tilespmem:$0x1E678] =	vst v63  }
.Ltmp37:
0x29b: {  	_ = 	snop;
	(pc) =	sbr.rel .LBB2_47-.Ltmp37, $4  }
0x29c: {  	_ =	swait.ge [sflag:s0], $0x2020  }
0x29d: {  	[sflag:s0] =	ssyncset.done $0x0  }
0x29e: {  	s31 =	simm.s32 $0x8;
	[sflag:s0] =	ssyncadd.s32 $0xFFFFDFE0  }
0x29f: {  	s3 =	simm.s32 $0x0;
	[sflag:s31] =	ssyncpa.u1 $0x0  }
.LBB2_53:
0x2a0: {  	p1 =	slt.u32 s0, $0x4E171  }
0x2a1: {  	s4 =	sand.u32 @p1 $0x7FFF8, s0;
	s5 =	sand.u32 @p1 $0x7, s0;
	s0 =	sadd.s32 @p1 $0x80, s0  }
0x2a2: {  	s6 =	simm.s32 @p1 $0xE308;
	s4 =	sadd.s32 @p1 s1, s4;
	s0 =	sand.u32 @p1 $0xFFFF8, s0  }
0x2a3: {  	[tilespmem:s6], [sflag:$0x8] =	stream.linear.gather @p1 [hbm4b:s4+s5], $0x80, $0x38;
	[tilespmem:$0x1E678] =	vst v63  }
0x2a4: {  	s0 =	sadd.s32 @p1 s1, s0;
	s4 =	simm.s32 @p1 $0xE388  }
0x2a5: {  	[tilespmem:s4], [sflag:$0x8] =	stream.linear.gather @p1 [hbm4b:s0+s5], $0x80, $0x38;
	[tilespmem:$0x1E678] =	vst v63  }
0x2a6: {  	s0 =	simm.s32 @p1 $0x8  }
0x2a7: {  	_ =	swait.ge @p1 [sflag:s0], $0x100  }
0x2a8: {  	[sflag:s0] =	ssyncset.done @p1 $0x0  }
0x2a9: {  	[sflag:s0] =	ssyncadd.s32 @p1 $0xFFFFFF00  }
0x2aa: {  	v1 =	vld @p1 [tilespmem:$0xE308];
	_ =	sdelay $0x2  }
0x2ab: {  	s0 =	sshll.u32 @p1 s3, $0xA  }
0x2ac: {  	s4 =	sshrl.u32 @p1 s0, $0x2  }
0x2ad: {  	[tilespmem:s4+$0xE438] =	vst.add.f32.msk @p1 $0xffff, v1  }
0x2ae: {  	v1 =	vld @p1 [tilespmem:$0xE318];
	_ =	sdelay $0x4  }
0x2af: {  	[tilespmem:s4+$0xE448] =	vst.add.f32.msk @p1 $0xffff, v1  }
0x2b0: {  	v1 =	vld @p1 [tilespmem:$0xE328];
	_ =	sdelay $0x4  }
0x2b1: {  	[tilespmem:s4+$0xE458] =	vst.add.f32.msk @p1 $0xffff, v1  }
0x2b2: {  	v1 =	vld @p1 [tilespmem:$0xE338];
	_ =	sdelay $0x4  }
0x2b3: {  	[tilespmem:s4+$0xE468] =	vst.add.f32.msk @p1 $0xffff, v1  }
0x2b4: {  	v1 =	vld @p1 [tilespmem:$0xE348];
	_ =	sdelay $0x4  }
0x2b5: {  	[tilespmem:s4+$0xE478] =	vst.add.f32.msk @p1 $0xffff, v1  }
0x2b6: {  	v1 =	vld @p1 [tilespmem:$0xE358];
	_ =	sdelay $0x4  }
0x2b7: {  	[tilespmem:s4+$0xE488] =	vst.add.f32.msk @p1 $0xffff, v1  }
0x2b8: {  	v1 =	vld @p1 [tilespmem:$0xE368];
	_ =	sdelay $0x4  }
0x2b9: {  	[tilespmem:s4+$0xE498] =	vst.add.f32.msk @p1 $0xffff, v1  }
0x2ba: {  	v1 =	vld @p1 [tilespmem:$0xE378];
	_ =	sdelay $0x4  }
0x2bb: {  	[tilespmem:s4+$0xE4A8] =	vst.add.f32.msk @p1 $0xffff, v1  }
0x2bc: {  	v1 =	vld @p1 [tilespmem:$0xE388];
	_ =	sdelay $0x4  }
0x2bd: {  	[tilespmem:s4+$0xE4B8] =	vst.add.f32.msk @p1 $0xffff, v1  }
0x2be: {  	v1 =	vld @p1 [tilespmem:$0xE398];
	_ =	sdelay $0x4  }
0x2bf: {  	[tilespmem:s4+$0xE4C8] =	vst.add.f32.msk @p1 $0xffff, v1  }
0x2c0: {  	v1 =	vld @p1 [tilespmem:$0xE3A8];
	_ =	sdelay $0x4  }
0x2c1: {  	[tilespmem:s4+$0xE4D8] =	vst.add.f32.msk @p1 $0xffff, v1  }
0x2c2: {  	v1 =	vld @p1 [tilespmem:$0xE3B8];
	_ =	sdelay $0x4  }
0x2c3: {  	[tilespmem:s4+$0xE4E8] =	vst.add.f32.msk @p1 $0xffff, v1  }
0x2c4: {  	v1 =	vld @p1 [tilespmem:$0xE3C8];
	_ =	sdelay $0x4  }
0x2c5: {  	[tilespmem:s4+$0xE4F8] =	vst.add.f32.msk @p1 $0xffff, v1  }
0x2c6: {  	v1 =	vld @p1 [tilespmem:$0xE3D8];
	_ =	sdelay $0x4  }
0x2c7: {  	[tilespmem:s4+$0xE508] =	vst.add.f32.msk @p1 $0xffff, v1  }
0x2c8: {  	v1 =	vld @p1 [tilespmem:$0xE3E8];
	_ =	sdelay $0x4  }
0x2c9: {  	[tilespmem:s4+$0xE518] =	vst.add.f32.msk @p1 $0xffff, v1  }
0x2ca: {  	v1 =	vld @p1 [tilespmem:$0xE3F8];
	_ =	sdelay $0x3  }
0x2cb: {  	s5 =	sshll.u32 @!p1 s3, $0xA  }
0x2cc: {  	s5 =	smov.u32 @p1 s0;
	[tilespmem:s4+$0xE528] =	vst.add.f32.msk @p1 $0xffff, v1  }
0x2cd: {  	s0 =	sshrl.u32 s5, $0x2;
	[tilespmem:s2+$0xE418] =	vst.msk $0x1, v0  }
0x2ce: {  	v0 =	vld [tilespmem:s0+$0xE438];
	_ =	sdelay $0x2  }
0x2cf: {  	s31 =	sshll.u32 s2, $0xA  }
0x2d0: {  	s4 =	sshra.s32 s31, $0x2  }
0x2d1: {  	[tilespmem:s4+$0xE438] =	vst v0  }
0x2d2: {  	v0 =	vld [tilespmem:s0+$0xE448];
	_ =	sdelay $0x4  }
0x2d3: {  	[tilespmem:s4+$0xE448] =	vst v0  }
0x2d4: {  	v0 =	vld [tilespmem:s0+$0xE458];
	_ =	sdelay $0x4  }
0x2d5: {  	[tilespmem:s4+$0xE458] =	vst v0  }
0x2d6: {  	v0 =	vld [tilespmem:s0+$0xE468];
	_ =	sdelay $0x4  }
0x2d7: {  	[tilespmem:s4+$0xE468] =	vst v0  }
0x2d8: {  	v0 =	vld [tilespmem:s0+$0xE478];
	_ =	sdelay $0x4  }
0x2d9: {  	[tilespmem:s4+$0xE478] =	vst v0  }
0x2da: {  	v0 =	vld [tilespmem:s0+$0xE488];
	_ =	sdelay $0x4  }
0x2db: {  	[tilespmem:s4+$0xE488] =	vst v0  }
0x2dc: {  	v0 =	vld [tilespmem:s0+$0xE498];
	_ =	sdelay $0x4  }
0x2dd: {  	[tilespmem:s4+$0xE498] =	vst v0  }
0x2de: {  	v0 =	vld [tilespmem:s0+$0xE4A8];
	_ =	sdelay $0x4  }
0x2df: {  	[tilespmem:s4+$0xE4A8] =	vst v0  }
0x2e0: {  	v0 =	vld [tilespmem:s0+$0xE4B8];
	_ =	sdelay $0x4  }
0x2e1: {  	[tilespmem:s4+$0xE4B8] =	vst v0  }
0x2e2: {  	v0 =	vld [tilespmem:s0+$0xE4C8];
	_ =	sdelay $0x4  }
0x2e3: {  	[tilespmem:s4+$0xE4C8] =	vst v0  }
0x2e4: {  	v0 =	vld [tilespmem:s0+$0xE4D8];
	_ =	sdelay $0x4  }
0x2e5: {  	[tilespmem:s4+$0xE4D8] =	vst v0  }
0x2e6: {  	v0 =	vld [tilespmem:s0+$0xE4E8];
	_ =	sdelay $0x4  }
0x2e7: {  	[tilespmem:s4+$0xE4E8] =	vst v0  }
0x2e8: {  	v0 =	vld [tilespmem:s0+$0xE4F8];
	_ =	sdelay $0x4  }
0x2e9: {  	[tilespmem:s4+$0xE4F8] =	vst v0  }
0x2ea: {  	v0 =	vld [tilespmem:s0+$0xE508];
	_ =	sdelay $0x4  }
0x2eb: {  	[tilespmem:s4+$0xE508] =	vst v0  }
0x2ec: {  	v0 =	vld [tilespmem:s0+$0xE518];
	_ =	sdelay $0x4  }
0x2ed: {  	[tilespmem:s4+$0xE518] =	vst v0  }
0x2ee: {  	v0 =	vld [tilespmem:s0+$0xE528];
	_ =	sdelay $0x4  }
0x2ef: {  	s2 =	sadd.s32 $0x1, s2;
	[tilespmem:s4+$0xE528] =	vst v0  }
.LBB2_54:
0x2f0: {  	s3 =	sadd.s32 $0x1, s3  }
0x2f1: {  	p1 =	sne.s32 s3, $0x20  }
.Ltmp38:
0x2f2: {  	_ = 	snop;
	(pc) =	sbr.rel @!p1 .LBB2_55-.Ltmp38, $1  }
0x2f3: {  	_ =	sdelay $0x3  }
.LBB2_47:
0x2f4: {  	v0 =	vld.msk [tilespmem:s3+$0xE418], $0x1;
	_ =	sdelay $0x4  }
0x2f5: {  	(v2sf) =	vpush v0, $0x0;
	_ =	sdelay $0xe  }
0x2f6: {  	s0 =	spop (v2sf)  }
0x2f7: {  	p1 =	seq.s32 s0, $0xFFFFFFFF  }
.Ltmp39:
0x2f8: {  	_ = 	snop;
	(pc) =	sbr.rel @p1 .LBB2_54-.Ltmp39, $1  }
0x2f9: {  	_ =	sdelay $0x3  }
0x2fa: {  	p1 =	slt.s32 s2, $0x1  }
.Ltmp40:
0x2fb: {  	_ = 	snop;
	(pc) =	sbr.rel @p1 .LBB2_53-.Ltmp40, $1  }
0x2fc: {  	_ =	sdelay $0x3  }
0x2fd: {  	s4 =	simm.s32 $0xE418;
	p1 =	por $0x0, $0x0  }
0x2fe: {  	v1 =	vld.msk @!p1 [tilespmem:s4+$0x0], $0x1;
	_ =	sdelay $0x4  }
0x2ff: {  	(v2sf) =	vpush @!p1 v1, $0x0;
	_ =	sdelay $0xd  }
0x300: {  	p3 =	sne.s32 s2, $0x1  }
.Ltmp41:
0x301: {  	s5 =	spop @!p1 (v2sf);
	(pc) =	sbr.rel @!p3 .LBB2_51-.Ltmp41, $4  }
0x302: {  	p2 =	seq.s32 @!p1 s0, s5  }
0x303: {  	s5 =	simm.s32 $0x0;
	p2 =	por !p2, p1  }
0x304: {  	s7 =	simm.s32 $0xFFFFFFFF;
	s5 =	simm.s32 @p2 $0xFFFFFFFF  }
0x305: {  	s6 =	simm.s32 $0x1;
	s5 =	smov.u32 @p1 s7  }
.LBB2_50:
0x306: {  	s7 =	smov.u32 s5;
	p1 =	sne.s32 s5, $0xFFFFFFFF  }
0x307: {  	s4 =	sadd.s32 $0x1, s4;
	s5 =	smov.u32 s6;
	s6 =	sadd.s32 $0x1, s6  }
0x308: {  	p2 =	sne.s32 s2, s6;
	v1 =	vld.msk @!p1 [tilespmem:s4+$0x0], $0x1;
	_ =	sdelay $0x4  }
0x309: {  	(v2sf) =	vpush @!p1 v1, $0x0;
	_ =	sdelay $0xe  }
.Ltmp42:
0x30a: {  	s8 =	spop @!p1 (v2sf);
	(pc) =	sbr.rel @p2 .LBB2_50-.Ltmp42, $4  }
0x30b: {  	p3 =	seq.s32 @!p1 s0, s8  }
0x30c: {  	p3 =	por !p3, p1  }
0x30d: {  	s5 =	simm.s32 @p3 $0xFFFFFFFF  }
0x30e: {  	s5 =	smov.u32 @p1 s7  }
.LBB2_51:
0x30f: {  	p1 =	seq.s32 s5, $0xFFFFFFFF  }
.Ltmp43:
0x310: {  	_ = 	snop;
	(pc) =	sbr.rel @p1 .LBB2_53-.Ltmp43, $1  }
0x311: {  	_ =	sdelay $0x3  }
0x312: {  	s0 =	sshll.u32 s3, $0x8  }
0x313: {  	s0 =	sand.u32 $0x3FFFFF00, s0  }
0x314: {  	v0 =	vld [tilespmem:s0+$0xE438];
	_ =	sdelay $0x2  }
0x315: {  	s4 =	sshll.u32 s5, $0xA  }
0x316: {  	s4 =	sshra.s32 s4, $0x2  }
0x317: {  	[tilespmem:s4+$0xE438] =	vst.add.f32.msk $0xffff, v0  }
0x318: {  	v0 =	vld [tilespmem:s0+$0xE448];
	_ =	sdelay $0x4  }
0x319: {  	[tilespmem:s4+$0xE448] =	vst.add.f32.msk $0xffff, v0  }
0x31a: {  	v0 =	vld [tilespmem:s0+$0xE458];
	_ =	sdelay $0x4  }
0x31b: {  	[tilespmem:s4+$0xE458] =	vst.add.f32.msk $0xffff, v0  }
0x31c: {  	v0 =	vld [tilespmem:s0+$0xE468];
	_ =	sdelay $0x4  }
0x31d: {  	[tilespmem:s4+$0xE468] =	vst.add.f32.msk $0xffff, v0  }
0x31e: {  	v0 =	vld [tilespmem:s0+$0xE478];
	_ =	sdelay $0x4  }
0x31f: {  	[tilespmem:s4+$0xE478] =	vst.add.f32.msk $0xffff, v0  }
0x320: {  	v0 =	vld [tilespmem:s0+$0xE488];
	_ =	sdelay $0x4  }
0x321: {  	[tilespmem:s4+$0xE488] =	vst.add.f32.msk $0xffff, v0  }
0x322: {  	v0 =	vld [tilespmem:s0+$0xE498];
	_ =	sdelay $0x4  }
0x323: {  	[tilespmem:s4+$0xE498] =	vst.add.f32.msk $0xffff, v0  }
0x324: {  	v0 =	vld [tilespmem:s0+$0xE4A8];
	_ =	sdelay $0x4  }
0x325: {  	[tilespmem:s4+$0xE4A8] =	vst.add.f32.msk $0xffff, v0  }
0x326: {  	v0 =	vld [tilespmem:s0+$0xE4B8];
	_ =	sdelay $0x4  }
0x327: {  	[tilespmem:s4+$0xE4B8] =	vst.add.f32.msk $0xffff, v0  }
0x328: {  	v0 =	vld [tilespmem:s0+$0xE4C8];
	_ =	sdelay $0x4  }
0x329: {  	[tilespmem:s4+$0xE4C8] =	vst.add.f32.msk $0xffff, v0  }
0x32a: {  	v0 =	vld [tilespmem:s0+$0xE4D8];
	_ =	sdelay $0x4  }
0x32b: {  	[tilespmem:s4+$0xE4D8] =	vst.add.f32.msk $0xffff, v0  }
0x32c: {  	v0 =	vld [tilespmem:s0+$0xE4E8];
	_ =	sdelay $0x4  }
0x32d: {  	[tilespmem:s4+$0xE4E8] =	vst.add.f32.msk $0xffff, v0  }
0x32e: {  	v0 =	vld [tilespmem:s0+$0xE4F8];
	_ =	sdelay $0x4  }
0x32f: {  	[tilespmem:s4+$0xE4F8] =	vst.add.f32.msk $0xffff, v0  }
0x330: {  	v0 =	vld [tilespmem:s0+$0xE508];
	_ =	sdelay $0x4  }
0x331: {  	[tilespmem:s4+$0xE508] =	vst.add.f32.msk $0xffff, v0  }
0x332: {  	v0 =	vld [tilespmem:s0+$0xE518];
	_ =	sdelay $0x4  }
0x333: {  	[tilespmem:s4+$0xE518] =	vst.add.f32.msk $0xffff, v0  }
0x334: {  	v0 =	vld [tilespmem:s0+$0xE528]  }
.Ltmp44:
0x335: {  	_ = 	snop;
	(pc) =	sbr.rel .LBB2_54-.Ltmp44, $2  }
0x336: {  	_ =	sdelay $0x2  }
0x337: {  	[tilespmem:s4+$0xE528] =	vst.add.f32.msk $0xffff, v0  }
.LBB2_55:
0x338: {  	p1 =	slt.s32 s2, $0x1  }
.Ltmp45:
0x339: {  	_ = 	snop;
	(pc) =	sbr.rel @p1 .LBB2_59-.Ltmp45, $3  }
0x33a: {  	_ =	sdelay $0x1  }
0x33b: {  	s0 =	simm.s32 $0x8  }
0x33c: {  	s4 =	simm.s32 $0x0;
	[sflag:s0] =	ssyncpa.u1 $0x1  }
0x33d: {  	s0 =	simm.s32 $0xE418  }
0x33e: {  	v0 =	vld.msk [tilespmem:s0+$0x0], $0x1;
	_ =	sdelay $0x4  }
0x33f: {  	(v2sf) =	vpush v0, $0x0;
	_ =	sdelay $0xe  }
0x340: {  	s0 =	sadd.s32 $0xFFFFFFFF, s2;
	s3 =	spop (v2sf)  }
0x341: {  	s6 =	simm.s32 $0xE438;
	p1 =	sne.s32 s0, $0x0;
	p2 =	sgt.u32 s3, $0x4E170  }
.Ltmp46:
0x342: {  	s2 =	simm.s32 $0xE538;
	s5 =	sand.u32 @!p2 $0x7FFF8, s3;
	(pc) =	sbr.rel @!p1 .LBB2_58-.Ltmp46, $4  }
0x343: {  	s7 =	sadd.s32 @!p2 $0x80, s3;
	s4 =	simm.s32 @!p2 $0x400;
	s8 =	sadd.s32 @!p2 s1, s5  }
0x344: {  	s5 =	sand.u32 @!p2 $0x7, s3;
	s3 =	simm.s32 $0xE419;
	s7 =	sand.u32 @!p2 $0xFFFF8, s7  }
0x345: {  	[hbm4b:s8+s5] =	stream.linear.scatter @!p2 [tilespmem:s6], [sflag:$0x7], $0x80, $0x38;
	[tilespmem:$0x1E678] =	vst v63  }
0x346: {  	s4 =	sadd.s32 $0x0, s4;
	s6 =	simm.s32 @!p2 $0xE4B8;
	s7 =	sadd.s32 @!p2 s1, s7  }
.LBB2_57:
0x347: {  	[hbm4b:s7+s5] =	stream.linear.scatter @!p2 [tilespmem:s6], [sflag:$0x7], $0x80, $0x38;
	[tilespmem:$0x1E678] =	vst v63  }
0x348: {  	s0 =	sadd.s32 $0xFFFFFFFF, s0;
	s6 =	smov.u32 s2;
	v0 =	vld.msk [tilespmem:s3+$0x0], $0x1  }
0x349: {  	p1 =	sne.s32 s0, $0x0;
	_ =	sdelay $0x3  }
0x34a: {  	(v2sf) =	vpush v0, $0x0;
	_ =	sdelay $0xe  }
0x34b: {  	s2 =	sadd.s32 $0x100, s2;
	s8 =	simm.s32 $0x0;
	s5 =	spop (v2sf)  }
.Ltmp47:
0x34c: {  	s3 =	sadd.s32 $0x1, s3;
	p2 =	sgt.u32 s5, $0x4E170;
	(pc) =	sbr.rel @p1 .LBB2_57-.Ltmp47, $4  }
0x34d: {  	s8 =	simm.s32 @!p2 $0x400;
	s7 =	sand.u32 @!p2 $0x7FFF8, s5;
	s9 =	sadd.s32 @!p2 $0x80, s5  }
0x34e: {  	s5 =	sand.u32 @!p2 $0x7, s5;
	s7 =	sadd.s32 @!p2 s1, s7;
	s9 =	sand.u32 @!p2 $0xFFFF8, s9  }
0x34f: {  	[hbm4b:s7+s5] =	stream.linear.scatter @!p2 [tilespmem:s6], [sflag:$0x7], $0x80, $0x38;
	[tilespmem:$0x1E678] =	vst v63  }
0x350: {  	s4 =	sadd.s32 s4, s8;
	s6 =	sadd.s32 @!p2 $0x80, s6;
	s7 =	sadd.s32 @!p2 s1, s9  }
.LBB2_58:
0x351: {  	[hbm4b:s7+s5] =	stream.linear.scatter @!p2 [tilespmem:s6], [sflag:$0x7], $0x80, $0x38;
	[tilespmem:$0x1E678] =	vst v63  }
0x352: {  	s4 =	sshrl.u32 s4, $0x2  }
.LBB2_59:
0x353: {  	s0 =	simm.s32 $0x7  }
0x354: {  	_ =	swait.ge [sflag:s0], s4  }
0x355: {  	s1 =	ssub.s32 $0x0, s4;
	[sflag:s0] =	ssyncset.done $0x0  }
0x356: {  	[sflag:s0] =	ssyncadd.s32 s1  }
0x357: {  	[sflag:s0] =	ssyncpa.u1 $0x1  }
.LBB2_60:
0x358: {  	_ =	sfence;
	s0 =	simm.s32 $0x1  }
0x359: {  	[sflag:s0] =	ssyncpa.u1 $0x1  }
0x35a: {  	_ =	strace $0x9000004D  }
0x35b: {  	[bflag:$0x2] =	sbarrier.arrive $0xFFFF  }
0x35c: {  	s0 =	rddreg [dreg:$0x4]  }
0x35d: {  	s0 =	sadd.s32 @!p0 $0x100000, s0  }
0x35e: {  	[sflag:s0] =	ssyncadd.tile.s32 @!p0 $0x1;
	_ =	shalt  }
.Lfunc_end2:
_tile_overlayer_lowered:
.L_overlay_start_2:
0x35f: {  	(tag) =	ssettag $0x2  }
0x360: {  	s0 =	rddreg [dreg:$0x0];
	s2 =	stileid.u32  }
0x361: {  	s1 =	rddreg [dreg:$0x1];
	p0 =	sne.s32 s2, $0x0  }
0x362: {  	s3 =	rddreg [dreg:$0x2];
	[bflag:$0x3] =	sbarrier.arrive $0xFFFF;
	s2 =	simm.s32 @!p0 $0x1C01  }
0x363: {  	[timem:s3], [sflag:s2] =	dma.local @!p0 [hbm:s0], s1  }
0x364: {  	s0 =	simm.s32 @!p0 $0x1  }
0x365: {  	_ =	swait.ge @!p0 [sflag:s0], s1  }
0x366: {  	s1 =	ssub.s32 @!p0 $0x0, s1;
	[sflag:s0] =	ssyncset.done @!p0 $0x0  }
0x367: {  	[sflag:s0] =	ssyncadd.s32 @!p0 s1  }
0x368: {  	[bflag:$0x3] =	sbarrier.arrive $0xFFFF  }
0x369: {  	_ =	shalt  }

</sc_bundles>
